<compile_context>
chip_gen: v7x
topology: tpu7x:2x2x1
jax: 0.10.2.dev20260603
libtpu: 0.0.44.dev20260713+nightly
codegen_flags: <defaults>
</compile_context>

<pallas_src>
import functools

import jax
import jax.numpy as jnp
from jax import lax
from jax.experimental import pallas as pl
from jax.experimental.pallas import tpu as pltpu
from jax.experimental.pallas import tpu_sc as plsc

NC = 2
NS = 16
NW = NC * NS
C = 128

_P = lax.Precision.HIGHEST


def _dot(a, b, precision=lax.Precision.HIGHEST):
    return lax.dot_general(a, b, (((1,), (0,)), ((), ())), precision=precision)


def _mesh():
    return plsc.VectorSubcoreMesh(core_axis_name="c", subcore_axis_name="s",
                                  num_cores=NC, num_subcores=NS)


def _tc_pre(nf, c16, w1ms, w1md, w2m, b2m, w1c, b1c):
    N, D = nf.shape
    H = w1ms.shape[1]

    def body(nf_ref, c16_ref, ws_ref, wd_ref, w2m_ref, b2m_ref, w1c_ref,
             b1c_ref, ts_ref, td_ref, wcat_ref, bcat_ref):
        x = nf_ref[...]
        c = c16_ref[...]
        z = jnp.zeros((N, D - H - 16), jnp.float32)
        ts_ref[...] = jnp.concatenate([_dot(x, ws_ref[...]), c, z], axis=1)
        td_ref[...] = jnp.concatenate([_dot(x, wd_ref[...]), c, z], axis=1)
        w2mc = _dot(w2m_ref[...], w1c_ref[...])
        bc = _dot(b2m_ref[...], w1c_ref[...]) + b1c_ref[...]
        wcat_ref[...] = jnp.concatenate([w2m_ref[...], w2mc], axis=1)
        bcat_ref[...] = jnp.concatenate([b2m_ref[...], bc], axis=1)

    return pl.pallas_call(
        body,
        out_shape=[jax.ShapeDtypeStruct((N, D), jnp.float32),
                   jax.ShapeDtypeStruct((N, D), jnp.float32),
                   jax.ShapeDtypeStruct((H, 2 * H), jnp.float32),
                   jax.ShapeDtypeStruct((1, 2 * H), jnp.float32)],
    )(nf, c16, w1ms, w1md, w2m, b2m, w1c, b1c)


def _sc_warmup(ts):
    @functools.partial(
        pl.kernel,
        out_type=jax.ShapeDtypeStruct((8, 128), jnp.float32),
        mesh=_mesh(),
        scratch_types=[pltpu.VMEM((8, 128), jnp.float32)],
    )
    def kern(ts_hbm, o_hbm, buf):
        sid = lax.axis_index("s")
        core = lax.axis_index("c")

        @pl.when((sid == 0) & (core == 0))
        def _():
            pltpu.sync_copy(ts_hbm.at[pl.ds(0, 8)], buf)
            pltpu.sync_copy(buf, o_hbm)

    return kern(ts)


def _sc_gather(ts, td, src2, dst2, epad):
    N, D = ts.shape
    cpw = epad // C // NW

    @functools.partial(
        pl.kernel,
        out_type=jax.ShapeDtypeStruct((epad, D), jnp.float32),
        mesh=_mesh(),
        scratch_types=[[pltpu.VMEM((C,), jnp.int32)] * 2,
                       [pltpu.VMEM((C,), jnp.int32)] * 2,
                       [pltpu.VMEM((C, D), jnp.float32)] * 2,
                       [pltpu.VMEM((C, D), jnp.float32)] * 2,
                       [pltpu.SemaphoreType.DMA] * 2,
                       [pltpu.SemaphoreType.DMA] * 2],
    )
    def kern(ts_hbm, td_hbm, src_hbm, dst_hbm, g_hbm,
             idx_s, idx_d, buf_a, buf_b, sa, sb):
        wid = lax.axis_index("s") * NC + lax.axis_index("c")
        H = 64

        def prep(ch, k):
            b = (ch * NW + wid) * C
            pltpu.sync_copy(src_hbm.at[pl.ds(b, C)], idx_s[k])
            pltpu.sync_copy(dst_hbm.at[pl.ds(b, C)], idx_d[k])
            pltpu.async_copy(ts_hbm.at[idx_s[k]], buf_a[k], sa[k])
            pltpu.async_copy(td_hbm.at[idx_d[k]], buf_b[k], sb[k])

        def finish(ch, k):
            b = (ch * NW + wid) * C
            pltpu.make_async_copy(ts_hbm.at[idx_s[k]], buf_a[k], sa[k]).wait()
            pltpu.make_async_copy(td_hbm.at[idx_d[k]], buf_b[k], sb[k]).wait()
            a, bb = buf_a[k], buf_b[k]

            @pl.loop(0, C)
            def _(i):
                for j in range(0, H, 16):
                    sl = (pl.ds(i, 1), pl.ds(j, 16))
                    a.at[sl][...] = a.at[sl][...] + bb.at[sl][...]
                slc = (pl.ds(i, 1), pl.ds(H, 16))
                a.at[slc][...] = bb.at[slc][...] - a.at[slc][...]

            pltpu.sync_copy(a, g_hbm.at[pl.ds(b, C)])

        prep(0, 0)
        prep(1, 1)

        @pl.loop(0, cpw // 2 - 1)
        def _(g):
            finish(2 * g, 0)
            prep(2 * g + 2, 0)
            finish(2 * g + 1, 1)
            prep(2 * g + 3, 1)

        finish(cpw - 2, 0)
        finish(cpw - 1, 1)

    return kern(ts, td, src2, dst2)


def _tc_edge(g, wdp, b1p, wcatp, bcatp, w2cc, b2c, selc, m1, m2, n_edges):
    epad, D = g.shape
    BE = 4096
    grid = epad // BE
    nfull = n_edges // BE

    def body(g_ref, wdp_ref, b1p_ref, wcat_ref, bcat_ref,
             w2cc_ref, b2c_ref, selc_ref, m1_ref, m2_ref, out_ref):
        a = g_ref[...]
        dist2 = _dot(a * a, selc_ref[...], lax.Precision.DEFAULT)
        dist = jnp.sqrt(dist2)
        h1f = jax.nn.silu(a + dist * wdp_ref[...] + b1p_ref[...])
        t = _dot(h1f, wcat_ref[...], lax.Precision.DEFAULT) + bcat_ref[...]
        st = jax.nn.silu(t)
        cw = _dot(st, w2cc_ref[...], lax.Precision.DEFAULT) + b2c_ref[...]
        f = cw / (dist + 1e-8)
        out = t * m1_ref[...] + a * (m2_ref[...] * f)

        pid = pl.program_id(0)

        @pl.when(pid < nfull)
        def _():
            out_ref[...] = out

        @pl.when(pid >= nfull)
        def _():
            rid = pid * BE + lax.broadcasted_iota(jnp.int32, (BE, 1), 0)
            out_ref[...] = jnp.where(rid < n_edges, out, 0.0)

    full = lambda r, c_: pl.BlockSpec((r, c_), lambda i: (0, 0))
    return pl.pallas_call(
        body,
        grid=(grid,),
        in_specs=[pl.BlockSpec((BE, D), lambda i: (i, 0)),
                  full(1, D), full(1, D), full(D, D), full(1, D),
                  full(D, 1), full(1, 1), full(D, 1), full(1, D),
                  full(1, D)],
        out_specs=pl.BlockSpec((BE, D), lambda i: (i, 0)),
        out_shape=jax.ShapeDtypeStruct((epad, D), jnp.float32),
    )(g, wdp, b1p, wcatp, bcatp, w2cc, b2c, selc, m1, m2)


def _sc_scatter(comb, dst2, zeros, npad):
    epad, W = comb.shape
    cpw = epad // C // NW
    rps = npad // NS

    @functools.partial(
        pl.kernel,
        out_type=jax.ShapeDtypeStruct((NC * npad, W), jnp.float32),
        mesh=_mesh(),
        scratch_types=[[pltpu.VMEM((C,), jnp.int32)] * 2,
                       [pltpu.VMEM((C, W), jnp.float32)] * 2,
                       pltpu.VMEM_SHARED((npad, W), jnp.float32),
                       [pltpu.SemaphoreType.DMA] * 2],
    )
    def kern(comb_hbm, dst_hbm, z_hbm, out_hbm, idx, buf, shared, sem):
        core = lax.axis_index("c")
        sid = lax.axis_index("s")
        wid = sid * NC + core
        pltpu.sync_copy(z_hbm.at[pl.ds(sid * rps, rps)],
                        shared.at[pl.ds(sid * rps, rps)])
        plsc.subcore_barrier()

        def prep(ch, k):
            b = (ch * NW + wid) * C
            pltpu.sync_copy(dst_hbm.at[pl.ds(b, C)], idx[k])
            pltpu.async_copy(comb_hbm.at[pl.ds(b, C)], buf[k], sem[k])

        def finish(ch, k):
            b = (ch * NW + wid) * C
            pltpu.make_async_copy(comb_hbm.at[pl.ds(b, C)], buf[k],
                                  sem[k]).wait()
            pltpu.sync_copy(buf[k], shared.at[idx[k]], add=True)

        prep(0, 0)
        prep(1, 1)

        @pl.loop(0, cpw // 2 - 1)
        def _(gi):
            finish(2 * gi, 0)
            prep(2 * gi + 2, 0)
            finish(2 * gi + 1, 1)
            prep(2 * gi + 3, 1)

        finish(cpw - 2, 0)
        finish(cpw - 1, 1)

        plsc.subcore_barrier()
        pltpu.sync_copy(shared.at[pl.ds(sid * rps, rps)],
                        out_hbm.at[pl.ds(core * npad + sid * rps, rps)])

    return kern(comb, dst2, zeros)


def _tc_node(nf, c16, parts_list, w1na, w1nb, b1n, w2n, b2n, npad):
    N, D = nf.shape
    H = w1nb.shape[0]
    BN = 2000
    grid = N // BN
    S = len(parts_list)

    def body(nf_ref, c16_ref, *rest):
        parts_refs = rest[:S]
        w1na_ref, w1nb_ref, b1n_ref, w2n_ref, b2n_ref, nf_out, c_out = rest[S:]
        x = nf_ref[...]
        comb = None
        for p in parts_refs:
            q = p[...]
            comb = q[0] + q[1] if comb is None else comb + q[0] + q[1]
        agg = comb[:, 0:H]
        cd16 = comb[:, H:H + 16]
        h = jax.nn.silu(_dot(x, w1na_ref[...]) + _dot(agg, w1nb_ref[...])
                        + b1n_ref[...])
        nf_out[...] = x + _dot(h, w2n_ref[...]) + b2n_ref[...]
        c_out[...] = c16_ref[...] + cd16

    full = lambda r, c_: pl.BlockSpec((r, c_), lambda i: (0, 0))
    return pl.pallas_call(
        body,
        grid=(grid,),
        in_specs=([pl.BlockSpec((BN, D), lambda i: (i, 0)),
                   pl.BlockSpec((BN, 16), lambda i: (i, 0))]
                  + [pl.BlockSpec((2, BN, D), lambda i: (0, i, 0))] * S
                  + [full(D, H), full(H, H), full(1, H), full(H, D),
                     full(1, D)]),
        out_specs=[pl.BlockSpec((BN, D), lambda i: (i, 0)),
                   pl.BlockSpec((BN, 16), lambda i: (i, 0))],
        out_shape=[jax.ShapeDtypeStruct((N, D), jnp.float32),
                   jax.ShapeDtypeStruct((N, 16), jnp.float32)],
    )(nf, c16, *[p.reshape(2, npad, D) for p in parts_list],
      w1na, w1nb, b1n, w2n, b2n)


def kernel(node_features, coords, edge_index, W1m, b1m, W2m, b2m,
           W1n, b1n, W2n, b2n, W1c, b1c, W2c, b2c):
    B, N, D = node_features.shape
    E = edge_index.shape[1]
    H = W2m.shape[0]

    nf = node_features.reshape(N, D)
    c3 = coords.reshape(N, 3)
    c16 = jnp.pad(c3, ((0, 0), (0, 13)))

    NSLICE = 2
    unit = 2 * NW * C * NSLICE
    epad = ((E + unit - 1) // unit) * unit
    esl = epad // NSLICE
    src = edge_index[0]
    dst = edge_index[1]
    srcp = jnp.pad(src, (0, epad - E))
    dstp = jnp.pad(dst, (0, epad - E))
    npad = ((N + NS * 8 - 1) // (NS * 8)) * (NS * 8)

    w1ms = W1m[:D, :]
    w1md2 = W1m[D:2 * D, :]
    w1m_dist = W1m[2 * D:, :]

    ts, td, wcat, bcat = _tc_pre(nf, c16, w1ms, w1md2, W2m,
                                 b2m.reshape(1, H), W1c, b1c.reshape(1, H))
    wdp = jnp.pad(w1m_dist, ((0, 0), (0, D - H)))
    b1p = jnp.pad(b1m.reshape(1, H), ((0, 0), (0, D - H)))
    wcatp = jnp.pad(wcat, ((0, D - H), (0, 0)))
    w2cc = jnp.pad(W2c, ((H, 0), (0, 0)))
    lane = jnp.arange(D)
    selc = ((lane >= H) & (lane < H + 16)).astype(jnp.float32).reshape(D, 1)
    m1 = (lane < H).astype(jnp.float32).reshape(1, D)
    m2 = ((lane >= H) & (lane < H + 16)).astype(jnp.float32).reshape(1, D)
    zeros = jnp.zeros((npad, D), jnp.float32)

    warm = _sc_warmup(ts)
    tok = (warm[0, 0] * 0.0).astype(jnp.int32)
    srcp = srcp + tok
    dstp = dstp + tok

    gs = []
    for i in range(NSLICE):
        lo = i * esl
        gs.append(_sc_gather(ts, td, srcp[lo:lo + esl], dstp[lo:lo + esl],
                             esl))
    parts_list = []
    for i in range(NSLICE):
        lo = i * esl
        n_valid = max(0, min(E - lo, esl))
        comb = _tc_edge(gs[i], wdp, b1p, wcatp, bcat, w2cc, b2c.reshape(1, 1),
                        selc, m1, m2, n_valid)
        parts_list.append(_sc_scatter(comb, dstp[lo:lo + esl], zeros, npad))

    nf_new, c_new16 = _tc_node(nf, c16, parts_list, W1n[:D, :], W1n[D:, :],
                               b1n.reshape(1, H), W2n, b2n.reshape(1, D), npad)
    return (nf_new.reshape(B, N, D), c_new16[:, 0:3].reshape(B, N, 3))

# --- scband reference (transcript-rebuilt; emitter-appended) ---
"""Pipeline reference for scband-hrm-mc-e3-83399674954323 (READ-ONLY COPY).

The authoritative reference and input builder live on the scoring server;
editing this copy changes nothing except your own understanding.
"""

import jax, jax.numpy as jnp
import numpy as np

B = 1
N = 10000
E = 320000
D = 128
H = 64

def _mlp(x, W1, b1, W2, b2):
    h = jax.nn.silu(x @ W1 + b1)
    return h @ W2 + b2

def setup_inputs(seed: int = 0):
    key = jax.random.key(seed)
    ks = jax.random.split(key, 16)
    def lin(k, fi, fo):
        return jax.random.normal(k, (fi, fo), jnp.float32) * (1.0 / np.sqrt(fi))
    return {
        "node_features": jax.random.normal(ks[0], (B, N, D), jnp.float32),
        "coords": jax.random.normal(ks[1], (B, N, 3), jnp.float32),
        "edge_index": jax.random.randint(ks[2], (2, E), 0, N, jnp.int32),
        "W1m": lin(ks[3], 2 * D + 1, H), "b1m": jnp.zeros((H,), jnp.float32),
        "W2m": lin(ks[4], H, H), "b2m": jnp.zeros((H,), jnp.float32),
        "W1n": lin(ks[5], D + H, H), "b1n": jnp.zeros((H,), jnp.float32),
        "W2n": lin(ks[6], H, D), "b2n": jnp.zeros((D,), jnp.float32),
        "W1c": lin(ks[7], H, H), "b1c": jnp.zeros((H,), jnp.float32),
        "W2c": lin(ks[8], H, 1), "b2c": jnp.zeros((1,), jnp.float32),
    }

def reference(node_features, coords, edge_index, W1m, b1m, W2m, b2m, W1n, b1n, W2n, b2n, W1c, b1c, W2c, b2c):
    src = edge_index[0]
    dst = edge_index[1]
    edge_vec = coords[:, dst, :] - coords[:, src, :]
    edge_dist = jnp.linalg.norm(edge_vec, axis=-1, keepdims=True)
    evn = edge_vec / (edge_dist + 1e-8)
    sf = node_features[:, src, :]
    df = node_features[:, dst, :]
    mi = jnp.concatenate([sf, df, edge_dist], axis=-1)
    messages = _mlp(mi, W1m, b1m, W2m, b2m)
    agg = jax.vmap(lambda m: jax.ops.segment_sum(m, dst, num_segments=N))(messages)
    upd = _mlp(jnp.concatenate([node_features, agg], axis=-1), W1n, b1n, W2n, b2n)
    nf_new = node_features + upd
    cw = _mlp(messages, W1c, b1c, W2c, b2c)
    cu = cw * evn
    cd = jax.vmap(lambda m: jax.ops.segment_sum(m, dst, num_segments=N))(cu)
    coords_new = coords + cd
    return (nf_new, coords_new)

if __name__ == "__main__":
    import jax
    _d = setup_inputs()
    print(jax.jit(kernel)(*tuple(_d.values())))

</pallas_src>

<mosaic_0001>
#map = affine_map<(d0, d1) -> (0, 0)>
#map1 = affine_map<(d0, d1) -> (0)>
module attributes {stable_mosaic.version = 14 : i64} {
  func.func @kern(%arg0: i32, %arg1: i32, %arg2: memref<10000x128xf32, #tpu.memory_space<hbm>>, %arg3: memref<10000x128xf32, #tpu.memory_space<hbm>>, %arg4: memref<163840xi32, #tpu.memory_space<hbm>>, %arg5: memref<163840xi32, #tpu.memory_space<hbm>>, %arg6: memref<163840x128xf32, #tpu.memory_space<hbm>>, %arg7: memref<128xi32, #tpu.memory_space<vmem>>, %arg8: memref<128xi32, #tpu.memory_space<vmem>>, %arg9: memref<128xi32, #tpu.memory_space<vmem>>, %arg10: memref<128xi32, #tpu.memory_space<vmem>>, %arg11: memref<128x128xf32, #tpu.memory_space<vmem>>, %arg12: memref<128x128xf32, #tpu.memory_space<vmem>>, %arg13: memref<128x128xf32, #tpu.memory_space<vmem>>, %arg14: memref<128x128xf32, #tpu.memory_space<vmem>>, %arg15: memref<!tpu.dma_semaphore, #tpu.memory_space<semaphore_mem>>, %arg16: memref<!tpu.dma_semaphore, #tpu.memory_space<semaphore_mem>>, %arg17: memref<!tpu.dma_semaphore, #tpu.memory_space<semaphore_mem>>, %arg18: memref<!tpu.dma_semaphore, #tpu.memory_space<semaphore_mem>>) attributes {dimension_semantics = [#tpu.dimension_semantics<core_parallel>, #tpu.dimension_semantics<subcore_parallel>], iteration_bounds = array<i64: 2, 16>, scalar_prefetch = 0 : i64, scratch_operands = 12 : i64, tpu.core_type = #tpu.core_type<sc_vector_subcore>, window_params = [{transform_indices = #map}, {transform_indices = #map}, {transform_indices = #map1}, {transform_indices = #map1}, {transform_indices = #map}]} {
    %mul3A = arith.constant 2 : i32
    %mul3A_0 = arith.muli %arg1, %mul3A : i32
    %add3A = arith.addi %mul3A_0, %arg0 : i32
    %add3A_1 = arith.constant 0 : i32
    %add3A_2 = arith.addi %add3A_1, %add3A : i32
    %mul3A_3 = arith.constant 128 : i32
    %mul3A_4 = arith.muli %add3A_2, %mul3A_3 : i32
    "tpu.region"() ({
      %run_scoped3A = tpu.sem_alloc : memref<!tpu.dma_semaphore, #tpu.memory_space<semaphore_mem>>
      %dma_start3A_53 = tpu.memref_slice %arg4[%mul3A_4] : memref<163840xi32, #tpu.memory_space<hbm>> -> memref<128xi32, #tpu.memory_space<hbm>>
      %dma_start3A_54 = tpu.memref_slice %arg4[%mul3A_4] : memref<163840xi32, #tpu.memory_space<hbm>> -> memref<128xi32, #tpu.memory_space<hbm>>
      tpu.enqueue_dma source(%dma_start3A_54 : memref<128xi32, #tpu.memory_space<hbm>>) target(%arg7 : memref<128xi32, #tpu.memory_space<vmem>>) target_semaphore(%run_scoped3A : memref<!tpu.dma_semaphore, #tpu.memory_space<semaphore_mem>>)
      %dma_wait3A_55 = tpu.memref_slice %arg4[%mul3A_4] : memref<163840xi32, #tpu.memory_space<hbm>> -> memref<128xi32, #tpu.memory_space<hbm>>
      %dma_wait3A_56 = tpu.memref_slice %arg4[%mul3A_4] : memref<163840xi32, #tpu.memory_space<hbm>> -> memref<128xi32, #tpu.memory_space<hbm>>
      tpu.wait_dma2 semaphore(%run_scoped3A : memref<!tpu.dma_semaphore, #tpu.memory_space<semaphore_mem>>) src(%dma_wait3A_56 : memref<128xi32, #tpu.memory_space<hbm>>) dst(%arg7 : memref<128xi32, #tpu.memory_space<vmem>>)
      tpu.yield
    }) : () -> ()
    "tpu.region"() ({
      %run_scoped3A = tpu.sem_alloc : memref<!tpu.dma_semaphore, #tpu.memory_space<semaphore_mem>>
      %dma_start3A_53 = tpu.memref_slice %arg5[%mul3A_4] : memref<163840xi32, #tpu.memory_space<hbm>> -> memref<128xi32, #tpu.memory_space<hbm>>
      %dma_start3A_54 = tpu.memref_slice %arg5[%mul3A_4] : memref<163840xi32, #tpu.memory_space<hbm>> -> memref<128xi32, #tpu.memory_space<hbm>>
      tpu.enqueue_dma source(%dma_start3A_54 : memref<128xi32, #tpu.memory_space<hbm>>) target(%arg9 : memref<128xi32, #tpu.memory_space<vmem>>) target_semaphore(%run_scoped3A : memref<!tpu.dma_semaphore, #tpu.memory_space<semaphore_mem>>)
      %dma_wait3A_55 = tpu.memref_slice %arg5[%mul3A_4] : memref<163840xi32, #tpu.memory_space<hbm>> -> memref<128xi32, #tpu.memory_space<hbm>>
      %dma_wait3A_56 = tpu.memref_slice %arg5[%mul3A_4] : memref<163840xi32, #tpu.memory_space<hbm>> -> memref<128xi32, #tpu.memory_space<hbm>>
      tpu.wait_dma2 semaphore(%run_scoped3A : memref<!tpu.dma_semaphore, #tpu.memory_space<semaphore_mem>>) src(%dma_wait3A_56 : memref<128xi32, #tpu.memory_space<hbm>>) dst(%arg9 : memref<128xi32, #tpu.memory_space<vmem>>)
      tpu.yield
    }) : () -> ()
    %dma_start3A = arith.constant 0 : i32
    %dma_start3A_5 = arith.constant 0 : i32
    %dma_start3A_6 = tpu.memref_slice %arg2[%dma_start3A, %dma_start3A_5] : memref<10000x128xf32, #tpu.memory_space<hbm>> -> memref<10000x128xf32, #tpu.memory_space<hbm>>
    tpu.enqueue_indirect_dma source(%dma_start3A_6 : memref<10000x128xf32, #tpu.memory_space<hbm>>) target(%arg11 : memref<128x128xf32, #tpu.memory_space<vmem>>) offsets(%arg7 : memref<128xi32, #tpu.memory_space<vmem>>) semaphore(%arg15 : memref<!tpu.dma_semaphore, #tpu.memory_space<semaphore_mem>>)
    %dma_start3A_7 = arith.constant 0 : i32
    %dma_start3A_8 = arith.constant 0 : i32
    %dma_start3A_9 = tpu.memref_slice %arg3[%dma_start3A_7, %dma_start3A_8] : memref<10000x128xf32, #tpu.memory_space<hbm>> -> memref<10000x128xf32, #tpu.memory_space<hbm>>
    tpu.enqueue_indirect_dma source(%dma_start3A_9 : memref<10000x128xf32, #tpu.memory_space<hbm>>) target(%arg13 : memref<128x128xf32, #tpu.memory_space<vmem>>) offsets(%arg9 : memref<128xi32, #tpu.memory_space<vmem>>) semaphore(%arg17 : memref<!tpu.dma_semaphore, #tpu.memory_space<semaphore_mem>>)
    %add3A_10 = arith.constant 32 : i32
    %add3A_11 = arith.addi %add3A_10, %add3A : i32
    %mul3A_12 = arith.constant 128 : i32
    %mul3A_13 = arith.muli %add3A_11, %mul3A_12 : i32
    "tpu.region"() ({
      %run_scoped3A = tpu.sem_alloc : memref<!tpu.dma_semaphore, #tpu.memory_space<semaphore_mem>>
      %dma_start3A_53 = tpu.memref_slice %arg4[%mul3A_13] : memref<163840xi32, #tpu.memory_space<hbm>> -> memref<128xi32, #tpu.memory_space<hbm>>
      %dma_start3A_54 = tpu.memref_slice %arg4[%mul3A_13] : memref<163840xi32, #tpu.memory_space<hbm>> -> memref<128xi32, #tpu.memory_space<hbm>>
      tpu.enqueue_dma source(%dma_start3A_54 : memref<128xi32, #tpu.memory_space<hbm>>) target(%arg8 : memref<128xi32, #tpu.memory_space<vmem>>) target_semaphore(%run_scoped3A : memref<!tpu.dma_semaphore, #tpu.memory_space<semaphore_mem>>)
      %dma_wait3A_55 = tpu.memref_slice %arg4[%mul3A_13] : memref<163840xi32, #tpu.memory_space<hbm>> -> memref<128xi32, #tpu.memory_space<hbm>>
      %dma_wait3A_56 = tpu.memref_slice %arg4[%mul3A_13] : memref<163840xi32, #tpu.memory_space<hbm>> -> memref<128xi32, #tpu.memory_space<hbm>>
      tpu.wait_dma2 semaphore(%run_scoped3A : memref<!tpu.dma_semaphore, #tpu.memory_space<semaphore_mem>>) src(%dma_wait3A_56 : memref<128xi32, #tpu.memory_space<hbm>>) dst(%arg8 : memref<128xi32, #tpu.memory_space<vmem>>)
      tpu.yield
    }) : () -> ()
    "tpu.region"() ({
      %run_scoped3A = tpu.sem_alloc : memref<!tpu.dma_semaphore, #tpu.memory_space<semaphore_mem>>
      %dma_start3A_53 = tpu.memref_slice %arg5[%mul3A_13] : memref<163840xi32, #tpu.memory_space<hbm>> -> memref<128xi32, #tpu.memory_space<hbm>>
      %dma_start3A_54 = tpu.memref_slice %arg5[%mul3A_13] : memref<163840xi32, #tpu.memory_space<hbm>> -> memref<128xi32, #tpu.memory_space<hbm>>
      tpu.enqueue_dma source(%dma_start3A_54 : memref<128xi32, #tpu.memory_space<hbm>>) target(%arg10 : memref<128xi32, #tpu.memory_space<vmem>>) target_semaphore(%run_scoped3A : memref<!tpu.dma_semaphore, #tpu.memory_space<semaphore_mem>>)
      %dma_wait3A_55 = tpu.memref_slice %arg5[%mul3A_13] : memref<163840xi32, #tpu.memory_space<hbm>> -> memref<128xi32, #tpu.memory_space<hbm>>
      %dma_wait3A_56 = tpu.memref_slice %arg5[%mul3A_13] : memref<163840xi32, #tpu.memory_space<hbm>> -> memref<128xi32, #tpu.memory_space<hbm>>
      tpu.wait_dma2 semaphore(%run_scoped3A : memref<!tpu.dma_semaphore, #tpu.memory_space<semaphore_mem>>) src(%dma_wait3A_56 : memref<128xi32, #tpu.memory_space<hbm>>) dst(%arg10 : memref<128xi32, #tpu.memory_space<vmem>>)
      tpu.yield
    }) : () -> ()
    %dma_start3A_14 = arith.constant 0 : i32
    %dma_start3A_15 = arith.constant 0 : i32
    %dma_start3A_16 = tpu.memref_slice %arg2[%dma_start3A_14, %dma_start3A_15] : memref<10000x128xf32, #tpu.memory_space<hbm>> -> memref<10000x128xf32, #tpu.memory_space<hbm>>
    tpu.enqueue_indirect_dma source(%dma_start3A_16 : memref<10000x128xf32, #tpu.memory_space<hbm>>) target(%arg12 : memref<128x128xf32, #tpu.memory_space<vmem>>) offsets(%arg8 : memref<128xi32, #tpu.memory_space<vmem>>) semaphore(%arg16 : memref<!tpu.dma_semaphore, #tpu.memory_space<semaphore_mem>>)
    %dma_start3A_17 = arith.constant 0 : i32
    %dma_start3A_18 = arith.constant 0 : i32
    %dma_start3A_19 = tpu.memref_slice %arg3[%dma_start3A_17, %dma_start3A_18] : memref<10000x128xf32, #tpu.memory_space<hbm>> -> memref<10000x128xf32, #tpu.memory_space<hbm>>
    tpu.enqueue_indirect_dma source(%dma_start3A_19 : memref<10000x128xf32, #tpu.memory_space<hbm>>) target(%arg14 : memref<128x128xf32, #tpu.memory_space<vmem>>) offsets(%arg10 : memref<128xi32, #tpu.memory_space<vmem>>) semaphore(%arg18 : memref<!tpu.dma_semaphore, #tpu.memory_space<semaphore_mem>>)
    %scan3A = arith.constant 0 : i32
    %scan3A_20 = arith.constant 19 : i32
    %scan3A_21 = arith.addi %scan3A, %scan3A_20 : i32
    %scan3A_22 = arith.constant 1 : i32
    scf.for %scan3A_53 = %scan3A to %scan3A_21 step %scan3A_22  : i32 {
      %mul3A_54 = arith.constant 1 : i32
      %mul3A_55 = arith.muli %scan3A_53, %mul3A_54 : i32
      %add3A_56 = arith.constant 0 : i32
      %add3A_57 = arith.addi %add3A_56, %mul3A_55 : i32
      %mul3A_58 = arith.constant 2 : i32
      %mul3A_59 = arith.muli %mul3A_58, %add3A_57 : i32
      %mul3A_60 = arith.constant 32 : i32
      %mul3A_61 = arith.muli %mul3A_59, %mul3A_60 : i32
      %add3A_62 = arith.addi %mul3A_61, %add3A : i32
      %mul3A_63 = arith.constant 128 : i32
      %mul3A_64 = arith.muli %add3A_62, %mul3A_63 : i32
      %dma_wait3A_65 = arith.constant 0 : i32
      %dma_wait3A_66 = arith.constant 0 : i32
      %dma_wait3A_67 = tpu.memref_slice %arg2[%dma_wait3A_65, %dma_wait3A_66] : memref<10000x128xf32, #tpu.memory_space<hbm>> -> memref<10000x128xf32, #tpu.memory_space<hbm>>
      tpu.wait_indirect_dma semaphore(%arg15 : memref<!tpu.dma_semaphore, #tpu.memory_space<semaphore_mem>>) src(%dma_wait3A_67 : memref<10000x128xf32, #tpu.memory_space<hbm>>) dst(%arg11 : memref<128x128xf32, #tpu.memory_space<vmem>>)
      %dma_wait3A_68 = arith.constant 0 : i32
      %dma_wait3A_69 = arith.constant 0 : i32
      %dma_wait3A_70 = tpu.memref_slice %arg3[%dma_wait3A_68, %dma_wait3A_69] : memref<10000x128xf32, #tpu.memory_space<hbm>> -> memref<10000x128xf32, #tpu.memory_space<hbm>>
      tpu.wait_indirect_dma semaphore(%arg17 : memref<!tpu.dma_semaphore, #tpu.memory_space<semaphore_mem>>) src(%dma_wait3A_70 : memref<10000x128xf32, #tpu.memory_space<hbm>>) dst(%arg13 : memref<128x128xf32, #tpu.memory_space<vmem>>)
      %scan3A_71 = arith.constant 0 : i32
      %scan3A_72 = arith.constant 128 : i32
      %scan3A_73 = arith.addi %scan3A_71, %scan3A_72 : i32
      %scan3A_74 = arith.constant 1 : i32
      scf.for %scan3A_126 = %scan3A_71 to %scan3A_73 step %scan3A_74  : i32 {
        %mul3A_127 = arith.constant 1 : i32
        %mul3A_128 = arith.muli %scan3A_126, %mul3A_127 : i32
        %add3A_129 = arith.constant 0 : i32
        %add3A_130 = arith.addi %add3A_129, %mul3A_128 : i32
        %get3A = arith.index_cast %add3A_130 : i32 to index
        %get3A_131 = arith.constant 0 : index
        %get3A_132 = tpu.vector_load %arg11[%get3A, %get3A_131] {strides = array<i32>} : memref<128x128xf32, #tpu.memory_space<vmem>>, vector<1x16xf32>,
        %get3A_133 = vector.shape_cast %get3A_132 : vector<1x16xf32> to vector<1x16xf32>
        %get3A_134 = arith.index_cast %add3A_130 : i32 to index
        %get3A_135 = arith.constant 0 : index
        %get3A_136 = tpu.vector_load %arg13[%get3A_134, %get3A_135] {strides = array<i32>} : memref<128x128xf32, #tpu.memory_space<vmem>>, vector<1x16xf32>,
        %get3A_137 = vector.shape_cast %get3A_136 : vector<1x16xf32> to vector<1x16xf32>
        %add3A_138 = arith.addf %get3A_133, %get3A_137 : vector<1x16xf32>
        %swap3A = arith.index_cast %add3A_130 : i32 to index
        %swap3A_139 = arith.constant 0 : index
        %swap3A_140 = tpu.vector_load %arg11[%swap3A, %swap3A_139] {strides = array<i32>} : memref<128x128xf32, #tpu.memory_space<vmem>>, vector<1x16xf32>,
        %swap3A_141 = vector.shape_cast %swap3A_140 : vector<1x16xf32> to vector<1x16xf32>
        %swap3A_142 = vector.shape_cast %add3A_138 : vector<1x16xf32> to vector<1x16xf32>
        tpu.vector_store %arg11[%swap3A, %swap3A_139], %swap3A_142 {strides = array<i32>} : memref<128x128xf32, #tpu.memory_space<vmem>>, vector<1x16xf32>,
        %get3A_143 = arith.index_cast %add3A_130 : i32 to index
        %get3A_144 = arith.constant 16 : index
        %get3A_145 = tpu.vector_load %arg11[%get3A_143, %get3A_144] {strides = array<i32>} : memref<128x128xf32, #tpu.memory_space<vmem>>, vector<1x16xf32>,
        %get3A_146 = vector.shape_cast %get3A_145 : vector<1x16xf32> to vector<1x16xf32>
        %get3A_147 = arith.index_cast %add3A_130 : i32 to index
        %get3A_148 = arith.constant 16 : index
        %get3A_149 = tpu.vector_load %arg13[%get3A_147, %get3A_148] {strides = array<i32>} : memref<128x128xf32, #tpu.memory_space<vmem>>, vector<1x16xf32>,
        %get3A_150 = vector.shape_cast %get3A_149 : vector<1x16xf32> to vector<1x16xf32>
        %add3A_151 = arith.addf %get3A_146, %get3A_150 : vector<1x16xf32>
        %swap3A_152 = arith.index_cast %add3A_130 : i32 to index
        %swap3A_153 = arith.constant 16 : index
        %swap3A_154 = tpu.vector_load %arg11[%swap3A_152, %swap3A_153] {strides = array<i32>} : memref<128x128xf32, #tpu.memory_space<vmem>>, vector<1x16xf32>,
        %swap3A_155 = vector.shape_cast %swap3A_154 : vector<1x16xf32> to vector<1x16xf32>
        %swap3A_156 = vector.shape_cast %add3A_151 : vector<1x16xf32> to vector<1x16xf32>
        tpu.vector_store %arg11[%swap3A_152, %swap3A_153], %swap3A_156 {strides = array<i32>} : memref<128x128xf32, #tpu.memory_space<vmem>>, vector<1x16xf32>,
        %get3A_157 = arith.index_cast %add3A_130 : i32 to index
        %get3A_158 = arith.constant 32 : index
        %get3A_159 = tpu.vector_load %arg11[%get3A_157, %get3A_158] {strides = array<i32>} : memref<128x128xf32, #tpu.memory_space<vmem>>, vector<1x16xf32>,
        %get3A_160 = vector.shape_cast %get3A_159 : vector<1x16xf32> to vector<1x16xf32>
        %get3A_161 = arith.index_cast %add3A_130 : i32 to index
        %get3A_162 = arith.constant 32 : index
        %get3A_163 = tpu.vector_load %arg13[%get3A_161, %get3A_162] {strides = array<i32>} : memref<128x128xf32, #tpu.memory_space<vmem>>, vector<1x16xf32>,
        %get3A_164 = vector.shape_cast %get3A_163 : vector<1x16xf32> to vector<1x16xf32>
        %add3A_165 = arith.addf %get3A_160, %get3A_164 : vector<1x16xf32>
        %swap3A_166 = arith.index_cast %add3A_130 : i32 to index
        %swap3A_167 = arith.constant 32 : index
        %swap3A_168 = tpu.vector_load %arg11[%swap3A_166, %swap3A_167] {strides = array<i32>} : memref<128x128xf32, #tpu.memory_space<vmem>>, vector<1x16xf32>,
        %swap3A_169 = vector.shape_cast %swap3A_168 : vector<1x16xf32> to vector<1x16xf32>
        %swap3A_170 = vector.shape_cast %add3A_165 : vector<1x16xf32> to vector<1x16xf32>
        tpu.vector_store %arg11[%swap3A_166, %swap3A_167], %swap3A_170 {strides = array<i32>} : memref<128x128xf32, #tpu.memory_space<vmem>>, vector<1x16xf32>,
        %get3A_171 = arith.index_cast %add3A_130 : i32 to index
        %get3A_172 = arith.constant 48 : index
        %get3A_173 = tpu.vector_load %arg11[%get3A_171, %get3A_172] {strides = array<i32>} : memref<128x128xf32, #tpu.memory_space<vmem>>, vector<1x16xf32>,
        %get3A_174 = vector.shape_cast %get3A_173 : vector<1x16xf32> to vector<1x16xf32>
        %get3A_175 = arith.index_cast %add3A_130 : i32 to index
        %get3A_176 = arith.constant 48 : index
        %get3A_177 = tpu.vector_load %arg13[%get3A_175, %get3A_176] {strides = array<i32>} : memref<128x128xf32, #tpu.memory_space<vmem>>, vector<1x16xf32>,
        %get3A_178 = vector.shape_cast %get3A_177 : vector<1x16xf32> to vector<1x16xf32>
        %add3A_179 = arith.addf %get3A_174, %get3A_178 : vector<1x16xf32>
        %swap3A_180 = arith.index_cast %add3A_130 : i32 to index
        %swap3A_181 = arith.constant 48 : index
        %swap3A_182 = tpu.vector_load %arg11[%swap3A_180, %swap3A_181] {strides = array<i32>} : memref<128x128xf32, #tpu.memory_space<vmem>>, vector<1x16xf32>,
        %swap3A_183 = vector.shape_cast %swap3A_182 : vector<1x16xf32> to vector<1x16xf32>
        %swap3A_184 = vector.shape_cast %add3A_179 : vector<1x16xf32> to vector<1x16xf32>
        tpu.vector_store %arg11[%swap3A_180, %swap3A_181], %swap3A_184 {strides = array<i32>} : memref<128x128xf32, #tpu.memory_space<vmem>>, vector<1x16xf32>,
        %get3A_185 = arith.index_cast %add3A_130 : i32 to index
        %get3A_186 = arith.constant 64 : index
        %get3A_187 = tpu.vector_load %arg13[%get3A_185, %get3A_186] {strides = array<i32>} : memref<128x128xf32, #tpu.memory_space<vmem>>, vector<1x16xf32>,
        %get3A_188 = vector.shape_cast %get3A_187 : vector<1x16xf32> to vector<1x16xf32>
        %get3A_189 = arith.index_cast %add3A_130 : i32 to index
        %get3A_190 = arith.constant 64 : index
        %get3A_191 = tpu.vector_load %arg11[%get3A_189, %get3A_190] {strides = array<i32>} : memref<128x128xf32, #tpu.memory_space<vmem>>, vector<1x16xf32>,
        %get3A_192 = vector.shape_cast %get3A_191 : vector<1x16xf32> to vector<1x16xf32>
        %sub3A = arith.subf %get3A_188, %get3A_192 : vector<1x16xf32>
        %swap3A_193 = arith.index_cast %add3A_130 : i32 to index
        %swap3A_194 = arith.constant 64 : index
        %swap3A_195 = tpu.vector_load %arg11[%swap3A_193, %swap3A_194] {strides = array<i32>} : memref<128x128xf32, #tpu.memory_space<vmem>>, vector<1x16xf32>,
        %swap3A_196 = vector.shape_cast %swap3A_195 : vector<1x16xf32> to vector<1x16xf32>
        %swap3A_197 = vector.shape_cast %sub3A : vector<1x16xf32> to vector<1x16xf32>
        tpu.vector_store %arg11[%swap3A_193, %swap3A_194], %swap3A_197 {strides = array<i32>} : memref<128x128xf32, #tpu.memory_space<vmem>>, vector<1x16xf32>,
      }
      %scan3A_75 = arith.constant 128 : i32
      "tpu.region"() ({
        %run_scoped3A = tpu.sem_alloc : memref<!tpu.dma_semaphore, #tpu.memory_space<semaphore_mem>>
        %dma_start3A_126 = arith.constant 0 : i32
        %dma_start3A_127 = tpu.memref_slice %arg6[%mul3A_64, %dma_start3A_126] : memref<163840x128xf32, #tpu.memory_space<hbm>> -> memref<128x128xf32, #tpu.memory_space<hbm>>
        %dma_start3A_128 = arith.constant 0 : i32
        %dma_start3A_129 = tpu.memref_slice %arg6[%mul3A_64, %dma_start3A_128] : memref<163840x128xf32, #tpu.memory_space<hbm>> -> memref<128x128xf32, #tpu.memory_space<hbm>>
        tpu.enqueue_dma source(%arg11 : memref<128x128xf32, #tpu.memory_space<vmem>>) target(%dma_start3A_129 : memref<128x128xf32, #tpu.memory_space<hbm>>) target_semaphore(%run_scoped3A : memref<!tpu.dma_semaphore, #tpu.memory_space<semaphore_mem>>)
        %dma_wait3A_130 = arith.constant 0 : i32
        %dma_wait3A_131 = tpu.memref_slice %arg6[%mul3A_64, %dma_wait3A_130] : memref<163840x128xf32, #tpu.memory_space<hbm>> -> memref<128x128xf32, #tpu.memory_space<hbm>>
        %dma_wait3A_132 = arith.constant 0 : i32
        %dma_wait3A_133 = tpu.memref_slice %arg6[%mul3A_64, %dma_wait3A_132] : memref<163840x128xf32, #tpu.memory_space<hbm>> -> memref<128x128xf32, #tpu.memory_space<hbm>>
        tpu.wait_dma2 semaphore(%run_scoped3A : memref<!tpu.dma_semaphore, #tpu.memory_space<semaphore_mem>>) src(%arg11 : memref<128x128xf32, #tpu.memory_space<vmem>>) dst(%dma_wait3A_133 : memref<128x128xf32, #tpu.memory_space<hbm>>)
        tpu.yield
      }) : () -> ()
      %mul3A_76 = arith.constant 2 : i32
      %mul3A_77 = arith.muli %mul3A_76, %add3A_57 : i32
      %add3A_78 = arith.constant 2 : i32
      %add3A_79 = arith.addi %mul3A_77, %add3A_78 : i32
      %mul3A_80 = arith.constant 32 : i32
      %mul3A_81 = arith.muli %add3A_79, %mul3A_80 : i32
      %add3A_82 = arith.addi %mul3A_81, %add3A : i32
      %mul3A_83 = arith.constant 128 : i32
      %mul3A_84 = arith.muli %add3A_82, %mul3A_83 : i32
      "tpu.region"() ({
        %run_scoped3A = tpu.sem_alloc : memref<!tpu.dma_semaphore, #tpu.memory_space<semaphore_mem>>
        %dma_start3A_126 = tpu.memref_slice %arg4[%mul3A_84] : memref<163840xi32, #tpu.memory_space<hbm>> -> memref<128xi32, #tpu.memory_space<hbm>>
        %dma_start3A_127 = tpu.memref_slice %arg4[%mul3A_84] : memref<163840xi32, #tpu.memory_space<hbm>> -> memref<128xi32, #tpu.memory_space<hbm>>
        tpu.enqueue_dma source(%dma_start3A_127 : memref<128xi32, #tpu.memory_space<hbm>>) target(%arg7 : memref<128xi32, #tpu.memory_space<vmem>>) target_semaphore(%run_scoped3A : memref<!tpu.dma_semaphore, #tpu.memory_space<semaphore_mem>>)
        %dma_wait3A_128 = tpu.memref_slice %arg4[%mul3A_84] : memref<163840xi32, #tpu.memory_space<hbm>> -> memref<128xi32, #tpu.memory_space<hbm>>
        %dma_wait3A_129 = tpu.memref_slice %arg4[%mul3A_84] : memref<163840xi32, #tpu.memory_space<hbm>> -> memref<128xi32, #tpu.memory_space<hbm>>
        tpu.wait_dma2 semaphore(%run_scoped3A : memref<!tpu.dma_semaphore, #tpu.memory_space<semaphore_mem>>) src(%dma_wait3A_129 : memref<128xi32, #tpu.memory_space<hbm>>) dst(%arg7 : memref<128xi32, #tpu.memory_space<vmem>>)
        tpu.yield
      }) : () -> ()
      "tpu.region"() ({
        %run_scoped3A = tpu.sem_alloc : memref<!tpu.dma_semaphore, #tpu.memory_space<semaphore_mem>>
        %dma_start3A_126 = tpu.memref_slice %arg5[%mul3A_84] : memref<163840xi32, #tpu.memory_space<hbm>> -> memref<128xi32, #tpu.memory_space<hbm>>
        %dma_start3A_127 = tpu.memref_slice %arg5[%mul3A_84] : memref<163840xi32, #tpu.memory_space<hbm>> -> memref<128xi32, #tpu.memory_space<hbm>>
        tpu.enqueue_dma source(%dma_start3A_127 : memref<128xi32, #tpu.memory_space<hbm>>) target(%arg9 : memref<128xi32, #tpu.memory_space<vmem>>) target_semaphore(%run_scoped3A : memref<!tpu.dma_semaphore, #tpu.memory_space<semaphore_mem>>)
        %dma_wait3A_128 = tpu.memref_slice %arg5[%mul3A_84] : memref<163840xi32, #tpu.memory_space<hbm>> -> memref<128xi32, #tpu.memory_space<hbm>>
        %dma_wait3A_129 = tpu.memref_slice %arg5[%mul3A_84] : memref<163840xi32, #tpu.memory_space<hbm>> -> memref<128xi32, #tpu.memory_space<hbm>>
        tpu.wait_dma2 semaphore(%run_scoped3A : memref<!tpu.dma_semaphore, #tpu.memory_space<semaphore_mem>>) src(%dma_wait3A_129 : memref<128xi32, #tpu.memory_space<hbm>>) dst(%arg9 : memref<128xi32, #tpu.memory_space<vmem>>)
        tpu.yield
      }) : () -> ()
      %dma_start3A_85 = arith.constant 0 : i32
      %dma_start3A_86 = arith.constant 0 : i32
      %dma_start3A_87 = tpu.memref_slice %arg2[%dma_start3A_85, %dma_start3A_86] : memref<10000x128xf32, #tpu.memory_space<hbm>> -> memref<10000x128xf32, #tpu.memory_space<hbm>>
      tpu.enqueue_indirect_dma source(%dma_start3A_87 : memref<10000x128xf32, #tpu.memory_space<hbm>>) target(%arg11 : memref<128x128xf32, #tpu.memory_space<vmem>>) offsets(%arg7 : memref<128xi32, #tpu.memory_space<vmem>>) semaphore(%arg15 : memref<!tpu.dma_semaphore, #tpu.memory_space<semaphore_mem>>)
      %dma_start3A_88 = arith.constant 0 : i32
      %dma_start3A_89 = arith.constant 0 : i32
      %dma_start3A_90 = tpu.memref_slice %arg3[%dma_start3A_88, %dma_start3A_89] : memref<10000x128xf32, #tpu.memory_space<hbm>> -> memref<10000x128xf32, #tpu.memory_space<hbm>>
      tpu.enqueue_indirect_dma source(%dma_start3A_90 : memref<10000x128xf32, #tpu.memory_space<hbm>>) target(%arg13 : memref<128x128xf32, #tpu.memory_space<vmem>>) offsets(%arg9 : memref<128xi32, #tpu.memory_space<vmem>>) semaphore(%arg17 : memref<!tpu.dma_semaphore, #tpu.memory_space<semaphore_mem>>)
      %mul3A_91 = arith.constant 2 : i32
      %mul3A_92 = arith.muli %mul3A_91, %add3A_57 : i32
      %add3A_93 = arith.constant 1 : i32
      %add3A_94 = arith.addi %mul3A_92, %add3A_93 : i32
      %mul3A_95 = arith.constant 32 : i32
      %mul3A_96 = arith.muli %add3A_94, %mul3A_95 : i32
      %add3A_97 = arith.addi %mul3A_96, %add3A : i32
      %mul3A_98 = arith.constant 128 : i32
      %mul3A_99 = arith.muli %add3A_97, %mul3A_98 : i32
      %dma_wait3A_100 = arith.constant 0 : i32
      %dma_wait3A_101 = arith.constant 0 : i32
      %dma_wait3A_102 = tpu.memref_slice %arg2[%dma_wait3A_100, %dma_wait3A_101] : memref<10000x128xf32, #tpu.memory_space<hbm>> -> memref<10000x128xf32, #tpu.memory_space<hbm>>
      tpu.wait_indirect_dma semaphore(%arg16 : memref<!tpu.dma_semaphore, #tpu.memory_space<semaphore_mem>>) src(%dma_wait3A_102 : memref<10000x128xf32, #tpu.memory_space<hbm>>) dst(%arg12 : memref<128x128xf32, #tpu.memory_space<vmem>>)
      %dma_wait3A_103 = arith.constant 0 : i32
      %dma_wait3A_104 = arith.constant 0 : i32
      %dma_wait3A_105 = tpu.memref_slice %arg3[%dma_wait3A_103, %dma_wait3A_104] : memref<10000x128xf32, #tpu.memory_space<hbm>> -> memref<10000x128xf32, #tpu.memory_space<hbm>>
      tpu.wait_indirect_dma semaphore(%arg18 : memref<!tpu.dma_semaphore, #tpu.memory_space<semaphore_mem>>) src(%dma_wait3A_105 : memref<10000x128xf32, #tpu.memory_space<hbm>>) dst(%arg14 : memref<128x128xf32, #tpu.memory_space<vmem>>)
      %scan3A_106 = arith.constant 0 : i32
      %scan3A_107 = arith.constant 128 : i32
      %scan3A_108 = arith.addi %scan3A_106, %scan3A_107 : i32
      %scan3A_109 = arith.constant 1 : i32
      scf.for %scan3A_126 = %scan3A_106 to %scan3A_108 step %scan3A_109  : i32 {
        %mul3A_127 = arith.constant 1 : i32
        %mul3A_128 = arith.muli %scan3A_126, %mul3A_127 : i32
        %add3A_129 = arith.constant 0 : i32
        %add3A_130 = arith.addi %add3A_129, %mul3A_128 : i32
        %get3A = arith.index_cast %add3A_130 : i32 to index
        %get3A_131 = arith.constant 0 : index
        %get3A_132 = tpu.vector_load %arg12[%get3A, %get3A_131] {strides = array<i32>} : memref<128x128xf32, #tpu.memory_space<vmem>>, vector<1x16xf32>,
        %get3A_133 = vector.shape_cast %get3A_132 : vector<1x16xf32> to vector<1x16xf32>
        %get3A_134 = arith.index_cast %add3A_130 : i32 to index
        %get3A_135 = arith.constant 0 : index
        %get3A_136 = tpu.vector_load %arg14[%get3A_134, %get3A_135] {strides = array<i32>} : memref<128x128xf32, #tpu.memory_space<vmem>>, vector<1x16xf32>,
        %get3A_137 = vector.shape_cast %get3A_136 : vector<1x16xf32> to vector<1x16xf32>
        %add3A_138 = arith.addf %get3A_133, %get3A_137 : vector<1x16xf32>
        %swap3A = arith.index_cast %add3A_130 : i32 to index
        %swap3A_139 = arith.constant 0 : index
        %swap3A_140 = tpu.vector_load %arg12[%swap3A, %swap3A_139] {strides = array<i32>} : memref<128x128xf32, #tpu.memory_space<vmem>>, vector<1x16xf32>,
        %swap3A_141 = vector.shape_cast %swap3A_140 : vector<1x16xf32> to vector<1x16xf32>
        %swap3A_142 = vector.shape_cast %add3A_138 : vector<1x16xf32> to vector<1x16xf32>
        tpu.vector_store %arg12[%swap3A, %swap3A_139], %swap3A_142 {strides = array<i32>} : memref<128x128xf32, #tpu.memory_space<vmem>>, vector<1x16xf32>,
        %get3A_143 = arith.index_cast %add3A_130 : i32 to index
        %get3A_144 = arith.constant 16 : index
        %get3A_145 = tpu.vector_load %arg12[%get3A_143, %get3A_144] {strides = array<i32>} : memref<128x128xf32, #tpu.memory_space<vmem>>, vector<1x16xf32>,
        %get3A_146 = vector.shape_cast %get3A_145 : vector<1x16xf32> to vector<1x16xf32>
        %get3A_147 = arith.index_cast %add3A_130 : i32 to index
        %get3A_148 = arith.constant 16 : index
        %get3A_149 = tpu.vector_load %arg14[%get3A_147, %get3A_148] {strides = array<i32>} : memref<128x128xf32, #tpu.memory_space<vmem>>, vector<1x16xf32>,
        %get3A_150 = vector.shape_cast %get3A_149 : vector<1x16xf32> to vector<1x16xf32>
        %add3A_151 = arith.addf %get3A_146, %get3A_150 : vector<1x16xf32>
        %swap3A_152 = arith.index_cast %add3A_130 : i32 to index
        %swap3A_153 = arith.constant 16 : index
        %swap3A_154 = tpu.vector_load %arg12[%swap3A_152, %swap3A_153] {strides = array<i32>} : memref<128x128xf32, #tpu.memory_space<vmem>>, vector<1x16xf32>,
        %swap3A_155 = vector.shape_cast %swap3A_154 : vector<1x16xf32> to vector<1x16xf32>
        %swap3A_156 = vector.shape_cast %add3A_151 : vector<1x16xf32> to vector<1x16xf32>
        tpu.vector_store %arg12[%swap3A_152, %swap3A_153], %swap3A_156 {strides = array<i32>} : memref<128x128xf32, #tpu.memory_space<vmem>>, vector<1x16xf32>,
        %get3A_157 = arith.index_cast %add3A_130 : i32 to index
        %get3A_158 = arith.constant 32 : index
        %get3A_159 = tpu.vector_load %arg12[%get3A_157, %get3A_158] {strides = array<i32>} : memref<128x128xf32, #tpu.memory_space<vmem>>, vector<1x16xf32>,
        %get3A_160 = vector.shape_cast %get3A_159 : vector<1x16xf32> to vector<1x16xf32>
        %get3A_161 = arith.index_cast %add3A_130 : i32 to index
        %get3A_162 = arith.constant 32 : index
        %get3A_163 = tpu.vector_load %arg14[%get3A_161, %get3A_162] {strides = array<i32>} : memref<128x128xf32, #tpu.memory_space<vmem>>, vector<1x16xf32>,
        %get3A_164 = vector.shape_cast %get3A_163 : vector<1x16xf32> to vector<1x16xf32>
        %add3A_165 = arith.addf %get3A_160, %get3A_164 : vector<1x16xf32>
        %swap3A_166 = arith.index_cast %add3A_130 : i32 to index
        %swap3A_167 = arith.constant 32 : index
        %swap3A_168 = tpu.vector_load %arg12[%swap3A_166, %swap3A_167] {strides = array<i32>} : memref<128x128xf32, #tpu.memory_space<vmem>>, vector<1x16xf32>,
        %swap3A_169 = vector.shape_cast %swap3A_168 : vector<1x16xf32> to vector<1x16xf32>
        %swap3A_170 = vector.shape_cast %add3A_165 : vector<1x16xf32> to vector<1x16xf32>
        tpu.vector_store %arg12[%swap3A_166, %swap3A_167], %swap3A_170 {strides = array<i32>} : memref<128x128xf32, #tpu.memory_space<vmem>>, vector<1x16xf32>,
        %get3A_171 = arith.index_cast %add3A_130 : i32 to index
        %get3A_172 = arith.constant 48 : index
        %get3A_173 = tpu.vector_load %arg12[%get3A_171, %get3A_172] {strides = array<i32>} : memref<128x128xf32, #tpu.memory_space<vmem>>, vector<1x16xf32>,
        %get3A_174 = vector.shape_cast %get3A_173 : vector<1x16xf32> to vector<1x16xf32>
        %get3A_175 = arith.index_cast %add3A_130 : i32 to index
        %get3A_176 = arith.constant 48 : index
        %get3A_177 = tpu.vector_load %arg14[%get3A_175, %get3A_176] {strides = array<i32>} : memref<128x128xf32, #tpu.memory_space<vmem>>, vector<1x16xf32>,
        %get3A_178 = vector.shape_cast %get3A_177 : vector<1x16xf32> to vector<1x16xf32>
        %add3A_179 = arith.addf %get3A_174, %get3A_178 : vector<1x16xf32>
        %swap3A_180 = arith.index_cast %add3A_130 : i32 to index
        %swap3A_181 = arith.constant 48 : index
        %swap3A_182 = tpu.vector_load %arg12[%swap3A_180, %swap3A_181] {strides = array<i32>} : memref<128x128xf32, #tpu.memory_space<vmem>>, vector<1x16xf32>,
        %swap3A_183 = vector.shape_cast %swap3A_182 : vector<1x16xf32> to vector<1x16xf32>
        %swap3A_184 = vector.shape_cast %add3A_179 : vector<1x16xf32> to vector<1x16xf32>
        tpu.vector_store %arg12[%swap3A_180, %swap3A_181], %swap3A_184 {strides = array<i32>} : memref<128x128xf32, #tpu.memory_space<vmem>>, vector<1x16xf32>,
        %get3A_185 = arith.index_cast %add3A_130 : i32 to index
        %get3A_186 = arith.constant 64 : index
        %get3A_187 = tpu.vector_load %arg14[%get3A_185, %get3A_186] {strides = array<i32>} : memref<128x128xf32, #tpu.memory_space<vmem>>, vector<1x16xf32>,
        %get3A_188 = vector.shape_cast %get3A_187 : vector<1x16xf32> to vector<1x16xf32>
        %get3A_189 = arith.index_cast %add3A_130 : i32 to index
        %get3A_190 = arith.constant 64 : index
        %get3A_191 = tpu.vector_load %arg12[%get3A_189, %get3A_190] {strides = array<i32>} : memref<128x128xf32, #tpu.memory_space<vmem>>, vector<1x16xf32>,
        %get3A_192 = vector.shape_cast %get3A_191 : vector<1x16xf32> to vector<1x16xf32>
        %sub3A = arith.subf %get3A_188, %get3A_192 : vector<1x16xf32>
        %swap3A_193 = arith.index_cast %add3A_130 : i32 to index
        %swap3A_194 = arith.constant 64 : index
        %swap3A_195 = tpu.vector_load %arg12[%swap3A_193, %swap3A_194] {strides = array<i32>} : memref<128x128xf32, #tpu.memory_space<vmem>>, vector<1x16xf32>,
        %swap3A_196 = vector.shape_cast %swap3A_195 : vector<1x16xf32> to vector<1x16xf32>
        %swap3A_197 = vector.shape_cast %sub3A : vector<1x16xf32> to vector<1x16xf32>
        tpu.vector_store %arg12[%swap3A_193, %swap3A_194], %swap3A_197 {strides = array<i32>} : memref<128x128xf32, #tpu.memory_space<vmem>>, vector<1x16xf32>,
      }
      %scan3A_110 = arith.constant 128 : i32
      "tpu.region"() ({
        %run_scoped3A = tpu.sem_alloc : memref<!tpu.dma_semaphore, #tpu.memory_space<semaphore_mem>>
        %dma_start3A_126 = arith.constant 0 : i32
        %dma_start3A_127 = tpu.memref_slice %arg6[%mul3A_99, %dma_start3A_126] : memref<163840x128xf32, #tpu.memory_space<hbm>> -> memref<128x128xf32, #tpu.memory_space<hbm>>
        %dma_start3A_128 = arith.constant 0 : i32
        %dma_start3A_129 = tpu.memref_slice %arg6[%mul3A_99, %dma_start3A_128] : memref<163840x128xf32, #tpu.memory_space<hbm>> -> memref<128x128xf32, #tpu.memory_space<hbm>>
        tpu.enqueue_dma source(%arg12 : memref<128x128xf32, #tpu.memory_space<vmem>>) target(%dma_start3A_129 : memref<128x128xf32, #tpu.memory_space<hbm>>) target_semaphore(%run_scoped3A : memref<!tpu.dma_semaphore, #tpu.memory_space<semaphore_mem>>)
        %dma_wait3A_130 = arith.constant 0 : i32
        %dma_wait3A_131 = tpu.memref_slice %arg6[%mul3A_99, %dma_wait3A_130] : memref<163840x128xf32, #tpu.memory_space<hbm>> -> memref<128x128xf32, #tpu.memory_space<hbm>>
        %dma_wait3A_132 = arith.constant 0 : i32
        %dma_wait3A_133 = tpu.memref_slice %arg6[%mul3A_99, %dma_wait3A_132] : memref<163840x128xf32, #tpu.memory_space<hbm>> -> memref<128x128xf32, #tpu.memory_space<hbm>>
        tpu.wait_dma2 semaphore(%run_scoped3A : memref<!tpu.dma_semaphore, #tpu.memory_space<semaphore_mem>>) src(%arg12 : memref<128x128xf32, #tpu.memory_space<vmem>>) dst(%dma_wait3A_133 : memref<128x128xf32, #tpu.memory_space<hbm>>)
        tpu.yield
      }) : () -> ()
      %mul3A_111 = arith.constant 2 : i32
      %mul3A_112 = arith.muli %mul3A_111, %add3A_57 : i32
      %add3A_113 = arith.constant 3 : i32
      %add3A_114 = arith.addi %mul3A_112, %add3A_113 : i32
      %mul3A_115 = arith.constant 32 : i32
      %mul3A_116 = arith.muli %add3A_114, %mul3A_115 : i32
      %add3A_117 = arith.addi %mul3A_116, %add3A : i32
      %mul3A_118 = arith.constant 128 : i32
      %mul3A_119 = arith.muli %add3A_117, %mul3A_118 : i32
      "tpu.region"() ({
        %run_scoped3A = tpu.sem_alloc : memref<!tpu.dma_semaphore, #tpu.memory_space<semaphore_mem>>
        %dma_start3A_126 = tpu.memref_slice %arg4[%mul3A_119] : memref<163840xi32, #tpu.memory_space<hbm>> -> memref<128xi32, #tpu.memory_space<hbm>>
        %dma_start3A_127 = tpu.memref_slice %arg4[%mul3A_119] : memref<163840xi32, #tpu.memory_space<hbm>> -> memref<128xi32, #tpu.memory_space<hbm>>
        tpu.enqueue_dma source(%dma_start3A_127 : memref<128xi32, #tpu.memory_space<hbm>>) target(%arg8 : memref<128xi32, #tpu.memory_space<vmem>>) target_semaphore(%run_scoped3A : memref<!tpu.dma_semaphore, #tpu.memory_space<semaphore_mem>>)
        %dma_wait3A_128 = tpu.memref_slice %arg4[%mul3A_119] : memref<163840xi32, #tpu.memory_space<hbm>> -> memref<128xi32, #tpu.memory_space<hbm>>
        %dma_wait3A_129 = tpu.memref_slice %arg4[%mul3A_119] : memref<163840xi32, #tpu.memory_space<hbm>> -> memref<128xi32, #tpu.memory_space<hbm>>
        tpu.wait_dma2 semaphore(%run_scoped3A : memref<!tpu.dma_semaphore, #tpu.memory_space<semaphore_mem>>) src(%dma_wait3A_129 : memref<128xi32, #tpu.memory_space<hbm>>) dst(%arg8 : memref<128xi32, #tpu.memory_space<vmem>>)
        tpu.yield
      }) : () -> ()
      "tpu.region"() ({
        %run_scoped3A = tpu.sem_alloc : memref<!tpu.dma_semaphore, #tpu.memory_space<semaphore_mem>>
        %dma_start3A_126 = tpu.memref_slice %arg5[%mul3A_119] : memref<163840xi32, #tpu.memory_space<hbm>> -> memref<128xi32, #tpu.memory_space<hbm>>
        %dma_start3A_127 = tpu.memref_slice %arg5[%mul3A_119] : memref<163840xi32, #tpu.memory_space<hbm>> -> memref<128xi32, #tpu.memory_space<hbm>>
        tpu.enqueue_dma source(%dma_start3A_127 : memref<128xi32, #tpu.memory_space<hbm>>) target(%arg10 : memref<128xi32, #tpu.memory_space<vmem>>) target_semaphore(%run_scoped3A : memref<!tpu.dma_semaphore, #tpu.memory_space<semaphore_mem>>)
        %dma_wait3A_128 = tpu.memref_slice %arg5[%mul3A_119] : memref<163840xi32, #tpu.memory_space<hbm>> -> memref<128xi32, #tpu.memory_space<hbm>>
        %dma_wait3A_129 = tpu.memref_slice %arg5[%mul3A_119] : memref<163840xi32, #tpu.memory_space<hbm>> -> memref<128xi32, #tpu.memory_space<hbm>>
        tpu.wait_dma2 semaphore(%run_scoped3A : memref<!tpu.dma_semaphore, #tpu.memory_space<semaphore_mem>>) src(%dma_wait3A_129 : memref<128xi32, #tpu.memory_space<hbm>>) dst(%arg10 : memref<128xi32, #tpu.memory_space<vmem>>)
        tpu.yield
      }) : () -> ()
      %dma_start3A_120 = arith.constant 0 : i32
      %dma_start3A_121 = arith.constant 0 : i32
      %dma_start3A_122 = tpu.memref_slice %arg2[%dma_start3A_120, %dma_start3A_121] : memref<10000x128xf32, #tpu.memory_space<hbm>> -> memref<10000x128xf32, #tpu.memory_space<hbm>>
      tpu.enqueue_indirect_dma source(%dma_start3A_122 : memref<10000x128xf32, #tpu.memory_space<hbm>>) target(%arg12 : memref<128x128xf32, #tpu.memory_space<vmem>>) offsets(%arg8 : memref<128xi32, #tpu.memory_space<vmem>>) semaphore(%arg16 : memref<!tpu.dma_semaphore, #tpu.memory_space<semaphore_mem>>)
      %dma_start3A_123 = arith.constant 0 : i32
      %dma_start3A_124 = arith.constant 0 : i32
      %dma_start3A_125 = tpu.memref_slice %arg3[%dma_start3A_123, %dma_start3A_124] : memref<10000x128xf32, #tpu.memory_space<hbm>> -> memref<10000x128xf32, #tpu.memory_space<hbm>>
      tpu.enqueue_indirect_dma source(%dma_start3A_125 : memref<10000x128xf32, #tpu.memory_space<hbm>>) target(%arg14 : memref<128x128xf32, #tpu.memory_space<vmem>>) offsets(%arg10 : memref<128xi32, #tpu.memory_space<vmem>>) semaphore(%arg18 : memref<!tpu.dma_semaphore, #tpu.memory_space<semaphore_mem>>)
    }
    %scan3A_23 = arith.constant 19 : i32
    %add3A_24 = arith.constant 1216 : i32
    %add3A_25 = arith.addi %add3A_24, %add3A : i32
    %mul3A_26 = arith.constant 128 : i32
    %mul3A_27 = arith.muli %add3A_25, %mul3A_26 : i32
    %dma_wait3A = arith.constant 0 : i32
    %dma_wait3A_28 = arith.constant 0 : i32
    %dma_wait3A_29 = tpu.memref_slice %arg2[%dma_wait3A, %dma_wait3A_28] : memref<10000x128xf32, #tpu.memory_space<hbm>> -> memref<10000x128xf32, #tpu.memory_space<hbm>>
    tpu.wait_indirect_dma semaphore(%arg15 : memref<!tpu.dma_semaphore, #tpu.memory_space<semaphore_mem>>) src(%dma_wait3A_29 : memref<10000x128xf32, #tpu.memory_space<hbm>>) dst(%arg11 : memref<128x128xf32, #tpu.memory_space<vmem>>)
    %dma_wait3A_30 = arith.constant 0 : i32
    %dma_wait3A_31 = arith.constant 0 : i32
    %dma_wait3A_32 = tpu.memref_slice %arg3[%dma_wait3A_30, %dma_wait3A_31] : memref<10000x128xf32, #tpu.memory_space<hbm>> -> memref<10000x128xf32, #tpu.memory_space<hbm>>
    tpu.wait_indirect_dma semaphore(%arg17 : memref<!tpu.dma_semaphore, #tpu.memory_space<semaphore_mem>>) src(%dma_wait3A_32 : memref<10000x128xf32, #tpu.memory_space<hbm>>) dst(%arg13 : memref<128x128xf32, #tpu.memory_space<vmem>>)
    %scan3A_33 = arith.constant 0 : i32
    %scan3A_34 = arith.constant 128 : i32
    %scan3A_35 = arith.addi %scan3A_33, %scan3A_34 : i32
    %scan3A_36 = arith.constant 1 : i32
    scf.for %scan3A_53 = %scan3A_33 to %scan3A_35 step %scan3A_36  : i32 {
      %mul3A_54 = arith.constant 1 : i32
      %mul3A_55 = arith.muli %scan3A_53, %mul3A_54 : i32
      %add3A_56 = arith.constant 0 : i32
      %add3A_57 = arith.addi %add3A_56, %mul3A_55 : i32
      %get3A = arith.index_cast %add3A_57 : i32 to index
      %get3A_58 = arith.constant 0 : index
      %get3A_59 = tpu.vector_load %arg11[%get3A, %get3A_58] {strides = array<i32>} : memref<128x128xf32, #tpu.memory_space<vmem>>, vector<1x16xf32>,
      %get3A_60 = vector.shape_cast %get3A_59 : vector<1x16xf32> to vector<1x16xf32>
      %get3A_61 = arith.index_cast %add3A_57 : i32 to index
      %get3A_62 = arith.constant 0 : index
      %get3A_63 = tpu.vector_load %arg13[%get3A_61, %get3A_62] {strides = array<i32>} : memref<128x128xf32, #tpu.memory_space<vmem>>, vector<1x16xf32>,
      %get3A_64 = vector.shape_cast %get3A_63 : vector<1x16xf32> to vector<1x16xf32>
      %add3A_65 = arith.addf %get3A_60, %get3A_64 : vector<1x16xf32>
      %swap3A = arith.index_cast %add3A_57 : i32 to index
      %swap3A_66 = arith.constant 0 : index
      %swap3A_67 = tpu.vector_load %arg11[%swap3A, %swap3A_66] {strides = array<i32>} : memref<128x128xf32, #tpu.memory_space<vmem>>, vector<1x16xf32>,
      %swap3A_68 = vector.shape_cast %swap3A_67 : vector<1x16xf32> to vector<1x16xf32>
      %swap3A_69 = vector.shape_cast %add3A_65 : vector<1x16xf32> to vector<1x16xf32>
      tpu.vector_store %arg11[%swap3A, %swap3A_66], %swap3A_69 {strides = array<i32>} : memref<128x128xf32, #tpu.memory_space<vmem>>, vector<1x16xf32>,
      %get3A_70 = arith.index_cast %add3A_57 : i32 to index
      %get3A_71 = arith.constant 16 : index
      %get3A_72 = tpu.vector_load %arg11[%get3A_70, %get3A_71] {strides = array<i32>} : memref<128x128xf32, #tpu.memory_space<vmem>>, vector<1x16xf32>,
      %get3A_73 = vector.shape_cast %get3A_72 : vector<1x16xf32> to vector<1x16xf32>
      %get3A_74 = arith.index_cast %add3A_57 : i32 to index
      %get3A_75 = arith.constant 16 : index
      %get3A_76 = tpu.vector_load %arg13[%get3A_74, %get3A_75] {strides = array<i32>} : memref<128x128xf32, #tpu.memory_space<vmem>>, vector<1x16xf32>,
      %get3A_77 = vector.shape_cast %get3A_76 : vector<1x16xf32> to vector<1x16xf32>
      %add3A_78 = arith.addf %get3A_73, %get3A_77 : vector<1x16xf32>
      %swap3A_79 = arith.index_cast %add3A_57 : i32 to index
      %swap3A_80 = arith.constant 16 : index
      %swap3A_81 = tpu.vector_load %arg11[%swap3A_79, %swap3A_80] {strides = array<i32>} : memref<128x128xf32, #tpu.memory_space<vmem>>, vector<1x16xf32>,
      %swap3A_82 = vector.shape_cast %swap3A_81 : vector<1x16xf32> to vector<1x16xf32>
      %swap3A_83 = vector.shape_cast %add3A_78 : vector<1x16xf32> to vector<1x16xf32>
      tpu.vector_store %arg11[%swap3A_79, %swap3A_80], %swap3A_83 {strides = array<i32>} : memref<128x128xf32, #tpu.memory_space<vmem>>, vector<1x16xf32>,
      %get3A_84 = arith.index_cast %add3A_57 : i32 to index
      %get3A_85 = arith.constant 32 : index
      %get3A_86 = tpu.vector_load %arg11[%get3A_84, %get3A_85] {strides = array<i32>} : memref<128x128xf32, #tpu.memory_space<vmem>>, vector<1x16xf32>,
      %get3A_87 = vector.shape_cast %get3A_86 : vector<1x16xf32> to vector<1x16xf32>
      %get3A_88 = arith.index_cast %add3A_57 : i32 to index
      %get3A_89 = arith.constant 32 : index
      %get3A_90 = tpu.vector_load %arg13[%get3A_88, %get3A_89] {strides = array<i32>} : memref<128x128xf32, #tpu.memory_space<vmem>>, vector<1x16xf32>,
      %get3A_91 = vector.shape_cast %get3A_90 : vector<1x16xf32> to vector<1x16xf32>
      %add3A_92 = arith.addf %get3A_87, %get3A_91 : vector<1x16xf32>
      %swap3A_93 = arith.index_cast %add3A_57 : i32 to index
      %swap3A_94 = arith.constant 32 : index
      %swap3A_95 = tpu.vector_load %arg11[%swap3A_93, %swap3A_94] {strides = array<i32>} : memref<128x128xf32, #tpu.memory_space<vmem>>, vector<1x16xf32>,
      %swap3A_96 = vector.shape_cast %swap3A_95 : vector<1x16xf32> to vector<1x16xf32>
      %swap3A_97 = vector.shape_cast %add3A_92 : vector<1x16xf32> to vector<1x16xf32>
      tpu.vector_store %arg11[%swap3A_93, %swap3A_94], %swap3A_97 {strides = array<i32>} : memref<128x128xf32, #tpu.memory_space<vmem>>, vector<1x16xf32>,
      %get3A_98 = arith.index_cast %add3A_57 : i32 to index
      %get3A_99 = arith.constant 48 : index
      %get3A_100 = tpu.vector_load %arg11[%get3A_98, %get3A_99] {strides = array<i32>} : memref<128x128xf32, #tpu.memory_space<vmem>>, vector<1x16xf32>,
      %get3A_101 = vector.shape_cast %get3A_100 : vector<1x16xf32> to vector<1x16xf32>
      %get3A_102 = arith.index_cast %add3A_57 : i32 to index
      %get3A_103 = arith.constant 48 : index
      %get3A_104 = tpu.vector_load %arg13[%get3A_102, %get3A_103] {strides = array<i32>} : memref<128x128xf32, #tpu.memory_space<vmem>>, vector<1x16xf32>,
      %get3A_105 = vector.shape_cast %get3A_104 : vector<1x16xf32> to vector<1x16xf32>
      %add3A_106 = arith.addf %get3A_101, %get3A_105 : vector<1x16xf32>
      %swap3A_107 = arith.index_cast %add3A_57 : i32 to index
      %swap3A_108 = arith.constant 48 : index
      %swap3A_109 = tpu.vector_load %arg11[%swap3A_107, %swap3A_108] {strides = array<i32>} : memref<128x128xf32, #tpu.memory_space<vmem>>, vector<1x16xf32>,
      %swap3A_110 = vector.shape_cast %swap3A_109 : vector<1x16xf32> to vector<1x16xf32>
      %swap3A_111 = vector.shape_cast %add3A_106 : vector<1x16xf32> to vector<1x16xf32>
      tpu.vector_store %arg11[%swap3A_107, %swap3A_108], %swap3A_111 {strides = array<i32>} : memref<128x128xf32, #tpu.memory_space<vmem>>, vector<1x16xf32>,
      %get3A_112 = arith.index_cast %add3A_57 : i32 to index
      %get3A_113 = arith.constant 64 : index
      %get3A_114 = tpu.vector_load %arg13[%get3A_112, %get3A_113] {strides = array<i32>} : memref<128x128xf32, #tpu.memory_space<vmem>>, vector<1x16xf32>,
      %get3A_115 = vector.shape_cast %get3A_114 : vector<1x16xf32> to vector<1x16xf32>
      %get3A_116 = arith.index_cast %add3A_57 : i32 to index
      %get3A_117 = arith.constant 64 : index
      %get3A_118 = tpu.vector_load %arg11[%get3A_116, %get3A_117] {strides = array<i32>} : memref<128x128xf32, #tpu.memory_space<vmem>>, vector<1x16xf32>,
      %get3A_119 = vector.shape_cast %get3A_118 : vector<1x16xf32> to vector<1x16xf32>
      %sub3A = arith.subf %get3A_115, %get3A_119 : vector<1x16xf32>
      %swap3A_120 = arith.index_cast %add3A_57 : i32 to index
      %swap3A_121 = arith.constant 64 : index
      %swap3A_122 = tpu.vector_load %arg11[%swap3A_120, %swap3A_121] {strides = array<i32>} : memref<128x128xf32, #tpu.memory_space<vmem>>, vector<1x16xf32>,
      %swap3A_123 = vector.shape_cast %swap3A_122 : vector<1x16xf32> to vector<1x16xf32>
      %swap3A_124 = vector.shape_cast %sub3A : vector<1x16xf32> to vector<1x16xf32>
      tpu.vector_store %arg11[%swap3A_120, %swap3A_121], %swap3A_124 {strides = array<i32>} : memref<128x128xf32, #tpu.memory_space<vmem>>, vector<1x16xf32>,
    }
    %scan3A_37 = arith.constant 128 : i32
    "tpu.region"() ({
      %run_scoped3A = tpu.sem_alloc : memref<!tpu.dma_semaphore, #tpu.memory_space<semaphore_mem>>
      %dma_start3A_53 = arith.constant 0 : i32
      %dma_start3A_54 = tpu.memref_slice %arg6[%mul3A_27, %dma_start3A_53] : memref<163840x128xf32, #tpu.memory_space<hbm>> -> memref<128x128xf32, #tpu.memory_space<hbm>>
      %dma_start3A_55 = arith.constant 0 : i32
      %dma_start3A_56 = tpu.memref_slice %arg6[%mul3A_27, %dma_start3A_55] : memref<163840x128xf32, #tpu.memory_space<hbm>> -> memref<128x128xf32, #tpu.memory_space<hbm>>
      tpu.enqueue_dma source(%arg11 : memref<128x128xf32, #tpu.memory_space<vmem>>) target(%dma_start3A_56 : memref<128x128xf32, #tpu.memory_space<hbm>>) target_semaphore(%run_scoped3A : memref<!tpu.dma_semaphore, #tpu.memory_space<semaphore_mem>>)
      %dma_wait3A_57 = arith.constant 0 : i32
      %dma_wait3A_58 = tpu.memref_slice %arg6[%mul3A_27, %dma_wait3A_57] : memref<163840x128xf32, #tpu.memory_space<hbm>> -> memref<128x128xf32, #tpu.memory_space<hbm>>
      %dma_wait3A_59 = arith.constant 0 : i32
      %dma_wait3A_60 = tpu.memref_slice %arg6[%mul3A_27, %dma_wait3A_59] : memref<163840x128xf32, #tpu.memory_space<hbm>> -> memref<128x128xf32, #tpu.memory_space<hbm>>
      tpu.wait_dma2 semaphore(%run_scoped3A : memref<!tpu.dma_semaphore, #tpu.memory_space<semaphore_mem>>) src(%arg11 : memref<128x128xf32, #tpu.memory_space<vmem>>) dst(%dma_wait3A_60 : memref<128x128xf32, #tpu.memory_space<hbm>>)
      tpu.yield
    }) : () -> ()
    %add3A_38 = arith.constant 1248 : i32
    %add3A_39 = arith.addi %add3A_38, %add3A : i32
    %mul3A_40 = arith.constant 128 : i32
    %mul3A_41 = arith.muli %add3A_39, %mul3A_40 : i32
    %dma_wait3A_42 = arith.constant 0 : i32
    %dma_wait3A_43 = arith.constant 0 : i32
    %dma_wait3A_44 = tpu.memref_slice %arg2[%dma_wait3A_42, %dma_wait3A_43] : memref<10000x128xf32, #tpu.memory_space<hbm>> -> memref<10000x128xf32, #tpu.memory_space<hbm>>
    tpu.wait_indirect_dma semaphore(%arg16 : memref<!tpu.dma_semaphore, #tpu.memory_space<semaphore_mem>>) src(%dma_wait3A_44 : memref<10000x128xf32, #tpu.memory_space<hbm>>) dst(%arg12 : memref<128x128xf32, #tpu.memory_space<vmem>>)
    %dma_wait3A_45 = arith.constant 0 : i32
    %dma_wait3A_46 = arith.constant 0 : i32
    %dma_wait3A_47 = tpu.memref_slice %arg3[%dma_wait3A_45, %dma_wait3A_46] : memref<10000x128xf32, #tpu.memory_space<hbm>> -> memref<10000x128xf32, #tpu.memory_space<hbm>>
    tpu.wait_indirect_dma semaphore(%arg18 : memref<!tpu.dma_semaphore, #tpu.memory_space<semaphore_mem>>) src(%dma_wait3A_47 : memref<10000x128xf32, #tpu.memory_space<hbm>>) dst(%arg14 : memref<128x128xf32, #tpu.memory_space<vmem>>)
    %scan3A_48 = arith.constant 0 : i32
    %scan3A_49 = arith.constant 128 : i32
    %scan3A_50 = arith.addi %scan3A_48, %scan3A_49 : i32
    %scan3A_51 = arith.constant 1 : i32
    scf.for %scan3A_53 = %scan3A_48 to %scan3A_50 step %scan3A_51  : i32 {
      %mul3A_54 = arith.constant 1 : i32
      %mul3A_55 = arith.muli %scan3A_53, %mul3A_54 : i32
      %add3A_56 = arith.constant 0 : i32
      %add3A_57 = arith.addi %add3A_56, %mul3A_55 : i32
      %get3A = arith.index_cast %add3A_57 : i32 to index
      %get3A_58 = arith.constant 0 : index
      %get3A_59 = tpu.vector_load %arg12[%get3A, %get3A_58] {strides = array<i32>} : memref<128x128xf32, #tpu.memory_space<vmem>>, vector<1x16xf32>,
      %get3A_60 = vector.shape_cast %get3A_59 : vector<1x16xf32> to vector<1x16xf32>
      %get3A_61 = arith.index_cast %add3A_57 : i32 to index
      %get3A_62 = arith.constant 0 : index
      %get3A_63 = tpu.vector_load %arg14[%get3A_61, %get3A_62] {strides = array<i32>} : memref<128x128xf32, #tpu.memory_space<vmem>>, vector<1x16xf32>,
      %get3A_64 = vector.shape_cast %get3A_63 : vector<1x16xf32> to vector<1x16xf32>
      %add3A_65 = arith.addf %get3A_60, %get3A_64 : vector<1x16xf32>
      %swap3A = arith.index_cast %add3A_57 : i32 to index
      %swap3A_66 = arith.constant 0 : index
      %swap3A_67 = tpu.vector_load %arg12[%swap3A, %swap3A_66] {strides = array<i32>} : memref<128x128xf32, #tpu.memory_space<vmem>>, vector<1x16xf32>,
      %swap3A_68 = vector.shape_cast %swap3A_67 : vector<1x16xf32> to vector<1x16xf32>
      %swap3A_69 = vector.shape_cast %add3A_65 : vector<1x16xf32> to vector<1x16xf32>
      tpu.vector_store %arg12[%swap3A, %swap3A_66], %swap3A_69 {strides = array<i32>} : memref<128x128xf32, #tpu.memory_space<vmem>>, vector<1x16xf32>,
      %get3A_70 = arith.index_cast %add3A_57 : i32 to index
      %get3A_71 = arith.constant 16 : index
      %get3A_72 = tpu.vector_load %arg12[%get3A_70, %get3A_71] {strides = array<i32>} : memref<128x128xf32, #tpu.memory_space<vmem>>, vector<1x16xf32>,
      %get3A_73 = vector.shape_cast %get3A_72 : vector<1x16xf32> to vector<1x16xf32>
      %get3A_74 = arith.index_cast %add3A_57 : i32 to index
      %get3A_75 = arith.constant 16 : index
      %get3A_76 = tpu.vector_load %arg14[%get3A_74, %get3A_75] {strides = array<i32>} : memref<128x128xf32, #tpu.memory_space<vmem>>, vector<1x16xf32>,
      %get3A_77 = vector.shape_cast %get3A_76 : vector<1x16xf32> to vector<1x16xf32>
      %add3A_78 = arith.addf %get3A_73, %get3A_77 : vector<1x16xf32>
      %swap3A_79 = arith.index_cast %add3A_57 : i32 to index
      %swap3A_80 = arith.constant 16 : index
      %swap3A_81 = tpu.vector_load %arg12[%swap3A_79, %swap3A_80] {strides = array<i32>} : memref<128x128xf32, #tpu.memory_space<vmem>>, vector<1x16xf32>,
      %swap3A_82 = vector.shape_cast %swap3A_81 : vector<1x16xf32> to vector<1x16xf32>
      %swap3A_83 = vector.shape_cast %add3A_78 : vector<1x16xf32> to vector<1x16xf32>
      tpu.vector_store %arg12[%swap3A_79, %swap3A_80], %swap3A_83 {strides = array<i32>} : memref<128x128xf32, #tpu.memory_space<vmem>>, vector<1x16xf32>,
      %get3A_84 = arith.index_cast %add3A_57 : i32 to index
      %get3A_85 = arith.constant 32 : index
      %get3A_86 = tpu.vector_load %arg12[%get3A_84, %get3A_85] {strides = array<i32>} : memref<128x128xf32, #tpu.memory_space<vmem>>, vector<1x16xf32>,
      %get3A_87 = vector.shape_cast %get3A_86 : vector<1x16xf32> to vector<1x16xf32>
      %get3A_88 = arith.index_cast %add3A_57 : i32 to index
      %get3A_89 = arith.constant 32 : index
      %get3A_90 = tpu.vector_load %arg14[%get3A_88, %get3A_89] {strides = array<i32>} : memref<128x128xf32, #tpu.memory_space<vmem>>, vector<1x16xf32>,
      %get3A_91 = vector.shape_cast %get3A_90 : vector<1x16xf32> to vector<1x16xf32>
      %add3A_92 = arith.addf %get3A_87, %get3A_91 : vector<1x16xf32>
      %swap3A_93 = arith.index_cast %add3A_57 : i32 to index
      %swap3A_94 = arith.constant 32 : index
      %swap3A_95 = tpu.vector_load %arg12[%swap3A_93, %swap3A_94] {strides = array<i32>} : memref<128x128xf32, #tpu.memory_space<vmem>>, vector<1x16xf32>,
      %swap3A_96 = vector.shape_cast %swap3A_95 : vector<1x16xf32> to vector<1x16xf32>
      %swap3A_97 = vector.shape_cast %add3A_92 : vector<1x16xf32> to vector<1x16xf32>
      tpu.vector_store %arg12[%swap3A_93, %swap3A_94], %swap3A_97 {strides = array<i32>} : memref<128x128xf32, #tpu.memory_space<vmem>>, vector<1x16xf32>,
      %get3A_98 = arith.index_cast %add3A_57 : i32 to index
      %get3A_99 = arith.constant 48 : index
      %get3A_100 = tpu.vector_load %arg12[%get3A_98, %get3A_99] {strides = array<i32>} : memref<128x128xf32, #tpu.memory_space<vmem>>, vector<1x16xf32>,
      %get3A_101 = vector.shape_cast %get3A_100 : vector<1x16xf32> to vector<1x16xf32>
      %get3A_102 = arith.index_cast %add3A_57 : i32 to index
      %get3A_103 = arith.constant 48 : index
      %get3A_104 = tpu.vector_load %arg14[%get3A_102, %get3A_103] {strides = array<i32>} : memref<128x128xf32, #tpu.memory_space<vmem>>, vector<1x16xf32>,
      %get3A_105 = vector.shape_cast %get3A_104 : vector<1x16xf32> to vector<1x16xf32>
      %add3A_106 = arith.addf %get3A_101, %get3A_105 : vector<1x16xf32>
      %swap3A_107 = arith.index_cast %add3A_57 : i32 to index
      %swap3A_108 = arith.constant 48 : index
      %swap3A_109 = tpu.vector_load %arg12[%swap3A_107, %swap3A_108] {strides = array<i32>} : memref<128x128xf32, #tpu.memory_space<vmem>>, vector<1x16xf32>,
      %swap3A_110 = vector.shape_cast %swap3A_109 : vector<1x16xf32> to vector<1x16xf32>
      %swap3A_111 = vector.shape_cast %add3A_106 : vector<1x16xf32> to vector<1x16xf32>
      tpu.vector_store %arg12[%swap3A_107, %swap3A_108], %swap3A_111 {strides = array<i32>} : memref<128x128xf32, #tpu.memory_space<vmem>>, vector<1x16xf32>,
      %get3A_112 = arith.index_cast %add3A_57 : i32 to index
      %get3A_113 = arith.constant 64 : index
      %get3A_114 = tpu.vector_load %arg14[%get3A_112, %get3A_113] {strides = array<i32>} : memref<128x128xf32, #tpu.memory_space<vmem>>, vector<1x16xf32>,
      %get3A_115 = vector.shape_cast %get3A_114 : vector<1x16xf32> to vector<1x16xf32>
      %get3A_116 = arith.index_cast %add3A_57 : i32 to index
      %get3A_117 = arith.constant 64 : index
      %get3A_118 = tpu.vector_load %arg12[%get3A_116, %get3A_117] {strides = array<i32>} : memref<128x128xf32, #tpu.memory_space<vmem>>, vector<1x16xf32>,
      %get3A_119 = vector.shape_cast %get3A_118 : vector<1x16xf32> to vector<1x16xf32>
      %sub3A = arith.subf %get3A_115, %get3A_119 : vector<1x16xf32>
      %swap3A_120 = arith.index_cast %add3A_57 : i32 to index
      %swap3A_121 = arith.constant 64 : index
      %swap3A_122 = tpu.vector_load %arg12[%swap3A_120, %swap3A_121] {strides = array<i32>} : memref<128x128xf32, #tpu.memory_space<vmem>>, vector<1x16xf32>,
      %swap3A_123 = vector.shape_cast %swap3A_122 : vector<1x16xf32> to vector<1x16xf32>
      %swap3A_124 = vector.shape_cast %sub3A : vector<1x16xf32> to vector<1x16xf32>
      tpu.vector_store %arg12[%swap3A_120, %swap3A_121], %swap3A_124 {strides = array<i32>} : memref<128x128xf32, #tpu.memory_space<vmem>>, vector<1x16xf32>,
    }
    %scan3A_52 = arith.constant 128 : i32
    "tpu.region"() ({
      %run_scoped3A = tpu.sem_alloc : memref<!tpu.dma_semaphore, #tpu.memory_space<semaphore_mem>>
      %dma_start3A_53 = arith.constant 0 : i32
      %dma_start3A_54 = tpu.memref_slice %arg6[%mul3A_41, %dma_start3A_53] : memref<163840x128xf32, #tpu.memory_space<hbm>> -> memref<128x128xf32, #tpu.memory_space<hbm>>
      %dma_start3A_55 = arith.constant 0 : i32
      %dma_start3A_56 = tpu.memref_slice %arg6[%mul3A_41, %dma_start3A_55] : memref<163840x128xf32, #tpu.memory_space<hbm>> -> memref<128x128xf32, #tpu.memory_space<hbm>>
      tpu.enqueue_dma source(%arg12 : memref<128x128xf32, #tpu.memory_space<vmem>>) target(%dma_start3A_56 : memref<128x128xf32, #tpu.memory_space<hbm>>) target_semaphore(%run_scoped3A : memref<!tpu.dma_semaphore, #tpu.memory_space<semaphore_mem>>)
      %dma_wait3A_57 = arith.constant 0 : i32
      %dma_wait3A_58 = tpu.memref_slice %arg6[%mul3A_41, %dma_wait3A_57] : memref<163840x128xf32, #tpu.memory_space<hbm>> -> memref<128x128xf32, #tpu.memory_space<hbm>>
      %dma_wait3A_59 = arith.constant 0 : i32
      %dma_wait3A_60 = tpu.memref_slice %arg6[%mul3A_41, %dma_wait3A_59] : memref<163840x128xf32, #tpu.memory_space<hbm>> -> memref<128x128xf32, #tpu.memory_space<hbm>>
      tpu.wait_dma2 semaphore(%run_scoped3A : memref<!tpu.dma_semaphore, #tpu.memory_space<semaphore_mem>>) src(%arg12 : memref<128x128xf32, #tpu.memory_space<vmem>>) dst(%dma_wait3A_60 : memref<128x128xf32, #tpu.memory_space<hbm>>)
      tpu.yield
    }) : () -> ()
    return
  }
}

#map = affine_map<(d0, d1) -> (0, 0)>
module attributes {stable_mosaic.version = 14 : i64} {
  func.func @kern(%arg0: i32, %arg1: i32, %arg2: memref<10000x128xf32, #tpu.memory_space<hbm>>, %arg3: memref<8x128xf32, #tpu.memory_space<hbm>>, %arg4: memref<8x128xf32, #tpu.memory_space<vmem>>) attributes {dimension_semantics = [#tpu.dimension_semantics<core_parallel>, #tpu.dimension_semantics<subcore_parallel>], iteration_bounds = array<i64: 2, 16>, scalar_prefetch = 0 : i64, scratch_operands = 1 : i64, tpu.core_type = #tpu.core_type<sc_vector_subcore>, window_params = [{transform_indices = #map}, {transform_indices = #map}]} {
    %eq3A = arith.constant 0 : i32
    %eq3A_0 = arith.cmpi eq, %arg1, %eq3A : i32
    %eq3A_1 = arith.constant 0 : i32
    %eq3A_2 = arith.cmpi eq, %arg0, %eq3A_1 : i32
    %and3A = arith.andi %eq3A_0, %eq3A_2 : i1
    %convert_element_type3A = arith.extui %and3A : i1 to i32
    %cond3A = arith.constant 0 : i32
    %cond3A_3 = arith.cmpi ne, %convert_element_type3A, %cond3A : i32
    scf.if %cond3A_3 {
      "tpu.region"() ({
        %run_scoped3A = tpu.sem_alloc : memref<!tpu.dma_semaphore, #tpu.memory_space<semaphore_mem>>
        %dma_start3A = arith.constant 0 : i32
        %dma_start3A_4 = arith.constant 0 : i32
        %dma_start3A_5 = tpu.memref_slice %arg2[%dma_start3A, %dma_start3A_4] : memref<10000x128xf32, #tpu.memory_space<hbm>> -> memref<8x128xf32, #tpu.memory_space<hbm>>
        %dma_start3A_6 = arith.constant 0 : i32
        %dma_start3A_7 = arith.constant 0 : i32
        %dma_start3A_8 = tpu.memref_slice %arg2[%dma_start3A_6, %dma_start3A_7] : memref<10000x128xf32, #tpu.memory_space<hbm>> -> memref<8x128xf32, #tpu.memory_space<hbm>>
        tpu.enqueue_dma source(%dma_start3A_8 : memref<8x128xf32, #tpu.memory_space<hbm>>) target(%arg4 : memref<8x128xf32, #tpu.memory_space<vmem>>) target_semaphore(%run_scoped3A : memref<!tpu.dma_semaphore, #tpu.memory_space<semaphore_mem>>)
        %dma_wait3A = arith.constant 0 : i32
        %dma_wait3A_9 = arith.constant 0 : i32
        %dma_wait3A_10 = tpu.memref_slice %arg2[%dma_wait3A, %dma_wait3A_9] : memref<10000x128xf32, #tpu.memory_space<hbm>> -> memref<8x128xf32, #tpu.memory_space<hbm>>
        %dma_wait3A_11 = arith.constant 0 : i32
        %dma_wait3A_12 = arith.constant 0 : i32
        %dma_wait3A_13 = tpu.memref_slice %arg2[%dma_wait3A_11, %dma_wait3A_12] : memref<10000x128xf32, #tpu.memory_space<hbm>> -> memref<8x128xf32, #tpu.memory_space<hbm>>
        tpu.wait_dma2 semaphore(%run_scoped3A : memref<!tpu.dma_semaphore, #tpu.memory_space<semaphore_mem>>) src(%dma_wait3A_13 : memref<8x128xf32, #tpu.memory_space<hbm>>) dst(%arg4 : memref<8x128xf32, #tpu.memory_space<vmem>>)
        tpu.yield
      }) : () -> ()
      "tpu.region"() ({
        %run_scoped3A = tpu.sem_alloc : memref<!tpu.dma_semaphore, #tpu.memory_space<semaphore_mem>>
        tpu.enqueue_dma source(%arg4 : memref<8x128xf32, #tpu.memory_space<vmem>>) target(%arg3 : memref<8x128xf32, #tpu.memory_space<hbm>>) target_semaphore(%run_scoped3A : memref<!tpu.dma_semaphore, #tpu.memory_space<semaphore_mem>>)
        tpu.wait_dma2 semaphore(%run_scoped3A : memref<!tpu.dma_semaphore, #tpu.memory_space<semaphore_mem>>) src(%arg4 : memref<8x128xf32, #tpu.memory_space<vmem>>) dst(%arg3 : memref<8x128xf32, #tpu.memory_space<hbm>>)
        tpu.yield
      }) : () -> ()
    } else {
    }
    return
  }
}

#map = affine_map<(d0, d1) -> (0, 0)>
#map1 = affine_map<(d0, d1) -> (0)>
module attributes {stable_mosaic.version = 14 : i64} {
  func.func @kern(%arg0: i32, %arg1: i32, %arg2: memref<163840x128xf32, #tpu.memory_space<hbm>>, %arg3: memref<163840xi32, #tpu.memory_space<hbm>>, %arg4: memref<10112x128xf32, #tpu.memory_space<hbm>>, %arg5: memref<20224x128xf32, #tpu.memory_space<hbm>>, %arg6: memref<128xi32, #tpu.memory_space<vmem>>, %arg7: memref<128xi32, #tpu.memory_space<vmem>>, %arg8: memref<128x128xf32, #tpu.memory_space<vmem>>, %arg9: memref<128x128xf32, #tpu.memory_space<vmem>>, %arg10: memref<10112x128xf32, #tpu.memory_space<vmem_shared>>, %arg11: memref<!tpu.dma_semaphore, #tpu.memory_space<semaphore_mem>>, %arg12: memref<!tpu.dma_semaphore, #tpu.memory_space<semaphore_mem>>) attributes {dimension_semantics = [#tpu.dimension_semantics<core_parallel>, #tpu.dimension_semantics<subcore_parallel>], iteration_bounds = array<i64: 2, 16>, scalar_prefetch = 0 : i64, scratch_operands = 7 : i64, tpu.core_type = #tpu.core_type<sc_vector_subcore>, window_params = [{transform_indices = #map}, {transform_indices = #map1}, {transform_indices = #map}, {transform_indices = #map}]} {
    %mul3A = arith.constant 2 : i32
    %mul3A_0 = arith.muli %arg1, %mul3A : i32
    %add3A = arith.addi %mul3A_0, %arg0 : i32
    %mul3A_1 = arith.constant 632 : i32
    %mul3A_2 = arith.muli %arg1, %mul3A_1 : i32
    %mul3A_3 = arith.constant 632 : i32
    %mul3A_4 = arith.muli %arg1, %mul3A_3 : i32
    "tpu.region"() ({
      %run_scoped3A = tpu.sem_alloc : memref<!tpu.dma_semaphore, #tpu.memory_space<semaphore_mem>>
      %dma_start3A_47 = arith.constant 0 : i32
      %dma_start3A_48 = tpu.memref_slice %arg10[%mul3A_4, %dma_start3A_47] : memref<10112x128xf32, #tpu.memory_space<vmem_shared>> -> memref<632x128xf32, #tpu.memory_space<vmem_shared>>
      %dma_start3A_49 = arith.constant 0 : i32
      %dma_start3A_50 = tpu.memref_slice %arg4[%mul3A_2, %dma_start3A_49] : memref<10112x128xf32, #tpu.memory_space<hbm>> -> memref<632x128xf32, #tpu.memory_space<hbm>>
      tpu.enqueue_dma source(%dma_start3A_50 : memref<632x128xf32, #tpu.memory_space<hbm>>) target(%dma_start3A_48 : memref<632x128xf32, #tpu.memory_space<vmem_shared>>) target_semaphore(%run_scoped3A : memref<!tpu.dma_semaphore, #tpu.memory_space<semaphore_mem>>)
      %dma_wait3A_51 = arith.constant 0 : i32
      %dma_wait3A_52 = tpu.memref_slice %arg10[%mul3A_4, %dma_wait3A_51] : memref<10112x128xf32, #tpu.memory_space<vmem_shared>> -> memref<632x128xf32, #tpu.memory_space<vmem_shared>>
      %dma_wait3A_53 = arith.constant 0 : i32
      %dma_wait3A_54 = tpu.memref_slice %arg4[%mul3A_2, %dma_wait3A_53] : memref<10112x128xf32, #tpu.memory_space<hbm>> -> memref<632x128xf32, #tpu.memory_space<hbm>>
      tpu.wait_dma2 semaphore(%run_scoped3A : memref<!tpu.dma_semaphore, #tpu.memory_space<semaphore_mem>>) src(%dma_wait3A_54 : memref<632x128xf32, #tpu.memory_space<hbm>>) dst(%dma_wait3A_52 : memref<632x128xf32, #tpu.memory_space<vmem_shared>>)
      tpu.yield
    }) : () -> ()
    %barrier3A = arith.constant 0 : index
    tpu.barrier barrier_id(%barrier3A)
    %add3A_5 = arith.constant 0 : i32
    %add3A_6 = arith.addi %add3A_5, %add3A : i32
    %mul3A_7 = arith.constant 128 : i32
    %mul3A_8 = arith.muli %add3A_6, %mul3A_7 : i32
    "tpu.region"() ({
      %run_scoped3A = tpu.sem_alloc : memref<!tpu.dma_semaphore, #tpu.memory_space<semaphore_mem>>
      %dma_start3A_47 = tpu.memref_slice %arg3[%mul3A_8] : memref<163840xi32, #tpu.memory_space<hbm>> -> memref<128xi32, #tpu.memory_space<hbm>>
      %dma_start3A_48 = tpu.memref_slice %arg3[%mul3A_8] : memref<163840xi32, #tpu.memory_space<hbm>> -> memref<128xi32, #tpu.memory_space<hbm>>
      tpu.enqueue_dma source(%dma_start3A_48 : memref<128xi32, #tpu.memory_space<hbm>>) target(%arg6 : memref<128xi32, #tpu.memory_space<vmem>>) target_semaphore(%run_scoped3A : memref<!tpu.dma_semaphore, #tpu.memory_space<semaphore_mem>>)
      %dma_wait3A_49 = tpu.memref_slice %arg3[%mul3A_8] : memref<163840xi32, #tpu.memory_space<hbm>> -> memref<128xi32, #tpu.memory_space<hbm>>
      %dma_wait3A_50 = tpu.memref_slice %arg3[%mul3A_8] : memref<163840xi32, #tpu.memory_space<hbm>> -> memref<128xi32, #tpu.memory_space<hbm>>
      tpu.wait_dma2 semaphore(%run_scoped3A : memref<!tpu.dma_semaphore, #tpu.memory_space<semaphore_mem>>) src(%dma_wait3A_50 : memref<128xi32, #tpu.memory_space<hbm>>) dst(%arg6 : memref<128xi32, #tpu.memory_space<vmem>>)
      tpu.yield
    }) : () -> ()
    %dma_start3A = arith.constant 0 : i32
    %dma_start3A_9 = tpu.memref_slice %arg2[%mul3A_8, %dma_start3A] : memref<163840x128xf32, #tpu.memory_space<hbm>> -> memref<128x128xf32, #tpu.memory_space<hbm>>
    %dma_start3A_10 = arith.constant 0 : i32
    %dma_start3A_11 = tpu.memref_slice %arg2[%mul3A_8, %dma_start3A_10] : memref<163840x128xf32, #tpu.memory_space<hbm>> -> memref<128x128xf32, #tpu.memory_space<hbm>>
    tpu.enqueue_dma source(%dma_start3A_11 : memref<128x128xf32, #tpu.memory_space<hbm>>) target(%arg8 : memref<128x128xf32, #tpu.memory_space<vmem>>) target_semaphore(%arg11 : memref<!tpu.dma_semaphore, #tpu.memory_space<semaphore_mem>>)
    %add3A_12 = arith.constant 32 : i32
    %add3A_13 = arith.addi %add3A_12, %add3A : i32
    %mul3A_14 = arith.constant 128 : i32
    %mul3A_15 = arith.muli %add3A_13, %mul3A_14 : i32
    "tpu.region"() ({
      %run_scoped3A = tpu.sem_alloc : memref<!tpu.dma_semaphore, #tpu.memory_space<semaphore_mem>>
      %dma_start3A_47 = tpu.memref_slice %arg3[%mul3A_15] : memref<163840xi32, #tpu.memory_space<hbm>> -> memref<128xi32, #tpu.memory_space<hbm>>
      %dma_start3A_48 = tpu.memref_slice %arg3[%mul3A_15] : memref<163840xi32, #tpu.memory_space<hbm>> -> memref<128xi32, #tpu.memory_space<hbm>>
      tpu.enqueue_dma source(%dma_start3A_48 : memref<128xi32, #tpu.memory_space<hbm>>) target(%arg7 : memref<128xi32, #tpu.memory_space<vmem>>) target_semaphore(%run_scoped3A : memref<!tpu.dma_semaphore, #tpu.memory_space<semaphore_mem>>)
      %dma_wait3A_49 = tpu.memref_slice %arg3[%mul3A_15] : memref<163840xi32, #tpu.memory_space<hbm>> -> memref<128xi32, #tpu.memory_space<hbm>>
      %dma_wait3A_50 = tpu.memref_slice %arg3[%mul3A_15] : memref<163840xi32, #tpu.memory_space<hbm>> -> memref<128xi32, #tpu.memory_space<hbm>>
      tpu.wait_dma2 semaphore(%run_scoped3A : memref<!tpu.dma_semaphore, #tpu.memory_space<semaphore_mem>>) src(%dma_wait3A_50 : memref<128xi32, #tpu.memory_space<hbm>>) dst(%arg7 : memref<128xi32, #tpu.memory_space<vmem>>)
      tpu.yield
    }) : () -> ()
    %dma_start3A_16 = arith.constant 0 : i32
    %dma_start3A_17 = tpu.memref_slice %arg2[%mul3A_15, %dma_start3A_16] : memref<163840x128xf32, #tpu.memory_space<hbm>> -> memref<128x128xf32, #tpu.memory_space<hbm>>
    %dma_start3A_18 = arith.constant 0 : i32
    %dma_start3A_19 = tpu.memref_slice %arg2[%mul3A_15, %dma_start3A_18] : memref<163840x128xf32, #tpu.memory_space<hbm>> -> memref<128x128xf32, #tpu.memory_space<hbm>>
    tpu.enqueue_dma source(%dma_start3A_19 : memref<128x128xf32, #tpu.memory_space<hbm>>) target(%arg9 : memref<128x128xf32, #tpu.memory_space<vmem>>) target_semaphore(%arg12 : memref<!tpu.dma_semaphore, #tpu.memory_space<semaphore_mem>>)
    %scan3A = arith.constant 0 : i32
    %scan3A_20 = arith.constant 19 : i32
    %scan3A_21 = arith.addi %scan3A, %scan3A_20 : i32
    %scan3A_22 = arith.constant 1 : i32
    scf.for %scan3A_47 = %scan3A to %scan3A_21 step %scan3A_22  : i32 {
      %mul3A_48 = arith.constant 1 : i32
      %mul3A_49 = arith.muli %scan3A_47, %mul3A_48 : i32
      %add3A_50 = arith.constant 0 : i32
      %add3A_51 = arith.addi %add3A_50, %mul3A_49 : i32
      %mul3A_52 = arith.constant 2 : i32
      %mul3A_53 = arith.muli %mul3A_52, %add3A_51 : i32
      %mul3A_54 = arith.constant 32 : i32
      %mul3A_55 = arith.muli %mul3A_53, %mul3A_54 : i32
      %add3A_56 = arith.addi %mul3A_55, %add3A : i32
      %mul3A_57 = arith.constant 128 : i32
      %mul3A_58 = arith.muli %add3A_56, %mul3A_57 : i32
      %dma_wait3A_59 = arith.constant 0 : i32
      %dma_wait3A_60 = tpu.memref_slice %arg2[%mul3A_58, %dma_wait3A_59] : memref<163840x128xf32, #tpu.memory_space<hbm>> -> memref<128x128xf32, #tpu.memory_space<hbm>>
      %dma_wait3A_61 = arith.constant 0 : i32
      %dma_wait3A_62 = tpu.memref_slice %arg2[%mul3A_58, %dma_wait3A_61] : memref<163840x128xf32, #tpu.memory_space<hbm>> -> memref<128x128xf32, #tpu.memory_space<hbm>>
      tpu.wait_dma2 semaphore(%arg11 : memref<!tpu.dma_semaphore, #tpu.memory_space<semaphore_mem>>) src(%dma_wait3A_62 : memref<128x128xf32, #tpu.memory_space<hbm>>) dst(%arg8 : memref<128x128xf32, #tpu.memory_space<vmem>>)
      "tpu.region"() ({
        %run_scoped3A = tpu.sem_alloc : memref<!tpu.dma_semaphore, #tpu.memory_space<semaphore_mem>>
        %dma_start3A_102 = arith.constant 0 : i32
        %dma_start3A_103 = arith.constant 0 : i32
        %dma_start3A_104 = tpu.memref_slice %arg10[%dma_start3A_102, %dma_start3A_103] : memref<10112x128xf32, #tpu.memory_space<vmem_shared>> -> memref<10112x128xf32, #tpu.memory_space<vmem_shared>>
        tpu.enqueue_indirect_dma source(%arg8 : memref<128x128xf32, #tpu.memory_space<vmem>>) target(%dma_start3A_104 : memref<10112x128xf32, #tpu.memory_space<vmem_shared>>) offsets(%arg6 : memref<128xi32, #tpu.memory_space<vmem>>) semaphore(%run_scoped3A : memref<!tpu.dma_semaphore, #tpu.memory_space<semaphore_mem>>) {add = true}
        %dma_wait3A_105 = arith.constant 0 : i32
        %dma_wait3A_106 = arith.constant 0 : i32
        %dma_wait3A_107 = tpu.memref_slice %arg10[%dma_wait3A_105, %dma_wait3A_106] : memref<10112x128xf32, #tpu.memory_space<vmem_shared>> -> memref<10112x128xf32, #tpu.memory_space<vmem_shared>>
        tpu.wait_indirect_dma semaphore(%run_scoped3A : memref<!tpu.dma_semaphore, #tpu.memory_space<semaphore_mem>>) src(%arg8 : memref<128x128xf32, #tpu.memory_space<vmem>>) dst(%dma_wait3A_107 : memref<10112x128xf32, #tpu.memory_space<vmem_shared>>)
        tpu.yield
      }) : () -> ()
      %mul3A_63 = arith.constant 2 : i32
      %mul3A_64 = arith.muli %mul3A_63, %add3A_51 : i32
      %add3A_65 = arith.constant 2 : i32
      %add3A_66 = arith.addi %mul3A_64, %add3A_65 : i32
      %mul3A_67 = arith.constant 32 : i32
      %mul3A_68 = arith.muli %add3A_66, %mul3A_67 : i32
      %add3A_69 = arith.addi %mul3A_68, %add3A : i32
      %mul3A_70 = arith.constant 128 : i32
      %mul3A_71 = arith.muli %add3A_69, %mul3A_70 : i32
      "tpu.region"() ({
        %run_scoped3A = tpu.sem_alloc : memref<!tpu.dma_semaphore, #tpu.memory_space<semaphore_mem>>
        %dma_start3A_102 = tpu.memref_slice %arg3[%mul3A_71] : memref<163840xi32, #tpu.memory_space<hbm>> -> memref<128xi32, #tpu.memory_space<hbm>>
        %dma_start3A_103 = tpu.memref_slice %arg3[%mul3A_71] : memref<163840xi32, #tpu.memory_space<hbm>> -> memref<128xi32, #tpu.memory_space<hbm>>
        tpu.enqueue_dma source(%dma_start3A_103 : memref<128xi32, #tpu.memory_space<hbm>>) target(%arg6 : memref<128xi32, #tpu.memory_space<vmem>>) target_semaphore(%run_scoped3A : memref<!tpu.dma_semaphore, #tpu.memory_space<semaphore_mem>>)
        %dma_wait3A_104 = tpu.memref_slice %arg3[%mul3A_71] : memref<163840xi32, #tpu.memory_space<hbm>> -> memref<128xi32, #tpu.memory_space<hbm>>
        %dma_wait3A_105 = tpu.memref_slice %arg3[%mul3A_71] : memref<163840xi32, #tpu.memory_space<hbm>> -> memref<128xi32, #tpu.memory_space<hbm>>
        tpu.wait_dma2 semaphore(%run_scoped3A : memref<!tpu.dma_semaphore, #tpu.memory_space<semaphore_mem>>) src(%dma_wait3A_105 : memref<128xi32, #tpu.memory_space<hbm>>) dst(%arg6 : memref<128xi32, #tpu.memory_space<vmem>>)
        tpu.yield
      }) : () -> ()
      %dma_start3A_72 = arith.constant 0 : i32
      %dma_start3A_73 = tpu.memref_slice %arg2[%mul3A_71, %dma_start3A_72] : memref<163840x128xf32, #tpu.memory_space<hbm>> -> memref<128x128xf32, #tpu.memory_space<hbm>>
      %dma_start3A_74 = arith.constant 0 : i32
      %dma_start3A_75 = tpu.memref_slice %arg2[%mul3A_71, %dma_start3A_74] : memref<163840x128xf32, #tpu.memory_space<hbm>> -> memref<128x128xf32, #tpu.memory_space<hbm>>
      tpu.enqueue_dma source(%dma_start3A_75 : memref<128x128xf32, #tpu.memory_space<hbm>>) target(%arg8 : memref<128x128xf32, #tpu.memory_space<vmem>>) target_semaphore(%arg11 : memref<!tpu.dma_semaphore, #tpu.memory_space<semaphore_mem>>)
      %mul3A_76 = arith.constant 2 : i32
      %mul3A_77 = arith.muli %mul3A_76, %add3A_51 : i32
      %add3A_78 = arith.constant 1 : i32
      %add3A_79 = arith.addi %mul3A_77, %add3A_78 : i32
      %mul3A_80 = arith.constant 32 : i32
      %mul3A_81 = arith.muli %add3A_79, %mul3A_80 : i32
      %add3A_82 = arith.addi %mul3A_81, %add3A : i32
      %mul3A_83 = arith.constant 128 : i32
      %mul3A_84 = arith.muli %add3A_82, %mul3A_83 : i32
      %dma_wait3A_85 = arith.constant 0 : i32
      %dma_wait3A_86 = tpu.memref_slice %arg2[%mul3A_84, %dma_wait3A_85] : memref<163840x128xf32, #tpu.memory_space<hbm>> -> memref<128x128xf32, #tpu.memory_space<hbm>>
      %dma_wait3A_87 = arith.constant 0 : i32
      %dma_wait3A_88 = tpu.memref_slice %arg2[%mul3A_84, %dma_wait3A_87] : memref<163840x128xf32, #tpu.memory_space<hbm>> -> memref<128x128xf32, #tpu.memory_space<hbm>>
      tpu.wait_dma2 semaphore(%arg12 : memref<!tpu.dma_semaphore, #tpu.memory_space<semaphore_mem>>) src(%dma_wait3A_88 : memref<128x128xf32, #tpu.memory_space<hbm>>) dst(%arg9 : memref<128x128xf32, #tpu.memory_space<vmem>>)
      "tpu.region"() ({
        %run_scoped3A = tpu.sem_alloc : memref<!tpu.dma_semaphore, #tpu.memory_space<semaphore_mem>>
        %dma_start3A_102 = arith.constant 0 : i32
        %dma_start3A_103 = arith.constant 0 : i32
        %dma_start3A_104 = tpu.memref_slice %arg10[%dma_start3A_102, %dma_start3A_103] : memref<10112x128xf32, #tpu.memory_space<vmem_shared>> -> memref<10112x128xf32, #tpu.memory_space<vmem_shared>>
        tpu.enqueue_indirect_dma source(%arg9 : memref<128x128xf32, #tpu.memory_space<vmem>>) target(%dma_start3A_104 : memref<10112x128xf32, #tpu.memory_space<vmem_shared>>) offsets(%arg7 : memref<128xi32, #tpu.memory_space<vmem>>) semaphore(%run_scoped3A : memref<!tpu.dma_semaphore, #tpu.memory_space<semaphore_mem>>) {add = true}
        %dma_wait3A_105 = arith.constant 0 : i32
        %dma_wait3A_106 = arith.constant 0 : i32
        %dma_wait3A_107 = tpu.memref_slice %arg10[%dma_wait3A_105, %dma_wait3A_106] : memref<10112x128xf32, #tpu.memory_space<vmem_shared>> -> memref<10112x128xf32, #tpu.memory_space<vmem_shared>>
        tpu.wait_indirect_dma semaphore(%run_scoped3A : memref<!tpu.dma_semaphore, #tpu.memory_space<semaphore_mem>>) src(%arg9 : memref<128x128xf32, #tpu.memory_space<vmem>>) dst(%dma_wait3A_107 : memref<10112x128xf32, #tpu.memory_space<vmem_shared>>)
        tpu.yield
      }) : () -> ()
      %mul3A_89 = arith.constant 2 : i32
      %mul3A_90 = arith.muli %mul3A_89, %add3A_51 : i32
      %add3A_91 = arith.constant 3 : i32
      %add3A_92 = arith.addi %mul3A_90, %add3A_91 : i32
      %mul3A_93 = arith.constant 32 : i32
      %mul3A_94 = arith.muli %add3A_92, %mul3A_93 : i32
      %add3A_95 = arith.addi %mul3A_94, %add3A : i32
      %mul3A_96 = arith.constant 128 : i32
      %mul3A_97 = arith.muli %add3A_95, %mul3A_96 : i32
      "tpu.region"() ({
        %run_scoped3A = tpu.sem_alloc : memref<!tpu.dma_semaphore, #tpu.memory_space<semaphore_mem>>
        %dma_start3A_102 = tpu.memref_slice %arg3[%mul3A_97] : memref<163840xi32, #tpu.memory_space<hbm>> -> memref<128xi32, #tpu.memory_space<hbm>>
        %dma_start3A_103 = tpu.memref_slice %arg3[%mul3A_97] : memref<163840xi32, #tpu.memory_space<hbm>> -> memref<128xi32, #tpu.memory_space<hbm>>
        tpu.enqueue_dma source(%dma_start3A_103 : memref<128xi32, #tpu.memory_space<hbm>>) target(%arg7 : memref<128xi32, #tpu.memory_space<vmem>>) target_semaphore(%run_scoped3A : memref<!tpu.dma_semaphore, #tpu.memory_space<semaphore_mem>>)
        %dma_wait3A_104 = tpu.memref_slice %arg3[%mul3A_97] : memref<163840xi32, #tpu.memory_space<hbm>> -> memref<128xi32, #tpu.memory_space<hbm>>
        %dma_wait3A_105 = tpu.memref_slice %arg3[%mul3A_97] : memref<163840xi32, #tpu.memory_space<hbm>> -> memref<128xi32, #tpu.memory_space<hbm>>
        tpu.wait_dma2 semaphore(%run_scoped3A : memref<!tpu.dma_semaphore, #tpu.memory_space<semaphore_mem>>) src(%dma_wait3A_105 : memref<128xi32, #tpu.memory_space<hbm>>) dst(%arg7 : memref<128xi32, #tpu.memory_space<vmem>>)
        tpu.yield
      }) : () -> ()
      %dma_start3A_98 = arith.constant 0 : i32
      %dma_start3A_99 = tpu.memref_slice %arg2[%mul3A_97, %dma_start3A_98] : memref<163840x128xf32, #tpu.memory_space<hbm>> -> memref<128x128xf32, #tpu.memory_space<hbm>>
      %dma_start3A_100 = arith.constant 0 : i32
      %dma_start3A_101 = tpu.memref_slice %arg2[%mul3A_97, %dma_start3A_100] : memref<163840x128xf32, #tpu.memory_space<hbm>> -> memref<128x128xf32, #tpu.memory_space<hbm>>
      tpu.enqueue_dma source(%dma_start3A_101 : memref<128x128xf32, #tpu.memory_space<hbm>>) target(%arg9 : memref<128x128xf32, #tpu.memory_space<vmem>>) target_semaphore(%arg12 : memref<!tpu.dma_semaphore, #tpu.memory_space<semaphore_mem>>)
    }
    %scan3A_23 = arith.constant 19 : i32
    %add3A_24 = arith.constant 1216 : i32
    %add3A_25 = arith.addi %add3A_24, %add3A : i32
    %mul3A_26 = arith.constant 128 : i32
    %mul3A_27 = arith.muli %add3A_25, %mul3A_26 : i32
    %dma_wait3A = arith.constant 0 : i32
    %dma_wait3A_28 = tpu.memref_slice %arg2[%mul3A_27, %dma_wait3A] : memref<163840x128xf32, #tpu.memory_space<hbm>> -> memref<128x128xf32, #tpu.memory_space<hbm>>
    %dma_wait3A_29 = arith.constant 0 : i32
    %dma_wait3A_30 = tpu.memref_slice %arg2[%mul3A_27, %dma_wait3A_29] : memref<163840x128xf32, #tpu.memory_space<hbm>> -> memref<128x128xf32, #tpu.memory_space<hbm>>
    tpu.wait_dma2 semaphore(%arg11 : memref<!tpu.dma_semaphore, #tpu.memory_space<semaphore_mem>>) src(%dma_wait3A_30 : memref<128x128xf32, #tpu.memory_space<hbm>>) dst(%arg8 : memref<128x128xf32, #tpu.memory_space<vmem>>)
    "tpu.region"() ({
      %run_scoped3A = tpu.sem_alloc : memref<!tpu.dma_semaphore, #tpu.memory_space<semaphore_mem>>
      %dma_start3A_47 = arith.constant 0 : i32
      %dma_start3A_48 = arith.constant 0 : i32
      %dma_start3A_49 = tpu.memref_slice %arg10[%dma_start3A_47, %dma_start3A_48] : memref<10112x128xf32, #tpu.memory_space<vmem_shared>> -> memref<10112x128xf32, #tpu.memory_space<vmem_shared>>
      tpu.enqueue_indirect_dma source(%arg8 : memref<128x128xf32, #tpu.memory_space<vmem>>) target(%dma_start3A_49 : memref<10112x128xf32, #tpu.memory_space<vmem_shared>>) offsets(%arg6 : memref<128xi32, #tpu.memory_space<vmem>>) semaphore(%run_scoped3A : memref<!tpu.dma_semaphore, #tpu.memory_space<semaphore_mem>>) {add = true}
      %dma_wait3A_50 = arith.constant 0 : i32
      %dma_wait3A_51 = arith.constant 0 : i32
      %dma_wait3A_52 = tpu.memref_slice %arg10[%dma_wait3A_50, %dma_wait3A_51] : memref<10112x128xf32, #tpu.memory_space<vmem_shared>> -> memref<10112x128xf32, #tpu.memory_space<vmem_shared>>
      tpu.wait_indirect_dma semaphore(%run_scoped3A : memref<!tpu.dma_semaphore, #tpu.memory_space<semaphore_mem>>) src(%arg8 : memref<128x128xf32, #tpu.memory_space<vmem>>) dst(%dma_wait3A_52 : memref<10112x128xf32, #tpu.memory_space<vmem_shared>>)
      tpu.yield
    }) : () -> ()
    %add3A_31 = arith.constant 1248 : i32
    %add3A_32 = arith.addi %add3A_31, %add3A : i32
    %mul3A_33 = arith.constant 128 : i32
    %mul3A_34 = arith.muli %add3A_32, %mul3A_33 : i32
    %dma_wait3A_35 = arith.constant 0 : i32
    %dma_wait3A_36 = tpu.memref_slice %arg2[%mul3A_34, %dma_wait3A_35] : memref<163840x128xf32, #tpu.memory_space<hbm>> -> memref<128x128xf32, #tpu.memory_space<hbm>>
    %dma_wait3A_37 = arith.constant 0 : i32
    %dma_wait3A_38 = tpu.memref_slice %arg2[%mul3A_34, %dma_wait3A_37] : memref<163840x128xf32, #tpu.memory_space<hbm>> -> memref<128x128xf32, #tpu.memory_space<hbm>>
    tpu.wait_dma2 semaphore(%arg12 : memref<!tpu.dma_semaphore, #tpu.memory_space<semaphore_mem>>) src(%dma_wait3A_38 : memref<128x128xf32, #tpu.memory_space<hbm>>) dst(%arg9 : memref<128x128xf32, #tpu.memory_space<vmem>>)
    "tpu.region"() ({
      %run_scoped3A = tpu.sem_alloc : memref<!tpu.dma_semaphore, #tpu.memory_space<semaphore_mem>>
      %dma_start3A_47 = arith.constant 0 : i32
      %dma_start3A_48 = arith.constant 0 : i32
      %dma_start3A_49 = tpu.memref_slice %arg10[%dma_start3A_47, %dma_start3A_48] : memref<10112x128xf32, #tpu.memory_space<vmem_shared>> -> memref<10112x128xf32, #tpu.memory_space<vmem_shared>>
      tpu.enqueue_indirect_dma source(%arg9 : memref<128x128xf32, #tpu.memory_space<vmem>>) target(%dma_start3A_49 : memref<10112x128xf32, #tpu.memory_space<vmem_shared>>) offsets(%arg7 : memref<128xi32, #tpu.memory_space<vmem>>) semaphore(%run_scoped3A : memref<!tpu.dma_semaphore, #tpu.memory_space<semaphore_mem>>) {add = true}
      %dma_wait3A_50 = arith.constant 0 : i32
      %dma_wait3A_51 = arith.constant 0 : i32
      %dma_wait3A_52 = tpu.memref_slice %arg10[%dma_wait3A_50, %dma_wait3A_51] : memref<10112x128xf32, #tpu.memory_space<vmem_shared>> -> memref<10112x128xf32, #tpu.memory_space<vmem_shared>>
      tpu.wait_indirect_dma semaphore(%run_scoped3A : memref<!tpu.dma_semaphore, #tpu.memory_space<semaphore_mem>>) src(%arg9 : memref<128x128xf32, #tpu.memory_space<vmem>>) dst(%dma_wait3A_52 : memref<10112x128xf32, #tpu.memory_space<vmem_shared>>)
      tpu.yield
    }) : () -> ()
    %barrier3A_39 = arith.constant 0 : index
    tpu.barrier barrier_id(%barrier3A_39)
    %mul3A_40 = arith.constant 632 : i32
    %mul3A_41 = arith.muli %arg1, %mul3A_40 : i32
    %mul3A_42 = arith.constant 10112 : i32
    %mul3A_43 = arith.muli %arg0, %mul3A_42 : i32
    %mul3A_44 = arith.constant 632 : i32
    %mul3A_45 = arith.muli %arg1, %mul3A_44 : i32
    %add3A_46 = arith.addi %mul3A_43, %mul3A_45 : i32
    "tpu.region"() ({
      %run_scoped3A = tpu.sem_alloc : memref<!tpu.dma_semaphore, #tpu.memory_space<semaphore_mem>>
      %dma_start3A_47 = arith.constant 0 : i32
      %dma_start3A_48 = tpu.memref_slice %arg5[%add3A_46, %dma_start3A_47] : memref<20224x128xf32, #tpu.memory_space<hbm>> -> memref<632x128xf32, #tpu.memory_space<hbm>>
      %dma_start3A_49 = arith.constant 0 : i32
      %dma_start3A_50 = tpu.memref_slice %arg10[%mul3A_41, %dma_start3A_49] : memref<10112x128xf32, #tpu.memory_space<vmem_shared>> -> memref<632x128xf32, #tpu.memory_space<vmem_shared>>
      tpu.enqueue_dma source(%dma_start3A_50 : memref<632x128xf32, #tpu.memory_space<vmem_shared>>) target(%dma_start3A_48 : memref<632x128xf32, #tpu.memory_space<hbm>>) target_semaphore(%run_scoped3A : memref<!tpu.dma_semaphore, #tpu.memory_space<semaphore_mem>>)
      %dma_wait3A_51 = arith.constant 0 : i32
      %dma_wait3A_52 = tpu.memref_slice %arg5[%add3A_46, %dma_wait3A_51] : memref<20224x128xf32, #tpu.memory_space<hbm>> -> memref<632x128xf32, #tpu.memory_space<hbm>>
      %dma_wait3A_53 = arith.constant 0 : i32
      %dma_wait3A_54 = tpu.memref_slice %arg10[%mul3A_41, %dma_wait3A_53] : memref<10112x128xf32, #tpu.memory_space<vmem_shared>> -> memref<632x128xf32, #tpu.memory_space<vmem_shared>>
      tpu.wait_dma2 semaphore(%run_scoped3A : memref<!tpu.dma_semaphore, #tpu.memory_space<semaphore_mem>>) src(%dma_wait3A_54 : memref<632x128xf32, #tpu.memory_space<vmem_shared>>) dst(%dma_wait3A_52 : memref<632x128xf32, #tpu.memory_space<hbm>>)
      tpu.yield
    }) : () -> ()
    return
  }
}

#map = affine_map<(d0, d1) -> (0, 0)>
#map1 = affine_map<(d0, d1) -> (0)>
module attributes {stable_mosaic.version = 14 : i64} {
  func.func @kern(%arg0: i32, %arg1: i32, %arg2: memref<10000x128xf32, #tpu.memory_space<hbm>>, %arg3: memref<10000x128xf32, #tpu.memory_space<hbm>>, %arg4: memref<163840xi32, #tpu.memory_space<hbm>>, %arg5: memref<163840xi32, #tpu.memory_space<hbm>>, %arg6: memref<163840x128xf32, #tpu.memory_space<hbm>>, %arg7: memref<128xi32, #tpu.memory_space<vmem>>, %arg8: memref<128xi32, #tpu.memory_space<vmem>>, %arg9: memref<128xi32, #tpu.memory_space<vmem>>, %arg10: memref<128xi32, #tpu.memory_space<vmem>>, %arg11: memref<128x128xf32, #tpu.memory_space<vmem>>, %arg12: memref<128x128xf32, #tpu.memory_space<vmem>>, %arg13: memref<128x128xf32, #tpu.memory_space<vmem>>, %arg14: memref<128x128xf32, #tpu.memory_space<vmem>>, %arg15: memref<!tpu.dma_semaphore, #tpu.memory_space<semaphore_mem>>, %arg16: memref<!tpu.dma_semaphore, #tpu.memory_space<semaphore_mem>>, %arg17: memref<!tpu.dma_semaphore, #tpu.memory_space<semaphore_mem>>, %arg18: memref<!tpu.dma_semaphore, #tpu.memory_space<semaphore_mem>>) attributes {dimension_semantics = [#tpu.dimension_semantics<core_parallel>, #tpu.dimension_semantics<subcore_parallel>], iteration_bounds = array<i64: 2, 16>, scalar_prefetch = 0 : i64, scratch_operands = 12 : i64, tpu.core_type = #tpu.core_type<sc_vector_subcore>, window_params = [{transform_indices = #map}, {transform_indices = #map}, {transform_indices = #map1}, {transform_indices = #map1}, {transform_indices = #map}]} {
    %mul3A = arith.constant 2 : i32
    %mul3A_0 = arith.muli %arg1, %mul3A : i32
    %add3A = arith.addi %mul3A_0, %arg0 : i32
    %add3A_1 = arith.constant 0 : i32
    %add3A_2 = arith.addi %add3A_1, %add3A : i32
    %mul3A_3 = arith.constant 128 : i32
    %mul3A_4 = arith.muli %add3A_2, %mul3A_3 : i32
    "tpu.region"() ({
      %run_scoped3A = tpu.sem_alloc : memref<!tpu.dma_semaphore, #tpu.memory_space<semaphore_mem>>
      %dma_start3A_53 = tpu.memref_slice %arg4[%mul3A_4] : memref<163840xi32, #tpu.memory_space<hbm>> -> memref<128xi32, #tpu.memory_space<hbm>>
      %dma_start3A_54 = tpu.memref_slice %arg4[%mul3A_4] : memref<163840xi32, #tpu.memory_space<hbm>> -> memref<128xi32, #tpu.memory_space<hbm>>
      tpu.enqueue_dma source(%dma_start3A_54 : memref<128xi32, #tpu.memory_space<hbm>>) target(%arg7 : memref<128xi32, #tpu.memory_space<vmem>>) target_semaphore(%run_scoped3A : memref<!tpu.dma_semaphore, #tpu.memory_space<semaphore_mem>>)
      %dma_wait3A_55 = tpu.memref_slice %arg4[%mul3A_4] : memref<163840xi32, #tpu.memory_space<hbm>> -> memref<128xi32, #tpu.memory_space<hbm>>
      %dma_wait3A_56 = tpu.memref_slice %arg4[%mul3A_4] : memref<163840xi32, #tpu.memory_space<hbm>> -> memref<128xi32, #tpu.memory_space<hbm>>
      tpu.wait_dma2 semaphore(%run_scoped3A : memref<!tpu.dma_semaphore, #tpu.memory_space<semaphore_mem>>) src(%dma_wait3A_56 : memref<128xi32, #tpu.memory_space<hbm>>) dst(%arg7 : memref<128xi32, #tpu.memory_space<vmem>>)
      tpu.yield
    }) : () -> ()
    "tpu.region"() ({
      %run_scoped3A = tpu.sem_alloc : memref<!tpu.dma_semaphore, #tpu.memory_space<semaphore_mem>>
      %dma_start3A_53 = tpu.memref_slice %arg5[%mul3A_4] : memref<163840xi32, #tpu.memory_space<hbm>> -> memref<128xi32, #tpu.memory_space<hbm>>
      %dma_start3A_54 = tpu.memref_slice %arg5[%mul3A_4] : memref<163840xi32, #tpu.memory_space<hbm>> -> memref<128xi32, #tpu.memory_space<hbm>>
      tpu.enqueue_dma source(%dma_start3A_54 : memref<128xi32, #tpu.memory_space<hbm>>) target(%arg9 : memref<128xi32, #tpu.memory_space<vmem>>) target_semaphore(%run_scoped3A : memref<!tpu.dma_semaphore, #tpu.memory_space<semaphore_mem>>)
      %dma_wait3A_55 = tpu.memref_slice %arg5[%mul3A_4] : memref<163840xi32, #tpu.memory_space<hbm>> -> memref<128xi32, #tpu.memory_space<hbm>>
      %dma_wait3A_56 = tpu.memref_slice %arg5[%mul3A_4] : memref<163840xi32, #tpu.memory_space<hbm>> -> memref<128xi32, #tpu.memory_space<hbm>>
      tpu.wait_dma2 semaphore(%run_scoped3A : memref<!tpu.dma_semaphore, #tpu.memory_space<semaphore_mem>>) src(%dma_wait3A_56 : memref<128xi32, #tpu.memory_space<hbm>>) dst(%arg9 : memref<128xi32, #tpu.memory_space<vmem>>)
      tpu.yield
    }) : () -> ()
    %dma_start3A = arith.constant 0 : i32
    %dma_start3A_5 = arith.constant 0 : i32
    %dma_start3A_6 = tpu.memref_slice %arg2[%dma_start3A, %dma_start3A_5] : memref<10000x128xf32, #tpu.memory_space<hbm>> -> memref<10000x128xf32, #tpu.memory_space<hbm>>
    tpu.enqueue_indirect_dma source(%dma_start3A_6 : memref<10000x128xf32, #tpu.memory_space<hbm>>) target(%arg11 : memref<128x128xf32, #tpu.memory_space<vmem>>) offsets(%arg7 : memref<128xi32, #tpu.memory_space<vmem>>) semaphore(%arg15 : memref<!tpu.dma_semaphore, #tpu.memory_space<semaphore_mem>>)
    %dma_start3A_7 = arith.constant 0 : i32
    %dma_start3A_8 = arith.constant 0 : i32
    %dma_start3A_9 = tpu.memref_slice %arg3[%dma_start3A_7, %dma_start3A_8] : memref<10000x128xf32, #tpu.memory_space<hbm>> -> memref<10000x128xf32, #tpu.memory_space<hbm>>
    tpu.enqueue_indirect_dma source(%dma_start3A_9 : memref<10000x128xf32, #tpu.memory_space<hbm>>) target(%arg13 : memref<128x128xf32, #tpu.memory_space<vmem>>) offsets(%arg9 : memref<128xi32, #tpu.memory_space<vmem>>) semaphore(%arg17 : memref<!tpu.dma_semaphore, #tpu.memory_space<semaphore_mem>>)
    %add3A_10 = arith.constant 32 : i32
    %add3A_11 = arith.addi %add3A_10, %add3A : i32
    %mul3A_12 = arith.constant 128 : i32
    %mul3A_13 = arith.muli %add3A_11, %mul3A_12 : i32
    "tpu.region"() ({
      %run_scoped3A = tpu.sem_alloc : memref<!tpu.dma_semaphore, #tpu.memory_space<semaphore_mem>>
      %dma_start3A_53 = tpu.memref_slice %arg4[%mul3A_13] : memref<163840xi32, #tpu.memory_space<hbm>> -> memref<128xi32, #tpu.memory_space<hbm>>
      %dma_start3A_54 = tpu.memref_slice %arg4[%mul3A_13] : memref<163840xi32, #tpu.memory_space<hbm>> -> memref<128xi32, #tpu.memory_space<hbm>>
      tpu.enqueue_dma source(%dma_start3A_54 : memref<128xi32, #tpu.memory_space<hbm>>) target(%arg8 : memref<128xi32, #tpu.memory_space<vmem>>) target_semaphore(%run_scoped3A : memref<!tpu.dma_semaphore, #tpu.memory_space<semaphore_mem>>)
      %dma_wait3A_55 = tpu.memref_slice %arg4[%mul3A_13] : memref<163840xi32, #tpu.memory_space<hbm>> -> memref<128xi32, #tpu.memory_space<hbm>>
      %dma_wait3A_56 = tpu.memref_slice %arg4[%mul3A_13] : memref<163840xi32, #tpu.memory_space<hbm>> -> memref<128xi32, #tpu.memory_space<hbm>>
      tpu.wait_dma2 semaphore(%run_scoped3A : memref<!tpu.dma_semaphore, #tpu.memory_space<semaphore_mem>>) src(%dma_wait3A_56 : memref<128xi32, #tpu.memory_space<hbm>>) dst(%arg8 : memref<128xi32, #tpu.memory_space<vmem>>)
      tpu.yield
    }) : () -> ()
    "tpu.region"() ({
      %run_scoped3A = tpu.sem_alloc : memref<!tpu.dma_semaphore, #tpu.memory_space<semaphore_mem>>
      %dma_start3A_53 = tpu.memref_slice %arg5[%mul3A_13] : memref<163840xi32, #tpu.memory_space<hbm>> -> memref<128xi32, #tpu.memory_space<hbm>>
      %dma_start3A_54 = tpu.memref_slice %arg5[%mul3A_13] : memref<163840xi32, #tpu.memory_space<hbm>> -> memref<128xi32, #tpu.memory_space<hbm>>
      tpu.enqueue_dma source(%dma_start3A_54 : memref<128xi32, #tpu.memory_space<hbm>>) target(%arg10 : memref<128xi32, #tpu.memory_space<vmem>>) target_semaphore(%run_scoped3A : memref<!tpu.dma_semaphore, #tpu.memory_space<semaphore_mem>>)
      %dma_wait3A_55 = tpu.memref_slice %arg5[%mul3A_13] : memref<163840xi32, #tpu.memory_space<hbm>> -> memref<128xi32, #tpu.memory_space<hbm>>
      %dma_wait3A_56 = tpu.memref_slice %arg5[%mul3A_13] : memref<163840xi32, #tpu.memory_space<hbm>> -> memref<128xi32, #tpu.memory_space<hbm>>
      tpu.wait_dma2 semaphore(%run_scoped3A : memref<!tpu.dma_semaphore, #tpu.memory_space<semaphore_mem>>) src(%dma_wait3A_56 : memref<128xi32, #tpu.memory_space<hbm>>) dst(%arg10 : memref<128xi32, #tpu.memory_space<vmem>>)
      tpu.yield
    }) : () -> ()
    %dma_start3A_14 = arith.constant 0 : i32
    %dma_start3A_15 = arith.constant 0 : i32
    %dma_start3A_16 = tpu.memref_slice %arg2[%dma_start3A_14, %dma_start3A_15] : memref<10000x128xf32, #tpu.memory_space<hbm>> -> memref<10000x128xf32, #tpu.memory_space<hbm>>
    tpu.enqueue_indirect_dma source(%dma_start3A_16 : memref<10000x128xf32, #tpu.memory_space<hbm>>) target(%arg12 : memref<128x128xf32, #tpu.memory_space<vmem>>) offsets(%arg8 : memref<128xi32, #tpu.memory_space<vmem>>) semaphore(%arg16 : memref<!tpu.dma_semaphore, #tpu.memory_space<semaphore_mem>>)
    %dma_start3A_17 = arith.constant 0 : i32
    %dma_start3A_18 = arith.constant 0 : i32
    %dma_start3A_19 = tpu.memref_slice %arg3[%dma_start3A_17, %dma_start3A_18] : memref<10000x128xf32, #tpu.memory_space<hbm>> -> memref<10000x128xf32, #tpu.memory_space<hbm>>
    tpu.enqueue_indirect_dma source(%dma_start3A_19 : memref<10000x128xf32, #tpu.memory_space<hbm>>) target(%arg14 : memref<128x128xf32, #tpu.memory_space<vmem>>) offsets(%arg10 : memref<128xi32, #tpu.memory_space<vmem>>) semaphore(%arg18 : memref<!tpu.dma_semaphore, #tpu.memory_space<semaphore_mem>>)
    %scan3A = arith.constant 0 : i32
    %scan3A_20 = arith.constant 19 : i32
    %scan3A_21 = arith.addi %scan3A, %scan3A_20 : i32
    %scan3A_22 = arith.constant 1 : i32
    scf.for %scan3A_53 = %scan3A to %scan3A_21 step %scan3A_22  : i32 {
      %mul3A_54 = arith.constant 1 : i32
      %mul3A_55 = arith.muli %scan3A_53, %mul3A_54 : i32
      %add3A_56 = arith.constant 0 : i32
      %add3A_57 = arith.addi %add3A_56, %mul3A_55 : i32
      %mul3A_58 = arith.constant 2 : i32
      %mul3A_59 = arith.muli %mul3A_58, %add3A_57 : i32
      %mul3A_60 = arith.constant 32 : i32
      %mul3A_61 = arith.muli %mul3A_59, %mul3A_60 : i32
      %add3A_62 = arith.addi %mul3A_61, %add3A : i32
      %mul3A_63 = arith.constant 128 : i32
      %mul3A_64 = arith.muli %add3A_62, %mul3A_63 : i32
      %dma_wait3A_65 = arith.constant 0 : i32
      %dma_wait3A_66 = arith.constant 0 : i32
      %dma_wait3A_67 = tpu.memref_slice %arg2[%dma_wait3A_65, %dma_wait3A_66] : memref<10000x128xf32, #tpu.memory_space<hbm>> -> memref<10000x128xf32, #tpu.memory_space<hbm>>
      tpu.wait_indirect_dma semaphore(%arg15 : memref<!tpu.dma_semaphore, #tpu.memory_space<semaphore_mem>>) src(%dma_wait3A_67 : memref<10000x128xf32, #tpu.memory_space<hbm>>) dst(%arg11 : memref<128x128xf32, #tpu.memory_space<vmem>>)
      %dma_wait3A_68 = arith.constant 0 : i32
      %dma_wait3A_69 = arith.constant 0 : i32
      %dma_wait3A_70 = tpu.memref_slice %arg3[%dma_wait3A_68, %dma_wait3A_69] : memref<10000x128xf32, #tpu.memory_space<hbm>> -> memref<10000x128xf32, #tpu.memory_space<hbm>>
      tpu.wait_indirect_dma semaphore(%arg17 : memref<!tpu.dma_semaphore, #tpu.memory_space<semaphore_mem>>) src(%dma_wait3A_70 : memref<10000x128xf32, #tpu.memory_space<hbm>>) dst(%arg13 : memref<128x128xf32, #tpu.memory_space<vmem>>)
      %scan3A_71 = arith.constant 0 : i32
      %scan3A_72 = arith.constant 128 : i32
      %scan3A_73 = arith.addi %scan3A_71, %scan3A_72 : i32
      %scan3A_74 = arith.constant 1 : i32
      scf.for %scan3A_126 = %scan3A_71 to %scan3A_73 step %scan3A_74  : i32 {
        %mul3A_127 = arith.constant 1 : i32
        %mul3A_128 = arith.muli %scan3A_126, %mul3A_127 : i32
        %add3A_129 = arith.constant 0 : i32
        %add3A_130 = arith.addi %add3A_129, %mul3A_128 : i32
        %get3A = arith.index_cast %add3A_130 : i32 to index
        %get3A_131 = arith.constant 0 : index
        %get3A_132 = tpu.vector_load %arg11[%get3A, %get3A_131] {strides = array<i32>} : memref<128x128xf32, #tpu.memory_space<vmem>>, vector<1x16xf32>,
        %get3A_133 = vector.shape_cast %get3A_132 : vector<1x16xf32> to vector<1x16xf32>
        %get3A_134 = arith.index_cast %add3A_130 : i32 to index
        %get3A_135 = arith.constant 0 : index
        %get3A_136 = tpu.vector_load %arg13[%get3A_134, %get3A_135] {strides = array<i32>} : memref<128x128xf32, #tpu.memory_space<vmem>>, vector<1x16xf32>,
        %get3A_137 = vector.shape_cast %get3A_136 : vector<1x16xf32> to vector<1x16xf32>
        %add3A_138 = arith.addf %get3A_133, %get3A_137 : vector<1x16xf32>
        %swap3A = arith.index_cast %add3A_130 : i32 to index
        %swap3A_139 = arith.constant 0 : index
        %swap3A_140 = tpu.vector_load %arg11[%swap3A, %swap3A_139] {strides = array<i32>} : memref<128x128xf32, #tpu.memory_space<vmem>>, vector<1x16xf32>,
        %swap3A_141 = vector.shape_cast %swap3A_140 : vector<1x16xf32> to vector<1x16xf32>
        %swap3A_142 = vector.shape_cast %add3A_138 : vector<1x16xf32> to vector<1x16xf32>
        tpu.vector_store %arg11[%swap3A, %swap3A_139], %swap3A_142 {strides = array<i32>} : memref<128x128xf32, #tpu.memory_space<vmem>>, vector<1x16xf32>,
        %get3A_143 = arith.index_cast %add3A_130 : i32 to index
        %get3A_144 = arith.constant 16 : index
        %get3A_145 = tpu.vector_load %arg11[%get3A_143, %get3A_144] {strides = array<i32>} : memref<128x128xf32, #tpu.memory_space<vmem>>, vector<1x16xf32>,
        %get3A_146 = vector.shape_cast %get3A_145 : vector<1x16xf32> to vector<1x16xf32>
        %get3A_147 = arith.index_cast %add3A_130 : i32 to index
        %get3A_148 = arith.constant 16 : index
        %get3A_149 = tpu.vector_load %arg13[%get3A_147, %get3A_148] {strides = array<i32>} : memref<128x128xf32, #tpu.memory_space<vmem>>, vector<1x16xf32>,
        %get3A_150 = vector.shape_cast %get3A_149 : vector<1x16xf32> to vector<1x16xf32>
        %add3A_151 = arith.addf %get3A_146, %get3A_150 : vector<1x16xf32>
        %swap3A_152 = arith.index_cast %add3A_130 : i32 to index
        %swap3A_153 = arith.constant 16 : index
        %swap3A_154 = tpu.vector_load %arg11[%swap3A_152, %swap3A_153] {strides = array<i32>} : memref<128x128xf32, #tpu.memory_space<vmem>>, vector<1x16xf32>,
        %swap3A_155 = vector.shape_cast %swap3A_154 : vector<1x16xf32> to vector<1x16xf32>
        %swap3A_156 = vector.shape_cast %add3A_151 : vector<1x16xf32> to vector<1x16xf32>
        tpu.vector_store %arg11[%swap3A_152, %swap3A_153], %swap3A_156 {strides = array<i32>} : memref<128x128xf32, #tpu.memory_space<vmem>>, vector<1x16xf32>,
        %get3A_157 = arith.index_cast %add3A_130 : i32 to index
        %get3A_158 = arith.constant 32 : index
        %get3A_159 = tpu.vector_load %arg11[%get3A_157, %get3A_158] {strides = array<i32>} : memref<128x128xf32, #tpu.memory_space<vmem>>, vector<1x16xf32>,
        %get3A_160 = vector.shape_cast %get3A_159 : vector<1x16xf32> to vector<1x16xf32>
        %get3A_161 = arith.index_cast %add3A_130 : i32 to index
        %get3A_162 = arith.constant 32 : index
        %get3A_163 = tpu.vector_load %arg13[%get3A_161, %get3A_162] {strides = array<i32>} : memref<128x128xf32, #tpu.memory_space<vmem>>, vector<1x16xf32>,
        %get3A_164 = vector.shape_cast %get3A_163 : vector<1x16xf32> to vector<1x16xf32>
        %add3A_165 = arith.addf %get3A_160, %get3A_164 : vector<1x16xf32>
        %swap3A_166 = arith.index_cast %add3A_130 : i32 to index
        %swap3A_167 = arith.constant 32 : index
        %swap3A_168 = tpu.vector_load %arg11[%swap3A_166, %swap3A_167] {strides = array<i32>} : memref<128x128xf32, #tpu.memory_space<vmem>>, vector<1x16xf32>,
        %swap3A_169 = vector.shape_cast %swap3A_168 : vector<1x16xf32> to vector<1x16xf32>
        %swap3A_170 = vector.shape_cast %add3A_165 : vector<1x16xf32> to vector<1x16xf32>
        tpu.vector_store %arg11[%swap3A_166, %swap3A_167], %swap3A_170 {strides = array<i32>} : memref<128x128xf32, #tpu.memory_space<vmem>>, vector<1x16xf32>,
        %get3A_171 = arith.index_cast %add3A_130 : i32 to index
        %get3A_172 = arith.constant 48 : index
        %get3A_173 = tpu.vector_load %arg11[%get3A_171, %get3A_172] {strides = array<i32>} : memref<128x128xf32, #tpu.memory_space<vmem>>, vector<1x16xf32>,
        %get3A_174 = vector.shape_cast %get3A_173 : vector<1x16xf32> to vector<1x16xf32>
        %get3A_175 = arith.index_cast %add3A_130 : i32 to index
        %get3A_176 = arith.constant 48 : index
        %get3A_177 = tpu.vector_load %arg13[%get3A_175, %get3A_176] {strides = array<i32>} : memref<128x128xf32, #tpu.memory_space<vmem>>, vector<1x16xf32>,
        %get3A_178 = vector.shape_cast %get3A_177 : vector<1x16xf32> to vector<1x16xf32>
        %add3A_179 = arith.addf %get3A_174, %get3A_178 : vector<1x16xf32>
        %swap3A_180 = arith.index_cast %add3A_130 : i32 to index
        %swap3A_181 = arith.constant 48 : index
        %swap3A_182 = tpu.vector_load %arg11[%swap3A_180, %swap3A_181] {strides = array<i32>} : memref<128x128xf32, #tpu.memory_space<vmem>>, vector<1x16xf32>,
        %swap3A_183 = vector.shape_cast %swap3A_182 : vector<1x16xf32> to vector<1x16xf32>
        %swap3A_184 = vector.shape_cast %add3A_179 : vector<1x16xf32> to vector<1x16xf32>
        tpu.vector_store %arg11[%swap3A_180, %swap3A_181], %swap3A_184 {strides = array<i32>} : memref<128x128xf32, #tpu.memory_space<vmem>>, vector<1x16xf32>,
        %get3A_185 = arith.index_cast %add3A_130 : i32 to index
        %get3A_186 = arith.constant 64 : index
        %get3A_187 = tpu.vector_load %arg13[%get3A_185, %get3A_186] {strides = array<i32>} : memref<128x128xf32, #tpu.memory_space<vmem>>, vector<1x16xf32>,
        %get3A_188 = vector.shape_cast %get3A_187 : vector<1x16xf32> to vector<1x16xf32>
        %get3A_189 = arith.index_cast %add3A_130 : i32 to index
        %get3A_190 = arith.constant 64 : index
        %get3A_191 = tpu.vector_load %arg11[%get3A_189, %get3A_190] {strides = array<i32>} : memref<128x128xf32, #tpu.memory_space<vmem>>, vector<1x16xf32>,
        %get3A_192 = vector.shape_cast %get3A_191 : vector<1x16xf32> to vector<1x16xf32>
        %sub3A = arith.subf %get3A_188, %get3A_192 : vector<1x16xf32>
        %swap3A_193 = arith.index_cast %add3A_130 : i32 to index
        %swap3A_194 = arith.constant 64 : index
        %swap3A_195 = tpu.vector_load %arg11[%swap3A_193, %swap3A_194] {strides = array<i32>} : memref<128x128xf32, #tpu.memory_space<vmem>>, vector<1x16xf32>,
        %swap3A_196 = vector.shape_cast %swap3A_195 : vector<1x16xf32> to vector<1x16xf32>
        %swap3A_197 = vector.shape_cast %sub3A : vector<1x16xf32> to vector<1x16xf32>
        tpu.vector_store %arg11[%swap3A_193, %swap3A_194], %swap3A_197 {strides = array<i32>} : memref<128x128xf32, #tpu.memory_space<vmem>>, vector<1x16xf32>,
      }
      %scan3A_75 = arith.constant 128 : i32
      "tpu.region"() ({
        %run_scoped3A = tpu.sem_alloc : memref<!tpu.dma_semaphore, #tpu.memory_space<semaphore_mem>>
        %dma_start3A_126 = arith.constant 0 : i32
        %dma_start3A_127 = tpu.memref_slice %arg6[%mul3A_64, %dma_start3A_126] : memref<163840x128xf32, #tpu.memory_space<hbm>> -> memref<128x128xf32, #tpu.memory_space<hbm>>
        %dma_start3A_128 = arith.constant 0 : i32
        %dma_start3A_129 = tpu.memref_slice %arg6[%mul3A_64, %dma_start3A_128] : memref<163840x128xf32, #tpu.memory_space<hbm>> -> memref<128x128xf32, #tpu.memory_space<hbm>>
        tpu.enqueue_dma source(%arg11 : memref<128x128xf32, #tpu.memory_space<vmem>>) target(%dma_start3A_129 : memref<128x128xf32, #tpu.memory_space<hbm>>) target_semaphore(%run_scoped3A : memref<!tpu.dma_semaphore, #tpu.memory_space<semaphore_mem>>)
        %dma_wait3A_130 = arith.constant 0 : i32
        %dma_wait3A_131 = tpu.memref_slice %arg6[%mul3A_64, %dma_wait3A_130] : memref<163840x128xf32, #tpu.memory_space<hbm>> -> memref<128x128xf32, #tpu.memory_space<hbm>>
        %dma_wait3A_132 = arith.constant 0 : i32
        %dma_wait3A_133 = tpu.memref_slice %arg6[%mul3A_64, %dma_wait3A_132] : memref<163840x128xf32, #tpu.memory_space<hbm>> -> memref<128x128xf32, #tpu.memory_space<hbm>>
        tpu.wait_dma2 semaphore(%run_scoped3A : memref<!tpu.dma_semaphore, #tpu.memory_space<semaphore_mem>>) src(%arg11 : memref<128x128xf32, #tpu.memory_space<vmem>>) dst(%dma_wait3A_133 : memref<128x128xf32, #tpu.memory_space<hbm>>)
        tpu.yield
      }) : () -> ()
      %mul3A_76 = arith.constant 2 : i32
      %mul3A_77 = arith.muli %mul3A_76, %add3A_57 : i32
      %add3A_78 = arith.constant 2 : i32
      %add3A_79 = arith.addi %mul3A_77, %add3A_78 : i32
      %mul3A_80 = arith.constant 32 : i32
      %mul3A_81 = arith.muli %add3A_79, %mul3A_80 : i32
      %add3A_82 = arith.addi %mul3A_81, %add3A : i32
      %mul3A_83 = arith.constant 128 : i32
      %mul3A_84 = arith.muli %add3A_82, %mul3A_83 : i32
      "tpu.region"() ({
        %run_scoped3A = tpu.sem_alloc : memref<!tpu.dma_semaphore, #tpu.memory_space<semaphore_mem>>
        %dma_start3A_126 = tpu.memref_slice %arg4[%mul3A_84] : memref<163840xi32, #tpu.memory_space<hbm>> -> memref<128xi32, #tpu.memory_space<hbm>>
        %dma_start3A_127 = tpu.memref_slice %arg4[%mul3A_84] : memref<163840xi32, #tpu.memory_space<hbm>> -> memref<128xi32, #tpu.memory_space<hbm>>
        tpu.enqueue_dma source(%dma_start3A_127 : memref<128xi32, #tpu.memory_space<hbm>>) target(%arg7 : memref<128xi32, #tpu.memory_space<vmem>>) target_semaphore(%run_scoped3A : memref<!tpu.dma_semaphore, #tpu.memory_space<semaphore_mem>>)
        %dma_wait3A_128 = tpu.memref_slice %arg4[%mul3A_84] : memref<163840xi32, #tpu.memory_space<hbm>> -> memref<128xi32, #tpu.memory_space<hbm>>
        %dma_wait3A_129 = tpu.memref_slice %arg4[%mul3A_84] : memref<163840xi32, #tpu.memory_space<hbm>> -> memref<128xi32, #tpu.memory_space<hbm>>
        tpu.wait_dma2 semaphore(%run_scoped3A : memref<!tpu.dma_semaphore, #tpu.memory_space<semaphore_mem>>) src(%dma_wait3A_129 : memref<128xi32, #tpu.memory_space<hbm>>) dst(%arg7 : memref<128xi32, #tpu.memory_space<vmem>>)
        tpu.yield
      }) : () -> ()
      "tpu.region"() ({
        %run_scoped3A = tpu.sem_alloc : memref<!tpu.dma_semaphore, #tpu.memory_space<semaphore_mem>>
        %dma_start3A_126 = tpu.memref_slice %arg5[%mul3A_84] : memref<163840xi32, #tpu.memory_space<hbm>> -> memref<128xi32, #tpu.memory_space<hbm>>
        %dma_start3A_127 = tpu.memref_slice %arg5[%mul3A_84] : memref<163840xi32, #tpu.memory_space<hbm>> -> memref<128xi32, #tpu.memory_space<hbm>>
        tpu.enqueue_dma source(%dma_start3A_127 : memref<128xi32, #tpu.memory_space<hbm>>) target(%arg9 : memref<128xi32, #tpu.memory_space<vmem>>) target_semaphore(%run_scoped3A : memref<!tpu.dma_semaphore, #tpu.memory_space<semaphore_mem>>)
        %dma_wait3A_128 = tpu.memref_slice %arg5[%mul3A_84] : memref<163840xi32, #tpu.memory_space<hbm>> -> memref<128xi32, #tpu.memory_space<hbm>>
        %dma_wait3A_129 = tpu.memref_slice %arg5[%mul3A_84] : memref<163840xi32, #tpu.memory_space<hbm>> -> memref<128xi32, #tpu.memory_space<hbm>>
        tpu.wait_dma2 semaphore(%run_scoped3A : memref<!tpu.dma_semaphore, #tpu.memory_space<semaphore_mem>>) src(%dma_wait3A_129 : memref<128xi32, #tpu.memory_space<hbm>>) dst(%arg9 : memref<128xi32, #tpu.memory_space<vmem>>)
        tpu.yield
      }) : () -> ()
      %dma_start3A_85 = arith.constant 0 : i32
      %dma_start3A_86 = arith.constant 0 : i32
      %dma_start3A_87 = tpu.memref_slice %arg2[%dma_start3A_85, %dma_start3A_86] : memref<10000x128xf32, #tpu.memory_space<hbm>> -> memref<10000x128xf32, #tpu.memory_space<hbm>>
      tpu.enqueue_indirect_dma source(%dma_start3A_87 : memref<10000x128xf32, #tpu.memory_space<hbm>>) target(%arg11 : memref<128x128xf32, #tpu.memory_space<vmem>>) offsets(%arg7 : memref<128xi32, #tpu.memory_space<vmem>>) semaphore(%arg15 : memref<!tpu.dma_semaphore, #tpu.memory_space<semaphore_mem>>)
      %dma_start3A_88 = arith.constant 0 : i32
      %dma_start3A_89 = arith.constant 0 : i32
      %dma_start3A_90 = tpu.memref_slice %arg3[%dma_start3A_88, %dma_start3A_89] : memref<10000x128xf32, #tpu.memory_space<hbm>> -> memref<10000x128xf32, #tpu.memory_space<hbm>>
      tpu.enqueue_indirect_dma source(%dma_start3A_90 : memref<10000x128xf32, #tpu.memory_space<hbm>>) target(%arg13 : memref<128x128xf32, #tpu.memory_space<vmem>>) offsets(%arg9 : memref<128xi32, #tpu.memory_space<vmem>>) semaphore(%arg17 : memref<!tpu.dma_semaphore, #tpu.memory_space<semaphore_mem>>)
      %mul3A_91 = arith.constant 2 : i32
      %mul3A_92 = arith.muli %mul3A_91, %add3A_57 : i32
      %add3A_93 = arith.constant 1 : i32
      %add3A_94 = arith.addi %mul3A_92, %add3A_93 : i32
      %mul3A_95 = arith.constant 32 : i32
      %mul3A_96 = arith.muli %add3A_94, %mul3A_95 : i32
      %add3A_97 = arith.addi %mul3A_96, %add3A : i32
      %mul3A_98 = arith.constant 128 : i32
      %mul3A_99 = arith.muli %add3A_97, %mul3A_98 : i32
      %dma_wait3A_100 = arith.constant 0 : i32
      %dma_wait3A_101 = arith.constant 0 : i32
      %dma_wait3A_102 = tpu.memref_slice %arg2[%dma_wait3A_100, %dma_wait3A_101] : memref<10000x128xf32, #tpu.memory_space<hbm>> -> memref<10000x128xf32, #tpu.memory_space<hbm>>
      tpu.wait_indirect_dma semaphore(%arg16 : memref<!tpu.dma_semaphore, #tpu.memory_space<semaphore_mem>>) src(%dma_wait3A_102 : memref<10000x128xf32, #tpu.memory_space<hbm>>) dst(%arg12 : memref<128x128xf32, #tpu.memory_space<vmem>>)
      %dma_wait3A_103 = arith.constant 0 : i32
      %dma_wait3A_104 = arith.constant 0 : i32
      %dma_wait3A_105 = tpu.memref_slice %arg3[%dma_wait3A_103, %dma_wait3A_104] : memref<10000x128xf32, #tpu.memory_space<hbm>> -> memref<10000x128xf32, #tpu.memory_space<hbm>>
      tpu.wait_indirect_dma semaphore(%arg18 : memref<!tpu.dma_semaphore, #tpu.memory_space<semaphore_mem>>) src(%dma_wait3A_105 : memref<10000x128xf32, #tpu.memory_space<hbm>>) dst(%arg14 : memref<128x128xf32, #tpu.memory_space<vmem>>)
      %scan3A_106 = arith.constant 0 : i32
      %scan3A_107 = arith.constant 128 : i32
      %scan3A_108 = arith.addi %scan3A_106, %scan3A_107 : i32
      %scan3A_109 = arith.constant 1 : i32
      scf.for %scan3A_126 = %scan3A_106 to %scan3A_108 step %scan3A_109  : i32 {
        %mul3A_127 = arith.constant 1 : i32
        %mul3A_128 = arith.muli %scan3A_126, %mul3A_127 : i32
        %add3A_129 = arith.constant 0 : i32
        %add3A_130 = arith.addi %add3A_129, %mul3A_128 : i32
        %get3A = arith.index_cast %add3A_130 : i32 to index
        %get3A_131 = arith.constant 0 : index
        %get3A_132 = tpu.vector_load %arg12[%get3A, %get3A_131] {strides = array<i32>} : memref<128x128xf32, #tpu.memory_space<vmem>>, vector<1x16xf32>,
        %get3A_133 = vector.shape_cast %get3A_132 : vector<1x16xf32> to vector<1x16xf32>
        %get3A_134 = arith.index_cast %add3A_130 : i32 to index
        %get3A_135 = arith.constant 0 : index
        %get3A_136 = tpu.vector_load %arg14[%get3A_134, %get3A_135] {strides = array<i32>} : memref<128x128xf32, #tpu.memory_space<vmem>>, vector<1x16xf32>,
        %get3A_137 = vector.shape_cast %get3A_136 : vector<1x16xf32> to vector<1x16xf32>
        %add3A_138 = arith.addf %get3A_133, %get3A_137 : vector<1x16xf32>
        %swap3A = arith.index_cast %add3A_130 : i32 to index
        %swap3A_139 = arith.constant 0 : index
        %swap3A_140 = tpu.vector_load %arg12[%swap3A, %swap3A_139] {strides = array<i32>} : memref<128x128xf32, #tpu.memory_space<vmem>>, vector<1x16xf32>,
        %swap3A_141 = vector.shape_cast %swap3A_140 : vector<1x16xf32> to vector<1x16xf32>
        %swap3A_142 = vector.shape_cast %add3A_138 : vector<1x16xf32> to vector<1x16xf32>
        tpu.vector_store %arg12[%swap3A, %swap3A_139], %swap3A_142 {strides = array<i32>} : memref<128x128xf32, #tpu.memory_space<vmem>>, vector<1x16xf32>,
        %get3A_143 = arith.index_cast %add3A_130 : i32 to index
        %get3A_144 = arith.constant 16 : index
        %get3A_145 = tpu.vector_load %arg12[%get3A_143, %get3A_144] {strides = array<i32>} : memref<128x128xf32, #tpu.memory_space<vmem>>, vector<1x16xf32>,
        %get3A_146 = vector.shape_cast %get3A_145 : vector<1x16xf32> to vector<1x16xf32>
        %get3A_147 = arith.index_cast %add3A_130 : i32 to index
        %get3A_148 = arith.constant 16 : index
        %get3A_149 = tpu.vector_load %arg14[%get3A_147, %get3A_148] {strides = array<i32>} : memref<128x128xf32, #tpu.memory_space<vmem>>, vector<1x16xf32>,
        %get3A_150 = vector.shape_cast %get3A_149 : vector<1x16xf32> to vector<1x16xf32>
        %add3A_151 = arith.addf %get3A_146, %get3A_150 : vector<1x16xf32>
        %swap3A_152 = arith.index_cast %add3A_130 : i32 to index
        %swap3A_153 = arith.constant 16 : index
        %swap3A_154 = tpu.vector_load %arg12[%swap3A_152, %swap3A_153] {strides = array<i32>} : memref<128x128xf32, #tpu.memory_space<vmem>>, vector<1x16xf32>,
        %swap3A_155 = vector.shape_cast %swap3A_154 : vector<1x16xf32> to vector<1x16xf32>
        %swap3A_156 = vector.shape_cast %add3A_151 : vector<1x16xf32> to vector<1x16xf32>
        tpu.vector_store %arg12[%swap3A_152, %swap3A_153], %swap3A_156 {strides = array<i32>} : memref<128x128xf32, #tpu.memory_space<vmem>>, vector<1x16xf32>,
        %get3A_157 = arith.index_cast %add3A_130 : i32 to index
        %get3A_158 = arith.constant 32 : index
        %get3A_159 = tpu.vector_load %arg12[%get3A_157, %get3A_158] {strides = array<i32>} : memref<128x128xf32, #tpu.memory_space<vmem>>, vector<1x16xf32>,
        %get3A_160 = vector.shape_cast %get3A_159 : vector<1x16xf32> to vector<1x16xf32>
        %get3A_161 = arith.index_cast %add3A_130 : i32 to index
        %get3A_162 = arith.constant 32 : index
        %get3A_163 = tpu.vector_load %arg14[%get3A_161, %get3A_162] {strides = array<i32>} : memref<128x128xf32, #tpu.memory_space<vmem>>, vector<1x16xf32>,
        %get3A_164 = vector.shape_cast %get3A_163 : vector<1x16xf32> to vector<1x16xf32>
        %add3A_165 = arith.addf %get3A_160, %get3A_164 : vector<1x16xf32>
        %swap3A_166 = arith.index_cast %add3A_130 : i32 to index
        %swap3A_167 = arith.constant 32 : index
        %swap3A_168 = tpu.vector_load %arg12[%swap3A_166, %swap3A_167] {strides = array<i32>} : memref<128x128xf32, #tpu.memory_space<vmem>>, vector<1x16xf32>,
        %swap3A_169 = vector.shape_cast %swap3A_168 : vector<1x16xf32> to vector<1x16xf32>
        %swap3A_170 = vector.shape_cast %add3A_165 : vector<1x16xf32> to vector<1x16xf32>
        tpu.vector_store %arg12[%swap3A_166, %swap3A_167], %swap3A_170 {strides = array<i32>} : memref<128x128xf32, #tpu.memory_space<vmem>>, vector<1x16xf32>,
        %get3A_171 = arith.index_cast %add3A_130 : i32 to index
        %get3A_172 = arith.constant 48 : index
        %get3A_173 = tpu.vector_load %arg12[%get3A_171, %get3A_172] {strides = array<i32>} : memref<128x128xf32, #tpu.memory_space<vmem>>, vector<1x16xf32>,
        %get3A_174 = vector.shape_cast %get3A_173 : vector<1x16xf32> to vector<1x16xf32>
        %get3A_175 = arith.index_cast %add3A_130 : i32 to index
        %get3A_176 = arith.constant 48 : index
        %get3A_177 = tpu.vector_load %arg14[%get3A_175, %get3A_176] {strides = array<i32>} : memref<128x128xf32, #tpu.memory_space<vmem>>, vector<1x16xf32>,
        %get3A_178 = vector.shape_cast %get3A_177 : vector<1x16xf32> to vector<1x16xf32>
        %add3A_179 = arith.addf %get3A_174, %get3A_178 : vector<1x16xf32>
        %swap3A_180 = arith.index_cast %add3A_130 : i32 to index
        %swap3A_181 = arith.constant 48 : index
        %swap3A_182 = tpu.vector_load %arg12[%swap3A_180, %swap3A_181] {strides = array<i32>} : memref<128x128xf32, #tpu.memory_space<vmem>>, vector<1x16xf32>,
        %swap3A_183 = vector.shape_cast %swap3A_182 : vector<1x16xf32> to vector<1x16xf32>
        %swap3A_184 = vector.shape_cast %add3A_179 : vector<1x16xf32> to vector<1x16xf32>
        tpu.vector_store %arg12[%swap3A_180, %swap3A_181], %swap3A_184 {strides = array<i32>} : memref<128x128xf32, #tpu.memory_space<vmem>>, vector<1x16xf32>,
        %get3A_185 = arith.index_cast %add3A_130 : i32 to index
        %get3A_186 = arith.constant 64 : index
        %get3A_187 = tpu.vector_load %arg14[%get3A_185, %get3A_186] {strides = array<i32>} : memref<128x128xf32, #tpu.memory_space<vmem>>, vector<1x16xf32>,
        %get3A_188 = vector.shape_cast %get3A_187 : vector<1x16xf32> to vector<1x16xf32>
        %get3A_189 = arith.index_cast %add3A_130 : i32 to index
        %get3A_190 = arith.constant 64 : index
        %get3A_191 = tpu.vector_load %arg12[%get3A_189, %get3A_190] {strides = array<i32>} : memref<128x128xf32, #tpu.memory_space<vmem>>, vector<1x16xf32>,
        %get3A_192 = vector.shape_cast %get3A_191 : vector<1x16xf32> to vector<1x16xf32>
        %sub3A = arith.subf %get3A_188, %get3A_192 : vector<1x16xf32>
        %swap3A_193 = arith.index_cast %add3A_130 : i32 to index
        %swap3A_194 = arith.constant 64 : index
        %swap3A_195 = tpu.vector_load %arg12[%swap3A_193, %swap3A_194] {strides = array<i32>} : memref<128x128xf32, #tpu.memory_space<vmem>>, vector<1x16xf32>,
        %swap3A_196 = vector.shape_cast %swap3A_195 : vector<1x16xf32> to vector<1x16xf32>
        %swap3A_197 = vector.shape_cast %sub3A : vector<1x16xf32> to vector<1x16xf32>
        tpu.vector_store %arg12[%swap3A_193, %swap3A_194], %swap3A_197 {strides = array<i32>} : memref<128x128xf32, #tpu.memory_space<vmem>>, vector<1x16xf32>,
      }
      %scan3A_110 = arith.constant 128 : i32
      "tpu.region"() ({
        %run_scoped3A = tpu.sem_alloc : memref<!tpu.dma_semaphore, #tpu.memory_space<semaphore_mem>>
        %dma_start3A_126 = arith.constant 0 : i32
        %dma_start3A_127 = tpu.memref_slice %arg6[%mul3A_99, %dma_start3A_126] : memref<163840x128xf32, #tpu.memory_space<hbm>> -> memref<128x128xf32, #tpu.memory_space<hbm>>
        %dma_start3A_128 = arith.constant 0 : i32
        %dma_start3A_129 = tpu.memref_slice %arg6[%mul3A_99, %dma_start3A_128] : memref<163840x128xf32, #tpu.memory_space<hbm>> -> memref<128x128xf32, #tpu.memory_space<hbm>>
        tpu.enqueue_dma source(%arg12 : memref<128x128xf32, #tpu.memory_space<vmem>>) target(%dma_start3A_129 : memref<128x128xf32, #tpu.memory_space<hbm>>) target_semaphore(%run_scoped3A : memref<!tpu.dma_semaphore, #tpu.memory_space<semaphore_mem>>)
        %dma_wait3A_130 = arith.constant 0 : i32
        %dma_wait3A_131 = tpu.memref_slice %arg6[%mul3A_99, %dma_wait3A_130] : memref<163840x128xf32, #tpu.memory_space<hbm>> -> memref<128x128xf32, #tpu.memory_space<hbm>>
        %dma_wait3A_132 = arith.constant 0 : i32
        %dma_wait3A_133 = tpu.memref_slice %arg6[%mul3A_99, %dma_wait3A_132] : memref<163840x128xf32, #tpu.memory_space<hbm>> -> memref<128x128xf32, #tpu.memory_space<hbm>>
        tpu.wait_dma2 semaphore(%run_scoped3A : memref<!tpu.dma_semaphore, #tpu.memory_space<semaphore_mem>>) src(%arg12 : memref<128x128xf32, #tpu.memory_space<vmem>>) dst(%dma_wait3A_133 : memref<128x128xf32, #tpu.memory_space<hbm>>)
        tpu.yield
      }) : () -> ()
      %mul3A_111 = arith.constant 2 : i32
      %mul3A_112 = arith.muli %mul3A_111, %add3A_57 : i32
      %add3A_113 = arith.constant 3 : i32
      %add3A_114 = arith.addi %mul3A_112, %add3A_113 : i32
      %mul3A_115 = arith.constant 32 : i32
      %mul3A_116 = arith.muli %add3A_114, %mul3A_115 : i32
      %add3A_117 = arith.addi %mul3A_116, %add3A : i32
      %mul3A_118 = arith.constant 128 : i32
      %mul3A_119 = arith.muli %add3A_117, %mul3A_118 : i32
      "tpu.region"() ({
        %run_scoped3A = tpu.sem_alloc : memref<!tpu.dma_semaphore, #tpu.memory_space<semaphore_mem>>
        %dma_start3A_126 = tpu.memref_slice %arg4[%mul3A_119] : memref<163840xi32, #tpu.memory_space<hbm>> -> memref<128xi32, #tpu.memory_space<hbm>>
        %dma_start3A_127 = tpu.memref_slice %arg4[%mul3A_119] : memref<163840xi32, #tpu.memory_space<hbm>> -> memref<128xi32, #tpu.memory_space<hbm>>
        tpu.enqueue_dma source(%dma_start3A_127 : memref<128xi32, #tpu.memory_space<hbm>>) target(%arg8 : memref<128xi32, #tpu.memory_space<vmem>>) target_semaphore(%run_scoped3A : memref<!tpu.dma_semaphore, #tpu.memory_space<semaphore_mem>>)
        %dma_wait3A_128 = tpu.memref_slice %arg4[%mul3A_119] : memref<163840xi32, #tpu.memory_space<hbm>> -> memref<128xi32, #tpu.memory_space<hbm>>
        %dma_wait3A_129 = tpu.memref_slice %arg4[%mul3A_119] : memref<163840xi32, #tpu.memory_space<hbm>> -> memref<128xi32, #tpu.memory_space<hbm>>
        tpu.wait_dma2 semaphore(%run_scoped3A : memref<!tpu.dma_semaphore, #tpu.memory_space<semaphore_mem>>) src(%dma_wait3A_129 : memref<128xi32, #tpu.memory_space<hbm>>) dst(%arg8 : memref<128xi32, #tpu.memory_space<vmem>>)
        tpu.yield
      }) : () -> ()
      "tpu.region"() ({
        %run_scoped3A = tpu.sem_alloc : memref<!tpu.dma_semaphore, #tpu.memory_space<semaphore_mem>>
        %dma_start3A_126 = tpu.memref_slice %arg5[%mul3A_119] : memref<163840xi32, #tpu.memory_space<hbm>> -> memref<128xi32, #tpu.memory_space<hbm>>
        %dma_start3A_127 = tpu.memref_slice %arg5[%mul3A_119] : memref<163840xi32, #tpu.memory_space<hbm>> -> memref<128xi32, #tpu.memory_space<hbm>>
        tpu.enqueue_dma source(%dma_start3A_127 : memref<128xi32, #tpu.memory_space<hbm>>) target(%arg10 : memref<128xi32, #tpu.memory_space<vmem>>) target_semaphore(%run_scoped3A : memref<!tpu.dma_semaphore, #tpu.memory_space<semaphore_mem>>)
        %dma_wait3A_128 = tpu.memref_slice %arg5[%mul3A_119] : memref<163840xi32, #tpu.memory_space<hbm>> -> memref<128xi32, #tpu.memory_space<hbm>>
        %dma_wait3A_129 = tpu.memref_slice %arg5[%mul3A_119] : memref<163840xi32, #tpu.memory_space<hbm>> -> memref<128xi32, #tpu.memory_space<hbm>>
        tpu.wait_dma2 semaphore(%run_scoped3A : memref<!tpu.dma_semaphore, #tpu.memory_space<semaphore_mem>>) src(%dma_wait3A_129 : memref<128xi32, #tpu.memory_space<hbm>>) dst(%arg10 : memref<128xi32, #tpu.memory_space<vmem>>)
        tpu.yield
      }) : () -> ()
      %dma_start3A_120 = arith.constant 0 : i32
      %dma_start3A_121 = arith.constant 0 : i32
      %dma_start3A_122 = tpu.memref_slice %arg2[%dma_start3A_120, %dma_start3A_121] : memref<10000x128xf32, #tpu.memory_space<hbm>> -> memref<10000x128xf32, #tpu.memory_space<hbm>>
      tpu.enqueue_indirect_dma source(%dma_start3A_122 : memref<10000x128xf32, #tpu.memory_space<hbm>>) target(%arg12 : memref<128x128xf32, #tpu.memory_space<vmem>>) offsets(%arg8 : memref<128xi32, #tpu.memory_space<vmem>>) semaphore(%arg16 : memref<!tpu.dma_semaphore, #tpu.memory_space<semaphore_mem>>)
      %dma_start3A_123 = arith.constant 0 : i32
      %dma_start3A_124 = arith.constant 0 : i32
      %dma_start3A_125 = tpu.memref_slice %arg3[%dma_start3A_123, %dma_start3A_124] : memref<10000x128xf32, #tpu.memory_space<hbm>> -> memref<10000x128xf32, #tpu.memory_space<hbm>>
      tpu.enqueue_indirect_dma source(%dma_start3A_125 : memref<10000x128xf32, #tpu.memory_space<hbm>>) target(%arg14 : memref<128x128xf32, #tpu.memory_space<vmem>>) offsets(%arg10 : memref<128xi32, #tpu.memory_space<vmem>>) semaphore(%arg18 : memref<!tpu.dma_semaphore, #tpu.memory_space<semaphore_mem>>)
    }
    %scan3A_23 = arith.constant 19 : i32
    %add3A_24 = arith.constant 1216 : i32
    %add3A_25 = arith.addi %add3A_24, %add3A : i32
    %mul3A_26 = arith.constant 128 : i32
    %mul3A_27 = arith.muli %add3A_25, %mul3A_26 : i32
    %dma_wait3A = arith.constant 0 : i32
    %dma_wait3A_28 = arith.constant 0 : i32
    %dma_wait3A_29 = tpu.memref_slice %arg2[%dma_wait3A, %dma_wait3A_28] : memref<10000x128xf32, #tpu.memory_space<hbm>> -> memref<10000x128xf32, #tpu.memory_space<hbm>>
    tpu.wait_indirect_dma semaphore(%arg15 : memref<!tpu.dma_semaphore, #tpu.memory_space<semaphore_mem>>) src(%dma_wait3A_29 : memref<10000x128xf32, #tpu.memory_space<hbm>>) dst(%arg11 : memref<128x128xf32, #tpu.memory_space<vmem>>)
    %dma_wait3A_30 = arith.constant 0 : i32
    %dma_wait3A_31 = arith.constant 0 : i32
    %dma_wait3A_32 = tpu.memref_slice %arg3[%dma_wait3A_30, %dma_wait3A_31] : memref<10000x128xf32, #tpu.memory_space<hbm>> -> memref<10000x128xf32, #tpu.memory_space<hbm>>
    tpu.wait_indirect_dma semaphore(%arg17 : memref<!tpu.dma_semaphore, #tpu.memory_space<semaphore_mem>>) src(%dma_wait3A_32 : memref<10000x128xf32, #tpu.memory_space<hbm>>) dst(%arg13 : memref<128x128xf32, #tpu.memory_space<vmem>>)
    %scan3A_33 = arith.constant 0 : i32
    %scan3A_34 = arith.constant 128 : i32
    %scan3A_35 = arith.addi %scan3A_33, %scan3A_34 : i32
    %scan3A_36 = arith.constant 1 : i32
    scf.for %scan3A_53 = %scan3A_33 to %scan3A_35 step %scan3A_36  : i32 {
      %mul3A_54 = arith.constant 1 : i32
      %mul3A_55 = arith.muli %scan3A_53, %mul3A_54 : i32
      %add3A_56 = arith.constant 0 : i32
      %add3A_57 = arith.addi %add3A_56, %mul3A_55 : i32
      %get3A = arith.index_cast %add3A_57 : i32 to index
      %get3A_58 = arith.constant 0 : index
      %get3A_59 = tpu.vector_load %arg11[%get3A, %get3A_58] {strides = array<i32>} : memref<128x128xf32, #tpu.memory_space<vmem>>, vector<1x16xf32>,
      %get3A_60 = vector.shape_cast %get3A_59 : vector<1x16xf32> to vector<1x16xf32>
      %get3A_61 = arith.index_cast %add3A_57 : i32 to index
      %get3A_62 = arith.constant 0 : index
      %get3A_63 = tpu.vector_load %arg13[%get3A_61, %get3A_62] {strides = array<i32>} : memref<128x128xf32, #tpu.memory_space<vmem>>, vector<1x16xf32>,
      %get3A_64 = vector.shape_cast %get3A_63 : vector<1x16xf32> to vector<1x16xf32>
      %add3A_65 = arith.addf %get3A_60, %get3A_64 : vector<1x16xf32>
      %swap3A = arith.index_cast %add3A_57 : i32 to index
      %swap3A_66 = arith.constant 0 : index
      %swap3A_67 = tpu.vector_load %arg11[%swap3A, %swap3A_66] {strides = array<i32>} : memref<128x128xf32, #tpu.memory_space<vmem>>, vector<1x16xf32>,
      %swap3A_68 = vector.shape_cast %swap3A_67 : vector<1x16xf32> to vector<1x16xf32>
      %swap3A_69 = vector.shape_cast %add3A_65 : vector<1x16xf32> to vector<1x16xf32>
      tpu.vector_store %arg11[%swap3A, %swap3A_66], %swap3A_69 {strides = array<i32>} : memref<128x128xf32, #tpu.memory_space<vmem>>, vector<1x16xf32>,
      %get3A_70 = arith.index_cast %add3A_57 : i32 to index
      %get3A_71 = arith.constant 16 : index
      %get3A_72 = tpu.vector_load %arg11[%get3A_70, %get3A_71] {strides = array<i32>} : memref<128x128xf32, #tpu.memory_space<vmem>>, vector<1x16xf32>,
      %get3A_73 = vector.shape_cast %get3A_72 : vector<1x16xf32> to vector<1x16xf32>
      %get3A_74 = arith.index_cast %add3A_57 : i32 to index
      %get3A_75 = arith.constant 16 : index
      %get3A_76 = tpu.vector_load %arg13[%get3A_74, %get3A_75] {strides = array<i32>} : memref<128x128xf32, #tpu.memory_space<vmem>>, vector<1x16xf32>,
      %get3A_77 = vector.shape_cast %get3A_76 : vector<1x16xf32> to vector<1x16xf32>
      %add3A_78 = arith.addf %get3A_73, %get3A_77 : vector<1x16xf32>
      %swap3A_79 = arith.index_cast %add3A_57 : i32 to index
      %swap3A_80 = arith.constant 16 : index
      %swap3A_81 = tpu.vector_load %arg11[%swap3A_79, %swap3A_80] {strides = array<i32>} : memref<128x128xf32, #tpu.memory_space<vmem>>, vector<1x16xf32>,
      %swap3A_82 = vector.shape_cast %swap3A_81 : vector<1x16xf32> to vector<1x16xf32>
      %swap3A_83 = vector.shape_cast %add3A_78 : vector<1x16xf32> to vector<1x16xf32>
      tpu.vector_store %arg11[%swap3A_79, %swap3A_80], %swap3A_83 {strides = array<i32>} : memref<128x128xf32, #tpu.memory_space<vmem>>, vector<1x16xf32>,
      %get3A_84 = arith.index_cast %add3A_57 : i32 to index
      %get3A_85 = arith.constant 32 : index
      %get3A_86 = tpu.vector_load %arg11[%get3A_84, %get3A_85] {strides = array<i32>} : memref<128x128xf32, #tpu.memory_space<vmem>>, vector<1x16xf32>,
      %get3A_87 = vector.shape_cast %get3A_86 : vector<1x16xf32> to vector<1x16xf32>
      %get3A_88 = arith.index_cast %add3A_57 : i32 to index
      %get3A_89 = arith.constant 32 : index
      %get3A_90 = tpu.vector_load %arg13[%get3A_88, %get3A_89] {strides = array<i32>} : memref<128x128xf32, #tpu.memory_space<vmem>>, vector<1x16xf32>,
      %get3A_91 = vector.shape_cast %get3A_90 : vector<1x16xf32> to vector<1x16xf32>
      %add3A_92 = arith.addf %get3A_87, %get3A_91 : vector<1x16xf32>
      %swap3A_93 = arith.index_cast %add3A_57 : i32 to index
      %swap3A_94 = arith.constant 32 : index
      %swap3A_95 = tpu.vector_load %arg11[%swap3A_93, %swap3A_94] {strides = array<i32>} : memref<128x128xf32, #tpu.memory_space<vmem>>, vector<1x16xf32>,
      %swap3A_96 = vector.shape_cast %swap3A_95 : vector<1x16xf32> to vector<1x16xf32>
      %swap3A_97 = vector.shape_cast %add3A_92 : vector<1x16xf32> to vector<1x16xf32>
      tpu.vector_store %arg11[%swap3A_93, %swap3A_94], %swap3A_97 {strides = array<i32>} : memref<128x128xf32, #tpu.memory_space<vmem>>, vector<1x16xf32>,
      %get3A_98 = arith.index_cast %add3A_57 : i32 to index
      %get3A_99 = arith.constant 48 : index
      %get3A_100 = tpu.vector_load %arg11[%get3A_98, %get3A_99] {strides = array<i32>} : memref<128x128xf32, #tpu.memory_space<vmem>>, vector<1x16xf32>,
      %get3A_101 = vector.shape_cast %get3A_100 : vector<1x16xf32> to vector<1x16xf32>
      %get3A_102 = arith.index_cast %add3A_57 : i32 to index
      %get3A_103 = arith.constant 48 : index
      %get3A_104 = tpu.vector_load %arg13[%get3A_102, %get3A_103] {strides = array<i32>} : memref<128x128xf32, #tpu.memory_space<vmem>>, vector<1x16xf32>,
      %get3A_105 = vector.shape_cast %get3A_104 : vector<1x16xf32> to vector<1x16xf32>
      %add3A_106 = arith.addf %get3A_101, %get3A_105 : vector<1x16xf32>
      %swap3A_107 = arith.index_cast %add3A_57 : i32 to index
      %swap3A_108 = arith.constant 48 : index
      %swap3A_109 = tpu.vector_load %arg11[%swap3A_107, %swap3A_108] {strides = array<i32>} : memref<128x128xf32, #tpu.memory_space<vmem>>, vector<1x16xf32>,
      %swap3A_110 = vector.shape_cast %swap3A_109 : vector<1x16xf32> to vector<1x16xf32>
      %swap3A_111 = vector.shape_cast %add3A_106 : vector<1x16xf32> to vector<1x16xf32>
      tpu.vector_store %arg11[%swap3A_107, %swap3A_108], %swap3A_111 {strides = array<i32>} : memref<128x128xf32, #tpu.memory_space<vmem>>, vector<1x16xf32>,
      %get3A_112 = arith.index_cast %add3A_57 : i32 to index
      %get3A_113 = arith.constant 64 : index
      %get3A_114 = tpu.vector_load %arg13[%get3A_112, %get3A_113] {strides = array<i32>} : memref<128x128xf32, #tpu.memory_space<vmem>>, vector<1x16xf32>,
      %get3A_115 = vector.shape_cast %get3A_114 : vector<1x16xf32> to vector<1x16xf32>
      %get3A_116 = arith.index_cast %add3A_57 : i32 to index
      %get3A_117 = arith.constant 64 : index
      %get3A_118 = tpu.vector_load %arg11[%get3A_116, %get3A_117] {strides = array<i32>} : memref<128x128xf32, #tpu.memory_space<vmem>>, vector<1x16xf32>,
      %get3A_119 = vector.shape_cast %get3A_118 : vector<1x16xf32> to vector<1x16xf32>
      %sub3A = arith.subf %get3A_115, %get3A_119 : vector<1x16xf32>
      %swap3A_120 = arith.index_cast %add3A_57 : i32 to index
      %swap3A_121 = arith.constant 64 : index
      %swap3A_122 = tpu.vector_load %arg11[%swap3A_120, %swap3A_121] {strides = array<i32>} : memref<128x128xf32, #tpu.memory_space<vmem>>, vector<1x16xf32>,
      %swap3A_123 = vector.shape_cast %swap3A_122 : vector<1x16xf32> to vector<1x16xf32>
      %swap3A_124 = vector.shape_cast %sub3A : vector<1x16xf32> to vector<1x16xf32>
      tpu.vector_store %arg11[%swap3A_120, %swap3A_121], %swap3A_124 {strides = array<i32>} : memref<128x128xf32, #tpu.memory_space<vmem>>, vector<1x16xf32>,
    }
    %scan3A_37 = arith.constant 128 : i32
    "tpu.region"() ({
      %run_scoped3A = tpu.sem_alloc : memref<!tpu.dma_semaphore, #tpu.memory_space<semaphore_mem>>
      %dma_start3A_53 = arith.constant 0 : i32
      %dma_start3A_54 = tpu.memref_slice %arg6[%mul3A_27, %dma_start3A_53] : memref<163840x128xf32, #tpu.memory_space<hbm>> -> memref<128x128xf32, #tpu.memory_space<hbm>>
      %dma_start3A_55 = arith.constant 0 : i32
      %dma_start3A_56 = tpu.memref_slice %arg6[%mul3A_27, %dma_start3A_55] : memref<163840x128xf32, #tpu.memory_space<hbm>> -> memref<128x128xf32, #tpu.memory_space<hbm>>
      tpu.enqueue_dma source(%arg11 : memref<128x128xf32, #tpu.memory_space<vmem>>) target(%dma_start3A_56 : memref<128x128xf32, #tpu.memory_space<hbm>>) target_semaphore(%run_scoped3A : memref<!tpu.dma_semaphore, #tpu.memory_space<semaphore_mem>>)
      %dma_wait3A_57 = arith.constant 0 : i32
      %dma_wait3A_58 = tpu.memref_slice %arg6[%mul3A_27, %dma_wait3A_57] : memref<163840x128xf32, #tpu.memory_space<hbm>> -> memref<128x128xf32, #tpu.memory_space<hbm>>
      %dma_wait3A_59 = arith.constant 0 : i32
      %dma_wait3A_60 = tpu.memref_slice %arg6[%mul3A_27, %dma_wait3A_59] : memref<163840x128xf32, #tpu.memory_space<hbm>> -> memref<128x128xf32, #tpu.memory_space<hbm>>
      tpu.wait_dma2 semaphore(%run_scoped3A : memref<!tpu.dma_semaphore, #tpu.memory_space<semaphore_mem>>) src(%arg11 : memref<128x128xf32, #tpu.memory_space<vmem>>) dst(%dma_wait3A_60 : memref<128x128xf32, #tpu.memory_space<hbm>>)
      tpu.yield
    }) : () -> ()
    %add3A_38 = arith.constant 1248 : i32
    %add3A_39 = arith.addi %add3A_38, %add3A : i32
    %mul3A_40 = arith.constant 128 : i32
    %mul3A_41 = arith.muli %add3A_39, %mul3A_40 : i32
    %dma_wait3A_42 = arith.constant 0 : i32
    %dma_wait3A_43 = arith.constant 0 : i32
    %dma_wait3A_44 = tpu.memref_slice %arg2[%dma_wait3A_42, %dma_wait3A_43] : memref<10000x128xf32, #tpu.memory_space<hbm>> -> memref<10000x128xf32, #tpu.memory_space<hbm>>
    tpu.wait_indirect_dma semaphore(%arg16 : memref<!tpu.dma_semaphore, #tpu.memory_space<semaphore_mem>>) src(%dma_wait3A_44 : memref<10000x128xf32, #tpu.memory_space<hbm>>) dst(%arg12 : memref<128x128xf32, #tpu.memory_space<vmem>>)
    %dma_wait3A_45 = arith.constant 0 : i32
    %dma_wait3A_46 = arith.constant 0 : i32
    %dma_wait3A_47 = tpu.memref_slice %arg3[%dma_wait3A_45, %dma_wait3A_46] : memref<10000x128xf32, #tpu.memory_space<hbm>> -> memref<10000x128xf32, #tpu.memory_space<hbm>>
    tpu.wait_indirect_dma semaphore(%arg18 : memref<!tpu.dma_semaphore, #tpu.memory_space<semaphore_mem>>) src(%dma_wait3A_47 : memref<10000x128xf32, #tpu.memory_space<hbm>>) dst(%arg14 : memref<128x128xf32, #tpu.memory_space<vmem>>)
    %scan3A_48 = arith.constant 0 : i32
    %scan3A_49 = arith.constant 128 : i32
    %scan3A_50 = arith.addi %scan3A_48, %scan3A_49 : i32
    %scan3A_51 = arith.constant 1 : i32
    scf.for %scan3A_53 = %scan3A_48 to %scan3A_50 step %scan3A_51  : i32 {
      %mul3A_54 = arith.constant 1 : i32
      %mul3A_55 = arith.muli %scan3A_53, %mul3A_54 : i32
      %add3A_56 = arith.constant 0 : i32
      %add3A_57 = arith.addi %add3A_56, %mul3A_55 : i32
      %get3A = arith.index_cast %add3A_57 : i32 to index
      %get3A_58 = arith.constant 0 : index
      %get3A_59 = tpu.vector_load %arg12[%get3A, %get3A_58] {strides = array<i32>} : memref<128x128xf32, #tpu.memory_space<vmem>>, vector<1x16xf32>,
      %get3A_60 = vector.shape_cast %get3A_59 : vector<1x16xf32> to vector<1x16xf32>
      %get3A_61 = arith.index_cast %add3A_57 : i32 to index
      %get3A_62 = arith.constant 0 : index
      %get3A_63 = tpu.vector_load %arg14[%get3A_61, %get3A_62] {strides = array<i32>} : memref<128x128xf32, #tpu.memory_space<vmem>>, vector<1x16xf32>,
      %get3A_64 = vector.shape_cast %get3A_63 : vector<1x16xf32> to vector<1x16xf32>
      %add3A_65 = arith.addf %get3A_60, %get3A_64 : vector<1x16xf32>
      %swap3A = arith.index_cast %add3A_57 : i32 to index
      %swap3A_66 = arith.constant 0 : index
      %swap3A_67 = tpu.vector_load %arg12[%swap3A, %swap3A_66] {strides = array<i32>} : memref<128x128xf32, #tpu.memory_space<vmem>>, vector<1x16xf32>,
      %swap3A_68 = vector.shape_cast %swap3A_67 : vector<1x16xf32> to vector<1x16xf32>
      %swap3A_69 = vector.shape_cast %add3A_65 : vector<1x16xf32> to vector<1x16xf32>
      tpu.vector_store %arg12[%swap3A, %swap3A_66], %swap3A_69 {strides = array<i32>} : memref<128x128xf32, #tpu.memory_space<vmem>>, vector<1x16xf32>,
      %get3A_70 = arith.index_cast %add3A_57 : i32 to index
      %get3A_71 = arith.constant 16 : index
      %get3A_72 = tpu.vector_load %arg12[%get3A_70, %get3A_71] {strides = array<i32>} : memref<128x128xf32, #tpu.memory_space<vmem>>, vector<1x16xf32>,
      %get3A_73 = vector.shape_cast %get3A_72 : vector<1x16xf32> to vector<1x16xf32>
      %get3A_74 = arith.index_cast %add3A_57 : i32 to index
      %get3A_75 = arith.constant 16 : index
      %get3A_76 = tpu.vector_load %arg14[%get3A_74, %get3A_75] {strides = array<i32>} : memref<128x128xf32, #tpu.memory_space<vmem>>, vector<1x16xf32>,
      %get3A_77 = vector.shape_cast %get3A_76 : vector<1x16xf32> to vector<1x16xf32>
      %add3A_78 = arith.addf %get3A_73, %get3A_77 : vector<1x16xf32>
      %swap3A_79 = arith.index_cast %add3A_57 : i32 to index
      %swap3A_80 = arith.constant 16 : index
      %swap3A_81 = tpu.vector_load %arg12[%swap3A_79, %swap3A_80] {strides = array<i32>} : memref<128x128xf32, #tpu.memory_space<vmem>>, vector<1x16xf32>,
      %swap3A_82 = vector.shape_cast %swap3A_81 : vector<1x16xf32> to vector<1x16xf32>
      %swap3A_83 = vector.shape_cast %add3A_78 : vector<1x16xf32> to vector<1x16xf32>
      tpu.vector_store %arg12[%swap3A_79, %swap3A_80], %swap3A_83 {strides = array<i32>} : memref<128x128xf32, #tpu.memory_space<vmem>>, vector<1x16xf32>,
      %get3A_84 = arith.index_cast %add3A_57 : i32 to index
      %get3A_85 = arith.constant 32 : index
      %get3A_86 = tpu.vector_load %arg12[%get3A_84, %get3A_85] {strides = array<i32>} : memref<128x128xf32, #tpu.memory_space<vmem>>, vector<1x16xf32>,
      %get3A_87 = vector.shape_cast %get3A_86 : vector<1x16xf32> to vector<1x16xf32>
      %get3A_88 = arith.index_cast %add3A_57 : i32 to index
      %get3A_89 = arith.constant 32 : index
      %get3A_90 = tpu.vector_load %arg14[%get3A_88, %get3A_89] {strides = array<i32>} : memref<128x128xf32, #tpu.memory_space<vmem>>, vector<1x16xf32>,
      %get3A_91 = vector.shape_cast %get3A_90 : vector<1x16xf32> to vector<1x16xf32>
      %add3A_92 = arith.addf %get3A_87, %get3A_91 : vector<1x16xf32>
      %swap3A_93 = arith.index_cast %add3A_57 : i32 to index
      %swap3A_94 = arith.constant 32 : index
      %swap3A_95 = tpu.vector_load %arg12[%swap3A_93, %swap3A_94] {strides = array<i32>} : memref<128x128xf32, #tpu.memory_space<vmem>>, vector<1x16xf32>,
      %swap3A_96 = vector.shape_cast %swap3A_95 : vector<1x16xf32> to vector<1x16xf32>
      %swap3A_97 = vector.shape_cast %add3A_92 : vector<1x16xf32> to vector<1x16xf32>
      tpu.vector_store %arg12[%swap3A_93, %swap3A_94], %swap3A_97 {strides = array<i32>} : memref<128x128xf32, #tpu.memory_space<vmem>>, vector<1x16xf32>,
      %get3A_98 = arith.index_cast %add3A_57 : i32 to index
      %get3A_99 = arith.constant 48 : index
      %get3A_100 = tpu.vector_load %arg12[%get3A_98, %get3A_99] {strides = array<i32>} : memref<128x128xf32, #tpu.memory_space<vmem>>, vector<1x16xf32>,
      %get3A_101 = vector.shape_cast %get3A_100 : vector<1x16xf32> to vector<1x16xf32>
      %get3A_102 = arith.index_cast %add3A_57 : i32 to index
      %get3A_103 = arith.constant 48 : index
      %get3A_104 = tpu.vector_load %arg14[%get3A_102, %get3A_103] {strides = array<i32>} : memref<128x128xf32, #tpu.memory_space<vmem>>, vector<1x16xf32>,
      %get3A_105 = vector.shape_cast %get3A_104 : vector<1x16xf32> to vector<1x16xf32>
      %add3A_106 = arith.addf %get3A_101, %get3A_105 : vector<1x16xf32>
      %swap3A_107 = arith.index_cast %add3A_57 : i32 to index
      %swap3A_108 = arith.constant 48 : index
      %swap3A_109 = tpu.vector_load %arg12[%swap3A_107, %swap3A_108] {strides = array<i32>} : memref<128x128xf32, #tpu.memory_space<vmem>>, vector<1x16xf32>,
      %swap3A_110 = vector.shape_cast %swap3A_109 : vector<1x16xf32> to vector<1x16xf32>
      %swap3A_111 = vector.shape_cast %add3A_106 : vector<1x16xf32> to vector<1x16xf32>
      tpu.vector_store %arg12[%swap3A_107, %swap3A_108], %swap3A_111 {strides = array<i32>} : memref<128x128xf32, #tpu.memory_space<vmem>>, vector<1x16xf32>,
      %get3A_112 = arith.index_cast %add3A_57 : i32 to index
      %get3A_113 = arith.constant 64 : index
      %get3A_114 = tpu.vector_load %arg14[%get3A_112, %get3A_113] {strides = array<i32>} : memref<128x128xf32, #tpu.memory_space<vmem>>, vector<1x16xf32>,
      %get3A_115 = vector.shape_cast %get3A_114 : vector<1x16xf32> to vector<1x16xf32>
      %get3A_116 = arith.index_cast %add3A_57 : i32 to index
      %get3A_117 = arith.constant 64 : index
      %get3A_118 = tpu.vector_load %arg12[%get3A_116, %get3A_117] {strides = array<i32>} : memref<128x128xf32, #tpu.memory_space<vmem>>, vector<1x16xf32>,
      %get3A_119 = vector.shape_cast %get3A_118 : vector<1x16xf32> to vector<1x16xf32>
      %sub3A = arith.subf %get3A_115, %get3A_119 : vector<1x16xf32>
      %swap3A_120 = arith.index_cast %add3A_57 : i32 to index
      %swap3A_121 = arith.constant 64 : index
      %swap3A_122 = tpu.vector_load %arg12[%swap3A_120, %swap3A_121] {strides = array<i32>} : memref<128x128xf32, #tpu.memory_space<vmem>>, vector<1x16xf32>,
      %swap3A_123 = vector.shape_cast %swap3A_122 : vector<1x16xf32> to vector<1x16xf32>
      %swap3A_124 = vector.shape_cast %sub3A : vector<1x16xf32> to vector<1x16xf32>
      tpu.vector_store %arg12[%swap3A_120, %swap3A_121], %swap3A_124 {strides = array<i32>} : memref<128x128xf32, #tpu.memory_space<vmem>>, vector<1x16xf32>,
    }
    %scan3A_52 = arith.constant 128 : i32
    "tpu.region"() ({
      %run_scoped3A = tpu.sem_alloc : memref<!tpu.dma_semaphore, #tpu.memory_space<semaphore_mem>>
      %dma_start3A_53 = arith.constant 0 : i32
      %dma_start3A_54 = tpu.memref_slice %arg6[%mul3A_41, %dma_start3A_53] : memref<163840x128xf32, #tpu.memory_space<hbm>> -> memref<128x128xf32, #tpu.memory_space<hbm>>
      %dma_start3A_55 = arith.constant 0 : i32
      %dma_start3A_56 = tpu.memref_slice %arg6[%mul3A_41, %dma_start3A_55] : memref<163840x128xf32, #tpu.memory_space<hbm>> -> memref<128x128xf32, #tpu.memory_space<hbm>>
      tpu.enqueue_dma source(%arg12 : memref<128x128xf32, #tpu.memory_space<vmem>>) target(%dma_start3A_56 : memref<128x128xf32, #tpu.memory_space<hbm>>) target_semaphore(%run_scoped3A : memref<!tpu.dma_semaphore, #tpu.memory_space<semaphore_mem>>)
      %dma_wait3A_57 = arith.constant 0 : i32
      %dma_wait3A_58 = tpu.memref_slice %arg6[%mul3A_41, %dma_wait3A_57] : memref<163840x128xf32, #tpu.memory_space<hbm>> -> memref<128x128xf32, #tpu.memory_space<hbm>>
      %dma_wait3A_59 = arith.constant 0 : i32
      %dma_wait3A_60 = tpu.memref_slice %arg6[%mul3A_41, %dma_wait3A_59] : memref<163840x128xf32, #tpu.memory_space<hbm>> -> memref<128x128xf32, #tpu.memory_space<hbm>>
      tpu.wait_dma2 semaphore(%run_scoped3A : memref<!tpu.dma_semaphore, #tpu.memory_space<semaphore_mem>>) src(%arg12 : memref<128x128xf32, #tpu.memory_space<vmem>>) dst(%dma_wait3A_60 : memref<128x128xf32, #tpu.memory_space<hbm>>)
      tpu.yield
    }) : () -> ()
    return
  }
}

#map = affine_map<(d0, d1) -> (0, 0)>
#map1 = affine_map<(d0, d1) -> (0)>
module attributes {stable_mosaic.version = 14 : i64} {
  func.func @kern(%arg0: i32, %arg1: i32, %arg2: memref<163840x128xf32, #tpu.memory_space<hbm>>, %arg3: memref<163840xi32, #tpu.memory_space<hbm>>, %arg4: memref<10112x128xf32, #tpu.memory_space<hbm>>, %arg5: memref<20224x128xf32, #tpu.memory_space<hbm>>, %arg6: memref<128xi32, #tpu.memory_space<vmem>>, %arg7: memref<128xi32, #tpu.memory_space<vmem>>, %arg8: memref<128x128xf32, #tpu.memory_space<vmem>>, %arg9: memref<128x128xf32, #tpu.memory_space<vmem>>, %arg10: memref<10112x128xf32, #tpu.memory_space<vmem_shared>>, %arg11: memref<!tpu.dma_semaphore, #tpu.memory_space<semaphore_mem>>, %arg12: memref<!tpu.dma_semaphore, #tpu.memory_space<semaphore_mem>>) attributes {dimension_semantics = [#tpu.dimension_semantics<core_parallel>, #tpu.dimension_semantics<subcore_parallel>], iteration_bounds = array<i64: 2, 16>, scalar_prefetch = 0 : i64, scratch_operands = 7 : i64, tpu.core_type = #tpu.core_type<sc_vector_subcore>, window_params = [{transform_indices = #map}, {transform_indices = #map1}, {transform_indices = #map}, {transform_indices = #map}]} {
    %mul3A = arith.constant 2 : i32
    %mul3A_0 = arith.muli %arg1, %mul3A : i32
    %add3A = arith.addi %mul3A_0, %arg0 : i32
    %mul3A_1 = arith.constant 632 : i32
    %mul3A_2 = arith.muli %arg1, %mul3A_1 : i32
    %mul3A_3 = arith.constant 632 : i32
    %mul3A_4 = arith.muli %arg1, %mul3A_3 : i32
    "tpu.region"() ({
      %run_scoped3A = tpu.sem_alloc : memref<!tpu.dma_semaphore, #tpu.memory_space<semaphore_mem>>
      %dma_start3A_47 = arith.constant 0 : i32
      %dma_start3A_48 = tpu.memref_slice %arg10[%mul3A_4, %dma_start3A_47] : memref<10112x128xf32, #tpu.memory_space<vmem_shared>> -> memref<632x128xf32, #tpu.memory_space<vmem_shared>>
      %dma_start3A_49 = arith.constant 0 : i32
      %dma_start3A_50 = tpu.memref_slice %arg4[%mul3A_2, %dma_start3A_49] : memref<10112x128xf32, #tpu.memory_space<hbm>> -> memref<632x128xf32, #tpu.memory_space<hbm>>
      tpu.enqueue_dma source(%dma_start3A_50 : memref<632x128xf32, #tpu.memory_space<hbm>>) target(%dma_start3A_48 : memref<632x128xf32, #tpu.memory_space<vmem_shared>>) target_semaphore(%run_scoped3A : memref<!tpu.dma_semaphore, #tpu.memory_space<semaphore_mem>>)
      %dma_wait3A_51 = arith.constant 0 : i32
      %dma_wait3A_52 = tpu.memref_slice %arg10[%mul3A_4, %dma_wait3A_51] : memref<10112x128xf32, #tpu.memory_space<vmem_shared>> -> memref<632x128xf32, #tpu.memory_space<vmem_shared>>
      %dma_wait3A_53 = arith.constant 0 : i32
      %dma_wait3A_54 = tpu.memref_slice %arg4[%mul3A_2, %dma_wait3A_53] : memref<10112x128xf32, #tpu.memory_space<hbm>> -> memref<632x128xf32, #tpu.memory_space<hbm>>
      tpu.wait_dma2 semaphore(%run_scoped3A : memref<!tpu.dma_semaphore, #tpu.memory_space<semaphore_mem>>) src(%dma_wait3A_54 : memref<632x128xf32, #tpu.memory_space<hbm>>) dst(%dma_wait3A_52 : memref<632x128xf32, #tpu.memory_space<vmem_shared>>)
      tpu.yield
    }) : () -> ()
    %barrier3A = arith.constant 0 : index
    tpu.barrier barrier_id(%barrier3A)
    %add3A_5 = arith.constant 0 : i32
    %add3A_6 = arith.addi %add3A_5, %add3A : i32
    %mul3A_7 = arith.constant 128 : i32
    %mul3A_8 = arith.muli %add3A_6, %mul3A_7 : i32
    "tpu.region"() ({
      %run_scoped3A = tpu.sem_alloc : memref<!tpu.dma_semaphore, #tpu.memory_space<semaphore_mem>>
      %dma_start3A_47 = tpu.memref_slice %arg3[%mul3A_8] : memref<163840xi32, #tpu.memory_space<hbm>> -> memref<128xi32, #tpu.memory_space<hbm>>
      %dma_start3A_48 = tpu.memref_slice %arg3[%mul3A_8] : memref<163840xi32, #tpu.memory_space<hbm>> -> memref<128xi32, #tpu.memory_space<hbm>>
      tpu.enqueue_dma source(%dma_start3A_48 : memref<128xi32, #tpu.memory_space<hbm>>) target(%arg6 : memref<128xi32, #tpu.memory_space<vmem>>) target_semaphore(%run_scoped3A : memref<!tpu.dma_semaphore, #tpu.memory_space<semaphore_mem>>)
      %dma_wait3A_49 = tpu.memref_slice %arg3[%mul3A_8] : memref<163840xi32, #tpu.memory_space<hbm>> -> memref<128xi32, #tpu.memory_space<hbm>>
      %dma_wait3A_50 = tpu.memref_slice %arg3[%mul3A_8] : memref<163840xi32, #tpu.memory_space<hbm>> -> memref<128xi32, #tpu.memory_space<hbm>>
      tpu.wait_dma2 semaphore(%run_scoped3A : memref<!tpu.dma_semaphore, #tpu.memory_space<semaphore_mem>>) src(%dma_wait3A_50 : memref<128xi32, #tpu.memory_space<hbm>>) dst(%arg6 : memref<128xi32, #tpu.memory_space<vmem>>)
      tpu.yield
    }) : () -> ()
    %dma_start3A = arith.constant 0 : i32
    %dma_start3A_9 = tpu.memref_slice %arg2[%mul3A_8, %dma_start3A] : memref<163840x128xf32, #tpu.memory_space<hbm>> -> memref<128x128xf32, #tpu.memory_space<hbm>>
    %dma_start3A_10 = arith.constant 0 : i32
    %dma_start3A_11 = tpu.memref_slice %arg2[%mul3A_8, %dma_start3A_10] : memref<163840x128xf32, #tpu.memory_space<hbm>> -> memref<128x128xf32, #tpu.memory_space<hbm>>
    tpu.enqueue_dma source(%dma_start3A_11 : memref<128x128xf32, #tpu.memory_space<hbm>>) target(%arg8 : memref<128x128xf32, #tpu.memory_space<vmem>>) target_semaphore(%arg11 : memref<!tpu.dma_semaphore, #tpu.memory_space<semaphore_mem>>)
    %add3A_12 = arith.constant 32 : i32
    %add3A_13 = arith.addi %add3A_12, %add3A : i32
    %mul3A_14 = arith.constant 128 : i32
    %mul3A_15 = arith.muli %add3A_13, %mul3A_14 : i32
    "tpu.region"() ({
      %run_scoped3A = tpu.sem_alloc : memref<!tpu.dma_semaphore, #tpu.memory_space<semaphore_mem>>
      %dma_start3A_47 = tpu.memref_slice %arg3[%mul3A_15] : memref<163840xi32, #tpu.memory_space<hbm>> -> memref<128xi32, #tpu.memory_space<hbm>>
      %dma_start3A_48 = tpu.memref_slice %arg3[%mul3A_15] : memref<163840xi32, #tpu.memory_space<hbm>> -> memref<128xi32, #tpu.memory_space<hbm>>
      tpu.enqueue_dma source(%dma_start3A_48 : memref<128xi32, #tpu.memory_space<hbm>>) target(%arg7 : memref<128xi32, #tpu.memory_space<vmem>>) target_semaphore(%run_scoped3A : memref<!tpu.dma_semaphore, #tpu.memory_space<semaphore_mem>>)
      %dma_wait3A_49 = tpu.memref_slice %arg3[%mul3A_15] : memref<163840xi32, #tpu.memory_space<hbm>> -> memref<128xi32, #tpu.memory_space<hbm>>
      %dma_wait3A_50 = tpu.memref_slice %arg3[%mul3A_15] : memref<163840xi32, #tpu.memory_space<hbm>> -> memref<128xi32, #tpu.memory_space<hbm>>
      tpu.wait_dma2 semaphore(%run_scoped3A : memref<!tpu.dma_semaphore, #tpu.memory_space<semaphore_mem>>) src(%dma_wait3A_50 : memref<128xi32, #tpu.memory_space<hbm>>) dst(%arg7 : memref<128xi32, #tpu.memory_space<vmem>>)
      tpu.yield
    }) : () -> ()
    %dma_start3A_16 = arith.constant 0 : i32
    %dma_start3A_17 = tpu.memref_slice %arg2[%mul3A_15, %dma_start3A_16] : memref<163840x128xf32, #tpu.memory_space<hbm>> -> memref<128x128xf32, #tpu.memory_space<hbm>>
    %dma_start3A_18 = arith.constant 0 : i32
    %dma_start3A_19 = tpu.memref_slice %arg2[%mul3A_15, %dma_start3A_18] : memref<163840x128xf32, #tpu.memory_space<hbm>> -> memref<128x128xf32, #tpu.memory_space<hbm>>
    tpu.enqueue_dma source(%dma_start3A_19 : memref<128x128xf32, #tpu.memory_space<hbm>>) target(%arg9 : memref<128x128xf32, #tpu.memory_space<vmem>>) target_semaphore(%arg12 : memref<!tpu.dma_semaphore, #tpu.memory_space<semaphore_mem>>)
    %scan3A = arith.constant 0 : i32
    %scan3A_20 = arith.constant 19 : i32
    %scan3A_21 = arith.addi %scan3A, %scan3A_20 : i32
    %scan3A_22 = arith.constant 1 : i32
    scf.for %scan3A_47 = %scan3A to %scan3A_21 step %scan3A_22  : i32 {
      %mul3A_48 = arith.constant 1 : i32
      %mul3A_49 = arith.muli %scan3A_47, %mul3A_48 : i32
      %add3A_50 = arith.constant 0 : i32
      %add3A_51 = arith.addi %add3A_50, %mul3A_49 : i32
      %mul3A_52 = arith.constant 2 : i32
      %mul3A_53 = arith.muli %mul3A_52, %add3A_51 : i32
      %mul3A_54 = arith.constant 32 : i32
      %mul3A_55 = arith.muli %mul3A_53, %mul3A_54 : i32
      %add3A_56 = arith.addi %mul3A_55, %add3A : i32
      %mul3A_57 = arith.constant 128 : i32
      %mul3A_58 = arith.muli %add3A_56, %mul3A_57 : i32
      %dma_wait3A_59 = arith.constant 0 : i32
      %dma_wait3A_60 = tpu.memref_slice %arg2[%mul3A_58, %dma_wait3A_59] : memref<163840x128xf32, #tpu.memory_space<hbm>> -> memref<128x128xf32, #tpu.memory_space<hbm>>
      %dma_wait3A_61 = arith.constant 0 : i32
      %dma_wait3A_62 = tpu.memref_slice %arg2[%mul3A_58, %dma_wait3A_61] : memref<163840x128xf32, #tpu.memory_space<hbm>> -> memref<128x128xf32, #tpu.memory_space<hbm>>
      tpu.wait_dma2 semaphore(%arg11 : memref<!tpu.dma_semaphore, #tpu.memory_space<semaphore_mem>>) src(%dma_wait3A_62 : memref<128x128xf32, #tpu.memory_space<hbm>>) dst(%arg8 : memref<128x128xf32, #tpu.memory_space<vmem>>)
      "tpu.region"() ({
        %run_scoped3A = tpu.sem_alloc : memref<!tpu.dma_semaphore, #tpu.memory_space<semaphore_mem>>
        %dma_start3A_102 = arith.constant 0 : i32
        %dma_start3A_103 = arith.constant 0 : i32
        %dma_start3A_104 = tpu.memref_slice %arg10[%dma_start3A_102, %dma_start3A_103] : memref<10112x128xf32, #tpu.memory_space<vmem_shared>> -> memref<10112x128xf32, #tpu.memory_space<vmem_shared>>
        tpu.enqueue_indirect_dma source(%arg8 : memref<128x128xf32, #tpu.memory_space<vmem>>) target(%dma_start3A_104 : memref<10112x128xf32, #tpu.memory_space<vmem_shared>>) offsets(%arg6 : memref<128xi32, #tpu.memory_space<vmem>>) semaphore(%run_scoped3A : memref<!tpu.dma_semaphore, #tpu.memory_space<semaphore_mem>>) {add = true}
        %dma_wait3A_105 = arith.constant 0 : i32
        %dma_wait3A_106 = arith.constant 0 : i32
        %dma_wait3A_107 = tpu.memref_slice %arg10[%dma_wait3A_105, %dma_wait3A_106] : memref<10112x128xf32, #tpu.memory_space<vmem_shared>> -> memref<10112x128xf32, #tpu.memory_space<vmem_shared>>
        tpu.wait_indirect_dma semaphore(%run_scoped3A : memref<!tpu.dma_semaphore, #tpu.memory_space<semaphore_mem>>) src(%arg8 : memref<128x128xf32, #tpu.memory_space<vmem>>) dst(%dma_wait3A_107 : memref<10112x128xf32, #tpu.memory_space<vmem_shared>>)
        tpu.yield
      }) : () -> ()
      %mul3A_63 = arith.constant 2 : i32
      %mul3A_64 = arith.muli %mul3A_63, %add3A_51 : i32
      %add3A_65 = arith.constant 2 : i32
      %add3A_66 = arith.addi %mul3A_64, %add3A_65 : i32
      %mul3A_67 = arith.constant 32 : i32
      %mul3A_68 = arith.muli %add3A_66, %mul3A_67 : i32
      %add3A_69 = arith.addi %mul3A_68, %add3A : i32
      %mul3A_70 = arith.constant 128 : i32
      %mul3A_71 = arith.muli %add3A_69, %mul3A_70 : i32
      "tpu.region"() ({
        %run_scoped3A = tpu.sem_alloc : memref<!tpu.dma_semaphore, #tpu.memory_space<semaphore_mem>>
        %dma_start3A_102 = tpu.memref_slice %arg3[%mul3A_71] : memref<163840xi32, #tpu.memory_space<hbm>> -> memref<128xi32, #tpu.memory_space<hbm>>
        %dma_start3A_103 = tpu.memref_slice %arg3[%mul3A_71] : memref<163840xi32, #tpu.memory_space<hbm>> -> memref<128xi32, #tpu.memory_space<hbm>>
        tpu.enqueue_dma source(%dma_start3A_103 : memref<128xi32, #tpu.memory_space<hbm>>) target(%arg6 : memref<128xi32, #tpu.memory_space<vmem>>) target_semaphore(%run_scoped3A : memref<!tpu.dma_semaphore, #tpu.memory_space<semaphore_mem>>)
        %dma_wait3A_104 = tpu.memref_slice %arg3[%mul3A_71] : memref<163840xi32, #tpu.memory_space<hbm>> -> memref<128xi32, #tpu.memory_space<hbm>>
        %dma_wait3A_105 = tpu.memref_slice %arg3[%mul3A_71] : memref<163840xi32, #tpu.memory_space<hbm>> -> memref<128xi32, #tpu.memory_space<hbm>>
        tpu.wait_dma2 semaphore(%run_scoped3A : memref<!tpu.dma_semaphore, #tpu.memory_space<semaphore_mem>>) src(%dma_wait3A_105 : memref<128xi32, #tpu.memory_space<hbm>>) dst(%arg6 : memref<128xi32, #tpu.memory_space<vmem>>)
        tpu.yield
      }) : () -> ()
      %dma_start3A_72 = arith.constant 0 : i32
      %dma_start3A_73 = tpu.memref_slice %arg2[%mul3A_71, %dma_start3A_72] : memref<163840x128xf32, #tpu.memory_space<hbm>> -> memref<128x128xf32, #tpu.memory_space<hbm>>
      %dma_start3A_74 = arith.constant 0 : i32
      %dma_start3A_75 = tpu.memref_slice %arg2[%mul3A_71, %dma_start3A_74] : memref<163840x128xf32, #tpu.memory_space<hbm>> -> memref<128x128xf32, #tpu.memory_space<hbm>>
      tpu.enqueue_dma source(%dma_start3A_75 : memref<128x128xf32, #tpu.memory_space<hbm>>) target(%arg8 : memref<128x128xf32, #tpu.memory_space<vmem>>) target_semaphore(%arg11 : memref<!tpu.dma_semaphore, #tpu.memory_space<semaphore_mem>>)
      %mul3A_76 = arith.constant 2 : i32
      %mul3A_77 = arith.muli %mul3A_76, %add3A_51 : i32
      %add3A_78 = arith.constant 1 : i32
      %add3A_79 = arith.addi %mul3A_77, %add3A_78 : i32
      %mul3A_80 = arith.constant 32 : i32
      %mul3A_81 = arith.muli %add3A_79, %mul3A_80 : i32
      %add3A_82 = arith.addi %mul3A_81, %add3A : i32
      %mul3A_83 = arith.constant 128 : i32
      %mul3A_84 = arith.muli %add3A_82, %mul3A_83 : i32
      %dma_wait3A_85 = arith.constant 0 : i32
      %dma_wait3A_86 = tpu.memref_slice %arg2[%mul3A_84, %dma_wait3A_85] : memref<163840x128xf32, #tpu.memory_space<hbm>> -> memref<128x128xf32, #tpu.memory_space<hbm>>
      %dma_wait3A_87 = arith.constant 0 : i32
      %dma_wait3A_88 = tpu.memref_slice %arg2[%mul3A_84, %dma_wait3A_87] : memref<163840x128xf32, #tpu.memory_space<hbm>> -> memref<128x128xf32, #tpu.memory_space<hbm>>
      tpu.wait_dma2 semaphore(%arg12 : memref<!tpu.dma_semaphore, #tpu.memory_space<semaphore_mem>>) src(%dma_wait3A_88 : memref<128x128xf32, #tpu.memory_space<hbm>>) dst(%arg9 : memref<128x128xf32, #tpu.memory_space<vmem>>)
      "tpu.region"() ({
        %run_scoped3A = tpu.sem_alloc : memref<!tpu.dma_semaphore, #tpu.memory_space<semaphore_mem>>
        %dma_start3A_102 = arith.constant 0 : i32
        %dma_start3A_103 = arith.constant 0 : i32
        %dma_start3A_104 = tpu.memref_slice %arg10[%dma_start3A_102, %dma_start3A_103] : memref<10112x128xf32, #tpu.memory_space<vmem_shared>> -> memref<10112x128xf32, #tpu.memory_space<vmem_shared>>
        tpu.enqueue_indirect_dma source(%arg9 : memref<128x128xf32, #tpu.memory_space<vmem>>) target(%dma_start3A_104 : memref<10112x128xf32, #tpu.memory_space<vmem_shared>>) offsets(%arg7 : memref<128xi32, #tpu.memory_space<vmem>>) semaphore(%run_scoped3A : memref<!tpu.dma_semaphore, #tpu.memory_space<semaphore_mem>>) {add = true}
        %dma_wait3A_105 = arith.constant 0 : i32
        %dma_wait3A_106 = arith.constant 0 : i32
        %dma_wait3A_107 = tpu.memref_slice %arg10[%dma_wait3A_105, %dma_wait3A_106] : memref<10112x128xf32, #tpu.memory_space<vmem_shared>> -> memref<10112x128xf32, #tpu.memory_space<vmem_shared>>
        tpu.wait_indirect_dma semaphore(%run_scoped3A : memref<!tpu.dma_semaphore, #tpu.memory_space<semaphore_mem>>) src(%arg9 : memref<128x128xf32, #tpu.memory_space<vmem>>) dst(%dma_wait3A_107 : memref<10112x128xf32, #tpu.memory_space<vmem_shared>>)
        tpu.yield
      }) : () -> ()
      %mul3A_89 = arith.constant 2 : i32
      %mul3A_90 = arith.muli %mul3A_89, %add3A_51 : i32
      %add3A_91 = arith.constant 3 : i32
      %add3A_92 = arith.addi %mul3A_90, %add3A_91 : i32
      %mul3A_93 = arith.constant 32 : i32
      %mul3A_94 = arith.muli %add3A_92, %mul3A_93 : i32
      %add3A_95 = arith.addi %mul3A_94, %add3A : i32
      %mul3A_96 = arith.constant 128 : i32
      %mul3A_97 = arith.muli %add3A_95, %mul3A_96 : i32
      "tpu.region"() ({
        %run_scoped3A = tpu.sem_alloc : memref<!tpu.dma_semaphore, #tpu.memory_space<semaphore_mem>>
        %dma_start3A_102 = tpu.memref_slice %arg3[%mul3A_97] : memref<163840xi32, #tpu.memory_space<hbm>> -> memref<128xi32, #tpu.memory_space<hbm>>
        %dma_start3A_103 = tpu.memref_slice %arg3[%mul3A_97] : memref<163840xi32, #tpu.memory_space<hbm>> -> memref<128xi32, #tpu.memory_space<hbm>>
        tpu.enqueue_dma source(%dma_start3A_103 : memref<128xi32, #tpu.memory_space<hbm>>) target(%arg7 : memref<128xi32, #tpu.memory_space<vmem>>) target_semaphore(%run_scoped3A : memref<!tpu.dma_semaphore, #tpu.memory_space<semaphore_mem>>)
        %dma_wait3A_104 = tpu.memref_slice %arg3[%mul3A_97] : memref<163840xi32, #tpu.memory_space<hbm>> -> memref<128xi32, #tpu.memory_space<hbm>>
        %dma_wait3A_105 = tpu.memref_slice %arg3[%mul3A_97] : memref<163840xi32, #tpu.memory_space<hbm>> -> memref<128xi32, #tpu.memory_space<hbm>>
        tpu.wait_dma2 semaphore(%run_scoped3A : memref<!tpu.dma_semaphore, #tpu.memory_space<semaphore_mem>>) src(%dma_wait3A_105 : memref<128xi32, #tpu.memory_space<hbm>>) dst(%arg7 : memref<128xi32, #tpu.memory_space<vmem>>)
        tpu.yield
      }) : () -> ()
      %dma_start3A_98 = arith.constant 0 : i32
      %dma_start3A_99 = tpu.memref_slice %arg2[%mul3A_97, %dma_start3A_98] : memref<163840x128xf32, #tpu.memory_space<hbm>> -> memref<128x128xf32, #tpu.memory_space<hbm>>
      %dma_start3A_100 = arith.constant 0 : i32
      %dma_start3A_101 = tpu.memref_slice %arg2[%mul3A_97, %dma_start3A_100] : memref<163840x128xf32, #tpu.memory_space<hbm>> -> memref<128x128xf32, #tpu.memory_space<hbm>>
      tpu.enqueue_dma source(%dma_start3A_101 : memref<128x128xf32, #tpu.memory_space<hbm>>) target(%arg9 : memref<128x128xf32, #tpu.memory_space<vmem>>) target_semaphore(%arg12 : memref<!tpu.dma_semaphore, #tpu.memory_space<semaphore_mem>>)
    }
    %scan3A_23 = arith.constant 19 : i32
    %add3A_24 = arith.constant 1216 : i32
    %add3A_25 = arith.addi %add3A_24, %add3A : i32
    %mul3A_26 = arith.constant 128 : i32
    %mul3A_27 = arith.muli %add3A_25, %mul3A_26 : i32
    %dma_wait3A = arith.constant 0 : i32
    %dma_wait3A_28 = tpu.memref_slice %arg2[%mul3A_27, %dma_wait3A] : memref<163840x128xf32, #tpu.memory_space<hbm>> -> memref<128x128xf32, #tpu.memory_space<hbm>>
    %dma_wait3A_29 = arith.constant 0 : i32
    %dma_wait3A_30 = tpu.memref_slice %arg2[%mul3A_27, %dma_wait3A_29] : memref<163840x128xf32, #tpu.memory_space<hbm>> -> memref<128x128xf32, #tpu.memory_space<hbm>>
    tpu.wait_dma2 semaphore(%arg11 : memref<!tpu.dma_semaphore, #tpu.memory_space<semaphore_mem>>) src(%dma_wait3A_30 : memref<128x128xf32, #tpu.memory_space<hbm>>) dst(%arg8 : memref<128x128xf32, #tpu.memory_space<vmem>>)
    "tpu.region"() ({
      %run_scoped3A = tpu.sem_alloc : memref<!tpu.dma_semaphore, #tpu.memory_space<semaphore_mem>>
      %dma_start3A_47 = arith.constant 0 : i32
      %dma_start3A_48 = arith.constant 0 : i32
      %dma_start3A_49 = tpu.memref_slice %arg10[%dma_start3A_47, %dma_start3A_48] : memref<10112x128xf32, #tpu.memory_space<vmem_shared>> -> memref<10112x128xf32, #tpu.memory_space<vmem_shared>>
      tpu.enqueue_indirect_dma source(%arg8 : memref<128x128xf32, #tpu.memory_space<vmem>>) target(%dma_start3A_49 : memref<10112x128xf32, #tpu.memory_space<vmem_shared>>) offsets(%arg6 : memref<128xi32, #tpu.memory_space<vmem>>) semaphore(%run_scoped3A : memref<!tpu.dma_semaphore, #tpu.memory_space<semaphore_mem>>) {add = true}
      %dma_wait3A_50 = arith.constant 0 : i32
      %dma_wait3A_51 = arith.constant 0 : i32
      %dma_wait3A_52 = tpu.memref_slice %arg10[%dma_wait3A_50, %dma_wait3A_51] : memref<10112x128xf32, #tpu.memory_space<vmem_shared>> -> memref<10112x128xf32, #tpu.memory_space<vmem_shared>>
      tpu.wait_indirect_dma semaphore(%run_scoped3A : memref<!tpu.dma_semaphore, #tpu.memory_space<semaphore_mem>>) src(%arg8 : memref<128x128xf32, #tpu.memory_space<vmem>>) dst(%dma_wait3A_52 : memref<10112x128xf32, #tpu.memory_space<vmem_shared>>)
      tpu.yield
    }) : () -> ()
    %add3A_31 = arith.constant 1248 : i32
    %add3A_32 = arith.addi %add3A_31, %add3A : i32
    %mul3A_33 = arith.constant 128 : i32
    %mul3A_34 = arith.muli %add3A_32, %mul3A_33 : i32
    %dma_wait3A_35 = arith.constant 0 : i32
    %dma_wait3A_36 = tpu.memref_slice %arg2[%mul3A_34, %dma_wait3A_35] : memref<163840x128xf32, #tpu.memory_space<hbm>> -> memref<128x128xf32, #tpu.memory_space<hbm>>
    %dma_wait3A_37 = arith.constant 0 : i32
    %dma_wait3A_38 = tpu.memref_slice %arg2[%mul3A_34, %dma_wait3A_37] : memref<163840x128xf32, #tpu.memory_space<hbm>> -> memref<128x128xf32, #tpu.memory_space<hbm>>
    tpu.wait_dma2 semaphore(%arg12 : memref<!tpu.dma_semaphore, #tpu.memory_space<semaphore_mem>>) src(%dma_wait3A_38 : memref<128x128xf32, #tpu.memory_space<hbm>>) dst(%arg9 : memref<128x128xf32, #tpu.memory_space<vmem>>)
    "tpu.region"() ({
      %run_scoped3A = tpu.sem_alloc : memref<!tpu.dma_semaphore, #tpu.memory_space<semaphore_mem>>
      %dma_start3A_47 = arith.constant 0 : i32
      %dma_start3A_48 = arith.constant 0 : i32
      %dma_start3A_49 = tpu.memref_slice %arg10[%dma_start3A_47, %dma_start3A_48] : memref<10112x128xf32, #tpu.memory_space<vmem_shared>> -> memref<10112x128xf32, #tpu.memory_space<vmem_shared>>
      tpu.enqueue_indirect_dma source(%arg9 : memref<128x128xf32, #tpu.memory_space<vmem>>) target(%dma_start3A_49 : memref<10112x128xf32, #tpu.memory_space<vmem_shared>>) offsets(%arg7 : memref<128xi32, #tpu.memory_space<vmem>>) semaphore(%run_scoped3A : memref<!tpu.dma_semaphore, #tpu.memory_space<semaphore_mem>>) {add = true}
      %dma_wait3A_50 = arith.constant 0 : i32
      %dma_wait3A_51 = arith.constant 0 : i32
      %dma_wait3A_52 = tpu.memref_slice %arg10[%dma_wait3A_50, %dma_wait3A_51] : memref<10112x128xf32, #tpu.memory_space<vmem_shared>> -> memref<10112x128xf32, #tpu.memory_space<vmem_shared>>
      tpu.wait_indirect_dma semaphore(%run_scoped3A : memref<!tpu.dma_semaphore, #tpu.memory_space<semaphore_mem>>) src(%arg9 : memref<128x128xf32, #tpu.memory_space<vmem>>) dst(%dma_wait3A_52 : memref<10112x128xf32, #tpu.memory_space<vmem_shared>>)
      tpu.yield
    }) : () -> ()
    %barrier3A_39 = arith.constant 0 : index
    tpu.barrier barrier_id(%barrier3A_39)
    %mul3A_40 = arith.constant 632 : i32
    %mul3A_41 = arith.muli %arg1, %mul3A_40 : i32
    %mul3A_42 = arith.constant 10112 : i32
    %mul3A_43 = arith.muli %arg0, %mul3A_42 : i32
    %mul3A_44 = arith.constant 632 : i32
    %mul3A_45 = arith.muli %arg1, %mul3A_44 : i32
    %add3A_46 = arith.addi %mul3A_43, %mul3A_45 : i32
    "tpu.region"() ({
      %run_scoped3A = tpu.sem_alloc : memref<!tpu.dma_semaphore, #tpu.memory_space<semaphore_mem>>
      %dma_start3A_47 = arith.constant 0 : i32
      %dma_start3A_48 = tpu.memref_slice %arg5[%add3A_46, %dma_start3A_47] : memref<20224x128xf32, #tpu.memory_space<hbm>> -> memref<632x128xf32, #tpu.memory_space<hbm>>
      %dma_start3A_49 = arith.constant 0 : i32
      %dma_start3A_50 = tpu.memref_slice %arg10[%mul3A_41, %dma_start3A_49] : memref<10112x128xf32, #tpu.memory_space<vmem_shared>> -> memref<632x128xf32, #tpu.memory_space<vmem_shared>>
      tpu.enqueue_dma source(%dma_start3A_50 : memref<632x128xf32, #tpu.memory_space<vmem_shared>>) target(%dma_start3A_48 : memref<632x128xf32, #tpu.memory_space<hbm>>) target_semaphore(%run_scoped3A : memref<!tpu.dma_semaphore, #tpu.memory_space<semaphore_mem>>)
      %dma_wait3A_51 = arith.constant 0 : i32
      %dma_wait3A_52 = tpu.memref_slice %arg5[%add3A_46, %dma_wait3A_51] : memref<20224x128xf32, #tpu.memory_space<hbm>> -> memref<632x128xf32, #tpu.memory_space<hbm>>
      %dma_wait3A_53 = arith.constant 0 : i32
      %dma_wait3A_54 = tpu.memref_slice %arg10[%mul3A_41, %dma_wait3A_53] : memref<10112x128xf32, #tpu.memory_space<vmem_shared>> -> memref<632x128xf32, #tpu.memory_space<vmem_shared>>
      tpu.wait_dma2 semaphore(%run_scoped3A : memref<!tpu.dma_semaphore, #tpu.memory_space<semaphore_mem>>) src(%dma_wait3A_54 : memref<632x128xf32, #tpu.memory_space<vmem_shared>>) dst(%dma_wait3A_52 : memref<632x128xf32, #tpu.memory_space<hbm>>)
      tpu.yield
    }) : () -> ()
    return
  }
}

module attributes {stable_mosaic.version = 14 : i64} {
  func.func @body(%arg0: memref<10000x128xf32, #tpu.memory_space<vmem>>, %arg1: memref<10000x16xf32, #tpu.memory_space<vmem>>, %arg2: memref<128x64xf32, #tpu.memory_space<vmem>>, %arg3: memref<128x64xf32, #tpu.memory_space<vmem>>, %arg4: memref<64x64xf32, #tpu.memory_space<vmem>>, %arg5: memref<1x64xf32, #tpu.memory_space<vmem>>, %arg6: memref<64x64xf32, #tpu.memory_space<vmem>>, %arg7: memref<1x64xf32, #tpu.memory_space<vmem>>, %arg8: memref<10000x128xf32, #tpu.memory_space<vmem>>, %arg9: memref<10000x128xf32, #tpu.memory_space<vmem>>, %arg10: memref<64x128xf32, #tpu.memory_space<vmem>>, %arg11: memref<1x128xf32, #tpu.memory_space<vmem>>) attributes {dimension_semantics = [], scalar_prefetch = 0 : i64, scratch_operands = 0 : i64, tpu.core_type = #tpu.core_type<tc>} {
    %get3A = arith.constant 0 : index
    %get3A_0 = arith.constant 0 : index
    %get3A_1 = vector.load %arg0[%get3A, %get3A_0] : memref<10000x128xf32, #tpu.memory_space<vmem>>, vector<10000x128xf32>
    %get3A_2 = arith.constant 0 : index
    %get3A_3 = arith.constant 0 : index
    %get3A_4 = vector.load %arg1[%get3A_2, %get3A_3] : memref<10000x16xf32, #tpu.memory_space<vmem>>, vector<10000x16xf32>
    %broadcast_in_dim3A = arith.constant 0.000000e+00 : f32
    %broadcast_in_dim3A_5 = vector.broadcast %broadcast_in_dim3A : f32 to vector<10000x48xf32>
    %get3A_6 = arith.constant 0 : index
    %get3A_7 = arith.constant 0 : index
    %get3A_8 = vector.load %arg2[%get3A_6, %get3A_7] : memref<128x64xf32, #tpu.memory_space<vmem>>, vector<128x64xf32>
    %dot_general3A = arith.constant dense<0.000000e+00> : vector<10000x64xf32>
    %dot_general3A_9 = tpu.matmul %get3A_1, %get3A_8, %dot_general3A {dimension_numbers = #tpu.dot_dimension_numbers<[1], [0], [0], [1], [0, 0, 1, 1], [], []>, precision = #tpu.contract_precision<fp32>, transpose_lhs_hint = false} : vector<10000x128xf32>, vector<128x64xf32>, vector<10000x64xf32> -> vector<10000x64xf32>
    %concatenate3A = tpu.concatenate %dot_general3A_9, %get3A_4, %broadcast_in_dim3A_5 in 1 : vector<10000x64xf32>, vector<10000x16xf32>, vector<10000x48xf32> -> vector<10000x128xf32>
    %swap3A = arith.constant 0 : index
    %swap3A_10 = arith.constant 0 : index
    %swap3A_11 = vector.load %arg8[%swap3A, %swap3A_10] : memref<10000x128xf32, #tpu.memory_space<vmem>>, vector<10000x128xf32>
    tpu.vector_store %arg8[%swap3A, %swap3A_10], %concatenate3A {strides = array<i32>} : memref<10000x128xf32, #tpu.memory_space<vmem>>, vector<10000x128xf32>,
    %get3A_12 = arith.constant 0 : index
    %get3A_13 = arith.constant 0 : index
    %get3A_14 = vector.load %arg3[%get3A_12, %get3A_13] : memref<128x64xf32, #tpu.memory_space<vmem>>, vector<128x64xf32>
    %dot_general3A_15 = arith.constant dense<0.000000e+00> : vector<10000x64xf32>
    %dot_general3A_16 = tpu.matmul %get3A_1, %get3A_14, %dot_general3A_15 {dimension_numbers = #tpu.dot_dimension_numbers<[1], [0], [0], [1], [0, 0, 1, 1], [], []>, precision = #tpu.contract_precision<fp32>, transpose_lhs_hint = false} : vector<10000x128xf32>, vector<128x64xf32>, vector<10000x64xf32> -> vector<10000x64xf32>
    %concatenate3A_17 = tpu.concatenate %dot_general3A_16, %get3A_4, %broadcast_in_dim3A_5 in 1 : vector<10000x64xf32>, vector<10000x16xf32>, vector<10000x48xf32> -> vector<10000x128xf32>
    %swap3A_18 = arith.constant 0 : index
    %swap3A_19 = arith.constant 0 : index
    %swap3A_20 = vector.load %arg9[%swap3A_18, %swap3A_19] : memref<10000x128xf32, #tpu.memory_space<vmem>>, vector<10000x128xf32>
    tpu.vector_store %arg9[%swap3A_18, %swap3A_19], %concatenate3A_17 {strides = array<i32>} : memref<10000x128xf32, #tpu.memory_space<vmem>>, vector<10000x128xf32>,
    %get3A_21 = arith.constant 0 : index
    %get3A_22 = arith.constant 0 : index
    %get3A_23 = vector.load %arg4[%get3A_21, %get3A_22] : memref<64x64xf32, #tpu.memory_space<vmem>>, vector<64x64xf32>
    %get3A_24 = arith.constant 0 : index
    %get3A_25 = arith.constant 0 : index
    %get3A_26 = vector.load %arg6[%get3A_24, %get3A_25] : memref<64x64xf32, #tpu.memory_space<vmem>>, vector<64x64xf32>
    %dot_general3A_27 = arith.constant dense<0.000000e+00> : vector<64x64xf32>
    %dot_general3A_28 = tpu.matmul %get3A_23, %get3A_26, %dot_general3A_27 {dimension_numbers = #tpu.dot_dimension_numbers<[1], [0], [0], [1], [0, 0, 1, 1], [], []>, precision = #tpu.contract_precision<fp32>, transpose_lhs_hint = false} : vector<64x64xf32>, vector<64x64xf32>, vector<64x64xf32> -> vector<64x64xf32>
    %get3A_29 = arith.constant 0 : index
    %get3A_30 = arith.constant 0 : index
    %get3A_31 = vector.load %arg5[%get3A_29, %get3A_30] : memref<1x64xf32, #tpu.memory_space<vmem>>, vector<1x64xf32>
    %get3A_32 = arith.constant 0 : index
    %get3A_33 = arith.constant 0 : index
    %get3A_34 = vector.load %arg6[%get3A_32, %get3A_33] : memref<64x64xf32, #tpu.memory_space<vmem>>, vector<64x64xf32>
    %dot_general3A_35 = arith.constant dense<0.000000e+00> : vector<1x64xf32>
    %dot_general3A_36 = tpu.matmul %get3A_31, %get3A_34, %dot_general3A_35 {dimension_numbers = #tpu.dot_dimension_numbers<[1], [0], [0], [1], [0, 0, 1, 1], [], []>, precision = #tpu.contract_precision<fp32>, transpose_lhs_hint = false} : vector<1x64xf32>, vector<64x64xf32>, vector<1x64xf32> -> vector<1x64xf32>
    %get3A_37 = arith.constant 0 : index
    %get3A_38 = arith.constant 0 : index
    %get3A_39 = vector.load %arg7[%get3A_37, %get3A_38] : memref<1x64xf32, #tpu.memory_space<vmem>>, vector<1x64xf32>
    %add3A = arith.addf %dot_general3A_36, %get3A_39 : vector<1x64xf32>
    %get3A_40 = arith.constant 0 : index
    %get3A_41 = arith.constant 0 : index
    %get3A_42 = vector.load %arg4[%get3A_40, %get3A_41] : memref<64x64xf32, #tpu.memory_space<vmem>>, vector<64x64xf32>
    %concatenate3A_43 = tpu.concatenate %get3A_42, %dot_general3A_28 in 1 : vector<64x64xf32>, vector<64x64xf32> -> vector<64x128xf32>
    %swap3A_44 = arith.constant 0 : index
    %swap3A_45 = arith.constant 0 : index
    %swap3A_46 = vector.load %arg10[%swap3A_44, %swap3A_45] : memref<64x128xf32, #tpu.memory_space<vmem>>, vector<64x128xf32>
    tpu.vector_store %arg10[%swap3A_44, %swap3A_45], %concatenate3A_43 {strides = array<i32>} : memref<64x128xf32, #tpu.memory_space<vmem>>, vector<64x128xf32>,
    %get3A_47 = arith.constant 0 : index
    %get3A_48 = arith.constant 0 : index
    %get3A_49 = vector.load %arg5[%get3A_47, %get3A_48] : memref<1x64xf32, #tpu.memory_space<vmem>>, vector<1x64xf32>
    %concatenate3A_50 = tpu.concatenate %get3A_49, %add3A in 1 : vector<1x64xf32>, vector<1x64xf32> -> vector<1x128xf32>
    %swap3A_51 = arith.constant 0 : index
    %swap3A_52 = arith.constant 0 : index
    %swap3A_53 = vector.load %arg11[%swap3A_51, %swap3A_52] : memref<1x128xf32, #tpu.memory_space<vmem>>, vector<1x128xf32>
    tpu.vector_store %arg11[%swap3A_51, %swap3A_52], %concatenate3A_50 {strides = array<i32>} : memref<1x128xf32, #tpu.memory_space<vmem>>, vector<1x128xf32>,
    return
  }
}

module attributes {stable_mosaic.version = 14 : i64} {
  func.func @body(%arg0: i32, %arg1: memref<4096x128xf32, #tpu.memory_space<vmem>>, %arg2: memref<1x128xf32, #tpu.memory_space<vmem>>, %arg3: memref<1x128xf32, #tpu.memory_space<vmem>>, %arg4: memref<128x128xf32, #tpu.memory_space<vmem>>, %arg5: memref<1x128xf32, #tpu.memory_space<vmem>>, %arg6: memref<128x1xf32, #tpu.memory_space<vmem>>, %arg7: memref<1x1xf32, #tpu.memory_space<vmem>>, %arg8: memref<128x1xf32, #tpu.memory_space<vmem>>, %arg9: memref<1x128xf32, #tpu.memory_space<vmem>>, %arg10: memref<1x128xf32, #tpu.memory_space<vmem>>, %arg11: memref<4096x128xf32, #tpu.memory_space<vmem>>) attributes {dimension_semantics = [#tpu.dimension_semantics<arbitrary>], iteration_bounds = array<i64: 40>, scalar_prefetch = 0 : i64, scratch_operands = 0 : i64, tpu.core_type = #tpu.core_type<tc>, window_params = [{transform_indices = @transform_0, window_bounds = array<i64: 4096, 128>}, {pipeline_mode = #tpu.pipeline_mode<synchronous>, transform_indices = @transform_1, window_bounds = array<i64: 1, 128>}, {pipeline_mode = #tpu.pipeline_mode<synchronous>, transform_indices = @transform_2, window_bounds = array<i64: 1, 128>}, {pipeline_mode = #tpu.pipeline_mode<synchronous>, transform_indices = @transform_3, window_bounds = array<i64: 128, 128>}, {pipeline_mode = #tpu.pipeline_mode<synchronous>, transform_indices = @transform_4, window_bounds = array<i64: 1, 128>}, {pipeline_mode = #tpu.pipeline_mode<synchronous>, transform_indices = @transform_5, window_bounds = array<i64: 128, 1>}, {pipeline_mode = #tpu.pipeline_mode<synchronous>, transform_indices = @transform_6, window_bounds = array<i64: 1, 1>}, {pipeline_mode = #tpu.pipeline_mode<synchronous>, transform_indices = @transform_7, window_bounds = array<i64: 128, 1>}, {pipeline_mode = #tpu.pipeline_mode<synchronous>, transform_indices = @transform_8, window_bounds = array<i64: 1, 128>}, {pipeline_mode = #tpu.pipeline_mode<synchronous>, transform_indices = @transform_9, window_bounds = array<i64: 1, 128>}, {transform_indices = @transform_10, window_bounds = array<i64: 4096, 128>}]} {
    %get3A = arith.constant 0 : index
    %get3A_0 = arith.constant 0 : index
    %get3A_1 = vector.load %arg1[%get3A, %get3A_0] : memref<4096x128xf32, #tpu.memory_space<vmem>>, vector<4096x128xf32>
    %mul3A = arith.mulf %get3A_1, %get3A_1 : vector<4096x128xf32>
    %get3A_2 = arith.constant 0 : index
    %get3A_3 = arith.constant 0 : index
    %get3A_4 = vector.load %arg8[%get3A_2, %get3A_3] : memref<128x1xf32, #tpu.memory_space<vmem>>, vector<128x1xf32>
    %dot_general3A = arith.constant dense<0.000000e+00> : vector<4096x1xf32>
    %dot_general3A_5 = tpu.matmul %mul3A, %get3A_4, %dot_general3A {dimension_numbers = #tpu.dot_dimension_numbers<[1], [0], [0], [1], [0, 0, 1, 1], [], []>, transpose_lhs_hint = false} : vector<4096x128xf32>, vector<128x1xf32>, vector<4096x1xf32> -> vector<4096x1xf32>
    %sqrt3A = math.sqrt %dot_general3A_5 : vector<4096x1xf32>
    %get3A_6 = arith.constant 0 : index
    %get3A_7 = arith.constant 0 : index
    %get3A_8 = vector.load %arg2[%get3A_6, %get3A_7] : memref<1x128xf32, #tpu.memory_space<vmem>>, vector<1x128xf32>
    %mul3A_9 = vector.broadcast %sqrt3A : vector<4096x1xf32> to vector<4096x128xf32>
    %mul3A_10 = vector.broadcast %get3A_8 : vector<1x128xf32> to vector<4096x128xf32>
    %mul3A_11 = arith.mulf %mul3A_9, %mul3A_10 : vector<4096x128xf32>
    %add3A = arith.addf %get3A_1, %mul3A_11 : vector<4096x128xf32>
    %get3A_12 = arith.constant 0 : index
    %get3A_13 = arith.constant 0 : index
    %get3A_14 = vector.load %arg3[%get3A_12, %get3A_13] : memref<1x128xf32, #tpu.memory_space<vmem>>, vector<1x128xf32>
    %add3A_15 = vector.broadcast %get3A_14 : vector<1x128xf32> to vector<4096x128xf32>
    %add3A_16 = arith.addf %add3A, %add3A_15 : vector<4096x128xf32>
    %logistic3A = arith.negf %add3A_16 : vector<4096x128xf32>
    %logistic3A_17 = math.exp %logistic3A : vector<4096x128xf32>
    %logistic3A_18 = arith.constant 1.000000e+00 : f32
    %logistic3A_19 = vector.broadcast %logistic3A_18 : f32 to vector<4096x128xf32>
    %logistic3A_20 = arith.addf %logistic3A_19, %logistic3A_17 : vector<4096x128xf32>
    %logistic3A_21 = arith.divf %logistic3A_19, %logistic3A_20 : vector<4096x128xf32>
    %mul3A_22 = arith.mulf %add3A_16, %logistic3A_21 : vector<4096x128xf32>
    %get3A_23 = arith.constant 0 : index
    %get3A_24 = arith.constant 0 : index
    %get3A_25 = vector.load %arg4[%get3A_23, %get3A_24] : memref<128x128xf32, #tpu.memory_space<vmem>>, vector<128x128xf32>
    %dot_general3A_26 = arith.constant dense<0.000000e+00> : vector<4096x128xf32>
    %dot_general3A_27 = tpu.matmul %mul3A_22, %get3A_25, %dot_general3A_26 {dimension_numbers = #tpu.dot_dimension_numbers<[1], [0], [0], [1], [0, 0, 1, 1], [], []>, transpose_lhs_hint = false} : vector<4096x128xf32>, vector<128x128xf32>, vector<4096x128xf32> -> vector<4096x128xf32>
    %get3A_28 = arith.constant 0 : index
    %get3A_29 = arith.constant 0 : index
    %get3A_30 = vector.load %arg5[%get3A_28, %get3A_29] : memref<1x128xf32, #tpu.memory_space<vmem>>, vector<1x128xf32>
    %add3A_31 = vector.broadcast %get3A_30 : vector<1x128xf32> to vector<4096x128xf32>
    %add3A_32 = arith.addf %dot_general3A_27, %add3A_31 : vector<4096x128xf32>
    %logistic3A_33 = arith.negf %add3A_32 : vector<4096x128xf32>
    %logistic3A_34 = math.exp %logistic3A_33 : vector<4096x128xf32>
    %logistic3A_35 = arith.constant 1.000000e+00 : f32
    %logistic3A_36 = vector.broadcast %logistic3A_35 : f32 to vector<4096x128xf32>
    %logistic3A_37 = arith.addf %logistic3A_36, %logistic3A_34 : vector<4096x128xf32>
    %logistic3A_38 = arith.divf %logistic3A_36, %logistic3A_37 : vector<4096x128xf32>
    %mul3A_39 = arith.mulf %add3A_32, %logistic3A_38 : vector<4096x128xf32>
    %get3A_40 = arith.constant 0 : index
    %get3A_41 = arith.constant 0 : index
    %get3A_42 = vector.load %arg6[%get3A_40, %get3A_41] : memref<128x1xf32, #tpu.memory_space<vmem>>, vector<128x1xf32>
    %dot_general3A_43 = arith.constant dense<0.000000e+00> : vector<4096x1xf32>
    %dot_general3A_44 = tpu.matmul %mul3A_39, %get3A_42, %dot_general3A_43 {dimension_numbers = #tpu.dot_dimension_numbers<[1], [0], [0], [1], [0, 0, 1, 1], [], []>, transpose_lhs_hint = false} : vector<4096x128xf32>, vector<128x1xf32>, vector<4096x1xf32> -> vector<4096x1xf32>
    %get3A_45 = arith.constant 0 : index
    %get3A_46 = arith.constant 0 : index
    %get3A_47 = vector.load %arg7[%get3A_45, %get3A_46] : memref<1x1xf32, #tpu.memory_space<vmem>>, vector<1x1xf32>
    %add3A_48 = vector.broadcast %get3A_47 : vector<1x1xf32> to vector<4096x1xf32>
    %add3A_49 = arith.addf %dot_general3A_44, %add3A_48 : vector<4096x1xf32>
    %add3A_50 = arith.constant 9.99999993E-9 : f32
    %add3A_51 = vector.broadcast %add3A_50 : f32 to vector<4096x1xf32>
    %add3A_52 = arith.addf %sqrt3A, %add3A_51 : vector<4096x1xf32>
    %div3A = arith.divf %add3A_49, %add3A_52 : vector<4096x1xf32>
    %get3A_53 = arith.constant 0 : index
    %get3A_54 = arith.constant 0 : index
    %get3A_55 = vector.load %arg9[%get3A_53, %get3A_54] : memref<1x128xf32, #tpu.memory_space<vmem>>, vector<1x128xf32>
    %mul3A_56 = vector.broadcast %get3A_55 : vector<1x128xf32> to vector<4096x128xf32>
    %mul3A_57 = arith.mulf %add3A_32, %mul3A_56 : vector<4096x128xf32>
    %get3A_58 = arith.constant 0 : index
    %get3A_59 = arith.constant 0 : index
    %get3A_60 = vector.load %arg10[%get3A_58, %get3A_59] : memref<1x128xf32, #tpu.memory_space<vmem>>, vector<1x128xf32>
    %mul3A_61 = vector.broadcast %get3A_60 : vector<1x128xf32> to vector<4096x128xf32>
    %mul3A_62 = vector.broadcast %div3A : vector<4096x1xf32> to vector<4096x128xf32>
    %mul3A_63 = arith.mulf %mul3A_61, %mul3A_62 : vector<4096x128xf32>
    %mul3A_64 = arith.mulf %get3A_1, %mul3A_63 : vector<4096x128xf32>
    %add3A_65 = arith.addf %mul3A_57, %mul3A_64 : vector<4096x128xf32>
    %lt3A = arith.constant 38 : i32
    %lt3A_66 = arith.cmpi slt, %arg0, %lt3A : i32
    %convert_element_type3A = arith.extui %lt3A_66 : i1 to i32
    %cond3A = arith.constant 0 : i32
    %cond3A_67 = arith.cmpi ne, %convert_element_type3A, %cond3A : i32
    scf.if %cond3A_67 {
      %swap3A = arith.constant 0 : index
      %swap3A_72 = arith.constant 0 : index
      %swap3A_73 = vector.load %arg11[%swap3A, %swap3A_72] : memref<4096x128xf32, #tpu.memory_space<vmem>>, vector<4096x128xf32>
      tpu.vector_store %arg11[%swap3A, %swap3A_72], %add3A_65 {strides = array<i32>} : memref<4096x128xf32, #tpu.memory_space<vmem>>, vector<4096x128xf32>,
    } else {
    }
    %ge3A = arith.constant 38 : i32
    %ge3A_68 = arith.cmpi sge, %arg0, %ge3A : i32
    %convert_element_type3A_69 = arith.extui %ge3A_68 : i1 to i32
    %cond3A_70 = arith.constant 0 : i32
    %cond3A_71 = arith.cmpi ne, %convert_element_type3A_69, %cond3A_70 : i32
    scf.if %cond3A_71 {
      %mul3A_72 = arith.constant 4096 : i32
      %mul3A_73 = arith.muli %arg0, %mul3A_72 : i32
      %iota3A = tpu.iota {dimensions = array<i32: 0>} : vector<4096x1xi32>
      %add3A_74 = vector.broadcast %mul3A_73 : i32 to vector<4096x1xi32>
      %add3A_75 = arith.addi %add3A_74, %iota3A : vector<4096x1xi32>
      %lt3A_76 = arith.constant 156160 : i32
      %lt3A_77 = vector.broadcast %lt3A_76 : i32 to vector<4096x1xi32>
      %lt3A_78 = arith.cmpi slt, %add3A_75, %lt3A_77 : vector<4096x1xi32>
      %jit3A = arith.constant 0.000000e+00 : f32
      %broadcast_in_dim3A = vector.shape_cast %lt3A_78 : vector<4096x1xi1> to vector<4096x1xi1>
      %broadcast_in_dim3A_79 = vector.broadcast %broadcast_in_dim3A : vector<4096x1xi1> to vector<4096x128xi1>
      %broadcast_in_dim3A_80 = vector.broadcast %jit3A : f32 to vector<4096x128xf32>
      %select_n3A = arith.select %broadcast_in_dim3A_79, %add3A_65, %broadcast_in_dim3A_80 : vector<4096x128xi1>, vector<4096x128xf32>
      %swap3A = arith.constant 0 : index
      %swap3A_81 = arith.constant 0 : index
      %swap3A_82 = vector.load %arg11[%swap3A, %swap3A_81] : memref<4096x128xf32, #tpu.memory_space<vmem>>, vector<4096x128xf32>
      tpu.vector_store %arg11[%swap3A, %swap3A_81], %select_n3A {strides = array<i32>} : memref<4096x128xf32, #tpu.memory_space<vmem>>, vector<4096x128xf32>,
    } else {
    }
    return
  }
  func.func @transform_0(%arg0: i32) -> (i32, i32) {
    %c0_i32 = arith.constant 0 : i32
    %c0_i32_0 = arith.constant 0 : i32
    return %arg0, %c0_i32 : i32, i32
  }
  func.func @transform_1(%arg0: i32) -> (i32, i32) {
    %c0_i32 = arith.constant 0 : i32
    %c0_i32_0 = arith.constant 0 : i32
    %c0_i32_1 = arith.constant 0 : i32
    return %c0_i32, %c0_i32_0 : i32, i32
  }
  func.func @transform_2(%arg0: i32) -> (i32, i32) {
    %c0_i32 = arith.constant 0 : i32
    %c0_i32_0 = arith.constant 0 : i32
    %c0_i32_1 = arith.constant 0 : i32
    return %c0_i32, %c0_i32_0 : i32, i32
  }
  func.func @transform_3(%arg0: i32) -> (i32, i32) {
    %c0_i32 = arith.constant 0 : i32
    %c0_i32_0 = arith.constant 0 : i32
    %c0_i32_1 = arith.constant 0 : i32
    return %c0_i32, %c0_i32_0 : i32, i32
  }
  func.func @transform_4(%arg0: i32) -> (i32, i32) {
    %c0_i32 = arith.constant 0 : i32
    %c0_i32_0 = arith.constant 0 : i32
    %c0_i32_1 = arith.constant 0 : i32
    return %c0_i32, %c0_i32_0 : i32, i32
  }
  func.func @transform_5(%arg0: i32) -> (i32, i32) {
    %c0_i32 = arith.constant 0 : i32
    %c0_i32_0 = arith.constant 0 : i32
    %c0_i32_1 = arith.constant 0 : i32
    return %c0_i32, %c0_i32_0 : i32, i32
  }
  func.func @transform_6(%arg0: i32) -> (i32, i32) {
    %c0_i32 = arith.constant 0 : i32
    %c0_i32_0 = arith.constant 0 : i32
    %c0_i32_1 = arith.constant 0 : i32
    return %c0_i32, %c0_i32_0 : i32, i32
  }
  func.func @transform_7(%arg0: i32) -> (i32, i32) {
    %c0_i32 = arith.constant 0 : i32
    %c0_i32_0 = arith.constant 0 : i32
    %c0_i32_1 = arith.constant 0 : i32
    return %c0_i32, %c0_i32_0 : i32, i32
  }
  func.func @transform_8(%arg0: i32) -> (i32, i32) {
    %c0_i32 = arith.constant 0 : i32
    %c0_i32_0 = arith.constant 0 : i32
    %c0_i32_1 = arith.constant 0 : i32
    return %c0_i32, %c0_i32_0 : i32, i32
  }
  func.func @transform_9(%arg0: i32) -> (i32, i32) {
    %c0_i32 = arith.constant 0 : i32
    %c0_i32_0 = arith.constant 0 : i32
    %c0_i32_1 = arith.constant 0 : i32
    return %c0_i32, %c0_i32_0 : i32, i32
  }
  func.func @transform_10(%arg0: i32) -> (i32, i32) {
    %c0_i32 = arith.constant 0 : i32
    %c0_i32_0 = arith.constant 0 : i32
    return %arg0, %c0_i32 : i32, i32
  }
}

module attributes {stable_mosaic.version = 14 : i64} {
  func.func @body(%arg0: i32, %arg1: memref<4096x128xf32, #tpu.memory_space<vmem>>, %arg2: memref<1x128xf32, #tpu.memory_space<vmem>>, %arg3: memref<1x128xf32, #tpu.memory_space<vmem>>, %arg4: memref<128x128xf32, #tpu.memory_space<vmem>>, %arg5: memref<1x128xf32, #tpu.memory_space<vmem>>, %arg6: memref<128x1xf32, #tpu.memory_space<vmem>>, %arg7: memref<1x1xf32, #tpu.memory_space<vmem>>, %arg8: memref<128x1xf32, #tpu.memory_space<vmem>>, %arg9: memref<1x128xf32, #tpu.memory_space<vmem>>, %arg10: memref<1x128xf32, #tpu.memory_space<vmem>>, %arg11: memref<4096x128xf32, #tpu.memory_space<vmem>>) attributes {dimension_semantics = [#tpu.dimension_semantics<arbitrary>], iteration_bounds = array<i64: 40>, scalar_prefetch = 0 : i64, scratch_operands = 0 : i64, tpu.core_type = #tpu.core_type<tc>, window_params = [{transform_indices = @transform_0, window_bounds = array<i64: 4096, 128>}, {pipeline_mode = #tpu.pipeline_mode<synchronous>, transform_indices = @transform_1, window_bounds = array<i64: 1, 128>}, {pipeline_mode = #tpu.pipeline_mode<synchronous>, transform_indices = @transform_2, window_bounds = array<i64: 1, 128>}, {pipeline_mode = #tpu.pipeline_mode<synchronous>, transform_indices = @transform_3, window_bounds = array<i64: 128, 128>}, {pipeline_mode = #tpu.pipeline_mode<synchronous>, transform_indices = @transform_4, window_bounds = array<i64: 1, 128>}, {pipeline_mode = #tpu.pipeline_mode<synchronous>, transform_indices = @transform_5, window_bounds = array<i64: 128, 1>}, {pipeline_mode = #tpu.pipeline_mode<synchronous>, transform_indices = @transform_6, window_bounds = array<i64: 1, 1>}, {pipeline_mode = #tpu.pipeline_mode<synchronous>, transform_indices = @transform_7, window_bounds = array<i64: 128, 1>}, {pipeline_mode = #tpu.pipeline_mode<synchronous>, transform_indices = @transform_8, window_bounds = array<i64: 1, 128>}, {pipeline_mode = #tpu.pipeline_mode<synchronous>, transform_indices = @transform_9, window_bounds = array<i64: 1, 128>}, {transform_indices = @transform_10, window_bounds = array<i64: 4096, 128>}]} {
    %get3A = arith.constant 0 : index
    %get3A_0 = arith.constant 0 : index
    %get3A_1 = vector.load %arg1[%get3A, %get3A_0] : memref<4096x128xf32, #tpu.memory_space<vmem>>, vector<4096x128xf32>
    %mul3A = arith.mulf %get3A_1, %get3A_1 : vector<4096x128xf32>
    %get3A_2 = arith.constant 0 : index
    %get3A_3 = arith.constant 0 : index
    %get3A_4 = vector.load %arg8[%get3A_2, %get3A_3] : memref<128x1xf32, #tpu.memory_space<vmem>>, vector<128x1xf32>
    %dot_general3A = arith.constant dense<0.000000e+00> : vector<4096x1xf32>
    %dot_general3A_5 = tpu.matmul %mul3A, %get3A_4, %dot_general3A {dimension_numbers = #tpu.dot_dimension_numbers<[1], [0], [0], [1], [0, 0, 1, 1], [], []>, transpose_lhs_hint = false} : vector<4096x128xf32>, vector<128x1xf32>, vector<4096x1xf32> -> vector<4096x1xf32>
    %sqrt3A = math.sqrt %dot_general3A_5 : vector<4096x1xf32>
    %get3A_6 = arith.constant 0 : index
    %get3A_7 = arith.constant 0 : index
    %get3A_8 = vector.load %arg2[%get3A_6, %get3A_7] : memref<1x128xf32, #tpu.memory_space<vmem>>, vector<1x128xf32>
    %mul3A_9 = vector.broadcast %sqrt3A : vector<4096x1xf32> to vector<4096x128xf32>
    %mul3A_10 = vector.broadcast %get3A_8 : vector<1x128xf32> to vector<4096x128xf32>
    %mul3A_11 = arith.mulf %mul3A_9, %mul3A_10 : vector<4096x128xf32>
    %add3A = arith.addf %get3A_1, %mul3A_11 : vector<4096x128xf32>
    %get3A_12 = arith.constant 0 : index
    %get3A_13 = arith.constant 0 : index
    %get3A_14 = vector.load %arg3[%get3A_12, %get3A_13] : memref<1x128xf32, #tpu.memory_space<vmem>>, vector<1x128xf32>
    %add3A_15 = vector.broadcast %get3A_14 : vector<1x128xf32> to vector<4096x128xf32>
    %add3A_16 = arith.addf %add3A, %add3A_15 : vector<4096x128xf32>
    %logistic3A = arith.negf %add3A_16 : vector<4096x128xf32>
    %logistic3A_17 = math.exp %logistic3A : vector<4096x128xf32>
    %logistic3A_18 = arith.constant 1.000000e+00 : f32
    %logistic3A_19 = vector.broadcast %logistic3A_18 : f32 to vector<4096x128xf32>
    %logistic3A_20 = arith.addf %logistic3A_19, %logistic3A_17 : vector<4096x128xf32>
    %logistic3A_21 = arith.divf %logistic3A_19, %logistic3A_20 : vector<4096x128xf32>
    %mul3A_22 = arith.mulf %add3A_16, %logistic3A_21 : vector<4096x128xf32>
    %get3A_23 = arith.constant 0 : index
    %get3A_24 = arith.constant 0 : index
    %get3A_25 = vector.load %arg4[%get3A_23, %get3A_24] : memref<128x128xf32, #tpu.memory_space<vmem>>, vector<128x128xf32>
    %dot_general3A_26 = arith.constant dense<0.000000e+00> : vector<4096x128xf32>
    %dot_general3A_27 = tpu.matmul %mul3A_22, %get3A_25, %dot_general3A_26 {dimension_numbers = #tpu.dot_dimension_numbers<[1], [0], [0], [1], [0, 0, 1, 1], [], []>, transpose_lhs_hint = false} : vector<4096x128xf32>, vector<128x128xf32>, vector<4096x128xf32> -> vector<4096x128xf32>
    %get3A_28 = arith.constant 0 : index
    %get3A_29 = arith.constant 0 : index
    %get3A_30 = vector.load %arg5[%get3A_28, %get3A_29] : memref<1x128xf32, #tpu.memory_space<vmem>>, vector<1x128xf32>
    %add3A_31 = vector.broadcast %get3A_30 : vector<1x128xf32> to vector<4096x128xf32>
    %add3A_32 = arith.addf %dot_general3A_27, %add3A_31 : vector<4096x128xf32>
    %logistic3A_33 = arith.negf %add3A_32 : vector<4096x128xf32>
    %logistic3A_34 = math.exp %logistic3A_33 : vector<4096x128xf32>
    %logistic3A_35 = arith.constant 1.000000e+00 : f32
    %logistic3A_36 = vector.broadcast %logistic3A_35 : f32 to vector<4096x128xf32>
    %logistic3A_37 = arith.addf %logistic3A_36, %logistic3A_34 : vector<4096x128xf32>
    %logistic3A_38 = arith.divf %logistic3A_36, %logistic3A_37 : vector<4096x128xf32>
    %mul3A_39 = arith.mulf %add3A_32, %logistic3A_38 : vector<4096x128xf32>
    %get3A_40 = arith.constant 0 : index
    %get3A_41 = arith.constant 0 : index
    %get3A_42 = vector.load %arg6[%get3A_40, %get3A_41] : memref<128x1xf32, #tpu.memory_space<vmem>>, vector<128x1xf32>
    %dot_general3A_43 = arith.constant dense<0.000000e+00> : vector<4096x1xf32>
    %dot_general3A_44 = tpu.matmul %mul3A_39, %get3A_42, %dot_general3A_43 {dimension_numbers = #tpu.dot_dimension_numbers<[1], [0], [0], [1], [0, 0, 1, 1], [], []>, transpose_lhs_hint = false} : vector<4096x128xf32>, vector<128x1xf32>, vector<4096x1xf32> -> vector<4096x1xf32>
    %get3A_45 = arith.constant 0 : index
    %get3A_46 = arith.constant 0 : index
    %get3A_47 = vector.load %arg7[%get3A_45, %get3A_46] : memref<1x1xf32, #tpu.memory_space<vmem>>, vector<1x1xf32>
    %add3A_48 = vector.broadcast %get3A_47 : vector<1x1xf32> to vector<4096x1xf32>
    %add3A_49 = arith.addf %dot_general3A_44, %add3A_48 : vector<4096x1xf32>
    %add3A_50 = arith.constant 9.99999993E-9 : f32
    %add3A_51 = vector.broadcast %add3A_50 : f32 to vector<4096x1xf32>
    %add3A_52 = arith.addf %sqrt3A, %add3A_51 : vector<4096x1xf32>
    %div3A = arith.divf %add3A_49, %add3A_52 : vector<4096x1xf32>
    %get3A_53 = arith.constant 0 : index
    %get3A_54 = arith.constant 0 : index
    %get3A_55 = vector.load %arg9[%get3A_53, %get3A_54] : memref<1x128xf32, #tpu.memory_space<vmem>>, vector<1x128xf32>
    %mul3A_56 = vector.broadcast %get3A_55 : vector<1x128xf32> to vector<4096x128xf32>
    %mul3A_57 = arith.mulf %add3A_32, %mul3A_56 : vector<4096x128xf32>
    %get3A_58 = arith.constant 0 : index
    %get3A_59 = arith.constant 0 : index
    %get3A_60 = vector.load %arg10[%get3A_58, %get3A_59] : memref<1x128xf32, #tpu.memory_space<vmem>>, vector<1x128xf32>
    %mul3A_61 = vector.broadcast %get3A_60 : vector<1x128xf32> to vector<4096x128xf32>
    %mul3A_62 = vector.broadcast %div3A : vector<4096x1xf32> to vector<4096x128xf32>
    %mul3A_63 = arith.mulf %mul3A_61, %mul3A_62 : vector<4096x128xf32>
    %mul3A_64 = arith.mulf %get3A_1, %mul3A_63 : vector<4096x128xf32>
    %add3A_65 = arith.addf %mul3A_57, %mul3A_64 : vector<4096x128xf32>
    %lt3A = arith.constant 40 : i32
    %lt3A_66 = arith.cmpi slt, %arg0, %lt3A : i32
    %convert_element_type3A = arith.extui %lt3A_66 : i1 to i32
    %cond3A = arith.constant 0 : i32
    %cond3A_67 = arith.cmpi ne, %convert_element_type3A, %cond3A : i32
    scf.if %cond3A_67 {
      %swap3A = arith.constant 0 : index
      %swap3A_72 = arith.constant 0 : index
      %swap3A_73 = vector.load %arg11[%swap3A, %swap3A_72] : memref<4096x128xf32, #tpu.memory_space<vmem>>, vector<4096x128xf32>
      tpu.vector_store %arg11[%swap3A, %swap3A_72], %add3A_65 {strides = array<i32>} : memref<4096x128xf32, #tpu.memory_space<vmem>>, vector<4096x128xf32>,
    } else {
    }
    %ge3A = arith.constant 40 : i32
    %ge3A_68 = arith.cmpi sge, %arg0, %ge3A : i32
    %convert_element_type3A_69 = arith.extui %ge3A_68 : i1 to i32
    %cond3A_70 = arith.constant 0 : i32
    %cond3A_71 = arith.cmpi ne, %convert_element_type3A_69, %cond3A_70 : i32
    scf.if %cond3A_71 {
      %mul3A_72 = arith.constant 4096 : i32
      %mul3A_73 = arith.muli %arg0, %mul3A_72 : i32
      %iota3A = tpu.iota {dimensions = array<i32: 0>} : vector<4096x1xi32>
      %add3A_74 = vector.broadcast %mul3A_73 : i32 to vector<4096x1xi32>
      %add3A_75 = arith.addi %add3A_74, %iota3A : vector<4096x1xi32>
      %lt3A_76 = arith.constant 163840 : i32
      %lt3A_77 = vector.broadcast %lt3A_76 : i32 to vector<4096x1xi32>
      %lt3A_78 = arith.cmpi slt, %add3A_75, %lt3A_77 : vector<4096x1xi32>
      %jit3A = arith.constant 0.000000e+00 : f32
      %broadcast_in_dim3A = vector.shape_cast %lt3A_78 : vector<4096x1xi1> to vector<4096x1xi1>
      %broadcast_in_dim3A_79 = vector.broadcast %broadcast_in_dim3A : vector<4096x1xi1> to vector<4096x128xi1>
      %broadcast_in_dim3A_80 = vector.broadcast %jit3A : f32 to vector<4096x128xf32>
      %select_n3A = arith.select %broadcast_in_dim3A_79, %add3A_65, %broadcast_in_dim3A_80 : vector<4096x128xi1>, vector<4096x128xf32>
      %swap3A = arith.constant 0 : index
      %swap3A_81 = arith.constant 0 : index
      %swap3A_82 = vector.load %arg11[%swap3A, %swap3A_81] : memref<4096x128xf32, #tpu.memory_space<vmem>>, vector<4096x128xf32>
      tpu.vector_store %arg11[%swap3A, %swap3A_81], %select_n3A {strides = array<i32>} : memref<4096x128xf32, #tpu.memory_space<vmem>>, vector<4096x128xf32>,
    } else {
    }
    return
  }
  func.func @transform_0(%arg0: i32) -> (i32, i32) {
    %c0_i32 = arith.constant 0 : i32
    %c0_i32_0 = arith.constant 0 : i32
    return %arg0, %c0_i32 : i32, i32
  }
  func.func @transform_1(%arg0: i32) -> (i32, i32) {
    %c0_i32 = arith.constant 0 : i32
    %c0_i32_0 = arith.constant 0 : i32
    %c0_i32_1 = arith.constant 0 : i32
    return %c0_i32, %c0_i32_0 : i32, i32
  }
  func.func @transform_2(%arg0: i32) -> (i32, i32) {
    %c0_i32 = arith.constant 0 : i32
    %c0_i32_0 = arith.constant 0 : i32
    %c0_i32_1 = arith.constant 0 : i32
    return %c0_i32, %c0_i32_0 : i32, i32
  }
  func.func @transform_3(%arg0: i32) -> (i32, i32) {
    %c0_i32 = arith.constant 0 : i32
    %c0_i32_0 = arith.constant 0 : i32
    %c0_i32_1 = arith.constant 0 : i32
    return %c0_i32, %c0_i32_0 : i32, i32
  }
  func.func @transform_4(%arg0: i32) -> (i32, i32) {
    %c0_i32 = arith.constant 0 : i32
    %c0_i32_0 = arith.constant 0 : i32
    %c0_i32_1 = arith.constant 0 : i32
    return %c0_i32, %c0_i32_0 : i32, i32
  }
  func.func @transform_5(%arg0: i32) -> (i32, i32) {
    %c0_i32 = arith.constant 0 : i32
    %c0_i32_0 = arith.constant 0 : i32
    %c0_i32_1 = arith.constant 0 : i32
    return %c0_i32, %c0_i32_0 : i32, i32
  }
  func.func @transform_6(%arg0: i32) -> (i32, i32) {
    %c0_i32 = arith.constant 0 : i32
    %c0_i32_0 = arith.constant 0 : i32
    %c0_i32_1 = arith.constant 0 : i32
    return %c0_i32, %c0_i32_0 : i32, i32
  }
  func.func @transform_7(%arg0: i32) -> (i32, i32) {
    %c0_i32 = arith.constant 0 : i32
    %c0_i32_0 = arith.constant 0 : i32
    %c0_i32_1 = arith.constant 0 : i32
    return %c0_i32, %c0_i32_0 : i32, i32
  }
  func.func @transform_8(%arg0: i32) -> (i32, i32) {
    %c0_i32 = arith.constant 0 : i32
    %c0_i32_0 = arith.constant 0 : i32
    %c0_i32_1 = arith.constant 0 : i32
    return %c0_i32, %c0_i32_0 : i32, i32
  }
  func.func @transform_9(%arg0: i32) -> (i32, i32) {
    %c0_i32 = arith.constant 0 : i32
    %c0_i32_0 = arith.constant 0 : i32
    %c0_i32_1 = arith.constant 0 : i32
    return %c0_i32, %c0_i32_0 : i32, i32
  }
  func.func @transform_10(%arg0: i32) -> (i32, i32) {
    %c0_i32 = arith.constant 0 : i32
    %c0_i32_0 = arith.constant 0 : i32
    return %arg0, %c0_i32 : i32, i32
  }
}

module attributes {stable_mosaic.version = 14 : i64} {
  func.func @body(%arg0: i32, %arg1: memref<2000x128xf32, #tpu.memory_space<vmem>>, %arg2: memref<2000x16xf32, #tpu.memory_space<vmem>>, %arg3: memref<2x2000x128xf32, #tpu.memory_space<vmem>>, %arg4: memref<2x2000x128xf32, #tpu.memory_space<vmem>>, %arg5: memref<128x64xf32, #tpu.memory_space<vmem>>, %arg6: memref<64x64xf32, #tpu.memory_space<vmem>>, %arg7: memref<1x64xf32, #tpu.memory_space<vmem>>, %arg8: memref<64x128xf32, #tpu.memory_space<vmem>>, %arg9: memref<1x128xf32, #tpu.memory_space<vmem>>, %arg10: memref<2000x128xf32, #tpu.memory_space<vmem>>, %arg11: memref<2000x16xf32, #tpu.memory_space<vmem>>) attributes {dimension_semantics = [#tpu.dimension_semantics<arbitrary>], iteration_bounds = array<i64: 5>, scalar_prefetch = 0 : i64, scratch_operands = 0 : i64, tpu.core_type = #tpu.core_type<tc>, window_params = [{transform_indices = @transform_0, window_bounds = array<i64: 2000, 128>}, {transform_indices = @transform_1, window_bounds = array<i64: 2000, 16>}, {transform_indices = @transform_2, window_bounds = array<i64: 2, 2000, 128>}, {transform_indices = @transform_3, window_bounds = array<i64: 2, 2000, 128>}, {pipeline_mode = #tpu.pipeline_mode<synchronous>, transform_indices = @transform_4, window_bounds = array<i64: 128, 64>}, {pipeline_mode = #tpu.pipeline_mode<synchronous>, transform_indices = @transform_5, window_bounds = array<i64: 64, 64>}, {pipeline_mode = #tpu.pipeline_mode<synchronous>, transform_indices = @transform_6, window_bounds = array<i64: 1, 64>}, {pipeline_mode = #tpu.pipeline_mode<synchronous>, transform_indices = @transform_7, window_bounds = array<i64: 64, 128>}, {pipeline_mode = #tpu.pipeline_mode<synchronous>, transform_indices = @transform_8, window_bounds = array<i64: 1, 128>}, {transform_indices = @transform_9, window_bounds = array<i64: 2000, 128>}, {transform_indices = @transform_10, window_bounds = array<i64: 2000, 16>}]} {
    %get3A = arith.constant 0 : index
    %get3A_0 = arith.constant 0 : index
    %get3A_1 = vector.load %arg1[%get3A, %get3A_0] : memref<2000x128xf32, #tpu.memory_space<vmem>>, vector<2000x128xf32>
    %get3A_2 = arith.constant 0 : index
    %get3A_3 = arith.constant 0 : index
    %get3A_4 = arith.constant 0 : index
    %get3A_5 = vector.load %arg3[%get3A_2, %get3A_3, %get3A_4] : memref<2x2000x128xf32, #tpu.memory_space<vmem>>, vector<2x2000x128xf32>
    %slice3A = vector.extract_strided_slice %get3A_5 {offsets = [0, 0, 0], sizes = [1, 2000, 128], strides = [1, 1, 1]} : vector<2x2000x128xf32> to vector<1x2000x128xf32>
    %squeeze3A = vector.shape_cast %slice3A : vector<1x2000x128xf32> to vector<2000x128xf32>
    %slice3A_6 = vector.extract_strided_slice %get3A_5 {offsets = [1, 0, 0], sizes = [1, 2000, 128], strides = [1, 1, 1]} : vector<2x2000x128xf32> to vector<1x2000x128xf32>
    %squeeze3A_7 = vector.shape_cast %slice3A_6 : vector<1x2000x128xf32> to vector<2000x128xf32>
    %add3A = arith.addf %squeeze3A, %squeeze3A_7 : vector<2000x128xf32>
    %get3A_8 = arith.constant 0 : index
    %get3A_9 = arith.constant 0 : index
    %get3A_10 = arith.constant 0 : index
    %get3A_11 = vector.load %arg4[%get3A_8, %get3A_9, %get3A_10] : memref<2x2000x128xf32, #tpu.memory_space<vmem>>, vector<2x2000x128xf32>
    %slice3A_12 = vector.extract_strided_slice %get3A_11 {offsets = [0, 0, 0], sizes = [1, 2000, 128], strides = [1, 1, 1]} : vector<2x2000x128xf32> to vector<1x2000x128xf32>
    %squeeze3A_13 = vector.shape_cast %slice3A_12 : vector<1x2000x128xf32> to vector<2000x128xf32>
    %add3A_14 = arith.addf %add3A, %squeeze3A_13 : vector<2000x128xf32>
    %slice3A_15 = vector.extract_strided_slice %get3A_11 {offsets = [1, 0, 0], sizes = [1, 2000, 128], strides = [1, 1, 1]} : vector<2x2000x128xf32> to vector<1x2000x128xf32>
    %squeeze3A_16 = vector.shape_cast %slice3A_15 : vector<1x2000x128xf32> to vector<2000x128xf32>
    %add3A_17 = arith.addf %add3A_14, %squeeze3A_16 : vector<2000x128xf32>
    %slice3A_18 = vector.extract_strided_slice %add3A_17 {offsets = [0, 0], sizes = [2000, 64], strides = [1, 1]} : vector<2000x128xf32> to vector<2000x64xf32>
    %slice3A_19 = vector.extract_strided_slice %add3A_17 {offsets = [0, 64], sizes = [2000, 16], strides = [1, 1]} : vector<2000x128xf32> to vector<2000x16xf32>
    %get3A_20 = arith.constant 0 : index
    %get3A_21 = arith.constant 0 : index
    %get3A_22 = vector.load %arg5[%get3A_20, %get3A_21] : memref<128x64xf32, #tpu.memory_space<vmem>>, vector<128x64xf32>
    %dot_general3A = arith.constant dense<0.000000e+00> : vector<2000x64xf32>
    %dot_general3A_23 = tpu.matmul %get3A_1, %get3A_22, %dot_general3A {dimension_numbers = #tpu.dot_dimension_numbers<[1], [0], [0], [1], [0, 0, 1, 1], [], []>, precision = #tpu.contract_precision<fp32>, transpose_lhs_hint = false} : vector<2000x128xf32>, vector<128x64xf32>, vector<2000x64xf32> -> vector<2000x64xf32>
    %get3A_24 = arith.constant 0 : index
    %get3A_25 = arith.constant 0 : index
    %get3A_26 = vector.load %arg6[%get3A_24, %get3A_25] : memref<64x64xf32, #tpu.memory_space<vmem>>, vector<64x64xf32>
    %dot_general3A_27 = arith.constant dense<0.000000e+00> : vector<2000x64xf32>
    %dot_general3A_28 = tpu.matmul %slice3A_18, %get3A_26, %dot_general3A_27 {dimension_numbers = #tpu.dot_dimension_numbers<[1], [0], [0], [1], [0, 0, 1, 1], [], []>, precision = #tpu.contract_precision<fp32>, transpose_lhs_hint = false} : vector<2000x64xf32>, vector<64x64xf32>, vector<2000x64xf32> -> vector<2000x64xf32>
    %add3A_29 = arith.addf %dot_general3A_23, %dot_general3A_28 : vector<2000x64xf32>
    %get3A_30 = arith.constant 0 : index
    %get3A_31 = arith.constant 0 : index
    %get3A_32 = vector.load %arg7[%get3A_30, %get3A_31] : memref<1x64xf32, #tpu.memory_space<vmem>>, vector<1x64xf32>
    %add3A_33 = vector.broadcast %get3A_32 : vector<1x64xf32> to vector<2000x64xf32>
    %add3A_34 = arith.addf %add3A_29, %add3A_33 : vector<2000x64xf32>
    %logistic3A = arith.negf %add3A_34 : vector<2000x64xf32>
    %logistic3A_35 = math.exp %logistic3A : vector<2000x64xf32>
    %logistic3A_36 = arith.constant 1.000000e+00 : f32
    %logistic3A_37 = vector.broadcast %logistic3A_36 : f32 to vector<2000x64xf32>
    %logistic3A_38 = arith.addf %logistic3A_37, %logistic3A_35 : vector<2000x64xf32>
    %logistic3A_39 = arith.divf %logistic3A_37, %logistic3A_38 : vector<2000x64xf32>
    %mul3A = arith.mulf %add3A_34, %logistic3A_39 : vector<2000x64xf32>
    %get3A_40 = arith.constant 0 : index
    %get3A_41 = arith.constant 0 : index
    %get3A_42 = vector.load %arg8[%get3A_40, %get3A_41] : memref<64x128xf32, #tpu.memory_space<vmem>>, vector<64x128xf32>
    %dot_general3A_43 = arith.constant dense<0.000000e+00> : vector<2000x128xf32>
    %dot_general3A_44 = tpu.matmul %mul3A, %get3A_42, %dot_general3A_43 {dimension_numbers = #tpu.dot_dimension_numbers<[1], [0], [0], [1], [0, 0, 1, 1], [], []>, precision = #tpu.contract_precision<fp32>, transpose_lhs_hint = false} : vector<2000x64xf32>, vector<64x128xf32>, vector<2000x128xf32> -> vector<2000x128xf32>
    %add3A_45 = arith.addf %get3A_1, %dot_general3A_44 : vector<2000x128xf32>
    %get3A_46 = arith.constant 0 : index
    %get3A_47 = arith.constant 0 : index
    %get3A_48 = vector.load %arg9[%get3A_46, %get3A_47] : memref<1x128xf32, #tpu.memory_space<vmem>>, vector<1x128xf32>
    %add3A_49 = vector.broadcast %get3A_48 : vector<1x128xf32> to vector<2000x128xf32>
    %add3A_50 = arith.addf %add3A_45, %add3A_49 : vector<2000x128xf32>
    %swap3A = arith.constant 0 : index
    %swap3A_51 = arith.constant 0 : index
    %swap3A_52 = vector.load %arg10[%swap3A, %swap3A_51] : memref<2000x128xf32, #tpu.memory_space<vmem>>, vector<2000x128xf32>
    tpu.vector_store %arg10[%swap3A, %swap3A_51], %add3A_50 {strides = array<i32>} : memref<2000x128xf32, #tpu.memory_space<vmem>>, vector<2000x128xf32>,
    %get3A_53 = arith.constant 0 : index
    %get3A_54 = arith.constant 0 : index
    %get3A_55 = vector.load %arg2[%get3A_53, %get3A_54] : memref<2000x16xf32, #tpu.memory_space<vmem>>, vector<2000x16xf32>
    %add3A_56 = arith.addf %get3A_55, %slice3A_19 : vector<2000x16xf32>
    %swap3A_57 = arith.constant 0 : index
    %swap3A_58 = arith.constant 0 : index
    %swap3A_59 = vector.load %arg11[%swap3A_57, %swap3A_58] : memref<2000x16xf32, #tpu.memory_space<vmem>>, vector<2000x16xf32>
    tpu.vector_store %arg11[%swap3A_57, %swap3A_58], %add3A_56 {strides = array<i32>} : memref<2000x16xf32, #tpu.memory_space<vmem>>, vector<2000x16xf32>,
    return
  }
  func.func @transform_0(%arg0: i32) -> (i32, i32) {
    %c0_i32 = arith.constant 0 : i32
    %c0_i32_0 = arith.constant 0 : i32
    return %arg0, %c0_i32 : i32, i32
  }
  func.func @transform_1(%arg0: i32) -> (i32, i32) {
    %c0_i32 = arith.constant 0 : i32
    %c0_i32_0 = arith.constant 0 : i32
    return %arg0, %c0_i32 : i32, i32
  }
  func.func @transform_2(%arg0: i32) -> (i32, i32, i32) {
    %c0_i32 = arith.constant 0 : i32
    %c0_i32_0 = arith.constant 0 : i32
    %c0_i32_1 = arith.constant 0 : i32
    return %c0_i32, %arg0, %c0_i32_0 : i32, i32, i32
  }
  func.func @transform_3(%arg0: i32) -> (i32, i32, i32) {
    %c0_i32 = arith.constant 0 : i32
    %c0_i32_0 = arith.constant 0 : i32
    %c0_i32_1 = arith.constant 0 : i32
    return %c0_i32, %arg0, %c0_i32_0 : i32, i32, i32
  }
  func.func @transform_4(%arg0: i32) -> (i32, i32) {
    %c0_i32 = arith.constant 0 : i32
    %c0_i32_0 = arith.constant 0 : i32
    %c0_i32_1 = arith.constant 0 : i32
    return %c0_i32, %c0_i32_0 : i32, i32
  }
  func.func @transform_5(%arg0: i32) -> (i32, i32) {
    %c0_i32 = arith.constant 0 : i32
    %c0_i32_0 = arith.constant 0 : i32
    %c0_i32_1 = arith.constant 0 : i32
    return %c0_i32, %c0_i32_0 : i32, i32
  }
  func.func @transform_6(%arg0: i32) -> (i32, i32) {
    %c0_i32 = arith.constant 0 : i32
    %c0_i32_0 = arith.constant 0 : i32
    %c0_i32_1 = arith.constant 0 : i32
    return %c0_i32, %c0_i32_0 : i32, i32
  }
  func.func @transform_7(%arg0: i32) -> (i32, i32) {
    %c0_i32 = arith.constant 0 : i32
    %c0_i32_0 = arith.constant 0 : i32
    %c0_i32_1 = arith.constant 0 : i32
    return %c0_i32, %c0_i32_0 : i32, i32
  }
  func.func @transform_8(%arg0: i32) -> (i32, i32) {
    %c0_i32 = arith.constant 0 : i32
    %c0_i32_0 = arith.constant 0 : i32
    %c0_i32_1 = arith.constant 0 : i32
    return %c0_i32, %c0_i32_0 : i32, i32
  }
  func.func @transform_9(%arg0: i32) -> (i32, i32) {
    %c0_i32 = arith.constant 0 : i32
    %c0_i32_0 = arith.constant 0 : i32
    return %arg0, %c0_i32 : i32, i32
  }
  func.func @transform_10(%arg0: i32) -> (i32, i32) {
    %c0_i32 = arith.constant 0 : i32
    %c0_i32_0 = arith.constant 0 : i32
    return %arg0, %c0_i32 : i32, i32
  }
}

</mosaic_0001>

<sc_bundles>
// kernel: kernel.11.cloned.1.call-start
scs
__scs_entry_jumppad:
0x0: {  	(pc) =	sbr.rel $0x88, $3  }
0x1: {  	(tag) =	ssettag $0x0;
	lr =	simm.s32 $0x1  }
0x2: {  	[smem:$0x3F92] =	sst lr;
	_ =	strace $0xD0000000  }
0x3: {  	_ = 	snop  }
0x4: {  	_ = 	snop  }
0x5: {  	_ = 	snop  }
0x6: {  	_ = 	snop  }
0x7: {  	_ = 	snop  }
__scs_overlays_trampoline_lowered:
0x8: {  	[smem:$0x3FA1] =	sst s0  }
0x9: {  	[smem:$0x3FA2] =	sst s1  }
0xa: {  	[smem:$0x3FA3] =	sst s2  }
0xb: {  	[smem:$0x3FA4] =	sst s3  }
0xc: {  	[smem:$0x3FA5] =	sst s4  }
0xd: {  	[smem:$0x3FA6] =	sst s5  }
0xe: {  	[smem:$0x3FA7] =	sst s6  }
0xf: {  	[smem:$0x3FA8] =	sst s7  }
0x10: {  	[smem:$0x3FA9] =	sst s8  }
0x11: {  	[smem:$0x3FAA] =	sst s9;
	s0 =	simm.s32 @!p0 $0x0  }
0x12: {  	s1 =	sld [smem:$0x3F90];
	s0 =	simm.s32 @p0 $0x1  }
0x13: {  	[smem:$0x3FAB] =	sst s0;
	s0 =	simm.s32 @!p1 $0x0  }
0x14: {  	s2 =	sld [smem:$0x3F8F];
	s0 =	simm.s32 @p1 $0x1  }
0x15: {  	[smem:$0x3FAC] =	sst s0;
	s0 =	simm.s32 @!p2 $0x0  }
0x16: {  	s3 =	sld [smem:$0x3FDB];
	s0 =	simm.s32 @p2 $0x1  }
0x17: {  	s4 =	simm.s32 $0x1BF5;
	[smem:$0x3FAE] =	sst s0  }
0x18: {  	s0 =	sld [smem:$0x3F91];
	_ =	swait.ge [sflag:s4], $0x0  }
0x19: {  	s7 =	sld [smem:$0x3F92]  }
0x1a: {  	s8 =	sadd.s32 $0xFFFFE003, lr  }
0x1b: {  	s9 =	sadd.s32 $0xFFFFFEF7, lr;
	s5 =	simm.s32 $0xFFFFFFFF;
	p2 =	slt.u32 s8, $0xFFFFF086  }
0x1c: {  	p1 =	slt.u32 s9, $0xF7A;
	s5 =	simm.s32 @!p2 $0x0  }
0x1d: {  	s5 =	simm.s32 @p1 $0x1;
	p0 =	seq.s32 s7, s2  }
0x1e: {  	s7 =	smul.u32 @!p0 $0xF7A, s2;
	p2 =	seq.s32 @!p0 s5, $0x0  }
0x1f: {  	s9 =	smul.u32 $0xF7A, s1;
	s8 =	simm.s32 @!p0 $0x1BF5;
	p2 =	por !p2, p0  }
0x20: {  	[sflag:s8] =	ssyncset.s32 @!p0 $0xFFFFF086;
	s6 =	sadd.s32 @!p0 s3, s7;
	s7 =	simm.s32 @!p0 $0x108  }
0x21: {  	s3 =	sadd.s32 s3, s9;
	s6 =	sadd.s32 @!p0 $0x88, s6;
	s7 =	simm.s32 @p2 $0x1082  }
0x22: {  	[simem:s7], [sflag:s8] =	dma.local @!p0 [hbm:s6], $0xF7A  }
0x23: {  	s9 =	sor.u32 $0xD0000000, s2;
	s6 =	simm.s32 $0x108;
	_ =	swait.ge @!p0 [sflag:s8], $0x0  }
0x24: {  	s3 =	sadd.s32 $0x88, s3;
	s6 =	simm.s32 @!p1 $0x1082;
	[sflag:s4] =	ssyncset.s32 $0xFFFFF086  }
0x25: {  	[simem:s6], [sflag:s4] =	dma.local [hbm:s3], $0xF7A  }
0x26: {  	[smem:$0x3F92] =	sst s1;
	(tag) =	ssettag s2;
	_ =	strace s9  }
0x27: {  	s1 =	sld [smem:$0x3FA2]  }
0x28: {  	s2 =	sld [smem:$0x3FA3]  }
0x29: {  	s4 =	sld [smem:$0x3FA5]  }
0x2a: {  	p0 =	seq.s32 s5, $0x0;
	s5 =	sld [smem:$0x3FA6]  }
0x2b: {  	s6 =	sld [smem:$0x3FA7]  }
0x2c: {  	s7 =	sld [smem:$0x3FA8]  }
0x2d: {  	s3 =	simm.s32 $0x108;
	s8 =	sld [smem:$0x3FA9]  }
0x2e: {  	s3 =	simm.s32 @!p0 $0x1082;
	s9 =	sld [smem:$0x3FAA]  }
0x2f: {  	lr =	sadd.s32 s0, s3;
	s0 =	sld [smem:$0x3FA1]  }
0x30: {  	s3 =	sld [smem:$0x3FA4]  }
0x31: {  	[smem:$0x3FAD] =	sst s10  }
0x32: {  	s10 =	sld [smem:$0x3FAB];
	_ =	sdelay $0x3  }
0x33: {  	p0 =	seq.s32 s10, $0x1;
	s10 =	sld [smem:$0x3FAD];
	_ =	sdelay $0x3  }
0x34: {  	[smem:$0x3FAD] =	sst s10  }
0x35: {  	s10 =	sld [smem:$0x3FAC];
	_ =	sdelay $0x3  }
0x36: {  	p1 =	seq.s32 s10, $0x1;
	s10 =	sld [smem:$0x3FAD];
	_ =	sdelay $0x3  }
0x37: {  	[smem:$0x3FAD] =	sst s10  }
0x38: {  	s10 =	sld [smem:$0x3FAE]  }
0x39: {  	_ = 	snop;
	(pc) =	sbr.ind lr, $3  }
0x3a: {  	_ = 	snop  }
0x3b: {  	_ = 	snop  }
0x3c: {  	p2 =	seq.s32 s10, $0x1;
	s10 =	sld [smem:$0x3FAD]  }
0x3d: {  	_ =	shalt  }
0x3e: {  	_ =	shalt  }
0x3f: {  	_ =	shalt  }
0x40: {  	_ =	shalt  }
0x41: {  	_ =	shalt  }
0x42: {  	_ =	shalt  }
0x43: {  	_ =	shalt  }
0x44: {  	_ =	shalt  }
0x45: {  	_ =	shalt  }
0x46: {  	_ =	shalt  }
0x47: {  	_ =	shalt  }
0x48: {  	_ =	shalt  }
0x49: {  	_ =	shalt  }
0x4a: {  	_ =	shalt  }
0x4b: {  	_ =	shalt  }
0x4c: {  	_ =	shalt  }
0x4d: {  	_ =	shalt  }
0x4e: {  	_ =	shalt  }
0x4f: {  	_ =	shalt  }
0x50: {  	_ =	shalt  }
0x51: {  	_ =	shalt  }
0x52: {  	_ =	shalt  }
0x53: {  	_ =	shalt  }
0x54: {  	_ =	shalt  }
0x55: {  	_ =	shalt  }
0x56: {  	_ =	shalt  }
0x57: {  	_ =	shalt  }
0x58: {  	_ =	shalt  }
0x59: {  	_ =	shalt  }
0x5a: {  	_ =	shalt  }
0x5b: {  	_ =	shalt  }
0x5c: {  	_ =	shalt  }
0x5d: {  	_ =	shalt  }
0x5e: {  	_ =	shalt  }
0x5f: {  	_ =	shalt  }
0x60: {  	_ =	shalt  }
0x61: {  	_ =	shalt  }
0x62: {  	_ =	shalt  }
0x63: {  	_ =	shalt  }
0x64: {  	_ =	shalt  }
0x65: {  	_ =	shalt  }
0x66: {  	_ =	shalt  }
0x67: {  	_ =	shalt  }
0x68: {  	_ =	shalt  }
0x69: {  	_ =	shalt  }
0x6a: {  	_ =	shalt  }
0x6b: {  	_ =	shalt  }
0x6c: {  	_ =	shalt  }
0x6d: {  	_ =	shalt  }
0x6e: {  	_ =	shalt  }
0x6f: {  	_ =	shalt  }
0x70: {  	_ =	shalt  }
0x71: {  	_ =	shalt  }
0x72: {  	_ =	shalt  }
0x73: {  	_ =	shalt  }
0x74: {  	_ =	shalt  }
0x75: {  	_ =	shalt  }
0x76: {  	_ =	shalt  }
0x77: {  	_ =	shalt  }
0x78: {  	_ =	shalt  }
0x79: {  	_ =	shalt  }
0x7a: {  	_ =	shalt  }
0x7b: {  	_ =	shalt  }
0x7c: {  	_ =	shalt  }
0x7d: {  	_ =	shalt  }
0x7e: {  	_ =	shalt  }
0x7f: {  	_ =	shalt  }
0x80: {  	_ =	shalt  }
0x81: {  	_ =	shalt  }
0x82: {  	_ =	shalt  }
0x83: {  	_ =	shalt  }
0x84: {  	_ =	shalt  }
0x85: {  	_ =	shalt  }
0x86: {  	_ =	shalt  }
0x87: {  	_ =	shalt  }
.Lfunc_end0:
.L_simem_size_0:
called_computation_lowered:
.L_overlay_start_0:
0x88: {  	s2 =	sld [smem:$0x3FD9]  }
0x89: {  	s3 =	sld [smem:$0x3FFE];
	_ =	sdelay $0x1  }
0x8a: {  	s1 =	srdreg.scid  }
0x8b: {  	s0 =	sand.u32 $0x1, s1  }
0x8c: {  	s16 =	sshll.u32 s0, $0xA;
	s2 =	sadd.s32 s3, s2  }
0x8d: {  	s2 =	sadd.s32 s2, s16  }
0x8e: {  	[smem:$0x3FB9] =	sst s2  }
0x8f: {  	_ = 	snop  }
0x90: {  	(tm) =	ssettm $0x1  }
0x91: {  	s17 =	sld [smem:$0x3FFB];
	_ =	sdelay $0x3  }
0x92: {  	_ =	strace s17  }
0x93: {  	s2 =	sld [smem:$0x3FFC];
	_ =	sdelay $0x3  }
0x94: {  	_ =	strace s2  }
0x95: {  	s2 =	sld [smem:$0x3FFD];
	_ =	sdelay $0x3  }
0x96: {  	_ =	strace s2  }
0x97: {  	_ =	strace $0x8FFFFFFF  }
0x98: {  	s18 =	sld [smem:$0x3FDB];
	_ =	sdelay $0x1  }
0x99: {  	s19 =	simm.s32 $_scs_section_size  }
0x9a: {  	s4 =	simm.s32 $_size__tile_overlayer_lowered;
	s5 =	simm.s32 $_tile_overlayer_lowered  }
0x9b: {  	s22 =	simm.s32 $0x1BFF;
	s21 =	sshll.u32 s5, $0x1;
	s2 =	sadd.s32 s19, s18  }
0x9c: {  	s6 =	simm.s32 $0x0;
	s20 =	sshll.u32 s4, $0x1;
	s4 =	sadd.s32 s21, s2  }
0x9d: {  	[timem:s6], [sflag:s22] =	dma.local [hbm:s4], s20  }
0x9e: {  	_ =	swait.ge [sflag:s22], s20  }
0x9f: {  	s3 =	ssub.s32 $0x0, s20;
	[sflag:s22] =	ssyncset.done $0x0  }
0xa0: {  	[sflag:s22] =	ssyncadd.s32 s3;
	_ =	sdelay $0x1  }
0xa1: {  	s23 =	simm.s32 $0x1B8B  }
0xa2: {  	_ =	swait.ge [sflag:s23], $0x1  }
0xa3: {  	[sflag:s23] =	ssyncset.done $0x0  }
0xa4: {  	s25 =	simm.s32 $0x1B8E;
	s24 =	sld [smem:$0x3FFE];
	[sflag:s23] =	ssyncadd.s32 $0xFFFFFFFF  }
0xa5: {  	s26 =	simm.s32 $execute0_lowered;
	[smem:$0x3FD2] =	sst s25  }
0xa6: {  	s4 =	sshll.u32 s26, $0x1;
	_ =	strace $0x80000046;
	[dreg:$0x1] =	wrdreg $0xFFFFFFFF  }
0xa7: {  	s28 =	simm.s32 $_size_execute0_lowered;
	s2 =	sadd.s32 s2, s4;
	[dreg:$0x0] =	wrdreg $0x0  }
0xa8: {  	s4 =	sshll.u32 s28, $0x1;
	[dreg:$0x2] =	wrdreg s2  }
0xa9: {  	[dreg:$0x3] =	wrdreg s4  }
0xaa: {  	[dreg:$0x4] =	wrdreg $0xC0  }
0xab: {  	_ =	task [dreg:s6], $0x5FFFF  }
0xac: {  	[dreg:$0x1] =	wrdreg $0xFFFFFFFF  }
0xad: {  	[dreg:$0x0] =	wrdreg $0x60  }
0xae: {  	[dreg:$0x2] =	wrdreg s24  }
0xaf: {  	[dreg:$0x3] =	wrdreg $0x9  }
0xb0: {  	_ =	task.clear_ibuf [dreg:s6], $0x4FFFF;
	_ =	strace $0x90000046  }
0xb1: {  	s29 =	simm.s32 $0x9;
	_ =	strace $0x80000048  }
0xb2: {  	_ =	swait.ge [sflag:s29], $0x1  }
0xb3: {  	[sflag:s29] =	ssyncadd.s32 $0xFFFFFFFF  }
0xb4: {  	_ =	strace $0x90000048  }
0xb5: {  	_ =	sfence  }
0xb6: {  	s30 =	sld [smem:$0x0];
	_ =	sdelay $0x2  }
0xb7: {  	s31 =	sshll.u32 s1, $0xD;
	s1 =	sshrl.u32 s1, $0x2  }
0xb8: {  	s3 =	sand.u32 $0x4000, s31;
	s1 =	sadd.s32 s1, s30  }
0xb9: {  	s0 =	sor.u32 s3, s0;
	s1 =	sshll.u32 s1, $0x11  }
0xba: {  	s0 =	sor.u32 s1, s0  }
0xbb: {  	s0 =	sadd.s32 $0x8F2B, s0  }
0xbc: {  	[sflag:s0] =	ssyncadd.remote.s32 $0x1  }
0xbd: {  	_ =	sfence.sel $0xFFFF  }
0xbe: {  	[dreg:$0x0] =	wrdreg $0xFFFFFFFF;
	(pc) =	sbr.abs _section_cstart, $3  }
0xbf: {  	[dreg:$0x1] =	wrdreg $0xFFFFFFFF  }
0xc0: {  	_ =	task.clear_ibuf [dreg:s6], $0x2FFFF;
	_ =	strace $0x9FFFFFFF  }
0xc1: {  	(tm) =	ssettm $0x7FFFFFFF  }
tec
execute0_lowered:
.L_overlay_start_1:
0x0: {  	(tag) =	ssettag $0x1  }
0x1: {  	s0 =	srdreg.scid  }
0x2: {  	s1 =	stileid.u32;
	s6 =	sand.u32 $0x1, s0  }
0x3: {  	s3 =	sor.u32 s6, s1  }
0x4: {  	p0 =	sne.s32 s3, $0x0  }
.Ltmp0:
0x5: {  	_ = 	snop;
	(pc) =	sbr.rel @p0 .LBB2_4-.Ltmp0, $4  }
0x6: {  	_ = 	snop  }
0x7: {  	s5 =	rddreg [dreg:$0x0];
	s2 =	simm.s32 $0x0  }
0x8: {  	[smem:$0x7FF] =	sst s2  }
0x9: {  	s0 =	rddreg [dreg:$0x1];
	_ =	strace $0x80000047  }
0xa: {  	s4 =	sadd.s32 $0x6200, s5;
	s6 =	ssub.s32 $0x2, s6  }
0xb: {  	[tilespmem:s2], [sflag:$0x1] =	stream.linear.gather [hbm4b:s4+s2], $0x400, $0x38;
	[tilespmem:$0x400] =	vst v63  }
0xc: {  	s7 =	sshrl.u32 s6, $0x1  }
0xd: {  	s3 =	simm.s32 $0x1;
	s6 =	ssub.s32 s6, s7  }
0xe: {  	_ =	swait.ge [sflag:s3], $0x400;
	p0 =	sne.s32 s6, $0x1  }
.Ltmp1:
0xf: {  	[sflag:s3] =	ssyncset.done $0x0;
	(pc) =	sbr.rel @!p0 .LBB2_3-.Ltmp1, $4  }
0x10: {  	s5 =	sadd.s32 $0x54800, s5;
	[sflag:s3] =	ssyncadd.s32 $0xFFFFFC00  }
0x11: {  	[hbm4b:s5+s2] =	stream.linear.scatter [tilespmem:s2], [sflag:$0x1], $0x400, $0x38;
	[tilespmem:$0x400] =	vst v63  }
0x12: {  	_ =	swait.ge [sflag:s3], $0x400  }
0x13: {  	s6 =	sadd.s32 $0xFFFFFFFF, s6;
	[sflag:s3] =	ssyncset.done $0x0  }
.LBB2_2:
0x14: {  	p0 =	sne.s32 s6, $0x1;
	s6 =	sadd.s32 $0xFFFFFFFF, s6;
	[sflag:s3] =	ssyncadd.s32 $0xFFFFFC00  }
0x15: {  	[tilespmem:s2], [sflag:$0x1] =	stream.linear.gather [hbm4b:s4+s2], $0x400, $0x38;
	[tilespmem:$0x400] =	vst v63  }
0x16: {  	_ =	swait.ge [sflag:s3], $0x400  }
.Ltmp2:
0x17: {  	[sflag:s3] =	ssyncset.done $0x0;
	(pc) =	sbr.rel @p0 .LBB2_2-.Ltmp2, $4  }
0x18: {  	[sflag:s3] =	ssyncadd.s32 $0xFFFFFC00  }
0x19: {  	[hbm4b:s5+s2] =	stream.linear.scatter [tilespmem:s2], [sflag:$0x1], $0x400, $0x38;
	[tilespmem:$0x400] =	vst v63  }
0x1a: {  	_ =	swait.ge [sflag:s3], $0x400  }
0x1b: {  	[sflag:s3] =	ssyncset.done $0x0  }
.LBB2_3:
0x1c: {  	[sflag:s3] =	ssyncadd.s32 $0xFFFFFC00  }
.LBB2_4:
0x1d: {  	_ =	sfence.sel $0x180000  }
0x1e: {  	[bflag:$0x0] =	sbarrier.arrive $0xFFFF  }
0x1f: {  	p0 =	sne.s32 s1, $0x0;
	_ =	strace $0x90000047  }
0x20: {  	s0 =	sadd.s32 @!p0 $0x100000, s0;
	[bflag:$0x2] =	sbarrier.arrive $0xFFFF  }
0x21: {  	[sflag:s0] =	ssyncadd.tile.s32 @!p0 $0x1;
	_ =	shalt  }
.Lfunc_end2:
_tile_overlayer_lowered:
.L_overlay_start_2:
0x22: {  	(tag) =	ssettag $0x2  }
0x23: {  	s0 =	rddreg [dreg:$0x0];
	s2 =	stileid.u32  }
0x24: {  	s1 =	rddreg [dreg:$0x1];
	p0 =	sne.s32 s2, $0x0  }
0x25: {  	s3 =	rddreg [dreg:$0x2];
	[bflag:$0x3] =	sbarrier.arrive $0xFFFF;
	s2 =	simm.s32 @!p0 $0x1C01  }
0x26: {  	[timem:s3], [sflag:s2] =	dma.local @!p0 [hbm:s0], s1  }
0x27: {  	s0 =	simm.s32 @!p0 $0x1  }
0x28: {  	_ =	swait.ge @!p0 [sflag:s0], s1  }
0x29: {  	s1 =	ssub.s32 @!p0 $0x0, s1;
	[sflag:s0] =	ssyncset.done @!p0 $0x0  }
0x2a: {  	[sflag:s0] =	ssyncadd.s32 @!p0 s1  }
0x2b: {  	[bflag:$0x3] =	sbarrier.arrive $0xFFFF  }
0x2c: {  	_ =	shalt  }

// kernel: kernel.14.cloned.1.call-start
scs
__scs_entry_jumppad:
0x0: {  	(pc) =	sbr.rel $0x88, $3  }
0x1: {  	(tag) =	ssettag $0x0;
	lr =	simm.s32 $0x1  }
0x2: {  	[smem:$0x3F92] =	sst lr;
	_ =	strace $0xD0000000  }
0x3: {  	_ = 	snop  }
0x4: {  	_ = 	snop  }
0x5: {  	_ = 	snop  }
0x6: {  	_ = 	snop  }
0x7: {  	_ = 	snop  }
__scs_overlays_trampoline_lowered:
0x8: {  	[smem:$0x3FA1] =	sst s0  }
0x9: {  	[smem:$0x3FA2] =	sst s1  }
0xa: {  	[smem:$0x3FA3] =	sst s2  }
0xb: {  	[smem:$0x3FA4] =	sst s3  }
0xc: {  	[smem:$0x3FA5] =	sst s4  }
0xd: {  	[smem:$0x3FA6] =	sst s5  }
0xe: {  	[smem:$0x3FA7] =	sst s6  }
0xf: {  	[smem:$0x3FA8] =	sst s7  }
0x10: {  	[smem:$0x3FA9] =	sst s8  }
0x11: {  	[smem:$0x3FAA] =	sst s9;
	s0 =	simm.s32 @!p0 $0x0  }
0x12: {  	s1 =	sld [smem:$0x3F90];
	s0 =	simm.s32 @p0 $0x1  }
0x13: {  	[smem:$0x3FAB] =	sst s0;
	s0 =	simm.s32 @!p1 $0x0  }
0x14: {  	s2 =	sld [smem:$0x3F8F];
	s0 =	simm.s32 @p1 $0x1  }
0x15: {  	[smem:$0x3FAC] =	sst s0;
	s0 =	simm.s32 @!p2 $0x0  }
0x16: {  	s3 =	sld [smem:$0x3FDB];
	s0 =	simm.s32 @p2 $0x1  }
0x17: {  	s4 =	simm.s32 $0x1BF5;
	[smem:$0x3FAE] =	sst s0  }
0x18: {  	s0 =	sld [smem:$0x3F91];
	_ =	swait.ge [sflag:s4], $0x0  }
0x19: {  	s7 =	sld [smem:$0x3F92]  }
0x1a: {  	s8 =	sadd.s32 $0xFFFFE003, lr  }
0x1b: {  	s9 =	sadd.s32 $0xFFFFFEF7, lr;
	s5 =	simm.s32 $0xFFFFFFFF;
	p2 =	slt.u32 s8, $0xFFFFF086  }
0x1c: {  	p1 =	slt.u32 s9, $0xF7A;
	s5 =	simm.s32 @!p2 $0x0  }
0x1d: {  	s5 =	simm.s32 @p1 $0x1;
	p0 =	seq.s32 s7, s2  }
0x1e: {  	s7 =	smul.u32 @!p0 $0xF7A, s2;
	p2 =	seq.s32 @!p0 s5, $0x0  }
0x1f: {  	s9 =	smul.u32 $0xF7A, s1;
	s8 =	simm.s32 @!p0 $0x1BF5;
	p2 =	por !p2, p0  }
0x20: {  	[sflag:s8] =	ssyncset.s32 @!p0 $0xFFFFF086;
	s6 =	sadd.s32 @!p0 s3, s7;
	s7 =	simm.s32 @!p0 $0x108  }
0x21: {  	s3 =	sadd.s32 s3, s9;
	s6 =	sadd.s32 @!p0 $0x88, s6;
	s7 =	simm.s32 @p2 $0x1082  }
0x22: {  	[simem:s7], [sflag:s8] =	dma.local @!p0 [hbm:s6], $0xF7A  }
0x23: {  	s9 =	sor.u32 $0xD0000000, s2;
	s6 =	simm.s32 $0x108;
	_ =	swait.ge @!p0 [sflag:s8], $0x0  }
0x24: {  	s3 =	sadd.s32 $0x88, s3;
	s6 =	simm.s32 @!p1 $0x1082;
	[sflag:s4] =	ssyncset.s32 $0xFFFFF086  }
0x25: {  	[simem:s6], [sflag:s4] =	dma.local [hbm:s3], $0xF7A  }
0x26: {  	[smem:$0x3F92] =	sst s1;
	(tag) =	ssettag s2;
	_ =	strace s9  }
0x27: {  	s1 =	sld [smem:$0x3FA2]  }
0x28: {  	s2 =	sld [smem:$0x3FA3]  }
0x29: {  	s4 =	sld [smem:$0x3FA5]  }
0x2a: {  	p0 =	seq.s32 s5, $0x0;
	s5 =	sld [smem:$0x3FA6]  }
0x2b: {  	s6 =	sld [smem:$0x3FA7]  }
0x2c: {  	s7 =	sld [smem:$0x3FA8]  }
0x2d: {  	s3 =	simm.s32 $0x108;
	s8 =	sld [smem:$0x3FA9]  }
0x2e: {  	s3 =	simm.s32 @!p0 $0x1082;
	s9 =	sld [smem:$0x3FAA]  }
0x2f: {  	lr =	sadd.s32 s0, s3;
	s0 =	sld [smem:$0x3FA1]  }
0x30: {  	s3 =	sld [smem:$0x3FA4]  }
0x31: {  	[smem:$0x3FAD] =	sst s10  }
0x32: {  	s10 =	sld [smem:$0x3FAB];
	_ =	sdelay $0x3  }
0x33: {  	p0 =	seq.s32 s10, $0x1;
	s10 =	sld [smem:$0x3FAD];
	_ =	sdelay $0x3  }
0x34: {  	[smem:$0x3FAD] =	sst s10  }
0x35: {  	s10 =	sld [smem:$0x3FAC];
	_ =	sdelay $0x3  }
0x36: {  	p1 =	seq.s32 s10, $0x1;
	s10 =	sld [smem:$0x3FAD];
	_ =	sdelay $0x3  }
0x37: {  	[smem:$0x3FAD] =	sst s10  }
0x38: {  	s10 =	sld [smem:$0x3FAE]  }
0x39: {  	_ = 	snop;
	(pc) =	sbr.ind lr, $3  }
0x3a: {  	_ = 	snop  }
0x3b: {  	_ = 	snop  }
0x3c: {  	p2 =	seq.s32 s10, $0x1;
	s10 =	sld [smem:$0x3FAD]  }
0x3d: {  	_ =	shalt  }
0x3e: {  	_ =	shalt  }
0x3f: {  	_ =	shalt  }
0x40: {  	_ =	shalt  }
0x41: {  	_ =	shalt  }
0x42: {  	_ =	shalt  }
0x43: {  	_ =	shalt  }
0x44: {  	_ =	shalt  }
0x45: {  	_ =	shalt  }
0x46: {  	_ =	shalt  }
0x47: {  	_ =	shalt  }
0x48: {  	_ =	shalt  }
0x49: {  	_ =	shalt  }
0x4a: {  	_ =	shalt  }
0x4b: {  	_ =	shalt  }
0x4c: {  	_ =	shalt  }
0x4d: {  	_ =	shalt  }
0x4e: {  	_ =	shalt  }
0x4f: {  	_ =	shalt  }
0x50: {  	_ =	shalt  }
0x51: {  	_ =	shalt  }
0x52: {  	_ =	shalt  }
0x53: {  	_ =	shalt  }
0x54: {  	_ =	shalt  }
0x55: {  	_ =	shalt  }
0x56: {  	_ =	shalt  }
0x57: {  	_ =	shalt  }
0x58: {  	_ =	shalt  }
0x59: {  	_ =	shalt  }
0x5a: {  	_ =	shalt  }
0x5b: {  	_ =	shalt  }
0x5c: {  	_ =	shalt  }
0x5d: {  	_ =	shalt  }
0x5e: {  	_ =	shalt  }
0x5f: {  	_ =	shalt  }
0x60: {  	_ =	shalt  }
0x61: {  	_ =	shalt  }
0x62: {  	_ =	shalt  }
0x63: {  	_ =	shalt  }
0x64: {  	_ =	shalt  }
0x65: {  	_ =	shalt  }
0x66: {  	_ =	shalt  }
0x67: {  	_ =	shalt  }
0x68: {  	_ =	shalt  }
0x69: {  	_ =	shalt  }
0x6a: {  	_ =	shalt  }
0x6b: {  	_ =	shalt  }
0x6c: {  	_ =	shalt  }
0x6d: {  	_ =	shalt  }
0x6e: {  	_ =	shalt  }
0x6f: {  	_ =	shalt  }
0x70: {  	_ =	shalt  }
0x71: {  	_ =	shalt  }
0x72: {  	_ =	shalt  }
0x73: {  	_ =	shalt  }
0x74: {  	_ =	shalt  }
0x75: {  	_ =	shalt  }
0x76: {  	_ =	shalt  }
0x77: {  	_ =	shalt  }
0x78: {  	_ =	shalt  }
0x79: {  	_ =	shalt  }
0x7a: {  	_ =	shalt  }
0x7b: {  	_ =	shalt  }
0x7c: {  	_ =	shalt  }
0x7d: {  	_ =	shalt  }
0x7e: {  	_ =	shalt  }
0x7f: {  	_ =	shalt  }
0x80: {  	_ =	shalt  }
0x81: {  	_ =	shalt  }
0x82: {  	_ =	shalt  }
0x83: {  	_ =	shalt  }
0x84: {  	_ =	shalt  }
0x85: {  	_ =	shalt  }
0x86: {  	_ =	shalt  }
0x87: {  	_ =	shalt  }
.Lfunc_end0:
.L_simem_size_0:
called_computation.1_lowered:
.L_overlay_start_0:
0x88: {  	s2 =	sld [smem:$0x3FD9]  }
0x89: {  	s3 =	sld [smem:$0x3FFE];
	_ =	sdelay $0x1  }
0x8a: {  	s1 =	srdreg.scid  }
0x8b: {  	s0 =	sand.u32 $0x1, s1  }
0x8c: {  	s17 =	sshll.u32 s0, $0xA;
	s2 =	sadd.s32 s3, s2  }
0x8d: {  	s2 =	sadd.s32 s2, s17  }
0x8e: {  	[smem:$0x3FB9] =	sst s2  }
0x8f: {  	_ = 	snop  }
0x90: {  	(tm) =	ssettm $0x1  }
0x91: {  	s18 =	sld [smem:$0x3FFB];
	_ =	sdelay $0x3  }
0x92: {  	_ =	strace s18  }
0x93: {  	s2 =	sld [smem:$0x3FFC];
	_ =	sdelay $0x3  }
0x94: {  	_ =	strace s2  }
0x95: {  	s2 =	sld [smem:$0x3FFD];
	_ =	sdelay $0x3  }
0x96: {  	_ =	strace s2  }
0x97: {  	_ =	strace $0x8FFFFFFF  }
0x98: {  	s19 =	sld [smem:$0x3FDB];
	_ =	sdelay $0x1  }
0x99: {  	s20 =	simm.s32 $_scs_section_size  }
0x9a: {  	s4 =	simm.s32 $_size__tile_overlayer_lowered;
	s5 =	simm.s32 $_tile_overlayer_lowered  }
0x9b: {  	s6 =	simm.s32 $0x1BFF;
	s21 =	sshll.u32 s5, $0x1;
	s3 =	sadd.s32 s20, s19  }
0x9c: {  	s22 =	simm.s32 $0x0;
	s4 =	sshll.u32 s4, $0x1;
	s5 =	sadd.s32 s21, s3  }
0x9d: {  	[timem:s22], [sflag:s6] =	dma.local [hbm:s5], s4  }
0x9e: {  	_ =	swait.ge [sflag:s6], s4  }
0x9f: {  	s4 =	ssub.s32 $0x0, s4;
	[sflag:s6] =	ssyncset.done $0x0  }
0xa0: {  	[sflag:s6] =	ssyncadd.s32 s4;
	_ =	sdelay $0x1  }
0xa1: {  	s23 =	simm.s32 $0x1B8B  }
0xa2: {  	_ =	swait.ge [sflag:s23], $0x1  }
0xa3: {  	[sflag:s23] =	ssyncset.done $0x0  }
0xa4: {  	[sflag:s23] =	ssyncadd.s32 $0xFFFFFFFF  }
0xa5: {  	s4 =	sld [smem:$0x0]  }
0xa6: {  	s5 =	sand.u32 $0xFFFFFFFE, s1  }
0xa7: {  	p0 =	sne.s32 s1, s5  }
0xa8: {  	s5 =	sshll.u32 @p0 s5, $0xE  }
0xa9: {  	s5 =	sadd.s32 @p0 $0x11B8D, s5;
	s6 =	sshll.u32 @p0 s4, $0x11  }
0xaa: {  	s5 =	sor.u32 @p0 s6, s5  }
0xab: {  	[sflag:s5] =	ssyncadd.remote.s32 @p0 $0x1;
	_ =	sdelay $0x1  }
0xac: {  	s5 =	simm.s32 @p0 $0x1B8D  }
0xad: {  	_ =	swait.eq @p0 [sflag:s5], $0x1  }
0xae: {  	[sflag:s5] =	ssyncadd.s32 @p0 $0xFFFFFFFF  }
0xaf: {  	s6 =	sshll.u32 @!p0 s1, $0xE  }
0xb0: {  	s6 =	sor.u32 @!p0 $0x4000, s6;
	s5 =	simm.s32 @!p0 $0x1B8D  }
0xb1: {  	s4 =	sshll.u32 @!p0 s4, $0x11;
	s6 =	sadd.s32 @!p0 $0x11B8D, s6;
	_ =	swait.eq @!p0 [sflag:s5], $0x1  }
0xb2: {  	s4 =	sor.u32 @!p0 s4, s6;
	[sflag:s5] =	ssyncadd.s32 @!p0 $0xFFFFFFFF  }
0xb3: {  	s25 =	simm.s32 $0x1B8E;
	s24 =	sld [smem:$0x3FFE];
	[sflag:s4] =	ssyncadd.remote.s32 @!p0 $0x1  }
0xb4: {  	s26 =	simm.s32 $execute0_lowered;
	[smem:$0x3FD2] =	sst s25  }
0xb5: {  	s5 =	sshll.u32 s26, $0x1;
	_ =	strace $0x8000004C;
	[dreg:$0x1] =	wrdreg $0xFFFFFFFF  }
0xb6: {  	s28 =	simm.s32 $_size_execute0_lowered;
	s3 =	sadd.s32 s3, s5;
	[dreg:$0x0] =	wrdreg $0x0  }
0xb7: {  	s5 =	sshll.u32 s28, $0x1;
	[dreg:$0x2] =	wrdreg s3  }
0xb8: {  	[dreg:$0x3] =	wrdreg s5  }
0xb9: {  	[dreg:$0x4] =	wrdreg $0xC0  }
0xba: {  	_ =	task [dreg:s22], $0x5FFFF  }
0xbb: {  	[dreg:$0x1] =	wrdreg $0xFFFFFFFF  }
0xbc: {  	[dreg:$0x0] =	wrdreg $0x60  }
0xbd: {  	[dreg:$0x2] =	wrdreg s24  }
0xbe: {  	[dreg:$0x3] =	wrdreg $0x9  }
0xbf: {  	_ =	task.clear_ibuf [dreg:s22], $0x4FFFF;
	_ =	strace $0x9000004C  }
0xc0: {  	s29 =	simm.s32 $0x9;
	_ =	strace $0x8000004E  }
0xc1: {  	_ =	swait.ge [sflag:s29], $0x1  }
0xc2: {  	[sflag:s29] =	ssyncadd.s32 $0xFFFFFFFF  }
0xc3: {  	_ =	strace $0x9000004E  }
0xc4: {  	_ =	sfence  }
0xc5: {  	s30 =	sld [smem:$0x0];
	_ =	sdelay $0x2  }
0xc6: {  	s31 =	sshll.u32 s1, $0xD;
	s1 =	sshrl.u32 s1, $0x2  }
0xc7: {  	s4 =	sand.u32 $0x4000, s31;
	s1 =	sadd.s32 s1, s30  }
0xc8: {  	s0 =	sor.u32 s4, s0;
	s1 =	sshll.u32 s1, $0x11  }
0xc9: {  	s0 =	sor.u32 s1, s0  }
0xca: {  	s0 =	sadd.s32 $0x8F2B, s0  }
0xcb: {  	[sflag:s0] =	ssyncadd.remote.s32 $0x1  }
0xcc: {  	_ =	sfence.sel $0xFFFF  }
0xcd: {  	[dreg:$0x0] =	wrdreg $0xFFFFFFFF;
	(pc) =	sbr.abs _section_cstart, $3  }
0xce: {  	[dreg:$0x1] =	wrdreg $0xFFFFFFFF  }
0xcf: {  	_ =	task.clear_ibuf [dreg:s22], $0x2FFFF;
	_ =	strace $0x9FFFFFFF  }
0xd0: {  	(tm) =	ssettm $0x7FFFFFFF  }
0xd1: {  	_ =	shalt  }
tec
execute0_lowered:
.L_overlay_start_1:
0x0: {  	(tag) =	ssettag $0x1  }
0x1: {  	s0 =	rddreg [dreg:$0x0]  }
0x2: {  	s1 =	simm.s32 $0x0;
	s2 =	srdreg.scid;
	s6 =	stileid.u32  }
0x3: {  	s19 =	simm.s32 $0x5;
	s20 =	simm.s32 $0x100;
	s21 =	simm.s32 $0x80  }
0x4: {  	s28 =	simm.s32 $0x1;
	s29 =	simm.s32 $0x3;
	s30 =	simm.s32 $0x2  }
0x5: {  	s31 =	simm.s32 $0x4;
	[smem:$0x7FF] =	sst s1;
	s3 =	sadd.s32 $0x6200, s0  }
0x6: {  	s4 =	sadd.s32 $0x2D400, s0;
	s5 =	sadd.s32 $0x63800, s0;
	s2 =	sand.u32 $0x1, s2  }
0x7: {  	s7 =	sshll.u32 s6, $0x1;
	s6 =	sadd.s32 $0x59800, s0;
	s15 =	sadd.s32 $0x2F8800, s0  }
0x8: {  	_ =	strace $0x8000004D;
	s8 =	ssub.s32 $0x2, s2;
	s2 =	sor.u32 s2, s7  }
0x9: {  	s7 =	sadd.s32 $0x2E8800, s0;
	s0 =	simm.s32 $0x0;
	s9 =	sshrl.u32 s8, $0x1  }
0xa: {  	s10 =	sshll.u32 s2, $0x4;
	s11 =	sshll.u32 s2, $0xB;
	s13 =	sor.u32 $0x40, s2  }
0xb: {  	s14 =	sor.u32 $0x60, s2;
	s8 =	ssub.s32 s8, s9;
	s22 =	sadd.s32 s5, s10  }
0xc: {  	s23 =	sor.u32 $0x200, s10;
	s10 =	sadd.s32 s6, s10;
	[dreg:$0x2] =	wrdreg s22  }
0xd: {  	s25 =	sadd.s32 s11, s7;
	[dreg:$0x3] =	wrdreg s10;
	s24 =	sadd.s32 s5, s23  }
0xe: {  	s9 =	sadd.s32 s6, s23;
	s26 =	sadd.s32 $0x260000, s25;
	s17 =	sadd.s32 $0x270000, s25  }
0xf: {  	s18 =	smax.u32 s8, $0x1;
	s22 =	simm.s32 $0x200;
	[dreg:$0x4] =	wrdreg s24  }
0x10: {  	s23 =	simm.s32 $0x8200;
	s25 =	simm.s32 $0x4200;
	[dreg:$0x5] =	wrdreg s9  }
0x11: {  	[dreg:$0x6] =	wrdreg s26;
	s24 =	simm.s32 $0x180;
	s26 =	simm.s32 $0xC200  }
.LBB2_1:
0x12: {  	s2 =	rddreg [dreg:$0x2]  }
0x13: {  	[tilespmem:s1], [sflag:$0x5] =	stream.linear.gather [hbm4b:s2+s1], $0x80, $0x38;
	[tilespmem:$0x10200] =	vst v63  }
0x14: {  	_ =	swait.ge [sflag:s19], $0x80  }
0x15: {  	[sflag:s19] =	ssyncset.done $0x0  }
0x16: {  	s10 =	rddreg [dreg:$0x3];
	[sflag:s19] =	ssyncadd.s32 $0xFFFFFF80  }
0x17: {  	[tilespmem:s20], [sflag:$0x5] =	stream.linear.gather [hbm4b:s10+s1], $0x80, $0x38;
	[tilespmem:$0x10200] =	vst v63  }
0x18: {  	_ =	swait.ge [sflag:s19], $0x80  }
0x19: {  	[sflag:s19] =	ssyncset.done $0x0  }
0x1a: {  	[sflag:s19] =	ssyncadd.s32 $0xFFFFFF80  }
0x1b: {  	[tilespmem:s22], [sflag:$0x1] =	stream.indirect.gather [hbm4b:s3+s21], $0x80, s1, s21, $0xb8;
	[tilespmem:$0x10200] =	vst v63  }
0x1c: {  	_ = 	snop  }
0x1d: {  	[tilespmem:s23], [sflag:$0x3] =	stream.indirect.gather [hbm4b:s4+s21], $0x80, s20, s21, $0xb8;
	[tilespmem:$0x10200] =	vst v63  }
0x1e: {  	s12 =	rddreg [dreg:$0x4]  }
0x1f: {  	[tilespmem:s21], [sflag:$0x5] =	stream.linear.gather [hbm4b:s12+s1], $0x80, $0x38;
	[tilespmem:$0x10200] =	vst v63  }
0x20: {  	_ =	swait.ge [sflag:s19], $0x80  }
0x21: {  	[sflag:s19] =	ssyncset.done $0x0  }
0x22: {  	s16 =	rddreg [dreg:$0x5];
	[sflag:s19] =	ssyncadd.s32 $0xFFFFFF80  }
0x23: {  	[tilespmem:s24], [sflag:$0x5] =	stream.linear.gather [hbm4b:s16+s1], $0x80, $0x38;
	[tilespmem:$0x10200] =	vst v63  }
0x24: {  	_ =	swait.ge [sflag:s19], $0x80  }
0x25: {  	[sflag:s19] =	ssyncset.done $0x0  }
0x26: {  	[sflag:s19] =	ssyncadd.s32 $0xFFFFFF80  }
0x27: {  	[tilespmem:s25], [sflag:$0x2] =	stream.indirect.gather [hbm4b:s3+s21], $0x80, s21, s21, $0xb8;
	[tilespmem:$0x10200] =	vst v63  }
0x28: {  	s2 =	simm.s32 $0x0  }
0x29: {  	[tilespmem:s26], [sflag:$0x4] =	stream.indirect.gather [hbm4b:s4+s21], $0x80, s24, s21, $0xb8;
	[tilespmem:$0x10200] =	vst v63  }
.LBB2_2:
0x2a: {  	_ =	swait.ge [sflag:s28], $0x4000  }
0x2b: {  	[sflag:s28] =	ssyncset.done $0x0  }
0x2c: {  	[sflag:s28] =	ssyncadd.s32 $0xFFFFC000  }
0x2d: {  	_ =	swait.ge [sflag:s29], $0x4000  }
0x2e: {  	[sflag:s29] =	ssyncset.done $0x0  }
0x2f: {  	s9 =	simm.s32 $0x0;
	[sflag:s29] =	ssyncadd.s32 $0xFFFFC000  }
0x30: {  	v3 =	vld [tilespmem:s9+$0x8200]  }
0x31: {  	v4 =	vld [tilespmem:s9+$0x8210]  }
0x32: {  	v2 =	vld [tilespmem:s9+$0x8220]  }
0x33: {  	v1 =	vld [tilespmem:s9+$0x8230]  }
0x34: {  	v0 =	vld [tilespmem:s9+$0x8240]  }
0x35: {  	v7 =	vld [tilespmem:s9+$0x200]  }
0x36: {  	v8 =	vld [tilespmem:s9+$0x210]  }
0x37: {  	v6 =	vld [tilespmem:s9+$0x220]  }
0x38: {  	s8 =	simm.s32 $0x200;
	v5 =	vld [tilespmem:s9+$0x230]  }
.LBB2_3:
0x39: {  	s10 =	sshra.s32 s8, $0x2;
	p0 =	sne.s32 s8, $0xFE00;
	v9 =	vld [tilespmem:s9+$0x240]  }
0x3a: {  	v7 =	vadd.f32 v3, v7;
	v3 =	vld [tilespmem:s10+$0x8200]  }
0x3b: {  	v8 =	vadd.f32 v4, v8;
	v4 =	vld [tilespmem:s10+$0x8210]  }
0x3c: {  	[tilespmem:s9+$0x200] =	vst v7;
	v6 =	vadd.f32 v2, v6;
	v2 =	vld [tilespmem:s10+$0x8220]  }
0x3d: {  	[tilespmem:s9+$0x210] =	vst v8;
	v5 =	vadd.f32 v1, v5;
	v1 =	vld [tilespmem:s10+$0x8230]  }
.Ltmp0:
0x3e: {  	[tilespmem:s9+$0x220] =	vst v6;
	v6 =	vsub.f32 v0, v9;
	v0 =	vld [tilespmem:s10+$0x8240];
	(pc) =	sbr.rel @p0 .LBB2_3-.Ltmp0, $4  }
0x3f: {  	v7 =	vld [tilespmem:s10+$0x200];
	[tilespmem:s9+$0x230] =	vst v5  }
0x40: {  	v8 =	vld [tilespmem:s10+$0x210];
	[tilespmem:s9+$0x240] =	vst v6;
	s9 =	smov.u32 s10  }
0x41: {  	v6 =	vld [tilespmem:s9+$0x220]  }
0x42: {  	s8 =	sadd.s32 $0x200, s8;
	v5 =	vld [tilespmem:s9+$0x230]  }
0x43: {  	v9 =	vld [tilespmem:s9+$0x240]  }
0x44: {  	v3 =	vadd.f32 v3, v7  }
0x45: {  	v4 =	vadd.f32 v4, v8  }
0x46: {  	[tilespmem:s9+$0x200] =	vst v3;
	v2 =	vadd.f32 v2, v6  }
0x47: {  	[tilespmem:s9+$0x210] =	vst v4;
	v1 =	vadd.f32 v1, v5  }
0x48: {  	s8 =	sshll.u32 s2, $0x11;
	[tilespmem:s9+$0x220] =	vst v2;
	v0 =	vsub.f32 v0, v9  }
0x49: {  	s8 =	sor.u32 s11, s8;
	[tilespmem:s9+$0x230] =	vst v1  }
0x4a: {  	s10 =	simm.s32 $0x0;
	s16 =	sadd.s32 s7, s8;
	[tilespmem:s9+$0x240] =	vst v0;
	s9 =	sshll.u32 s2, $0x6  }
0x4b: {  	[hbm4b:s16+s10] =	stream.linear.scatter [tilespmem:s22], [sflag:$0x5], $0x4000, $0x38;
	[tilespmem:$0x10200] =	vst v63  }
0x4c: {  	s12 =	sadd.s32 s13, s9;
	_ =	swait.ge [sflag:s19], $0x4000  }
0x4d: {  	s12 =	sshll.u32 s12, $0x4;
	[sflag:s19] =	ssyncset.done $0x0  }
0x4e: {  	s16 =	sadd.s32 s5, s12;
	[sflag:s19] =	ssyncadd.s32 $0xFFFFC000  }
0x4f: {  	[tilespmem:s10], [sflag:$0x5] =	stream.linear.gather [hbm4b:s16+s10], $0x80, $0x38;
	[tilespmem:$0x10200] =	vst v63  }
0x50: {  	_ =	swait.ge [sflag:s19], $0x80  }
0x51: {  	[sflag:s19] =	ssyncset.done $0x0  }
0x52: {  	s12 =	sadd.s32 s6, s12;
	[sflag:s19] =	ssyncadd.s32 $0xFFFFFF80  }
0x53: {  	[tilespmem:s20], [sflag:$0x5] =	stream.linear.gather [hbm4b:s12+s10], $0x80, $0x38;
	[tilespmem:$0x10200] =	vst v63  }
0x54: {  	_ =	swait.ge [sflag:s19], $0x80  }
0x55: {  	[sflag:s19] =	ssyncset.done $0x0  }
0x56: {  	[sflag:s19] =	ssyncadd.s32 $0xFFFFFF80  }
0x57: {  	[tilespmem:s22], [sflag:$0x1] =	stream.indirect.gather [hbm4b:s3+s21], $0x80, s10, s21, $0xb8;
	[tilespmem:$0x10200] =	vst v63  }
0x58: {  	_ = 	snop  }
0x59: {  	[tilespmem:s23], [sflag:$0x3] =	stream.indirect.gather [hbm4b:s4+s21], $0x80, s20, s21, $0xb8;
	[tilespmem:$0x10200] =	vst v63  }
0x5a: {  	_ =	swait.ge [sflag:s30], $0x4000  }
0x5b: {  	[sflag:s30] =	ssyncset.done $0x0  }
0x5c: {  	[sflag:s30] =	ssyncadd.s32 $0xFFFFC000  }
0x5d: {  	_ =	swait.ge [sflag:s31], $0x4000  }
0x5e: {  	[sflag:s31] =	ssyncset.done $0x0  }
0x5f: {  	s10 =	simm.s32 $0x0;
	[sflag:s31] =	ssyncadd.s32 $0xFFFFC000  }
0x60: {  	v3 =	vld [tilespmem:s10+$0xC200]  }
0x61: {  	v4 =	vld [tilespmem:s10+$0xC210]  }
0x62: {  	v2 =	vld [tilespmem:s10+$0xC220]  }
0x63: {  	v1 =	vld [tilespmem:s10+$0xC230]  }
0x64: {  	v0 =	vld [tilespmem:s10+$0xC240]  }
0x65: {  	v7 =	vld [tilespmem:s10+$0x4200]  }
0x66: {  	v8 =	vld [tilespmem:s10+$0x4210]  }
0x67: {  	v6 =	vld [tilespmem:s10+$0x4220]  }
0x68: {  	s12 =	simm.s32 $0x200;
	v5 =	vld [tilespmem:s10+$0x4230]  }
.LBB2_5:
0x69: {  	s16 =	sshra.s32 s12, $0x2;
	p0 =	sne.s32 s12, $0xFE00;
	v9 =	vld [tilespmem:s10+$0x4240]  }
0x6a: {  	v7 =	vadd.f32 v3, v7;
	v3 =	vld [tilespmem:s16+$0xC200]  }
0x6b: {  	v8 =	vadd.f32 v4, v8;
	v4 =	vld [tilespmem:s16+$0xC210]  }
0x6c: {  	[tilespmem:s10+$0x4200] =	vst v7;
	v6 =	vadd.f32 v2, v6;
	v2 =	vld [tilespmem:s16+$0xC220]  }
0x6d: {  	[tilespmem:s10+$0x4210] =	vst v8;
	v5 =	vadd.f32 v1, v5;
	v1 =	vld [tilespmem:s16+$0xC230]  }
.Ltmp1:
0x6e: {  	[tilespmem:s10+$0x4220] =	vst v6;
	v6 =	vsub.f32 v0, v9;
	v0 =	vld [tilespmem:s16+$0xC240];
	(pc) =	sbr.rel @p0 .LBB2_5-.Ltmp1, $4  }
0x6f: {  	v7 =	vld [tilespmem:s16+$0x4200];
	[tilespmem:s10+$0x4230] =	vst v5  }
0x70: {  	v8 =	vld [tilespmem:s16+$0x4210];
	[tilespmem:s10+$0x4240] =	vst v6;
	s10 =	smov.u32 s16  }
0x71: {  	v6 =	vld [tilespmem:s10+$0x4220]  }
0x72: {  	s12 =	sadd.s32 $0x200, s12;
	v5 =	vld [tilespmem:s10+$0x4230]  }
0x73: {  	v9 =	vld [tilespmem:s10+$0x4240]  }
0x74: {  	v3 =	vadd.f32 v3, v7  }
0x75: {  	v4 =	vadd.f32 v4, v8  }
0x76: {  	[tilespmem:s10+$0x4200] =	vst v3;
	v2 =	vadd.f32 v2, v6  }
0x77: {  	[tilespmem:s10+$0x4210] =	vst v4;
	v1 =	vadd.f32 v1, v5  }
0x78: {  	[tilespmem:s10+$0x4220] =	vst v2;
	v0 =	vsub.f32 v0, v9  }
0x79: {  	[tilespmem:s10+$0x4230] =	vst v1  }
0x7a: {  	s8 =	sadd.s32 s8, s15;
	[tilespmem:s10+$0x4240] =	vst v0  }
0x7b: {  	[hbm4b:s8+s1] =	stream.linear.scatter [tilespmem:s25], [sflag:$0x5], $0x4000, $0x38;
	[tilespmem:$0x10200] =	vst v63  }
0x7c: {  	s12 =	sadd.s32 s14, s9;
	_ =	swait.ge [sflag:s19], $0x4000  }
0x7d: {  	s8 =	sshll.u32 s12, $0x4;
	[sflag:s19] =	ssyncset.done $0x0  }
0x7e: {  	s16 =	sadd.s32 s5, s8;
	[sflag:s19] =	ssyncadd.s32 $0xFFFFC000  }
0x7f: {  	[tilespmem:s21], [sflag:$0x5] =	stream.linear.gather [hbm4b:s16+s1], $0x80, $0x38;
	[tilespmem:$0x10200] =	vst v63  }
0x80: {  	_ =	swait.ge [sflag:s19], $0x80  }
0x81: {  	[sflag:s19] =	ssyncset.done $0x0  }
0x82: {  	s2 =	sadd.s32 $0x1, s2;
	s8 =	sadd.s32 s6, s8;
	[sflag:s19] =	ssyncadd.s32 $0xFFFFFF80  }
0x83: {  	[tilespmem:s24], [sflag:$0x5] =	stream.linear.gather [hbm4b:s8+s1], $0x80, $0x38;
	[tilespmem:$0x10200] =	vst v63  }
0x84: {  	p0 =	sne.s32 s2, $0x13;
	_ =	swait.ge [sflag:s19], $0x80  }
.Ltmp2:
0x85: {  	[sflag:s19] =	ssyncset.done $0x0;
	(pc) =	sbr.rel @p0 .LBB2_2-.Ltmp2, $4  }
0x86: {  	[sflag:s19] =	ssyncadd.s32 $0xFFFFFF80  }
0x87: {  	[tilespmem:s25], [sflag:$0x2] =	stream.indirect.gather [hbm4b:s3+s21], $0x80, s21, s21, $0xb8;
	[tilespmem:$0x10200] =	vst v63  }
0x88: {  	_ = 	snop  }
0x89: {  	[tilespmem:s26], [sflag:$0x4] =	stream.indirect.gather [hbm4b:s4+s21], $0x80, s24, s21, $0xb8;
	[tilespmem:$0x10200] =	vst v63  }
0x8a: {  	_ =	swait.ge [sflag:s28], $0x4000  }
0x8b: {  	[sflag:s28] =	ssyncset.done $0x0  }
0x8c: {  	[sflag:s28] =	ssyncadd.s32 $0xFFFFC000  }
0x8d: {  	_ =	swait.ge [sflag:s29], $0x4000  }
0x8e: {  	[sflag:s29] =	ssyncset.done $0x0  }
0x8f: {  	s2 =	simm.s32 $0x0;
	[sflag:s29] =	ssyncadd.s32 $0xFFFFC000  }
0x90: {  	v3 =	vld [tilespmem:s2+$0x8200]  }
0x91: {  	v4 =	vld [tilespmem:s2+$0x8210]  }
0x92: {  	v2 =	vld [tilespmem:s2+$0x8220]  }
0x93: {  	v1 =	vld [tilespmem:s2+$0x8230]  }
0x94: {  	v0 =	vld [tilespmem:s2+$0x8240]  }
0x95: {  	v7 =	vld [tilespmem:s2+$0x200]  }
0x96: {  	v8 =	vld [tilespmem:s2+$0x210]  }
0x97: {  	v6 =	vld [tilespmem:s2+$0x220]  }
0x98: {  	s8 =	simm.s32 $0x200;
	v5 =	vld [tilespmem:s2+$0x230]  }
.LBB2_8:
0x99: {  	s9 =	sshra.s32 s8, $0x2;
	p0 =	sne.s32 s8, $0xFE00;
	v9 =	vld [tilespmem:s2+$0x240]  }
0x9a: {  	v7 =	vadd.f32 v3, v7;
	v3 =	vld [tilespmem:s9+$0x8200]  }
0x9b: {  	v8 =	vadd.f32 v4, v8;
	v4 =	vld [tilespmem:s9+$0x8210]  }
0x9c: {  	[tilespmem:s2+$0x200] =	vst v7;
	v6 =	vadd.f32 v2, v6;
	v2 =	vld [tilespmem:s9+$0x8220]  }
0x9d: {  	[tilespmem:s2+$0x210] =	vst v8;
	v5 =	vadd.f32 v1, v5;
	v1 =	vld [tilespmem:s9+$0x8230]  }
.Ltmp3:
0x9e: {  	[tilespmem:s2+$0x220] =	vst v6;
	v6 =	vsub.f32 v0, v9;
	v0 =	vld [tilespmem:s9+$0x8240];
	(pc) =	sbr.rel @p0 .LBB2_8-.Ltmp3, $4  }
0x9f: {  	v7 =	vld [tilespmem:s9+$0x200];
	[tilespmem:s2+$0x230] =	vst v5  }
0xa0: {  	v8 =	vld [tilespmem:s9+$0x210];
	[tilespmem:s2+$0x240] =	vst v6;
	s2 =	smov.u32 s9  }
0xa1: {  	v6 =	vld [tilespmem:s2+$0x220]  }
0xa2: {  	s8 =	sadd.s32 $0x200, s8;
	v5 =	vld [tilespmem:s2+$0x230]  }
0xa3: {  	v9 =	vld [tilespmem:s2+$0x240]  }
0xa4: {  	v3 =	vadd.f32 v3, v7  }
0xa5: {  	v4 =	vadd.f32 v4, v8  }
0xa6: {  	[tilespmem:s2+$0x200] =	vst v3;
	v2 =	vadd.f32 v2, v6  }
0xa7: {  	[tilespmem:s2+$0x210] =	vst v4;
	v1 =	vadd.f32 v1, v5  }
0xa8: {  	[tilespmem:s2+$0x220] =	vst v2;
	v0 =	vsub.f32 v0, v9  }
0xa9: {  	[tilespmem:s2+$0x230] =	vst v1  }
0xaa: {  	s16 =	simm.s32 $0x0;
	s8 =	rddreg [dreg:$0x6];
	[tilespmem:s2+$0x240] =	vst v0  }
0xab: {  	[hbm4b:s8+s16] =	stream.linear.scatter [tilespmem:s22], [sflag:$0x5], $0x4000, $0x38;
	[tilespmem:$0x10200] =	vst v63  }
0xac: {  	_ =	swait.ge [sflag:s19], $0x4000  }
0xad: {  	[sflag:s19] =	ssyncset.done $0x0  }
0xae: {  	[sflag:s19] =	ssyncadd.s32 $0xFFFFC000  }
0xaf: {  	_ =	swait.ge [sflag:s30], $0x4000  }
0xb0: {  	[sflag:s30] =	ssyncset.done $0x0  }
0xb1: {  	[sflag:s30] =	ssyncadd.s32 $0xFFFFC000  }
0xb2: {  	_ =	swait.ge [sflag:s31], $0x4000  }
0xb3: {  	[sflag:s31] =	ssyncset.done $0x0  }
0xb4: {  	s2 =	simm.s32 $0x0;
	[sflag:s31] =	ssyncadd.s32 $0xFFFFC000  }
0xb5: {  	v3 =	vld [tilespmem:s2+$0xC200]  }
0xb6: {  	v4 =	vld [tilespmem:s2+$0xC210]  }
0xb7: {  	v2 =	vld [tilespmem:s2+$0xC220]  }
0xb8: {  	v1 =	vld [tilespmem:s2+$0xC230]  }
0xb9: {  	v0 =	vld [tilespmem:s2+$0xC240]  }
0xba: {  	v7 =	vld [tilespmem:s2+$0x4200]  }
0xbb: {  	v8 =	vld [tilespmem:s2+$0x4210]  }
0xbc: {  	v6 =	vld [tilespmem:s2+$0x4220]  }
0xbd: {  	s8 =	simm.s32 $0x200;
	v5 =	vld [tilespmem:s2+$0x4230]  }
.LBB2_10:
0xbe: {  	s9 =	sshra.s32 s8, $0x2;
	p0 =	sne.s32 s8, $0xFE00;
	v9 =	vld [tilespmem:s2+$0x4240]  }
0xbf: {  	v7 =	vadd.f32 v3, v7;
	v3 =	vld [tilespmem:s9+$0xC200]  }
0xc0: {  	v8 =	vadd.f32 v4, v8;
	v4 =	vld [tilespmem:s9+$0xC210]  }
0xc1: {  	[tilespmem:s2+$0x4200] =	vst v7;
	v6 =	vadd.f32 v2, v6;
	v2 =	vld [tilespmem:s9+$0xC220]  }
0xc2: {  	[tilespmem:s2+$0x4210] =	vst v8;
	v5 =	vadd.f32 v1, v5;
	v1 =	vld [tilespmem:s9+$0xC230]  }
.Ltmp4:
0xc3: {  	[tilespmem:s2+$0x4220] =	vst v6;
	v6 =	vsub.f32 v0, v9;
	v0 =	vld [tilespmem:s9+$0xC240];
	(pc) =	sbr.rel @p0 .LBB2_10-.Ltmp4, $4  }
0xc4: {  	v7 =	vld [tilespmem:s9+$0x4200];
	[tilespmem:s2+$0x4230] =	vst v5  }
0xc5: {  	v8 =	vld [tilespmem:s9+$0x4210];
	[tilespmem:s2+$0x4240] =	vst v6;
	s2 =	smov.u32 s9  }
0xc6: {  	v6 =	vld [tilespmem:s2+$0x4220]  }
0xc7: {  	s8 =	sadd.s32 $0x200, s8;
	v5 =	vld [tilespmem:s2+$0x4230]  }
0xc8: {  	v9 =	vld [tilespmem:s2+$0x4240]  }
0xc9: {  	v3 =	vadd.f32 v3, v7  }
0xca: {  	v4 =	vadd.f32 v4, v8  }
0xcb: {  	[tilespmem:s2+$0x4200] =	vst v3;
	v2 =	vadd.f32 v2, v6  }
0xcc: {  	[tilespmem:s2+$0x4210] =	vst v4;
	v1 =	vadd.f32 v1, v5  }
0xcd: {  	s0 =	sadd.s32 $0x1, s0;
	[tilespmem:s2+$0x4220] =	vst v2;
	v0 =	vsub.f32 v0, v9  }
0xce: {  	p0 =	sne.s32 s0, s18;
	[tilespmem:s2+$0x4230] =	vst v1  }
.Ltmp5:
0xcf: {  	[tilespmem:s2+$0x4240] =	vst v0;
	(pc) =	sbr.rel @p0 .LBB2_1-.Ltmp5, $4  }
0xd0: {  	[hbm4b:s17+s1] =	stream.linear.scatter [tilespmem:s25], [sflag:$0x5], $0x4000, $0x38;
	[tilespmem:$0x10200] =	vst v63  }
0xd1: {  	_ =	swait.ge [sflag:s19], $0x4000  }
0xd2: {  	[sflag:s19] =	ssyncset.done $0x0  }
0xd3: {  	[sflag:s19] =	ssyncadd.s32 $0xFFFFC000  }
0xd4: {  	_ =	sfence.sel $0x180000  }
0xd5: {  	[bflag:$0x0] =	sbarrier.arrive $0xFFFF  }
0xd6: {  	_ =	strace $0x9000004D  }
0xd7: {  	s0 =	stileid.u32;
	[bflag:$0x2] =	sbarrier.arrive $0xFFFF  }
0xd8: {  	p0 =	sne.s32 s0, $0x0;
	s0 =	rddreg [dreg:$0x1]  }
0xd9: {  	s0 =	sadd.s32 @!p0 $0x100000, s0  }
0xda: {  	[sflag:s0] =	ssyncadd.tile.s32 @!p0 $0x1;
	_ =	shalt  }
.Lfunc_end2:
_tile_overlayer_lowered:
.L_overlay_start_2:
0xdb: {  	(tag) =	ssettag $0x2  }
0xdc: {  	s0 =	rddreg [dreg:$0x0];
	s2 =	stileid.u32  }
0xdd: {  	s1 =	rddreg [dreg:$0x1];
	p0 =	sne.s32 s2, $0x0  }
0xde: {  	s3 =	rddreg [dreg:$0x2];
	[bflag:$0x3] =	sbarrier.arrive $0xFFFF;
	s2 =	simm.s32 @!p0 $0x1C05  }
0xdf: {  	[timem:s3], [sflag:s2] =	dma.local @!p0 [hbm:s0], s1  }
0xe0: {  	s0 =	simm.s32 @!p0 $0x5  }
0xe1: {  	_ =	swait.ge @!p0 [sflag:s0], s1  }
0xe2: {  	s1 =	ssub.s32 @!p0 $0x0, s1;
	[sflag:s0] =	ssyncset.done @!p0 $0x0  }
0xe3: {  	[sflag:s0] =	ssyncadd.s32 @!p0 s1  }
0xe4: {  	[bflag:$0x3] =	sbarrier.arrive $0xFFFF  }
0xe5: {  	_ =	shalt  }

// kernel: kernel.17.cloned.1.call-start
scs
__scs_entry_jumppad:
0x0: {  	(pc) =	sbr.rel $0x88, $3  }
0x1: {  	(tag) =	ssettag $0x0;
	lr =	simm.s32 $0x1  }
0x2: {  	[smem:$0x3F92] =	sst lr;
	_ =	strace $0xD0000000  }
0x3: {  	_ = 	snop  }
0x4: {  	_ = 	snop  }
0x5: {  	_ = 	snop  }
0x6: {  	_ = 	snop  }
0x7: {  	_ = 	snop  }
__scs_overlays_trampoline_lowered:
0x8: {  	[smem:$0x3FA1] =	sst s0  }
0x9: {  	[smem:$0x3FA2] =	sst s1  }
0xa: {  	[smem:$0x3FA3] =	sst s2  }
0xb: {  	[smem:$0x3FA4] =	sst s3  }
0xc: {  	[smem:$0x3FA5] =	sst s4  }
0xd: {  	[smem:$0x3FA6] =	sst s5  }
0xe: {  	[smem:$0x3FA7] =	sst s6  }
0xf: {  	[smem:$0x3FA8] =	sst s7  }
0x10: {  	[smem:$0x3FA9] =	sst s8  }
0x11: {  	[smem:$0x3FAA] =	sst s9;
	s0 =	simm.s32 @!p0 $0x0  }
0x12: {  	s1 =	sld [smem:$0x3F90];
	s0 =	simm.s32 @p0 $0x1  }
0x13: {  	[smem:$0x3FAB] =	sst s0;
	s0 =	simm.s32 @!p1 $0x0  }
0x14: {  	s2 =	sld [smem:$0x3F8F];
	s0 =	simm.s32 @p1 $0x1  }
0x15: {  	[smem:$0x3FAC] =	sst s0;
	s0 =	simm.s32 @!p2 $0x0  }
0x16: {  	s3 =	sld [smem:$0x3FDB];
	s0 =	simm.s32 @p2 $0x1  }
0x17: {  	s4 =	simm.s32 $0x1BF5;
	[smem:$0x3FAE] =	sst s0  }
0x18: {  	s0 =	sld [smem:$0x3F91];
	_ =	swait.ge [sflag:s4], $0x0  }
0x19: {  	s7 =	sld [smem:$0x3F92]  }
0x1a: {  	s8 =	sadd.s32 $0xFFFFE003, lr  }
0x1b: {  	s9 =	sadd.s32 $0xFFFFFEF7, lr;
	s5 =	simm.s32 $0xFFFFFFFF;
	p2 =	slt.u32 s8, $0xFFFFF086  }
0x1c: {  	p1 =	slt.u32 s9, $0xF7A;
	s5 =	simm.s32 @!p2 $0x0  }
0x1d: {  	s5 =	simm.s32 @p1 $0x1;
	p0 =	seq.s32 s7, s2  }
0x1e: {  	s7 =	smul.u32 @!p0 $0xF7A, s2;
	p2 =	seq.s32 @!p0 s5, $0x0  }
0x1f: {  	s9 =	smul.u32 $0xF7A, s1;
	s8 =	simm.s32 @!p0 $0x1BF5;
	p2 =	por !p2, p0  }
0x20: {  	[sflag:s8] =	ssyncset.s32 @!p0 $0xFFFFF086;
	s6 =	sadd.s32 @!p0 s3, s7;
	s7 =	simm.s32 @!p0 $0x108  }
0x21: {  	s3 =	sadd.s32 s3, s9;
	s6 =	sadd.s32 @!p0 $0x88, s6;
	s7 =	simm.s32 @p2 $0x1082  }
0x22: {  	[simem:s7], [sflag:s8] =	dma.local @!p0 [hbm:s6], $0xF7A  }
0x23: {  	s9 =	sor.u32 $0xD0000000, s2;
	s6 =	simm.s32 $0x108;
	_ =	swait.ge @!p0 [sflag:s8], $0x0  }
0x24: {  	s3 =	sadd.s32 $0x88, s3;
	s6 =	simm.s32 @!p1 $0x1082;
	[sflag:s4] =	ssyncset.s32 $0xFFFFF086  }
0x25: {  	[simem:s6], [sflag:s4] =	dma.local [hbm:s3], $0xF7A  }
0x26: {  	[smem:$0x3F92] =	sst s1;
	(tag) =	ssettag s2;
	_ =	strace s9  }
0x27: {  	s1 =	sld [smem:$0x3FA2]  }
0x28: {  	s2 =	sld [smem:$0x3FA3]  }
0x29: {  	s4 =	sld [smem:$0x3FA5]  }
0x2a: {  	p0 =	seq.s32 s5, $0x0;
	s5 =	sld [smem:$0x3FA6]  }
0x2b: {  	s6 =	sld [smem:$0x3FA7]  }
0x2c: {  	s7 =	sld [smem:$0x3FA8]  }
0x2d: {  	s3 =	simm.s32 $0x108;
	s8 =	sld [smem:$0x3FA9]  }
0x2e: {  	s3 =	simm.s32 @!p0 $0x1082;
	s9 =	sld [smem:$0x3FAA]  }
0x2f: {  	lr =	sadd.s32 s0, s3;
	s0 =	sld [smem:$0x3FA1]  }
0x30: {  	s3 =	sld [smem:$0x3FA4]  }
0x31: {  	[smem:$0x3FAD] =	sst s10  }
0x32: {  	s10 =	sld [smem:$0x3FAB];
	_ =	sdelay $0x3  }
0x33: {  	p0 =	seq.s32 s10, $0x1;
	s10 =	sld [smem:$0x3FAD];
	_ =	sdelay $0x3  }
0x34: {  	[smem:$0x3FAD] =	sst s10  }
0x35: {  	s10 =	sld [smem:$0x3FAC];
	_ =	sdelay $0x3  }
0x36: {  	p1 =	seq.s32 s10, $0x1;
	s10 =	sld [smem:$0x3FAD];
	_ =	sdelay $0x3  }
0x37: {  	[smem:$0x3FAD] =	sst s10  }
0x38: {  	s10 =	sld [smem:$0x3FAE]  }
0x39: {  	_ = 	snop;
	(pc) =	sbr.ind lr, $3  }
0x3a: {  	_ = 	snop  }
0x3b: {  	_ = 	snop  }
0x3c: {  	p2 =	seq.s32 s10, $0x1;
	s10 =	sld [smem:$0x3FAD]  }
0x3d: {  	_ =	shalt  }
0x3e: {  	_ =	shalt  }
0x3f: {  	_ =	shalt  }
0x40: {  	_ =	shalt  }
0x41: {  	_ =	shalt  }
0x42: {  	_ =	shalt  }
0x43: {  	_ =	shalt  }
0x44: {  	_ =	shalt  }
0x45: {  	_ =	shalt  }
0x46: {  	_ =	shalt  }
0x47: {  	_ =	shalt  }
0x48: {  	_ =	shalt  }
0x49: {  	_ =	shalt  }
0x4a: {  	_ =	shalt  }
0x4b: {  	_ =	shalt  }
0x4c: {  	_ =	shalt  }
0x4d: {  	_ =	shalt  }
0x4e: {  	_ =	shalt  }
0x4f: {  	_ =	shalt  }
0x50: {  	_ =	shalt  }
0x51: {  	_ =	shalt  }
0x52: {  	_ =	shalt  }
0x53: {  	_ =	shalt  }
0x54: {  	_ =	shalt  }
0x55: {  	_ =	shalt  }
0x56: {  	_ =	shalt  }
0x57: {  	_ =	shalt  }
0x58: {  	_ =	shalt  }
0x59: {  	_ =	shalt  }
0x5a: {  	_ =	shalt  }
0x5b: {  	_ =	shalt  }
0x5c: {  	_ =	shalt  }
0x5d: {  	_ =	shalt  }
0x5e: {  	_ =	shalt  }
0x5f: {  	_ =	shalt  }
0x60: {  	_ =	shalt  }
0x61: {  	_ =	shalt  }
0x62: {  	_ =	shalt  }
0x63: {  	_ =	shalt  }
0x64: {  	_ =	shalt  }
0x65: {  	_ =	shalt  }
0x66: {  	_ =	shalt  }
0x67: {  	_ =	shalt  }
0x68: {  	_ =	shalt  }
0x69: {  	_ =	shalt  }
0x6a: {  	_ =	shalt  }
0x6b: {  	_ =	shalt  }
0x6c: {  	_ =	shalt  }
0x6d: {  	_ =	shalt  }
0x6e: {  	_ =	shalt  }
0x6f: {  	_ =	shalt  }
0x70: {  	_ =	shalt  }
0x71: {  	_ =	shalt  }
0x72: {  	_ =	shalt  }
0x73: {  	_ =	shalt  }
0x74: {  	_ =	shalt  }
0x75: {  	_ =	shalt  }
0x76: {  	_ =	shalt  }
0x77: {  	_ =	shalt  }
0x78: {  	_ =	shalt  }
0x79: {  	_ =	shalt  }
0x7a: {  	_ =	shalt  }
0x7b: {  	_ =	shalt  }
0x7c: {  	_ =	shalt  }
0x7d: {  	_ =	shalt  }
0x7e: {  	_ =	shalt  }
0x7f: {  	_ =	shalt  }
0x80: {  	_ =	shalt  }
0x81: {  	_ =	shalt  }
0x82: {  	_ =	shalt  }
0x83: {  	_ =	shalt  }
0x84: {  	_ =	shalt  }
0x85: {  	_ =	shalt  }
0x86: {  	_ =	shalt  }
0x87: {  	_ =	shalt  }
.Lfunc_end0:
.L_simem_size_0:
called_computation.2_lowered:
.L_overlay_start_0:
0x88: {  	s2 =	sld [smem:$0x3FD9]  }
0x89: {  	s3 =	sld [smem:$0x3FFE];
	_ =	sdelay $0x1  }
0x8a: {  	s1 =	srdreg.scid  }
0x8b: {  	s0 =	sand.u32 $0x1, s1  }
0x8c: {  	s16 =	sshll.u32 s0, $0xA;
	s2 =	sadd.s32 s3, s2  }
0x8d: {  	s2 =	sadd.s32 s2, s16  }
0x8e: {  	[smem:$0x3FB9] =	sst s2  }
0x8f: {  	_ = 	snop  }
0x90: {  	(tm) =	ssettm $0x1  }
0x91: {  	s17 =	sld [smem:$0x3FFB];
	_ =	sdelay $0x3  }
0x92: {  	_ =	strace s17  }
0x93: {  	s2 =	sld [smem:$0x3FFC];
	_ =	sdelay $0x3  }
0x94: {  	_ =	strace s2  }
0x95: {  	s2 =	sld [smem:$0x3FFD];
	_ =	sdelay $0x3  }
0x96: {  	_ =	strace s2  }
0x97: {  	_ =	strace $0x8FFFFFFF  }
0x98: {  	s18 =	sld [smem:$0x3FDB];
	_ =	sdelay $0x1  }
0x99: {  	s19 =	simm.s32 $_scs_section_size  }
0x9a: {  	s4 =	simm.s32 $_size__tile_overlayer_lowered;
	s5 =	simm.s32 $_tile_overlayer_lowered  }
0x9b: {  	s22 =	simm.s32 $0x1BFF;
	s21 =	sshll.u32 s5, $0x1;
	s2 =	sadd.s32 s19, s18  }
0x9c: {  	s6 =	simm.s32 $0x0;
	s20 =	sshll.u32 s4, $0x1;
	s4 =	sadd.s32 s21, s2  }
0x9d: {  	[timem:s6], [sflag:s22] =	dma.local [hbm:s4], s20  }
0x9e: {  	_ =	swait.ge [sflag:s22], s20  }
0x9f: {  	s3 =	ssub.s32 $0x0, s20;
	[sflag:s22] =	ssyncset.done $0x0  }
0xa0: {  	[sflag:s22] =	ssyncadd.s32 s3;
	_ =	sdelay $0x1  }
0xa1: {  	s23 =	simm.s32 $0x1B8B  }
0xa2: {  	_ =	swait.ge [sflag:s23], $0x1  }
0xa3: {  	[sflag:s23] =	ssyncset.done $0x0  }
0xa4: {  	s25 =	simm.s32 $0x1B8E;
	s24 =	sld [smem:$0x3FFE];
	[sflag:s23] =	ssyncadd.s32 $0xFFFFFFFF  }
0xa5: {  	s26 =	simm.s32 $execute0_lowered;
	[smem:$0x3FD2] =	sst s25  }
0xa6: {  	s4 =	sshll.u32 s26, $0x1;
	_ =	strace $0x80000049;
	[dreg:$0x1] =	wrdreg $0xFFFFFFFF  }
0xa7: {  	s28 =	simm.s32 $_size_execute0_lowered;
	s2 =	sadd.s32 s2, s4;
	[dreg:$0x0] =	wrdreg $0x0  }
0xa8: {  	s4 =	sshll.u32 s28, $0x1;
	[dreg:$0x2] =	wrdreg s2  }
0xa9: {  	[dreg:$0x3] =	wrdreg s4  }
0xaa: {  	[dreg:$0x4] =	wrdreg $0xC0  }
0xab: {  	_ =	task [dreg:s6], $0x5FFFF  }
0xac: {  	[dreg:$0x1] =	wrdreg $0xFFFFFFFF  }
0xad: {  	[dreg:$0x0] =	wrdreg $0x60  }
0xae: {  	[dreg:$0x2] =	wrdreg s24  }
0xaf: {  	[dreg:$0x3] =	wrdreg $0xA  }
0xb0: {  	_ =	task.clear_ibuf [dreg:s6], $0x4FFFF;
	_ =	strace $0x90000049  }
0xb1: {  	s29 =	simm.s32 $0xA;
	_ =	strace $0x8000004B  }
0xb2: {  	_ =	swait.ge [sflag:s29], $0x1  }
0xb3: {  	[sflag:s29] =	ssyncadd.s32 $0xFFFFFFFF  }
0xb4: {  	_ =	strace $0x9000004B  }
0xb5: {  	_ =	sfence  }
0xb6: {  	s30 =	sld [smem:$0x0];
	_ =	sdelay $0x2  }
0xb7: {  	s31 =	sshll.u32 s1, $0xD;
	s1 =	sshrl.u32 s1, $0x2  }
0xb8: {  	s3 =	sand.u32 $0x4000, s31;
	s1 =	sadd.s32 s1, s30  }
0xb9: {  	s0 =	sor.u32 s3, s0;
	s1 =	sshll.u32 s1, $0x11  }
0xba: {  	s0 =	sor.u32 s1, s0  }
0xbb: {  	s0 =	sadd.s32 $0x8F2B, s0  }
0xbc: {  	[sflag:s0] =	ssyncadd.remote.s32 $0x1  }
0xbd: {  	_ =	sfence.sel $0xFFFF  }
0xbe: {  	[dreg:$0x0] =	wrdreg $0xFFFFFFFF;
	(pc) =	sbr.abs _section_cstart, $3  }
0xbf: {  	[dreg:$0x1] =	wrdreg $0xFFFFFFFF  }
0xc0: {  	_ =	task.clear_ibuf [dreg:s6], $0x2FFFF;
	_ =	strace $0x9FFFFFFF  }
0xc1: {  	(tm) =	ssettm $0x7FFFFFFF  }
tec
execute0_lowered:
.L_overlay_start_1:
0x0: {  	(tag) =	ssettag $0x1  }
0x1: {  	s0 =	rddreg [dreg:$0x0]  }
0x2: {  	s1 =	simm.s32 $0x0;
	s2 =	srdreg.scid;
	s6 =	stileid.u32  }
0x3: {  	s19 =	simm.s32 $0x5;
	s20 =	simm.s32 $0x100;
	s21 =	simm.s32 $0x80  }
0x4: {  	s28 =	simm.s32 $0x1;
	s29 =	simm.s32 $0x3;
	s30 =	simm.s32 $0x2  }
0x5: {  	s31 =	simm.s32 $0x4;
	[smem:$0x7FF] =	sst s1;
	s3 =	sadd.s32 $0x6200, s0  }
0x6: {  	s4 =	sadd.s32 $0x2D400, s0;
	s5 =	sadd.s32 $0x5E800, s0;
	s2 =	sand.u32 $0x1, s2  }
0x7: {  	s7 =	sshll.u32 s6, $0x1;
	s6 =	sadd.s32 $0x54800, s0;
	s15 =	sadd.s32 $0x78800, s0  }
0x8: {  	_ =	strace $0x8000004A;
	s8 =	ssub.s32 $0x2, s2;
	s2 =	sor.u32 s2, s7  }
0x9: {  	s7 =	sadd.s32 $0x68800, s0;
	s0 =	simm.s32 $0x0;
	s9 =	sshrl.u32 s8, $0x1  }
0xa: {  	s10 =	sshll.u32 s2, $0x4;
	s11 =	sshll.u32 s2, $0xB;
	s13 =	sor.u32 $0x40, s2  }
0xb: {  	s14 =	sor.u32 $0x60, s2;
	s8 =	ssub.s32 s8, s9;
	s22 =	sadd.s32 s5, s10  }
0xc: {  	s23 =	sor.u32 $0x200, s10;
	s10 =	sadd.s32 s6, s10;
	[dreg:$0x2] =	wrdreg s22  }
0xd: {  	s25 =	sadd.s32 s11, s7;
	[dreg:$0x3] =	wrdreg s10;
	s24 =	sadd.s32 s5, s23  }
0xe: {  	s9 =	sadd.s32 s6, s23;
	s26 =	sadd.s32 $0x260000, s25;
	s17 =	sadd.s32 $0x270000, s25  }
0xf: {  	s18 =	smax.u32 s8, $0x1;
	s22 =	simm.s32 $0x200;
	[dreg:$0x4] =	wrdreg s24  }
0x10: {  	s23 =	simm.s32 $0x8200;
	s25 =	simm.s32 $0x4200;
	[dreg:$0x5] =	wrdreg s9  }
0x11: {  	[dreg:$0x6] =	wrdreg s26;
	s24 =	simm.s32 $0x180;
	s26 =	simm.s32 $0xC200  }
.LBB2_1:
0x12: {  	s2 =	rddreg [dreg:$0x2]  }
0x13: {  	[tilespmem:s1], [sflag:$0x5] =	stream.linear.gather [hbm4b:s2+s1], $0x80, $0x38;
	[tilespmem:$0x10200] =	vst v63  }
0x14: {  	_ =	swait.ge [sflag:s19], $0x80  }
0x15: {  	[sflag:s19] =	ssyncset.done $0x0  }
0x16: {  	s10 =	rddreg [dreg:$0x3];
	[sflag:s19] =	ssyncadd.s32 $0xFFFFFF80  }
0x17: {  	[tilespmem:s20], [sflag:$0x5] =	stream.linear.gather [hbm4b:s10+s1], $0x80, $0x38;
	[tilespmem:$0x10200] =	vst v63  }
0x18: {  	_ =	swait.ge [sflag:s19], $0x80  }
0x19: {  	[sflag:s19] =	ssyncset.done $0x0  }
0x1a: {  	[sflag:s19] =	ssyncadd.s32 $0xFFFFFF80  }
0x1b: {  	[tilespmem:s22], [sflag:$0x1] =	stream.indirect.gather [hbm4b:s3+s21], $0x80, s1, s21, $0xb8;
	[tilespmem:$0x10200] =	vst v63  }
0x1c: {  	_ = 	snop  }
0x1d: {  	[tilespmem:s23], [sflag:$0x3] =	stream.indirect.gather [hbm4b:s4+s21], $0x80, s20, s21, $0xb8;
	[tilespmem:$0x10200] =	vst v63  }
0x1e: {  	s12 =	rddreg [dreg:$0x4]  }
0x1f: {  	[tilespmem:s21], [sflag:$0x5] =	stream.linear.gather [hbm4b:s12+s1], $0x80, $0x38;
	[tilespmem:$0x10200] =	vst v63  }
0x20: {  	_ =	swait.ge [sflag:s19], $0x80  }
0x21: {  	[sflag:s19] =	ssyncset.done $0x0  }
0x22: {  	s16 =	rddreg [dreg:$0x5];
	[sflag:s19] =	ssyncadd.s32 $0xFFFFFF80  }
0x23: {  	[tilespmem:s24], [sflag:$0x5] =	stream.linear.gather [hbm4b:s16+s1], $0x80, $0x38;
	[tilespmem:$0x10200] =	vst v63  }
0x24: {  	_ =	swait.ge [sflag:s19], $0x80  }
0x25: {  	[sflag:s19] =	ssyncset.done $0x0  }
0x26: {  	[sflag:s19] =	ssyncadd.s32 $0xFFFFFF80  }
0x27: {  	[tilespmem:s25], [sflag:$0x2] =	stream.indirect.gather [hbm4b:s3+s21], $0x80, s21, s21, $0xb8;
	[tilespmem:$0x10200] =	vst v63  }
0x28: {  	s2 =	simm.s32 $0x0  }
0x29: {  	[tilespmem:s26], [sflag:$0x4] =	stream.indirect.gather [hbm4b:s4+s21], $0x80, s24, s21, $0xb8;
	[tilespmem:$0x10200] =	vst v63  }
.LBB2_2:
0x2a: {  	_ =	swait.ge [sflag:s28], $0x4000  }
0x2b: {  	[sflag:s28] =	ssyncset.done $0x0  }
0x2c: {  	[sflag:s28] =	ssyncadd.s32 $0xFFFFC000  }
0x2d: {  	_ =	swait.ge [sflag:s29], $0x4000  }
0x2e: {  	[sflag:s29] =	ssyncset.done $0x0  }
0x2f: {  	s9 =	simm.s32 $0x0;
	[sflag:s29] =	ssyncadd.s32 $0xFFFFC000  }
0x30: {  	v3 =	vld [tilespmem:s9+$0x8200]  }
0x31: {  	v4 =	vld [tilespmem:s9+$0x8210]  }
0x32: {  	v2 =	vld [tilespmem:s9+$0x8220]  }
0x33: {  	v1 =	vld [tilespmem:s9+$0x8230]  }
0x34: {  	v0 =	vld [tilespmem:s9+$0x8240]  }
0x35: {  	v7 =	vld [tilespmem:s9+$0x200]  }
0x36: {  	v8 =	vld [tilespmem:s9+$0x210]  }
0x37: {  	v6 =	vld [tilespmem:s9+$0x220]  }
0x38: {  	s8 =	simm.s32 $0x200;
	v5 =	vld [tilespmem:s9+$0x230]  }
.LBB2_3:
0x39: {  	s10 =	sshra.s32 s8, $0x2;
	p0 =	sne.s32 s8, $0xFE00;
	v9 =	vld [tilespmem:s9+$0x240]  }
0x3a: {  	v7 =	vadd.f32 v3, v7;
	v3 =	vld [tilespmem:s10+$0x8200]  }
0x3b: {  	v8 =	vadd.f32 v4, v8;
	v4 =	vld [tilespmem:s10+$0x8210]  }
0x3c: {  	[tilespmem:s9+$0x200] =	vst v7;
	v6 =	vadd.f32 v2, v6;
	v2 =	vld [tilespmem:s10+$0x8220]  }
0x3d: {  	[tilespmem:s9+$0x210] =	vst v8;
	v5 =	vadd.f32 v1, v5;
	v1 =	vld [tilespmem:s10+$0x8230]  }
.Ltmp0:
0x3e: {  	[tilespmem:s9+$0x220] =	vst v6;
	v6 =	vsub.f32 v0, v9;
	v0 =	vld [tilespmem:s10+$0x8240];
	(pc) =	sbr.rel @p0 .LBB2_3-.Ltmp0, $4  }
0x3f: {  	v7 =	vld [tilespmem:s10+$0x200];
	[tilespmem:s9+$0x230] =	vst v5  }
0x40: {  	v8 =	vld [tilespmem:s10+$0x210];
	[tilespmem:s9+$0x240] =	vst v6;
	s9 =	smov.u32 s10  }
0x41: {  	v6 =	vld [tilespmem:s9+$0x220]  }
0x42: {  	s8 =	sadd.s32 $0x200, s8;
	v5 =	vld [tilespmem:s9+$0x230]  }
0x43: {  	v9 =	vld [tilespmem:s9+$0x240]  }
0x44: {  	v3 =	vadd.f32 v3, v7  }
0x45: {  	v4 =	vadd.f32 v4, v8  }
0x46: {  	[tilespmem:s9+$0x200] =	vst v3;
	v2 =	vadd.f32 v2, v6  }
0x47: {  	[tilespmem:s9+$0x210] =	vst v4;
	v1 =	vadd.f32 v1, v5  }
0x48: {  	s8 =	sshll.u32 s2, $0x11;
	[tilespmem:s9+$0x220] =	vst v2;
	v0 =	vsub.f32 v0, v9  }
0x49: {  	s8 =	sor.u32 s11, s8;
	[tilespmem:s9+$0x230] =	vst v1  }
0x4a: {  	s10 =	simm.s32 $0x0;
	s16 =	sadd.s32 s7, s8;
	[tilespmem:s9+$0x240] =	vst v0;
	s9 =	sshll.u32 s2, $0x6  }
0x4b: {  	[hbm4b:s16+s10] =	stream.linear.scatter [tilespmem:s22], [sflag:$0x5], $0x4000, $0x38;
	[tilespmem:$0x10200] =	vst v63  }
0x4c: {  	s12 =	sadd.s32 s13, s9;
	_ =	swait.ge [sflag:s19], $0x4000  }
0x4d: {  	s12 =	sshll.u32 s12, $0x4;
	[sflag:s19] =	ssyncset.done $0x0  }
0x4e: {  	s16 =	sadd.s32 s5, s12;
	[sflag:s19] =	ssyncadd.s32 $0xFFFFC000  }
0x4f: {  	[tilespmem:s10], [sflag:$0x5] =	stream.linear.gather [hbm4b:s16+s10], $0x80, $0x38;
	[tilespmem:$0x10200] =	vst v63  }
0x50: {  	_ =	swait.ge [sflag:s19], $0x80  }
0x51: {  	[sflag:s19] =	ssyncset.done $0x0  }
0x52: {  	s12 =	sadd.s32 s6, s12;
	[sflag:s19] =	ssyncadd.s32 $0xFFFFFF80  }
0x53: {  	[tilespmem:s20], [sflag:$0x5] =	stream.linear.gather [hbm4b:s12+s10], $0x80, $0x38;
	[tilespmem:$0x10200] =	vst v63  }
0x54: {  	_ =	swait.ge [sflag:s19], $0x80  }
0x55: {  	[sflag:s19] =	ssyncset.done $0x0  }
0x56: {  	[sflag:s19] =	ssyncadd.s32 $0xFFFFFF80  }
0x57: {  	[tilespmem:s22], [sflag:$0x1] =	stream.indirect.gather [hbm4b:s3+s21], $0x80, s10, s21, $0xb8;
	[tilespmem:$0x10200] =	vst v63  }
0x58: {  	_ = 	snop  }
0x59: {  	[tilespmem:s23], [sflag:$0x3] =	stream.indirect.gather [hbm4b:s4+s21], $0x80, s20, s21, $0xb8;
	[tilespmem:$0x10200] =	vst v63  }
0x5a: {  	_ =	swait.ge [sflag:s30], $0x4000  }
0x5b: {  	[sflag:s30] =	ssyncset.done $0x0  }
0x5c: {  	[sflag:s30] =	ssyncadd.s32 $0xFFFFC000  }
0x5d: {  	_ =	swait.ge [sflag:s31], $0x4000  }
0x5e: {  	[sflag:s31] =	ssyncset.done $0x0  }
0x5f: {  	s10 =	simm.s32 $0x0;
	[sflag:s31] =	ssyncadd.s32 $0xFFFFC000  }
0x60: {  	v3 =	vld [tilespmem:s10+$0xC200]  }
0x61: {  	v4 =	vld [tilespmem:s10+$0xC210]  }
0x62: {  	v2 =	vld [tilespmem:s10+$0xC220]  }
0x63: {  	v1 =	vld [tilespmem:s10+$0xC230]  }
0x64: {  	v0 =	vld [tilespmem:s10+$0xC240]  }
0x65: {  	v7 =	vld [tilespmem:s10+$0x4200]  }
0x66: {  	v8 =	vld [tilespmem:s10+$0x4210]  }
0x67: {  	v6 =	vld [tilespmem:s10+$0x4220]  }
0x68: {  	s12 =	simm.s32 $0x200;
	v5 =	vld [tilespmem:s10+$0x4230]  }
.LBB2_5:
0x69: {  	s16 =	sshra.s32 s12, $0x2;
	p0 =	sne.s32 s12, $0xFE00;
	v9 =	vld [tilespmem:s10+$0x4240]  }
0x6a: {  	v7 =	vadd.f32 v3, v7;
	v3 =	vld [tilespmem:s16+$0xC200]  }
0x6b: {  	v8 =	vadd.f32 v4, v8;
	v4 =	vld [tilespmem:s16+$0xC210]  }
0x6c: {  	[tilespmem:s10+$0x4200] =	vst v7;
	v6 =	vadd.f32 v2, v6;
	v2 =	vld [tilespmem:s16+$0xC220]  }
0x6d: {  	[tilespmem:s10+$0x4210] =	vst v8;
	v5 =	vadd.f32 v1, v5;
	v1 =	vld [tilespmem:s16+$0xC230]  }
.Ltmp1:
0x6e: {  	[tilespmem:s10+$0x4220] =	vst v6;
	v6 =	vsub.f32 v0, v9;
	v0 =	vld [tilespmem:s16+$0xC240];
	(pc) =	sbr.rel @p0 .LBB2_5-.Ltmp1, $4  }
0x6f: {  	v7 =	vld [tilespmem:s16+$0x4200];
	[tilespmem:s10+$0x4230] =	vst v5  }
0x70: {  	v8 =	vld [tilespmem:s16+$0x4210];
	[tilespmem:s10+$0x4240] =	vst v6;
	s10 =	smov.u32 s16  }
0x71: {  	v6 =	vld [tilespmem:s10+$0x4220]  }
0x72: {  	s12 =	sadd.s32 $0x200, s12;
	v5 =	vld [tilespmem:s10+$0x4230]  }
0x73: {  	v9 =	vld [tilespmem:s10+$0x4240]  }
0x74: {  	v3 =	vadd.f32 v3, v7  }
0x75: {  	v4 =	vadd.f32 v4, v8  }
0x76: {  	[tilespmem:s10+$0x4200] =	vst v3;
	v2 =	vadd.f32 v2, v6  }
0x77: {  	[tilespmem:s10+$0x4210] =	vst v4;
	v1 =	vadd.f32 v1, v5  }
0x78: {  	[tilespmem:s10+$0x4220] =	vst v2;
	v0 =	vsub.f32 v0, v9  }
0x79: {  	[tilespmem:s10+$0x4230] =	vst v1  }
0x7a: {  	s8 =	sadd.s32 s8, s15;
	[tilespmem:s10+$0x4240] =	vst v0  }
0x7b: {  	[hbm4b:s8+s1] =	stream.linear.scatter [tilespmem:s25], [sflag:$0x5], $0x4000, $0x38;
	[tilespmem:$0x10200] =	vst v63  }
0x7c: {  	s12 =	sadd.s32 s14, s9;
	_ =	swait.ge [sflag:s19], $0x4000  }
0x7d: {  	s8 =	sshll.u32 s12, $0x4;
	[sflag:s19] =	ssyncset.done $0x0  }
0x7e: {  	s16 =	sadd.s32 s5, s8;
	[sflag:s19] =	ssyncadd.s32 $0xFFFFC000  }
0x7f: {  	[tilespmem:s21], [sflag:$0x5] =	stream.linear.gather [hbm4b:s16+s1], $0x80, $0x38;
	[tilespmem:$0x10200] =	vst v63  }
0x80: {  	_ =	swait.ge [sflag:s19], $0x80  }
0x81: {  	[sflag:s19] =	ssyncset.done $0x0  }
0x82: {  	s2 =	sadd.s32 $0x1, s2;
	s8 =	sadd.s32 s6, s8;
	[sflag:s19] =	ssyncadd.s32 $0xFFFFFF80  }
0x83: {  	[tilespmem:s24], [sflag:$0x5] =	stream.linear.gather [hbm4b:s8+s1], $0x80, $0x38;
	[tilespmem:$0x10200] =	vst v63  }
0x84: {  	p0 =	sne.s32 s2, $0x13;
	_ =	swait.ge [sflag:s19], $0x80  }
.Ltmp2:
0x85: {  	[sflag:s19] =	ssyncset.done $0x0;
	(pc) =	sbr.rel @p0 .LBB2_2-.Ltmp2, $4  }
0x86: {  	[sflag:s19] =	ssyncadd.s32 $0xFFFFFF80  }
0x87: {  	[tilespmem:s25], [sflag:$0x2] =	stream.indirect.gather [hbm4b:s3+s21], $0x80, s21, s21, $0xb8;
	[tilespmem:$0x10200] =	vst v63  }
0x88: {  	_ = 	snop  }
0x89: {  	[tilespmem:s26], [sflag:$0x4] =	stream.indirect.gather [hbm4b:s4+s21], $0x80, s24, s21, $0xb8;
	[tilespmem:$0x10200] =	vst v63  }
0x8a: {  	_ =	swait.ge [sflag:s28], $0x4000  }
0x8b: {  	[sflag:s28] =	ssyncset.done $0x0  }
0x8c: {  	[sflag:s28] =	ssyncadd.s32 $0xFFFFC000  }
0x8d: {  	_ =	swait.ge [sflag:s29], $0x4000  }
0x8e: {  	[sflag:s29] =	ssyncset.done $0x0  }
0x8f: {  	s2 =	simm.s32 $0x0;
	[sflag:s29] =	ssyncadd.s32 $0xFFFFC000  }
0x90: {  	v3 =	vld [tilespmem:s2+$0x8200]  }
0x91: {  	v4 =	vld [tilespmem:s2+$0x8210]  }
0x92: {  	v2 =	vld [tilespmem:s2+$0x8220]  }
0x93: {  	v1 =	vld [tilespmem:s2+$0x8230]  }
0x94: {  	v0 =	vld [tilespmem:s2+$0x8240]  }
0x95: {  	v7 =	vld [tilespmem:s2+$0x200]  }
0x96: {  	v8 =	vld [tilespmem:s2+$0x210]  }
0x97: {  	v6 =	vld [tilespmem:s2+$0x220]  }
0x98: {  	s8 =	simm.s32 $0x200;
	v5 =	vld [tilespmem:s2+$0x230]  }
.LBB2_8:
0x99: {  	s9 =	sshra.s32 s8, $0x2;
	p0 =	sne.s32 s8, $0xFE00;
	v9 =	vld [tilespmem:s2+$0x240]  }
0x9a: {  	v7 =	vadd.f32 v3, v7;
	v3 =	vld [tilespmem:s9+$0x8200]  }
0x9b: {  	v8 =	vadd.f32 v4, v8;
	v4 =	vld [tilespmem:s9+$0x8210]  }
0x9c: {  	[tilespmem:s2+$0x200] =	vst v7;
	v6 =	vadd.f32 v2, v6;
	v2 =	vld [tilespmem:s9+$0x8220]  }
0x9d: {  	[tilespmem:s2+$0x210] =	vst v8;
	v5 =	vadd.f32 v1, v5;
	v1 =	vld [tilespmem:s9+$0x8230]  }
.Ltmp3:
0x9e: {  	[tilespmem:s2+$0x220] =	vst v6;
	v6 =	vsub.f32 v0, v9;
	v0 =	vld [tilespmem:s9+$0x8240];
	(pc) =	sbr.rel @p0 .LBB2_8-.Ltmp3, $4  }
0x9f: {  	v7 =	vld [tilespmem:s9+$0x200];
	[tilespmem:s2+$0x230] =	vst v5  }
0xa0: {  	v8 =	vld [tilespmem:s9+$0x210];
	[tilespmem:s2+$0x240] =	vst v6;
	s2 =	smov.u32 s9  }
0xa1: {  	v6 =	vld [tilespmem:s2+$0x220]  }
0xa2: {  	s8 =	sadd.s32 $0x200, s8;
	v5 =	vld [tilespmem:s2+$0x230]  }
0xa3: {  	v9 =	vld [tilespmem:s2+$0x240]  }
0xa4: {  	v3 =	vadd.f32 v3, v7  }
0xa5: {  	v4 =	vadd.f32 v4, v8  }
0xa6: {  	[tilespmem:s2+$0x200] =	vst v3;
	v2 =	vadd.f32 v2, v6  }
0xa7: {  	[tilespmem:s2+$0x210] =	vst v4;
	v1 =	vadd.f32 v1, v5  }
0xa8: {  	[tilespmem:s2+$0x220] =	vst v2;
	v0 =	vsub.f32 v0, v9  }
0xa9: {  	[tilespmem:s2+$0x230] =	vst v1  }
0xaa: {  	s16 =	simm.s32 $0x0;
	s8 =	rddreg [dreg:$0x6];
	[tilespmem:s2+$0x240] =	vst v0  }
0xab: {  	[hbm4b:s8+s16] =	stream.linear.scatter [tilespmem:s22], [sflag:$0x5], $0x4000, $0x38;
	[tilespmem:$0x10200] =	vst v63  }
0xac: {  	_ =	swait.ge [sflag:s19], $0x4000  }
0xad: {  	[sflag:s19] =	ssyncset.done $0x0  }
0xae: {  	[sflag:s19] =	ssyncadd.s32 $0xFFFFC000  }
0xaf: {  	_ =	swait.ge [sflag:s30], $0x4000  }
0xb0: {  	[sflag:s30] =	ssyncset.done $0x0  }
0xb1: {  	[sflag:s30] =	ssyncadd.s32 $0xFFFFC000  }
0xb2: {  	_ =	swait.ge [sflag:s31], $0x4000  }
0xb3: {  	[sflag:s31] =	ssyncset.done $0x0  }
0xb4: {  	s2 =	simm.s32 $0x0;
	[sflag:s31] =	ssyncadd.s32 $0xFFFFC000  }
0xb5: {  	v3 =	vld [tilespmem:s2+$0xC200]  }
0xb6: {  	v4 =	vld [tilespmem:s2+$0xC210]  }
0xb7: {  	v2 =	vld [tilespmem:s2+$0xC220]  }
0xb8: {  	v1 =	vld [tilespmem:s2+$0xC230]  }
0xb9: {  	v0 =	vld [tilespmem:s2+$0xC240]  }
0xba: {  	v7 =	vld [tilespmem:s2+$0x4200]  }
0xbb: {  	v8 =	vld [tilespmem:s2+$0x4210]  }
0xbc: {  	v6 =	vld [tilespmem:s2+$0x4220]  }
0xbd: {  	s8 =	simm.s32 $0x200;
	v5 =	vld [tilespmem:s2+$0x4230]  }
.LBB2_10:
0xbe: {  	s9 =	sshra.s32 s8, $0x2;
	p0 =	sne.s32 s8, $0xFE00;
	v9 =	vld [tilespmem:s2+$0x4240]  }
0xbf: {  	v7 =	vadd.f32 v3, v7;
	v3 =	vld [tilespmem:s9+$0xC200]  }
0xc0: {  	v8 =	vadd.f32 v4, v8;
	v4 =	vld [tilespmem:s9+$0xC210]  }
0xc1: {  	[tilespmem:s2+$0x4200] =	vst v7;
	v6 =	vadd.f32 v2, v6;
	v2 =	vld [tilespmem:s9+$0xC220]  }
0xc2: {  	[tilespmem:s2+$0x4210] =	vst v8;
	v5 =	vadd.f32 v1, v5;
	v1 =	vld [tilespmem:s9+$0xC230]  }
.Ltmp4:
0xc3: {  	[tilespmem:s2+$0x4220] =	vst v6;
	v6 =	vsub.f32 v0, v9;
	v0 =	vld [tilespmem:s9+$0xC240];
	(pc) =	sbr.rel @p0 .LBB2_10-.Ltmp4, $4  }
0xc4: {  	v7 =	vld [tilespmem:s9+$0x4200];
	[tilespmem:s2+$0x4230] =	vst v5  }
0xc5: {  	v8 =	vld [tilespmem:s9+$0x4210];
	[tilespmem:s2+$0x4240] =	vst v6;
	s2 =	smov.u32 s9  }
0xc6: {  	v6 =	vld [tilespmem:s2+$0x4220]  }
0xc7: {  	s8 =	sadd.s32 $0x200, s8;
	v5 =	vld [tilespmem:s2+$0x4230]  }
0xc8: {  	v9 =	vld [tilespmem:s2+$0x4240]  }
0xc9: {  	v3 =	vadd.f32 v3, v7  }
0xca: {  	v4 =	vadd.f32 v4, v8  }
0xcb: {  	[tilespmem:s2+$0x4200] =	vst v3;
	v2 =	vadd.f32 v2, v6  }
0xcc: {  	[tilespmem:s2+$0x4210] =	vst v4;
	v1 =	vadd.f32 v1, v5  }
0xcd: {  	s0 =	sadd.s32 $0x1, s0;
	[tilespmem:s2+$0x4220] =	vst v2;
	v0 =	vsub.f32 v0, v9  }
0xce: {  	p0 =	sne.s32 s0, s18;
	[tilespmem:s2+$0x4230] =	vst v1  }
.Ltmp5:
0xcf: {  	[tilespmem:s2+$0x4240] =	vst v0;
	(pc) =	sbr.rel @p0 .LBB2_1-.Ltmp5, $4  }
0xd0: {  	[hbm4b:s17+s1] =	stream.linear.scatter [tilespmem:s25], [sflag:$0x5], $0x4000, $0x38;
	[tilespmem:$0x10200] =	vst v63  }
0xd1: {  	_ =	swait.ge [sflag:s19], $0x4000  }
0xd2: {  	[sflag:s19] =	ssyncset.done $0x0  }
0xd3: {  	[sflag:s19] =	ssyncadd.s32 $0xFFFFC000  }
0xd4: {  	_ =	sfence.sel $0x180000  }
0xd5: {  	[bflag:$0x0] =	sbarrier.arrive $0xFFFF  }
0xd6: {  	_ =	strace $0x9000004A  }
0xd7: {  	s0 =	stileid.u32;
	[bflag:$0x2] =	sbarrier.arrive $0xFFFF  }
0xd8: {  	p0 =	sne.s32 s0, $0x0;
	s0 =	rddreg [dreg:$0x1]  }
0xd9: {  	s0 =	sadd.s32 @!p0 $0x100000, s0  }
0xda: {  	[sflag:s0] =	ssyncadd.tile.s32 @!p0 $0x1;
	_ =	shalt  }
.Lfunc_end2:
_tile_overlayer_lowered:
.L_overlay_start_2:
0xdb: {  	(tag) =	ssettag $0x2  }
0xdc: {  	s0 =	rddreg [dreg:$0x0];
	s2 =	stileid.u32  }
0xdd: {  	s1 =	rddreg [dreg:$0x1];
	p0 =	sne.s32 s2, $0x0  }
0xde: {  	s3 =	rddreg [dreg:$0x2];
	[bflag:$0x3] =	sbarrier.arrive $0xFFFF;
	s2 =	simm.s32 @!p0 $0x1C05  }
0xdf: {  	[timem:s3], [sflag:s2] =	dma.local @!p0 [hbm:s0], s1  }
0xe0: {  	s0 =	simm.s32 @!p0 $0x5  }
0xe1: {  	_ =	swait.ge @!p0 [sflag:s0], s1  }
0xe2: {  	s1 =	ssub.s32 @!p0 $0x0, s1;
	[sflag:s0] =	ssyncset.done @!p0 $0x0  }
0xe3: {  	[sflag:s0] =	ssyncadd.s32 @!p0 s1  }
0xe4: {  	[bflag:$0x3] =	sbarrier.arrive $0xFFFF  }
0xe5: {  	_ =	shalt  }

// kernel: kernel.20.cloned.1.call-start
scs
__scs_entry_jumppad:
0x0: {  	(pc) =	sbr.rel $0x88, $3  }
0x1: {  	(tag) =	ssettag $0x0;
	lr =	simm.s32 $0x1  }
0x2: {  	[smem:$0x3F92] =	sst lr;
	_ =	strace $0xD0000000  }
0x3: {  	_ = 	snop  }
0x4: {  	_ = 	snop  }
0x5: {  	_ = 	snop  }
0x6: {  	_ = 	snop  }
0x7: {  	_ = 	snop  }
__scs_overlays_trampoline_lowered:
0x8: {  	[smem:$0x3FA1] =	sst s0  }
0x9: {  	[smem:$0x3FA2] =	sst s1  }
0xa: {  	[smem:$0x3FA3] =	sst s2  }
0xb: {  	[smem:$0x3FA4] =	sst s3  }
0xc: {  	[smem:$0x3FA5] =	sst s4  }
0xd: {  	[smem:$0x3FA6] =	sst s5  }
0xe: {  	[smem:$0x3FA7] =	sst s6  }
0xf: {  	[smem:$0x3FA8] =	sst s7  }
0x10: {  	[smem:$0x3FA9] =	sst s8  }
0x11: {  	[smem:$0x3FAA] =	sst s9;
	s0 =	simm.s32 @!p0 $0x0  }
0x12: {  	s1 =	sld [smem:$0x3F90];
	s0 =	simm.s32 @p0 $0x1  }
0x13: {  	[smem:$0x3FAB] =	sst s0;
	s0 =	simm.s32 @!p1 $0x0  }
0x14: {  	s2 =	sld [smem:$0x3F8F];
	s0 =	simm.s32 @p1 $0x1  }
0x15: {  	[smem:$0x3FAC] =	sst s0;
	s0 =	simm.s32 @!p2 $0x0  }
0x16: {  	s3 =	sld [smem:$0x3FDB];
	s0 =	simm.s32 @p2 $0x1  }
0x17: {  	s4 =	simm.s32 $0x1BF5;
	[smem:$0x3FAE] =	sst s0  }
0x18: {  	s0 =	sld [smem:$0x3F91];
	_ =	swait.ge [sflag:s4], $0x0  }
0x19: {  	s7 =	sld [smem:$0x3F92]  }
0x1a: {  	s8 =	sadd.s32 $0xFFFFE003, lr  }
0x1b: {  	s9 =	sadd.s32 $0xFFFFFEF7, lr;
	s5 =	simm.s32 $0xFFFFFFFF;
	p2 =	slt.u32 s8, $0xFFFFF086  }
0x1c: {  	p1 =	slt.u32 s9, $0xF7A;
	s5 =	simm.s32 @!p2 $0x0  }
0x1d: {  	s5 =	simm.s32 @p1 $0x1;
	p0 =	seq.s32 s7, s2  }
0x1e: {  	s7 =	smul.u32 @!p0 $0xF7A, s2;
	p2 =	seq.s32 @!p0 s5, $0x0  }
0x1f: {  	s9 =	smul.u32 $0xF7A, s1;
	s8 =	simm.s32 @!p0 $0x1BF5;
	p2 =	por !p2, p0  }
0x20: {  	[sflag:s8] =	ssyncset.s32 @!p0 $0xFFFFF086;
	s6 =	sadd.s32 @!p0 s3, s7;
	s7 =	simm.s32 @!p0 $0x108  }
0x21: {  	s3 =	sadd.s32 s3, s9;
	s6 =	sadd.s32 @!p0 $0x88, s6;
	s7 =	simm.s32 @p2 $0x1082  }
0x22: {  	[simem:s7], [sflag:s8] =	dma.local @!p0 [hbm:s6], $0xF7A  }
0x23: {  	s9 =	sor.u32 $0xD0000000, s2;
	s6 =	simm.s32 $0x108;
	_ =	swait.ge @!p0 [sflag:s8], $0x0  }
0x24: {  	s3 =	sadd.s32 $0x88, s3;
	s6 =	simm.s32 @!p1 $0x1082;
	[sflag:s4] =	ssyncset.s32 $0xFFFFF086  }
0x25: {  	[simem:s6], [sflag:s4] =	dma.local [hbm:s3], $0xF7A  }
0x26: {  	[smem:$0x3F92] =	sst s1;
	(tag) =	ssettag s2;
	_ =	strace s9  }
0x27: {  	s1 =	sld [smem:$0x3FA2]  }
0x28: {  	s2 =	sld [smem:$0x3FA3]  }
0x29: {  	s4 =	sld [smem:$0x3FA5]  }
0x2a: {  	p0 =	seq.s32 s5, $0x0;
	s5 =	sld [smem:$0x3FA6]  }
0x2b: {  	s6 =	sld [smem:$0x3FA7]  }
0x2c: {  	s7 =	sld [smem:$0x3FA8]  }
0x2d: {  	s3 =	simm.s32 $0x108;
	s8 =	sld [smem:$0x3FA9]  }
0x2e: {  	s3 =	simm.s32 @!p0 $0x1082;
	s9 =	sld [smem:$0x3FAA]  }
0x2f: {  	lr =	sadd.s32 s0, s3;
	s0 =	sld [smem:$0x3FA1]  }
0x30: {  	s3 =	sld [smem:$0x3FA4]  }
0x31: {  	[smem:$0x3FAD] =	sst s10  }
0x32: {  	s10 =	sld [smem:$0x3FAB];
	_ =	sdelay $0x3  }
0x33: {  	p0 =	seq.s32 s10, $0x1;
	s10 =	sld [smem:$0x3FAD];
	_ =	sdelay $0x3  }
0x34: {  	[smem:$0x3FAD] =	sst s10  }
0x35: {  	s10 =	sld [smem:$0x3FAC];
	_ =	sdelay $0x3  }
0x36: {  	p1 =	seq.s32 s10, $0x1;
	s10 =	sld [smem:$0x3FAD];
	_ =	sdelay $0x3  }
0x37: {  	[smem:$0x3FAD] =	sst s10  }
0x38: {  	s10 =	sld [smem:$0x3FAE]  }
0x39: {  	_ = 	snop;
	(pc) =	sbr.ind lr, $3  }
0x3a: {  	_ = 	snop  }
0x3b: {  	_ = 	snop  }
0x3c: {  	p2 =	seq.s32 s10, $0x1;
	s10 =	sld [smem:$0x3FAD]  }
0x3d: {  	_ =	shalt  }
0x3e: {  	_ =	shalt  }
0x3f: {  	_ =	shalt  }
0x40: {  	_ =	shalt  }
0x41: {  	_ =	shalt  }
0x42: {  	_ =	shalt  }
0x43: {  	_ =	shalt  }
0x44: {  	_ =	shalt  }
0x45: {  	_ =	shalt  }
0x46: {  	_ =	shalt  }
0x47: {  	_ =	shalt  }
0x48: {  	_ =	shalt  }
0x49: {  	_ =	shalt  }
0x4a: {  	_ =	shalt  }
0x4b: {  	_ =	shalt  }
0x4c: {  	_ =	shalt  }
0x4d: {  	_ =	shalt  }
0x4e: {  	_ =	shalt  }
0x4f: {  	_ =	shalt  }
0x50: {  	_ =	shalt  }
0x51: {  	_ =	shalt  }
0x52: {  	_ =	shalt  }
0x53: {  	_ =	shalt  }
0x54: {  	_ =	shalt  }
0x55: {  	_ =	shalt  }
0x56: {  	_ =	shalt  }
0x57: {  	_ =	shalt  }
0x58: {  	_ =	shalt  }
0x59: {  	_ =	shalt  }
0x5a: {  	_ =	shalt  }
0x5b: {  	_ =	shalt  }
0x5c: {  	_ =	shalt  }
0x5d: {  	_ =	shalt  }
0x5e: {  	_ =	shalt  }
0x5f: {  	_ =	shalt  }
0x60: {  	_ =	shalt  }
0x61: {  	_ =	shalt  }
0x62: {  	_ =	shalt  }
0x63: {  	_ =	shalt  }
0x64: {  	_ =	shalt  }
0x65: {  	_ =	shalt  }
0x66: {  	_ =	shalt  }
0x67: {  	_ =	shalt  }
0x68: {  	_ =	shalt  }
0x69: {  	_ =	shalt  }
0x6a: {  	_ =	shalt  }
0x6b: {  	_ =	shalt  }
0x6c: {  	_ =	shalt  }
0x6d: {  	_ =	shalt  }
0x6e: {  	_ =	shalt  }
0x6f: {  	_ =	shalt  }
0x70: {  	_ =	shalt  }
0x71: {  	_ =	shalt  }
0x72: {  	_ =	shalt  }
0x73: {  	_ =	shalt  }
0x74: {  	_ =	shalt  }
0x75: {  	_ =	shalt  }
0x76: {  	_ =	shalt  }
0x77: {  	_ =	shalt  }
0x78: {  	_ =	shalt  }
0x79: {  	_ =	shalt  }
0x7a: {  	_ =	shalt  }
0x7b: {  	_ =	shalt  }
0x7c: {  	_ =	shalt  }
0x7d: {  	_ =	shalt  }
0x7e: {  	_ =	shalt  }
0x7f: {  	_ =	shalt  }
0x80: {  	_ =	shalt  }
0x81: {  	_ =	shalt  }
0x82: {  	_ =	shalt  }
0x83: {  	_ =	shalt  }
0x84: {  	_ =	shalt  }
0x85: {  	_ =	shalt  }
0x86: {  	_ =	shalt  }
0x87: {  	_ =	shalt  }
.Lfunc_end0:
.L_simem_size_0:
called_computation.3_lowered:
.L_overlay_start_0:
0x88: {  	s2 =	sld [smem:$0x3FD9]  }
0x89: {  	s3 =	sld [smem:$0x3FFE];
	_ =	sdelay $0x1  }
0x8a: {  	s1 =	srdreg.scid  }
0x8b: {  	s0 =	sand.u32 $0x1, s1  }
0x8c: {  	s17 =	sshll.u32 s0, $0xA;
	s2 =	sadd.s32 s3, s2  }
0x8d: {  	s2 =	sadd.s32 s2, s17  }
0x8e: {  	[smem:$0x3FB9] =	sst s2  }
0x8f: {  	_ = 	snop  }
0x90: {  	(tm) =	ssettm $0x1  }
0x91: {  	s18 =	sld [smem:$0x3FFB];
	_ =	sdelay $0x3  }
0x92: {  	_ =	strace s18  }
0x93: {  	s2 =	sld [smem:$0x3FFC];
	_ =	sdelay $0x3  }
0x94: {  	_ =	strace s2  }
0x95: {  	s2 =	sld [smem:$0x3FFD];
	_ =	sdelay $0x3  }
0x96: {  	_ =	strace s2  }
0x97: {  	_ =	strace $0x8FFFFFFF  }
0x98: {  	s19 =	sld [smem:$0x3FDB];
	_ =	sdelay $0x1  }
0x99: {  	s20 =	simm.s32 $_scs_section_size  }
0x9a: {  	s4 =	simm.s32 $_size__tile_overlayer_lowered;
	s5 =	simm.s32 $_tile_overlayer_lowered  }
0x9b: {  	s6 =	simm.s32 $0x1BFF;
	s21 =	sshll.u32 s5, $0x1;
	s3 =	sadd.s32 s20, s19  }
0x9c: {  	s22 =	simm.s32 $0x0;
	s4 =	sshll.u32 s4, $0x1;
	s5 =	sadd.s32 s21, s3  }
0x9d: {  	[timem:s22], [sflag:s6] =	dma.local [hbm:s5], s4  }
0x9e: {  	_ =	swait.ge [sflag:s6], s4  }
0x9f: {  	s4 =	ssub.s32 $0x0, s4;
	[sflag:s6] =	ssyncset.done $0x0  }
0xa0: {  	[sflag:s6] =	ssyncadd.s32 s4;
	_ =	sdelay $0x1  }
0xa1: {  	s23 =	simm.s32 $0x1B8B  }
0xa2: {  	_ =	swait.ge [sflag:s23], $0x1  }
0xa3: {  	[sflag:s23] =	ssyncset.done $0x0  }
0xa4: {  	[sflag:s23] =	ssyncadd.s32 $0xFFFFFFFF  }
0xa5: {  	s4 =	sld [smem:$0x0]  }
0xa6: {  	s5 =	sand.u32 $0xFFFFFFFE, s1  }
0xa7: {  	p0 =	sne.s32 s1, s5  }
0xa8: {  	s5 =	sshll.u32 @p0 s5, $0xE  }
0xa9: {  	s5 =	sadd.s32 @p0 $0x11B8D, s5;
	s6 =	sshll.u32 @p0 s4, $0x11  }
0xaa: {  	s5 =	sor.u32 @p0 s6, s5  }
0xab: {  	[sflag:s5] =	ssyncadd.remote.s32 @p0 $0x1;
	_ =	sdelay $0x1  }
0xac: {  	s5 =	simm.s32 @p0 $0x1B8D  }
0xad: {  	_ =	swait.eq @p0 [sflag:s5], $0x1  }
0xae: {  	[sflag:s5] =	ssyncadd.s32 @p0 $0xFFFFFFFF  }
0xaf: {  	s6 =	sshll.u32 @!p0 s1, $0xE  }
0xb0: {  	s6 =	sor.u32 @!p0 $0x4000, s6;
	s5 =	simm.s32 @!p0 $0x1B8D  }
0xb1: {  	s4 =	sshll.u32 @!p0 s4, $0x11;
	s6 =	sadd.s32 @!p0 $0x11B8D, s6;
	_ =	swait.eq @!p0 [sflag:s5], $0x1  }
0xb2: {  	s4 =	sor.u32 @!p0 s4, s6;
	[sflag:s5] =	ssyncadd.s32 @!p0 $0xFFFFFFFF  }
0xb3: {  	s25 =	simm.s32 $0x1B8E;
	s24 =	sld [smem:$0x3FFE];
	[sflag:s4] =	ssyncadd.remote.s32 @!p0 $0x1  }
0xb4: {  	s26 =	simm.s32 $execute0_lowered;
	[smem:$0x3FD2] =	sst s25  }
0xb5: {  	s5 =	sshll.u32 s26, $0x1;
	_ =	strace $0x80000052;
	[dreg:$0x1] =	wrdreg $0xFFFFFFFF  }
0xb6: {  	s28 =	simm.s32 $_size_execute0_lowered;
	s3 =	sadd.s32 s3, s5;
	[dreg:$0x0] =	wrdreg $0x0  }
0xb7: {  	s5 =	sshll.u32 s28, $0x1;
	[dreg:$0x2] =	wrdreg s3  }
0xb8: {  	[dreg:$0x3] =	wrdreg s5  }
0xb9: {  	[dreg:$0x4] =	wrdreg $0xC0  }
0xba: {  	_ =	task [dreg:s22], $0x5FFFF  }
0xbb: {  	[dreg:$0x1] =	wrdreg $0xFFFFFFFF  }
0xbc: {  	[dreg:$0x0] =	wrdreg $0x60  }
0xbd: {  	[dreg:$0x2] =	wrdreg s24  }
0xbe: {  	[dreg:$0x3] =	wrdreg $0x81000  }
0xbf: {  	[dreg:$0x4] =	wrdreg $0x9  }
0xc0: {  	_ =	task.clear_ibuf [dreg:s22], $0x5FFFF;
	_ =	strace $0x90000052  }
0xc1: {  	s29 =	simm.s32 $0x9;
	_ =	strace $0x80000054  }
0xc2: {  	_ =	swait.ge [sflag:s29], $0x1  }
0xc3: {  	[sflag:s29] =	ssyncadd.s32 $0xFFFFFFFF  }
0xc4: {  	_ =	strace $0x90000054  }
0xc5: {  	_ =	sfence  }
0xc6: {  	s30 =	sld [smem:$0x0];
	_ =	sdelay $0x2  }
0xc7: {  	s31 =	sshll.u32 s1, $0xD;
	s1 =	sshrl.u32 s1, $0x2  }
0xc8: {  	s4 =	sand.u32 $0x4000, s31;
	s1 =	sadd.s32 s1, s30  }
0xc9: {  	s0 =	sor.u32 s4, s0;
	s1 =	sshll.u32 s1, $0x11  }
0xca: {  	s0 =	sor.u32 s1, s0  }
0xcb: {  	s0 =	sadd.s32 $0x8F2B, s0  }
0xcc: {  	[sflag:s0] =	ssyncadd.remote.s32 $0x1  }
0xcd: {  	_ =	sfence.sel $0xFFFF  }
0xce: {  	[dreg:$0x0] =	wrdreg $0xFFFFFFFF;
	(pc) =	sbr.abs _section_cstart, $3  }
0xcf: {  	[dreg:$0x1] =	wrdreg $0xFFFFFFFF  }
0xd0: {  	_ =	task.clear_ibuf [dreg:s22], $0x2FFFF;
	_ =	strace $0x9FFFFFFF  }
0xd1: {  	(tm) =	ssettm $0x7FFFFFFF  }
tec
execute0_lowered:
.L_overlay_start_1:
0x0: {  	(tag) =	ssettag $0x1  }
0x1: {  	s4 =	rddreg [dreg:$0x0]  }
0x2: {  	s2 =	rddreg [dreg:$0x1]  }
0x3: {  	s0 =	rddreg [dreg:$0x2];
	s3 =	simm.s32 $0x0;
	s1 =	stileid.u32  }
0x4: {  	s5 =	srdreg.scid;
	s18 =	simm.s32 $0x4100;
	[smem:$0x7FF] =	sst s3  }
0x5: {  	s6 =	smul.u32 $0x2780, s1;
	s11 =	sand.u32 $0x1, s5;
	s12 =	sadd.s32 $0x7E8800, s4  }
0x6: {  	s13 =	sadd.s32 $0x59800, s4;
	s8 =	smul.u32 $0x4F000, s1;
	s21 =	sshll.u32 s1, $0x1  }
0x7: {  	s23 =	sshll.u32 s1, $0x6;
	s16 =	sshll.u32 s1, $0xC;
	s30 =	sshll.u32 s1, $0x5  }
0x8: {  	_ =	strace $0x80000053;
	s5 =	smul.u32 $0x27800, s11;
	s19 =	ssub.s32 $0x2, s11  }
0x9: {  	s9 =	sor.u32 s11, s21;
	s17 =	sshll.u32 s11, $0xB;
	s31 =	sshll.u32 s11, $0x4  }
0xa: {  	s21 =	simm.s32 $0x0;
	s7 =	sadd.s32 s6, s4;
	s20 =	sshrl.u32 s19, $0x1  }
0xb: {  	s22 =	sshrl.u32 s8, $0x2;
	s24 =	sshll.u32 s9, $0x4;
	s25 =	sshll.u32 s9, $0x7  }
0xc: {  	s26 =	sshll.u32 s9, $0xB;
	s5 =	sadd.s32 s6, s5;
	s14 =	ssub.s32 s19, s20  }
0xd: {  	s15 =	sadd.s32 s22, s2;
	s6 =	sadd.s32 s13, s24;
	s28 =	sor.u32 $0x1000, s25  }
0xe: {  	s19 =	simm.s32 $0x1;
	s20 =	simm.s32 $0x2;
	s10 =	sadd.s32 s5, s4  }
0xf: {  	s4 =	sadd.s32 $0x68800, s7;
	s5 =	sor.u32 $0x1C03, s23;
	s7 =	sadd.s32 s12, s26  }
0x10: {  	s29 =	sshrl.u32 s28, $0x3;
	s9 =	sshll.u32 s28, $0x4;
	s11 =	smax.u32 s14, $0x1  }
0x11: {  	s14 =	sshrl.u32 s15, $0x3;
	s15 =	simm.s32 $0x3;
	s8 =	sadd.s32 s13, s29  }
0x12: {  	s9 =	sadd.s32 s12, s9;
	s10 =	sadd.s32 $0xDF000, s10;
	s13 =	sadd.s32 s30, s13  }
0x13: {  	s12 =	sadd.s32 s16, s12;
	s16 =	simm.s32 $0x100;
	s13 =	sadd.s32 s31, s13  }
0x14: {  	s12 =	sadd.s32 s17, s12;
	s17 =	simm.s32 $0x80;
	s13 =	sadd.s32 $0x600, s13  }
.LBB2_1:
0x15: {  	[spmem:s14], [sflag:s5] =	dma.local [hbm:s4], $0x2780  }
0x16: {  	_ =	swait.ge [sflag:s15], $0x2780  }
0x17: {  	[sflag:s15] =	ssyncset.done $0x0  }
0x18: {  	[sflag:s15] =	ssyncadd.s32 $0xFFFFD880  }
0x19: {  	[bflag:$0x0] =	sbarrier.arrive $0xFFFF  }
0x1a: {  	[tilespmem:s3], [sflag:$0x3] =	stream.linear.gather [hbm4b:s6+s3], $0x80, $0x38;
	[tilespmem:$0x1BD00] =	vst v63  }
0x1b: {  	_ =	swait.ge [sflag:s15], $0x80  }
0x1c: {  	[sflag:s15] =	ssyncset.done $0x0  }
0x1d: {  	[sflag:s15] =	ssyncadd.s32 $0xFFFFFF80  }
0x1e: {  	[tilespmem:s16], [sflag:$0x1] =	stream.linear.gather [hbm4b:s7+s3], $0x4000, $0x38;
	[tilespmem:$0x1BD00] =	vst v63  }
0x1f: {  	_ = 	snop  }
0x20: {  	[tilespmem:s17], [sflag:$0x3] =	stream.linear.gather [hbm4b:s8+s3], $0x80, $0x38;
	[tilespmem:$0x1BD00] =	vst v63  }
0x21: {  	_ =	swait.ge [sflag:s15], $0x80  }
0x22: {  	[sflag:s15] =	ssyncset.done $0x0  }
0x23: {  	[sflag:s15] =	ssyncadd.s32 $0xFFFFFF80  }
0x24: {  	[tilespmem:s18], [sflag:$0x2] =	stream.linear.gather [hbm4b:s9+s3], $0x4000, $0x38;
	[tilespmem:$0x1BD00] =	vst v63  }
0x25: {  	_ =	swait.ge [sflag:s19], $0x4000  }
0x26: {  	[sflag:s19] =	ssyncset.done $0x0  }
0x27: {  	[sflag:s19] =	ssyncadd.s32 $0xFFFFC000  }
0x28: {  	[spmem:s2] =	stream.indirect.scatter.add.f32 [tilespmem:s16], [sflag:$0x3], $0x80, s3, s17, $0xb8;
	[tilespmem:$0x1BD00] =	vst v63  }
0x29: {  	_ =	swait.ge [sflag:s15], $0x4000  }
0x2a: {  	[sflag:s15] =	ssyncset.done $0x0  }
0x2b: {  	s22 =	sadd.s32 $0xFFFFFE00, s13;
	[sflag:s15] =	ssyncadd.s32 $0xFFFFC000  }
0x2c: {  	[tilespmem:s3], [sflag:$0x3] =	stream.linear.gather [hbm4b:s22+s3], $0x80, $0x38;
	[tilespmem:$0x1BD00] =	vst v63  }
0x2d: {  	_ =	swait.ge [sflag:s15], $0x80  }
0x2e: {  	s23 =	sadd.s32 $0x0, s12;
	[sflag:s15] =	ssyncset.done $0x0  }
0x2f: {  	s31 =	sadd.s32 $0x20000, s23;
	[sflag:s15] =	ssyncadd.s32 $0xFFFFFF80  }
0x30: {  	[tilespmem:s16], [sflag:$0x1] =	stream.linear.gather [hbm4b:s31+s3], $0x4000, $0x38;
	[tilespmem:$0x1BD00] =	vst v63  }
0x31: {  	_ =	swait.ge [sflag:s20], $0x4000  }
0x32: {  	[sflag:s20] =	ssyncset.done $0x0  }
0x33: {  	[sflag:s20] =	ssyncadd.s32 $0xFFFFC000  }
0x34: {  	[spmem:s2] =	stream.indirect.scatter.add.f32 [tilespmem:s18], [sflag:$0x3], $0x80, s17, s17, $0xb8;
	[tilespmem:$0x1BD00] =	vst v63  }
0x35: {  	_ =	swait.ge [sflag:s15], $0x4000  }
0x36: {  	[sflag:s15] =	ssyncset.done $0x0  }
0x37: {  	[sflag:s15] =	ssyncadd.s32 $0xFFFFC000  }
0x38: {  	[tilespmem:s17], [sflag:$0x3] =	stream.linear.gather [hbm4b:s13+s3], $0x80, $0x38;
	[tilespmem:$0x1BD00] =	vst v63  }
0x39: {  	_ =	swait.ge [sflag:s15], $0x80  }
0x3a: {  	s24 =	sadd.s32 $0x30000, s23;
	[sflag:s15] =	ssyncset.done $0x0  }
0x3b: {  	s23 =	sadd.s32 $0x400, s13;
	s22 =	simm.s32 $0x20000;
	[sflag:s15] =	ssyncadd.s32 $0xFFFFFF80  }
.LBB2_2:
0x3c: {  	[tilespmem:s18], [sflag:$0x2] =	stream.linear.gather [hbm4b:s24+s3], $0x4000, $0x38;
	[tilespmem:$0x1BD00] =	vst v63  }
0x3d: {  	s24 =	smov.u32 s22  }
0x3e: {  	p0 =	sne.s32 s22, $0x240000;
	s22 =	sadd.s32 $0x20000, s22;
	_ =	swait.ge [sflag:s19], $0x4000  }
0x3f: {  	[sflag:s19] =	ssyncset.done $0x0  }
0x40: {  	[sflag:s19] =	ssyncadd.s32 $0xFFFFC000  }
0x41: {  	[spmem:s2] =	stream.indirect.scatter.add.f32 [tilespmem:s16], [sflag:$0x3], $0x80, s3, s17, $0xb8;
	[tilespmem:$0x1BD00] =	vst v63  }
0x42: {  	_ =	swait.ge [sflag:s15], $0x4000  }
0x43: {  	[sflag:s15] =	ssyncset.done $0x0  }
0x44: {  	s25 =	sadd.s32 $0xFFFFFE00, s23;
	[sflag:s15] =	ssyncadd.s32 $0xFFFFC000  }
0x45: {  	[tilespmem:s3], [sflag:$0x3] =	stream.linear.gather [hbm4b:s25+s3], $0x80, $0x38;
	[tilespmem:$0x1BD00] =	vst v63  }
0x46: {  	_ =	swait.ge [sflag:s15], $0x80  }
0x47: {  	s24 =	sadd.s32 s24, s12;
	[sflag:s15] =	ssyncset.done $0x0  }
0x48: {  	s25 =	sadd.s32 $0x20000, s24;
	[sflag:s15] =	ssyncadd.s32 $0xFFFFFF80  }
0x49: {  	[tilespmem:s16], [sflag:$0x1] =	stream.linear.gather [hbm4b:s25+s3], $0x4000, $0x38;
	[tilespmem:$0x1BD00] =	vst v63  }
0x4a: {  	_ =	swait.ge [sflag:s20], $0x4000  }
0x4b: {  	[sflag:s20] =	ssyncset.done $0x0  }
0x4c: {  	[sflag:s20] =	ssyncadd.s32 $0xFFFFC000  }
0x4d: {  	[spmem:s2] =	stream.indirect.scatter.add.f32 [tilespmem:s18], [sflag:$0x3], $0x80, s17, s17, $0xb8;
	[tilespmem:$0x1BD00] =	vst v63  }
0x4e: {  	_ =	swait.ge [sflag:s15], $0x4000  }
0x4f: {  	[sflag:s15] =	ssyncset.done $0x0  }
.Ltmp0:
0x50: {  	[sflag:s15] =	ssyncadd.s32 $0xFFFFC000;
	(pc) =	sbr.rel @p0 .LBB2_2-.Ltmp0, $4  }
0x51: {  	[tilespmem:s17], [sflag:$0x3] =	stream.linear.gather [hbm4b:s23+s3], $0x80, $0x38;
	[tilespmem:$0x1BD00] =	vst v63  }
0x52: {  	_ =	swait.ge [sflag:s15], $0x80  }
0x53: {  	[sflag:s15] =	ssyncset.done $0x0  }
0x54: {  	s24 =	sadd.s32 $0x30000, s24;
	s23 =	sadd.s32 $0x400, s23;
	[sflag:s15] =	ssyncadd.s32 $0xFFFFFF80  }
0x55: {  	[tilespmem:s18], [sflag:$0x2] =	stream.linear.gather [hbm4b:s24+s3], $0x4000, $0x38;
	[tilespmem:$0x1BD00] =	vst v63  }
0x56: {  	_ =	swait.ge [sflag:s19], $0x4000  }
0x57: {  	[sflag:s19] =	ssyncset.done $0x0  }
0x58: {  	[sflag:s19] =	ssyncadd.s32 $0xFFFFC000  }
0x59: {  	[spmem:s2] =	stream.indirect.scatter.add.f32 [tilespmem:s16], [sflag:$0x3], $0x80, s3, s17, $0xb8;
	[tilespmem:$0x1BD00] =	vst v63  }
0x5a: {  	_ =	swait.ge [sflag:s15], $0x4000  }
0x5b: {  	[sflag:s15] =	ssyncset.done $0x0  }
0x5c: {  	[sflag:s15] =	ssyncadd.s32 $0xFFFFC000  }
0x5d: {  	_ =	swait.ge [sflag:s20], $0x4000  }
0x5e: {  	[sflag:s20] =	ssyncset.done $0x0  }
0x5f: {  	[sflag:s20] =	ssyncadd.s32 $0xFFFFC000  }
0x60: {  	[spmem:s2] =	stream.indirect.scatter.add.f32 [tilespmem:s18], [sflag:$0x3], $0x80, s17, s17, $0xb8;
	[tilespmem:$0x1BD00] =	vst v63  }
0x61: {  	_ =	swait.ge [sflag:s15], $0x4000  }
0x62: {  	s21 =	sadd.s32 $0x1, s21;
	[sflag:s15] =	ssyncset.done $0x0  }
0x63: {  	p0 =	sne.s32 s21, s11;
	[sflag:s15] =	ssyncadd.s32 $0xFFFFC000  }
.Ltmp1:
0x64: {  	[bflag:$0x0] =	sbarrier.arrive $0xFFFF;
	(pc) =	sbr.rel @p0 .LBB2_1-.Ltmp1, $4  }
0x65: {  	[hbm:s10], [sflag:s5] =	dma.local [spmem:s14], $0x2780  }
0x66: {  	_ =	swait.ge [sflag:s15], $0x2780  }
0x67: {  	[sflag:s15] =	ssyncset.done $0x0  }
0x68: {  	[sflag:s15] =	ssyncadd.s32 $0xFFFFD880  }
0x69: {  	_ =	sfence.sel $0x180000  }
0x6a: {  	[bflag:$0x0] =	sbarrier.arrive $0xFFFF  }
0x6b: {  	p0 =	sne.s32 s1, $0x0;
	_ =	strace $0x90000053  }
0x6c: {  	s0 =	sadd.s32 @!p0 $0x100000, s0;
	[bflag:$0x2] =	sbarrier.arrive $0xFFFF  }
0x6d: {  	[sflag:s0] =	ssyncadd.tile.s32 @!p0 $0x1;
	_ =	shalt  }
.Lfunc_end2:
_tile_overlayer_lowered:
.L_overlay_start_2:
0x6e: {  	(tag) =	ssettag $0x2  }
0x6f: {  	s0 =	rddreg [dreg:$0x0];
	s2 =	stileid.u32  }
0x70: {  	s1 =	rddreg [dreg:$0x1];
	p0 =	sne.s32 s2, $0x0  }
0x71: {  	s3 =	rddreg [dreg:$0x2];
	[bflag:$0x3] =	sbarrier.arrive $0xFFFF;
	s2 =	simm.s32 @!p0 $0x1C03  }
0x72: {  	[timem:s3], [sflag:s2] =	dma.local @!p0 [hbm:s0], s1  }
0x73: {  	s0 =	simm.s32 @!p0 $0x3  }
0x74: {  	_ =	swait.ge @!p0 [sflag:s0], s1  }
0x75: {  	s1 =	ssub.s32 @!p0 $0x0, s1;
	[sflag:s0] =	ssyncset.done @!p0 $0x0  }
0x76: {  	[sflag:s0] =	ssyncadd.s32 @!p0 s1  }
0x77: {  	[bflag:$0x3] =	sbarrier.arrive $0xFFFF  }
0x78: {  	_ =	shalt  }

// kernel: kernel.23.cloned.1.call-start
scs
__scs_entry_jumppad:
0x0: {  	(pc) =	sbr.rel $0x88, $3  }
0x1: {  	(tag) =	ssettag $0x0;
	lr =	simm.s32 $0x1  }
0x2: {  	[smem:$0x3F92] =	sst lr;
	_ =	strace $0xD0000000  }
0x3: {  	_ = 	snop  }
0x4: {  	_ = 	snop  }
0x5: {  	_ = 	snop  }
0x6: {  	_ = 	snop  }
0x7: {  	_ = 	snop  }
__scs_overlays_trampoline_lowered:
0x8: {  	[smem:$0x3FA1] =	sst s0  }
0x9: {  	[smem:$0x3FA2] =	sst s1  }
0xa: {  	[smem:$0x3FA3] =	sst s2  }
0xb: {  	[smem:$0x3FA4] =	sst s3  }
0xc: {  	[smem:$0x3FA5] =	sst s4  }
0xd: {  	[smem:$0x3FA6] =	sst s5  }
0xe: {  	[smem:$0x3FA7] =	sst s6  }
0xf: {  	[smem:$0x3FA8] =	sst s7  }
0x10: {  	[smem:$0x3FA9] =	sst s8  }
0x11: {  	[smem:$0x3FAA] =	sst s9;
	s0 =	simm.s32 @!p0 $0x0  }
0x12: {  	s1 =	sld [smem:$0x3F90];
	s0 =	simm.s32 @p0 $0x1  }
0x13: {  	[smem:$0x3FAB] =	sst s0;
	s0 =	simm.s32 @!p1 $0x0  }
0x14: {  	s2 =	sld [smem:$0x3F8F];
	s0 =	simm.s32 @p1 $0x1  }
0x15: {  	[smem:$0x3FAC] =	sst s0;
	s0 =	simm.s32 @!p2 $0x0  }
0x16: {  	s3 =	sld [smem:$0x3FDB];
	s0 =	simm.s32 @p2 $0x1  }
0x17: {  	s4 =	simm.s32 $0x1BF5;
	[smem:$0x3FAE] =	sst s0  }
0x18: {  	s0 =	sld [smem:$0x3F91];
	_ =	swait.ge [sflag:s4], $0x0  }
0x19: {  	s7 =	sld [smem:$0x3F92]  }
0x1a: {  	s8 =	sadd.s32 $0xFFFFE003, lr  }
0x1b: {  	s9 =	sadd.s32 $0xFFFFFEF7, lr;
	s5 =	simm.s32 $0xFFFFFFFF;
	p2 =	slt.u32 s8, $0xFFFFF086  }
0x1c: {  	p1 =	slt.u32 s9, $0xF7A;
	s5 =	simm.s32 @!p2 $0x0  }
0x1d: {  	s5 =	simm.s32 @p1 $0x1;
	p0 =	seq.s32 s7, s2  }
0x1e: {  	s7 =	smul.u32 @!p0 $0xF7A, s2;
	p2 =	seq.s32 @!p0 s5, $0x0  }
0x1f: {  	s9 =	smul.u32 $0xF7A, s1;
	s8 =	simm.s32 @!p0 $0x1BF5;
	p2 =	por !p2, p0  }
0x20: {  	[sflag:s8] =	ssyncset.s32 @!p0 $0xFFFFF086;
	s6 =	sadd.s32 @!p0 s3, s7;
	s7 =	simm.s32 @!p0 $0x108  }
0x21: {  	s3 =	sadd.s32 s3, s9;
	s6 =	sadd.s32 @!p0 $0x88, s6;
	s7 =	simm.s32 @p2 $0x1082  }
0x22: {  	[simem:s7], [sflag:s8] =	dma.local @!p0 [hbm:s6], $0xF7A  }
0x23: {  	s9 =	sor.u32 $0xD0000000, s2;
	s6 =	simm.s32 $0x108;
	_ =	swait.ge @!p0 [sflag:s8], $0x0  }
0x24: {  	s3 =	sadd.s32 $0x88, s3;
	s6 =	simm.s32 @!p1 $0x1082;
	[sflag:s4] =	ssyncset.s32 $0xFFFFF086  }
0x25: {  	[simem:s6], [sflag:s4] =	dma.local [hbm:s3], $0xF7A  }
0x26: {  	[smem:$0x3F92] =	sst s1;
	(tag) =	ssettag s2;
	_ =	strace s9  }
0x27: {  	s1 =	sld [smem:$0x3FA2]  }
0x28: {  	s2 =	sld [smem:$0x3FA3]  }
0x29: {  	s4 =	sld [smem:$0x3FA5]  }
0x2a: {  	p0 =	seq.s32 s5, $0x0;
	s5 =	sld [smem:$0x3FA6]  }
0x2b: {  	s6 =	sld [smem:$0x3FA7]  }
0x2c: {  	s7 =	sld [smem:$0x3FA8]  }
0x2d: {  	s3 =	simm.s32 $0x108;
	s8 =	sld [smem:$0x3FA9]  }
0x2e: {  	s3 =	simm.s32 @!p0 $0x1082;
	s9 =	sld [smem:$0x3FAA]  }
0x2f: {  	lr =	sadd.s32 s0, s3;
	s0 =	sld [smem:$0x3FA1]  }
0x30: {  	s3 =	sld [smem:$0x3FA4]  }
0x31: {  	[smem:$0x3FAD] =	sst s10  }
0x32: {  	s10 =	sld [smem:$0x3FAB];
	_ =	sdelay $0x3  }
0x33: {  	p0 =	seq.s32 s10, $0x1;
	s10 =	sld [smem:$0x3FAD];
	_ =	sdelay $0x3  }
0x34: {  	[smem:$0x3FAD] =	sst s10  }
0x35: {  	s10 =	sld [smem:$0x3FAC];
	_ =	sdelay $0x3  }
0x36: {  	p1 =	seq.s32 s10, $0x1;
	s10 =	sld [smem:$0x3FAD];
	_ =	sdelay $0x3  }
0x37: {  	[smem:$0x3FAD] =	sst s10  }
0x38: {  	s10 =	sld [smem:$0x3FAE]  }
0x39: {  	_ = 	snop;
	(pc) =	sbr.ind lr, $3  }
0x3a: {  	_ = 	snop  }
0x3b: {  	_ = 	snop  }
0x3c: {  	p2 =	seq.s32 s10, $0x1;
	s10 =	sld [smem:$0x3FAD]  }
0x3d: {  	_ =	shalt  }
0x3e: {  	_ =	shalt  }
0x3f: {  	_ =	shalt  }
0x40: {  	_ =	shalt  }
0x41: {  	_ =	shalt  }
0x42: {  	_ =	shalt  }
0x43: {  	_ =	shalt  }
0x44: {  	_ =	shalt  }
0x45: {  	_ =	shalt  }
0x46: {  	_ =	shalt  }
0x47: {  	_ =	shalt  }
0x48: {  	_ =	shalt  }
0x49: {  	_ =	shalt  }
0x4a: {  	_ =	shalt  }
0x4b: {  	_ =	shalt  }
0x4c: {  	_ =	shalt  }
0x4d: {  	_ =	shalt  }
0x4e: {  	_ =	shalt  }
0x4f: {  	_ =	shalt  }
0x50: {  	_ =	shalt  }
0x51: {  	_ =	shalt  }
0x52: {  	_ =	shalt  }
0x53: {  	_ =	shalt  }
0x54: {  	_ =	shalt  }
0x55: {  	_ =	shalt  }
0x56: {  	_ =	shalt  }
0x57: {  	_ =	shalt  }
0x58: {  	_ =	shalt  }
0x59: {  	_ =	shalt  }
0x5a: {  	_ =	shalt  }
0x5b: {  	_ =	shalt  }
0x5c: {  	_ =	shalt  }
0x5d: {  	_ =	shalt  }
0x5e: {  	_ =	shalt  }
0x5f: {  	_ =	shalt  }
0x60: {  	_ =	shalt  }
0x61: {  	_ =	shalt  }
0x62: {  	_ =	shalt  }
0x63: {  	_ =	shalt  }
0x64: {  	_ =	shalt  }
0x65: {  	_ =	shalt  }
0x66: {  	_ =	shalt  }
0x67: {  	_ =	shalt  }
0x68: {  	_ =	shalt  }
0x69: {  	_ =	shalt  }
0x6a: {  	_ =	shalt  }
0x6b: {  	_ =	shalt  }
0x6c: {  	_ =	shalt  }
0x6d: {  	_ =	shalt  }
0x6e: {  	_ =	shalt  }
0x6f: {  	_ =	shalt  }
0x70: {  	_ =	shalt  }
0x71: {  	_ =	shalt  }
0x72: {  	_ =	shalt  }
0x73: {  	_ =	shalt  }
0x74: {  	_ =	shalt  }
0x75: {  	_ =	shalt  }
0x76: {  	_ =	shalt  }
0x77: {  	_ =	shalt  }
0x78: {  	_ =	shalt  }
0x79: {  	_ =	shalt  }
0x7a: {  	_ =	shalt  }
0x7b: {  	_ =	shalt  }
0x7c: {  	_ =	shalt  }
0x7d: {  	_ =	shalt  }
0x7e: {  	_ =	shalt  }
0x7f: {  	_ =	shalt  }
0x80: {  	_ =	shalt  }
0x81: {  	_ =	shalt  }
0x82: {  	_ =	shalt  }
0x83: {  	_ =	shalt  }
0x84: {  	_ =	shalt  }
0x85: {  	_ =	shalt  }
0x86: {  	_ =	shalt  }
0x87: {  	_ =	shalt  }
.Lfunc_end0:
.L_simem_size_0:
called_computation.4_lowered:
.L_overlay_start_0:
0x88: {  	s2 =	sld [smem:$0x3FD9]  }
0x89: {  	s3 =	sld [smem:$0x3FFE];
	_ =	sdelay $0x1  }
0x8a: {  	s1 =	srdreg.scid  }
0x8b: {  	s0 =	sand.u32 $0x1, s1  }
0x8c: {  	s17 =	sshll.u32 s0, $0xA;
	s2 =	sadd.s32 s3, s2  }
0x8d: {  	s2 =	sadd.s32 s2, s17  }
0x8e: {  	[smem:$0x3FB9] =	sst s2  }
0x8f: {  	_ = 	snop  }
0x90: {  	(tm) =	ssettm $0x1  }
0x91: {  	s18 =	sld [smem:$0x3FFB];
	_ =	sdelay $0x3  }
0x92: {  	_ =	strace s18  }
0x93: {  	s2 =	sld [smem:$0x3FFC];
	_ =	sdelay $0x3  }
0x94: {  	_ =	strace s2  }
0x95: {  	s2 =	sld [smem:$0x3FFD];
	_ =	sdelay $0x3  }
0x96: {  	_ =	strace s2  }
0x97: {  	_ =	strace $0x8FFFFFFF  }
0x98: {  	s19 =	sld [smem:$0x3FDB];
	_ =	sdelay $0x1  }
0x99: {  	s20 =	simm.s32 $_scs_section_size  }
0x9a: {  	s4 =	simm.s32 $_size__tile_overlayer_lowered;
	s5 =	simm.s32 $_tile_overlayer_lowered  }
0x9b: {  	s6 =	simm.s32 $0x1BFF;
	s21 =	sshll.u32 s5, $0x1;
	s3 =	sadd.s32 s20, s19  }
0x9c: {  	s22 =	simm.s32 $0x0;
	s4 =	sshll.u32 s4, $0x1;
	s5 =	sadd.s32 s21, s3  }
0x9d: {  	[timem:s22], [sflag:s6] =	dma.local [hbm:s5], s4  }
0x9e: {  	_ =	swait.ge [sflag:s6], s4  }
0x9f: {  	s4 =	ssub.s32 $0x0, s4;
	[sflag:s6] =	ssyncset.done $0x0  }
0xa0: {  	[sflag:s6] =	ssyncadd.s32 s4;
	_ =	sdelay $0x1  }
0xa1: {  	s23 =	simm.s32 $0x1B8B  }
0xa2: {  	_ =	swait.ge [sflag:s23], $0x1  }
0xa3: {  	[sflag:s23] =	ssyncset.done $0x0  }
0xa4: {  	[sflag:s23] =	ssyncadd.s32 $0xFFFFFFFF  }
0xa5: {  	s4 =	sld [smem:$0x0]  }
0xa6: {  	s5 =	sand.u32 $0xFFFFFFFE, s1  }
0xa7: {  	p0 =	sne.s32 s1, s5  }
0xa8: {  	s5 =	sshll.u32 @p0 s5, $0xE  }
0xa9: {  	s5 =	sadd.s32 @p0 $0x11B8D, s5;
	s6 =	sshll.u32 @p0 s4, $0x11  }
0xaa: {  	s5 =	sor.u32 @p0 s6, s5  }
0xab: {  	[sflag:s5] =	ssyncadd.remote.s32 @p0 $0x1;
	_ =	sdelay $0x1  }
0xac: {  	s5 =	simm.s32 @p0 $0x1B8D  }
0xad: {  	_ =	swait.eq @p0 [sflag:s5], $0x1  }
0xae: {  	[sflag:s5] =	ssyncadd.s32 @p0 $0xFFFFFFFF  }
0xaf: {  	s6 =	sshll.u32 @!p0 s1, $0xE  }
0xb0: {  	s6 =	sor.u32 @!p0 $0x4000, s6;
	s5 =	simm.s32 @!p0 $0x1B8D  }
0xb1: {  	s4 =	sshll.u32 @!p0 s4, $0x11;
	s6 =	sadd.s32 @!p0 $0x11B8D, s6;
	_ =	swait.eq @!p0 [sflag:s5], $0x1  }
0xb2: {  	s4 =	sor.u32 @!p0 s4, s6;
	[sflag:s5] =	ssyncadd.s32 @!p0 $0xFFFFFFFF  }
0xb3: {  	s25 =	simm.s32 $0x1B8E;
	s24 =	sld [smem:$0x3FFE];
	[sflag:s4] =	ssyncadd.remote.s32 @!p0 $0x1  }
0xb4: {  	s26 =	simm.s32 $execute0_lowered;
	[smem:$0x3FD2] =	sst s25  }
0xb5: {  	s5 =	sshll.u32 s26, $0x1;
	_ =	strace $0x8000004F;
	[dreg:$0x1] =	wrdreg $0xFFFFFFFF  }
0xb6: {  	s28 =	simm.s32 $_size_execute0_lowered;
	s3 =	sadd.s32 s3, s5;
	[dreg:$0x0] =	wrdreg $0x0  }
0xb7: {  	s5 =	sshll.u32 s28, $0x1;
	[dreg:$0x2] =	wrdreg s3  }
0xb8: {  	[dreg:$0x3] =	wrdreg s5  }
0xb9: {  	[dreg:$0x4] =	wrdreg $0xC0  }
0xba: {  	_ =	task [dreg:s22], $0x5FFFF  }
0xbb: {  	[dreg:$0x1] =	wrdreg $0xFFFFFFFF  }
0xbc: {  	[dreg:$0x0] =	wrdreg $0x60  }
0xbd: {  	[dreg:$0x2] =	wrdreg s24  }
0xbe: {  	[dreg:$0x3] =	wrdreg $0x81000  }
0xbf: {  	[dreg:$0x4] =	wrdreg $0xA  }
0xc0: {  	_ =	task.clear_ibuf [dreg:s22], $0x5FFFF;
	_ =	strace $0x9000004F  }
0xc1: {  	s29 =	simm.s32 $0xA;
	_ =	strace $0x80000051  }
0xc2: {  	_ =	swait.ge [sflag:s29], $0x1  }
0xc3: {  	[sflag:s29] =	ssyncadd.s32 $0xFFFFFFFF  }
0xc4: {  	_ =	strace $0x90000051  }
0xc5: {  	_ =	sfence  }
0xc6: {  	s30 =	sld [smem:$0x0];
	_ =	sdelay $0x2  }
0xc7: {  	s31 =	sshll.u32 s1, $0xD;
	s1 =	sshrl.u32 s1, $0x2  }
0xc8: {  	s4 =	sand.u32 $0x4000, s31;
	s1 =	sadd.s32 s1, s30  }
0xc9: {  	s0 =	sor.u32 s4, s0;
	s1 =	sshll.u32 s1, $0x11  }
0xca: {  	s0 =	sor.u32 s1, s0  }
0xcb: {  	s0 =	sadd.s32 $0x8F2B, s0  }
0xcc: {  	[sflag:s0] =	ssyncadd.remote.s32 $0x1  }
0xcd: {  	_ =	sfence.sel $0xFFFF  }
0xce: {  	[dreg:$0x0] =	wrdreg $0xFFFFFFFF;
	(pc) =	sbr.abs _section_cstart, $3  }
0xcf: {  	[dreg:$0x1] =	wrdreg $0xFFFFFFFF  }
0xd0: {  	_ =	task.clear_ibuf [dreg:s22], $0x2FFFF;
	_ =	strace $0x9FFFFFFF  }
0xd1: {  	(tm) =	ssettm $0x7FFFFFFF  }
tec
execute0_lowered:
.L_overlay_start_1:
0x0: {  	(tag) =	ssettag $0x1  }
0x1: {  	s4 =	rddreg [dreg:$0x0]  }
0x2: {  	s2 =	rddreg [dreg:$0x1]  }
0x3: {  	s0 =	rddreg [dreg:$0x2];
	s3 =	simm.s32 $0x0;
	s1 =	stileid.u32  }
0x4: {  	s5 =	srdreg.scid;
	s18 =	simm.s32 $0x4100;
	[smem:$0x7FF] =	sst s3  }
0x5: {  	s6 =	smul.u32 $0x2780, s1;
	s11 =	sand.u32 $0x1, s5;
	s12 =	sadd.s32 $0x568800, s4  }
0x6: {  	s13 =	sadd.s32 $0x54800, s4;
	s8 =	smul.u32 $0x4F000, s1;
	s21 =	sshll.u32 s1, $0x1  }
0x7: {  	s23 =	sshll.u32 s1, $0x6;
	s16 =	sshll.u32 s1, $0xC;
	s30 =	sshll.u32 s1, $0x5  }
0x8: {  	_ =	strace $0x80000050;
	s5 =	smul.u32 $0x27800, s11;
	s19 =	ssub.s32 $0x2, s11  }
0x9: {  	s9 =	sor.u32 s11, s21;
	s17 =	sshll.u32 s11, $0xB;
	s31 =	sshll.u32 s11, $0x4  }
0xa: {  	s21 =	simm.s32 $0x0;
	s7 =	sadd.s32 s6, s4;
	s20 =	sshrl.u32 s19, $0x1  }
0xb: {  	s22 =	sshrl.u32 s8, $0x2;
	s24 =	sshll.u32 s9, $0x4;
	s25 =	sshll.u32 s9, $0x7  }
0xc: {  	s26 =	sshll.u32 s9, $0xB;
	s5 =	sadd.s32 s6, s5;
	s14 =	ssub.s32 s19, s20  }
0xd: {  	s15 =	sadd.s32 s22, s2;
	s6 =	sadd.s32 s13, s24;
	s28 =	sor.u32 $0x1000, s25  }
0xe: {  	s19 =	simm.s32 $0x1;
	s20 =	simm.s32 $0x2;
	s10 =	sadd.s32 s5, s4  }
0xf: {  	s4 =	sadd.s32 $0x68800, s7;
	s5 =	sor.u32 $0x1C03, s23;
	s7 =	sadd.s32 s12, s26  }
0x10: {  	s29 =	sshrl.u32 s28, $0x3;
	s9 =	sshll.u32 s28, $0x4;
	s11 =	smax.u32 s14, $0x1  }
0x11: {  	s14 =	sshrl.u32 s15, $0x3;
	s15 =	simm.s32 $0x3;
	s8 =	sadd.s32 s13, s29  }
0x12: {  	s9 =	sadd.s32 s12, s9;
	s10 =	sadd.s32 $0x90000, s10;
	s13 =	sadd.s32 s30, s13  }
0x13: {  	s12 =	sadd.s32 s16, s12;
	s16 =	simm.s32 $0x100;
	s13 =	sadd.s32 s31, s13  }
0x14: {  	s12 =	sadd.s32 s17, s12;
	s17 =	simm.s32 $0x80;
	s13 =	sadd.s32 $0x600, s13  }
.LBB2_1:
0x15: {  	[spmem:s14], [sflag:s5] =	dma.local [hbm:s4], $0x2780  }
0x16: {  	_ =	swait.ge [sflag:s15], $0x2780  }
0x17: {  	[sflag:s15] =	ssyncset.done $0x0  }
0x18: {  	[sflag:s15] =	ssyncadd.s32 $0xFFFFD880  }
0x19: {  	[bflag:$0x0] =	sbarrier.arrive $0xFFFF  }
0x1a: {  	[tilespmem:s3], [sflag:$0x3] =	stream.linear.gather [hbm4b:s6+s3], $0x80, $0x38;
	[tilespmem:$0x1BD00] =	vst v63  }
0x1b: {  	_ =	swait.ge [sflag:s15], $0x80  }
0x1c: {  	[sflag:s15] =	ssyncset.done $0x0  }
0x1d: {  	[sflag:s15] =	ssyncadd.s32 $0xFFFFFF80  }
0x1e: {  	[tilespmem:s16], [sflag:$0x1] =	stream.linear.gather [hbm4b:s7+s3], $0x4000, $0x38;
	[tilespmem:$0x1BD00] =	vst v63  }
0x1f: {  	_ = 	snop  }
0x20: {  	[tilespmem:s17], [sflag:$0x3] =	stream.linear.gather [hbm4b:s8+s3], $0x80, $0x38;
	[tilespmem:$0x1BD00] =	vst v63  }
0x21: {  	_ =	swait.ge [sflag:s15], $0x80  }
0x22: {  	[sflag:s15] =	ssyncset.done $0x0  }
0x23: {  	[sflag:s15] =	ssyncadd.s32 $0xFFFFFF80  }
0x24: {  	[tilespmem:s18], [sflag:$0x2] =	stream.linear.gather [hbm4b:s9+s3], $0x4000, $0x38;
	[tilespmem:$0x1BD00] =	vst v63  }
0x25: {  	_ =	swait.ge [sflag:s19], $0x4000  }
0x26: {  	[sflag:s19] =	ssyncset.done $0x0  }
0x27: {  	[sflag:s19] =	ssyncadd.s32 $0xFFFFC000  }
0x28: {  	[spmem:s2] =	stream.indirect.scatter.add.f32 [tilespmem:s16], [sflag:$0x3], $0x80, s3, s17, $0xb8;
	[tilespmem:$0x1BD00] =	vst v63  }
0x29: {  	_ =	swait.ge [sflag:s15], $0x4000  }
0x2a: {  	[sflag:s15] =	ssyncset.done $0x0  }
0x2b: {  	s22 =	sadd.s32 $0xFFFFFE00, s13;
	[sflag:s15] =	ssyncadd.s32 $0xFFFFC000  }
0x2c: {  	[tilespmem:s3], [sflag:$0x3] =	stream.linear.gather [hbm4b:s22+s3], $0x80, $0x38;
	[tilespmem:$0x1BD00] =	vst v63  }
0x2d: {  	_ =	swait.ge [sflag:s15], $0x80  }
0x2e: {  	s23 =	sadd.s32 $0x0, s12;
	[sflag:s15] =	ssyncset.done $0x0  }
0x2f: {  	s31 =	sadd.s32 $0x20000, s23;
	[sflag:s15] =	ssyncadd.s32 $0xFFFFFF80  }
0x30: {  	[tilespmem:s16], [sflag:$0x1] =	stream.linear.gather [hbm4b:s31+s3], $0x4000, $0x38;
	[tilespmem:$0x1BD00] =	vst v63  }
0x31: {  	_ =	swait.ge [sflag:s20], $0x4000  }
0x32: {  	[sflag:s20] =	ssyncset.done $0x0  }
0x33: {  	[sflag:s20] =	ssyncadd.s32 $0xFFFFC000  }
0x34: {  	[spmem:s2] =	stream.indirect.scatter.add.f32 [tilespmem:s18], [sflag:$0x3], $0x80, s17, s17, $0xb8;
	[tilespmem:$0x1BD00] =	vst v63  }
0x35: {  	_ =	swait.ge [sflag:s15], $0x4000  }
0x36: {  	[sflag:s15] =	ssyncset.done $0x0  }
0x37: {  	[sflag:s15] =	ssyncadd.s32 $0xFFFFC000  }
0x38: {  	[tilespmem:s17], [sflag:$0x3] =	stream.linear.gather [hbm4b:s13+s3], $0x80, $0x38;
	[tilespmem:$0x1BD00] =	vst v63  }
0x39: {  	_ =	swait.ge [sflag:s15], $0x80  }
0x3a: {  	s24 =	sadd.s32 $0x30000, s23;
	[sflag:s15] =	ssyncset.done $0x0  }
0x3b: {  	s23 =	sadd.s32 $0x400, s13;
	s22 =	simm.s32 $0x20000;
	[sflag:s15] =	ssyncadd.s32 $0xFFFFFF80  }
.LBB2_2:
0x3c: {  	[tilespmem:s18], [sflag:$0x2] =	stream.linear.gather [hbm4b:s24+s3], $0x4000, $0x38;
	[tilespmem:$0x1BD00] =	vst v63  }
0x3d: {  	s24 =	smov.u32 s22  }
0x3e: {  	p0 =	sne.s32 s22, $0x240000;
	s22 =	sadd.s32 $0x20000, s22;
	_ =	swait.ge [sflag:s19], $0x4000  }
0x3f: {  	[sflag:s19] =	ssyncset.done $0x0  }
0x40: {  	[sflag:s19] =	ssyncadd.s32 $0xFFFFC000  }
0x41: {  	[spmem:s2] =	stream.indirect.scatter.add.f32 [tilespmem:s16], [sflag:$0x3], $0x80, s3, s17, $0xb8;
	[tilespmem:$0x1BD00] =	vst v63  }
0x42: {  	_ =	swait.ge [sflag:s15], $0x4000  }
0x43: {  	[sflag:s15] =	ssyncset.done $0x0  }
0x44: {  	s25 =	sadd.s32 $0xFFFFFE00, s23;
	[sflag:s15] =	ssyncadd.s32 $0xFFFFC000  }
0x45: {  	[tilespmem:s3], [sflag:$0x3] =	stream.linear.gather [hbm4b:s25+s3], $0x80, $0x38;
	[tilespmem:$0x1BD00] =	vst v63  }
0x46: {  	_ =	swait.ge [sflag:s15], $0x80  }
0x47: {  	s24 =	sadd.s32 s24, s12;
	[sflag:s15] =	ssyncset.done $0x0  }
0x48: {  	s25 =	sadd.s32 $0x20000, s24;
	[sflag:s15] =	ssyncadd.s32 $0xFFFFFF80  }
0x49: {  	[tilespmem:s16], [sflag:$0x1] =	stream.linear.gather [hbm4b:s25+s3], $0x4000, $0x38;
	[tilespmem:$0x1BD00] =	vst v63  }
0x4a: {  	_ =	swait.ge [sflag:s20], $0x4000  }
0x4b: {  	[sflag:s20] =	ssyncset.done $0x0  }
0x4c: {  	[sflag:s20] =	ssyncadd.s32 $0xFFFFC000  }
0x4d: {  	[spmem:s2] =	stream.indirect.scatter.add.f32 [tilespmem:s18], [sflag:$0x3], $0x80, s17, s17, $0xb8;
	[tilespmem:$0x1BD00] =	vst v63  }
0x4e: {  	_ =	swait.ge [sflag:s15], $0x4000  }
0x4f: {  	[sflag:s15] =	ssyncset.done $0x0  }
.Ltmp0:
0x50: {  	[sflag:s15] =	ssyncadd.s32 $0xFFFFC000;
	(pc) =	sbr.rel @p0 .LBB2_2-.Ltmp0, $4  }
0x51: {  	[tilespmem:s17], [sflag:$0x3] =	stream.linear.gather [hbm4b:s23+s3], $0x80, $0x38;
	[tilespmem:$0x1BD00] =	vst v63  }
0x52: {  	_ =	swait.ge [sflag:s15], $0x80  }
0x53: {  	[sflag:s15] =	ssyncset.done $0x0  }
0x54: {  	s24 =	sadd.s32 $0x30000, s24;
	s23 =	sadd.s32 $0x400, s23;
	[sflag:s15] =	ssyncadd.s32 $0xFFFFFF80  }
0x55: {  	[tilespmem:s18], [sflag:$0x2] =	stream.linear.gather [hbm4b:s24+s3], $0x4000, $0x38;
	[tilespmem:$0x1BD00] =	vst v63  }
0x56: {  	_ =	swait.ge [sflag:s19], $0x4000  }
0x57: {  	[sflag:s19] =	ssyncset.done $0x0  }
0x58: {  	[sflag:s19] =	ssyncadd.s32 $0xFFFFC000  }
0x59: {  	[spmem:s2] =	stream.indirect.scatter.add.f32 [tilespmem:s16], [sflag:$0x3], $0x80, s3, s17, $0xb8;
	[tilespmem:$0x1BD00] =	vst v63  }
0x5a: {  	_ =	swait.ge [sflag:s15], $0x4000  }
0x5b: {  	[sflag:s15] =	ssyncset.done $0x0  }
0x5c: {  	[sflag:s15] =	ssyncadd.s32 $0xFFFFC000  }
0x5d: {  	_ =	swait.ge [sflag:s20], $0x4000  }
0x5e: {  	[sflag:s20] =	ssyncset.done $0x0  }
0x5f: {  	[sflag:s20] =	ssyncadd.s32 $0xFFFFC000  }
0x60: {  	[spmem:s2] =	stream.indirect.scatter.add.f32 [tilespmem:s18], [sflag:$0x3], $0x80, s17, s17, $0xb8;
	[tilespmem:$0x1BD00] =	vst v63  }
0x61: {  	_ =	swait.ge [sflag:s15], $0x4000  }
0x62: {  	s21 =	sadd.s32 $0x1, s21;
	[sflag:s15] =	ssyncset.done $0x0  }
0x63: {  	p0 =	sne.s32 s21, s11;
	[sflag:s15] =	ssyncadd.s32 $0xFFFFC000  }
.Ltmp1:
0x64: {  	[bflag:$0x0] =	sbarrier.arrive $0xFFFF;
	(pc) =	sbr.rel @p0 .LBB2_1-.Ltmp1, $4  }
0x65: {  	[hbm:s10], [sflag:s5] =	dma.local [spmem:s14], $0x2780  }
0x66: {  	_ =	swait.ge [sflag:s15], $0x2780  }
0x67: {  	[sflag:s15] =	ssyncset.done $0x0  }
0x68: {  	[sflag:s15] =	ssyncadd.s32 $0xFFFFD880  }
0x69: {  	_ =	sfence.sel $0x180000  }
0x6a: {  	[bflag:$0x0] =	sbarrier.arrive $0xFFFF  }
0x6b: {  	p0 =	sne.s32 s1, $0x0;
	_ =	strace $0x90000050  }
0x6c: {  	s0 =	sadd.s32 @!p0 $0x100000, s0;
	[bflag:$0x2] =	sbarrier.arrive $0xFFFF  }
0x6d: {  	[sflag:s0] =	ssyncadd.tile.s32 @!p0 $0x1;
	_ =	shalt  }
.Lfunc_end2:
_tile_overlayer_lowered:
.L_overlay_start_2:
0x6e: {  	(tag) =	ssettag $0x2  }
0x6f: {  	s0 =	rddreg [dreg:$0x0];
	s2 =	stileid.u32  }
0x70: {  	s1 =	rddreg [dreg:$0x1];
	p0 =	sne.s32 s2, $0x0  }
0x71: {  	s3 =	rddreg [dreg:$0x2];
	[bflag:$0x3] =	sbarrier.arrive $0xFFFF;
	s2 =	simm.s32 @!p0 $0x1C03  }
0x72: {  	[timem:s3], [sflag:s2] =	dma.local @!p0 [hbm:s0], s1  }
0x73: {  	s0 =	simm.s32 @!p0 $0x3  }
0x74: {  	_ =	swait.ge @!p0 [sflag:s0], s1  }
0x75: {  	s1 =	ssub.s32 @!p0 $0x0, s1;
	[sflag:s0] =	ssyncset.done @!p0 $0x0  }
0x76: {  	[sflag:s0] =	ssyncadd.s32 @!p0 s1  }
0x77: {  	[bflag:$0x3] =	sbarrier.arrive $0xFFFF  }
0x78: {  	_ =	shalt  }

</sc_bundles>
